<compile_context>
chip_gen: v7x
topology: tpu7x:2x2x1
jax: 0.10.2.dev20260603
libtpu: 0.0.44.dev20260713+nightly
codegen_flags: <defaults>
</compile_context>

<pallas_src>
import functools

import jax
import jax.numpy as jnp
from jax import lax
from jax.experimental import pallas as pl
from jax.experimental.pallas import tpu as pltpu
from jax.experimental.pallas import tpu_sc as plsc

_NC = 2
_NS = 16
_NW = _NC * _NS
_CH = 128
_DC = 80
_L = 16
_BR = 5


def _make_degree_kernel(E, NPAD):
    EPD = E // _NS
    ND = EPD // _DC
    SL = NPAD // _NS
    mesh = plsc.VectorSubcoreMesh(core_axis_name="c", subcore_axis_name="s")

    @functools.partial(
        pl.kernel,
        out_type=(jax.ShapeDtypeStruct((NPAD,), jnp.float32),
                  jax.ShapeDtypeStruct((NPAD,), jnp.float32)),
        mesh=mesh,
        scratch_types=[
            pltpu.VMEM((ND, _DC), jnp.int32),
            pltpu.VMEM((_DC,), jnp.float32),
            pltpu.VMEM((SL,), jnp.float32),
            pltpu.VMEM_SHARED((NPAD,), jnp.float32),
        ],
        compiler_params=pltpu.CompilerParams(needs_layout_passes=False),
    )
    def deg_kernel(sd_hbm, cs_hbm, cd_hbm, idx_v, ones_v, zero_v, hist_sh):
        c = lax.axis_index("c")
        s = lax.axis_index("s")
        b = c * _NS + s

        @pl.loop(0, SL // _L)
        def _(i):
            zero_v[pl.ds(i * _L, _L)] = jnp.zeros((_L,), jnp.float32)

        @pl.loop(0, _DC // _L)
        def _(i):
            ones_v[pl.ds(i * _L, _L)] = jnp.ones((_L,), jnp.float32)

        pltpu.sync_copy(zero_v, hist_sh.at[pl.ds(s * SL, SL)])
        pltpu.sync_copy(sd_hbm.at[b], idx_v)
        plsc.subcore_barrier()

        @pl.loop(0, ND)
        def _(k):
            pltpu.sync_copy(ones_v, hist_sh.at[idx_v.at[k]], add=True)

        plsc.subcore_barrier()

        @pl.when(c == 0)
        def _():
            pltpu.sync_copy(hist_sh.at[pl.ds(s * SL, SL)],
                            cs_hbm.at[pl.ds(s * SL, SL)])

        @pl.when(c == 1)
        def _():
            pltpu.sync_copy(hist_sh.at[pl.ds(s * SL, SL)],
                            cd_hbm.at[pl.ds(s * SL, SL)])

    return deg_kernel


def _make_agg_kernel(N, D, EPT, NPAD):
    NCH = EPT // _CH
    NBLK = NCH // _BR
    RPT = NPAD // _NS
    NZI = RPT // _CH
    ZR = 128
    NZ = RPT // ZR
    mesh = plsc.VectorSubcoreMesh(core_axis_name="c", subcore_axis_name="s")

    @functools.partial(
        pl.kernel,
        out_type=(jax.ShapeDtypeStruct((NPAD, D), jnp.float32),
                  jax.ShapeDtypeStruct((NPAD, D), jnp.float32)),
        mesh=mesh,
        scratch_types=[
            pltpu.VMEM((NCH, _CH), jnp.int32),
            pltpu.VMEM((NCH, _CH), jnp.int32),
            pltpu.VMEM((NCH, _CH), jnp.float32),
            pltpu.VMEM((NZI, _CH), jnp.int32),
            pltpu.VMEM((_CH, D), jnp.float32),
            pltpu.VMEM_SHARED((NPAD, D), jnp.float32),
            pltpu.SemaphoreType.DMA,
        ],
        compiler_params=pltpu.CompilerParams(needs_layout_passes=False),
    )
    def agg_kernel(x_hbm, src_hbm, dst_hbm, ew_hbm, o0_hbm, o1_hbm,
                   src_v, dst_v, ew_v, zi_v, rows_v, agg_sh, sem):
        c = lax.axis_index("c")
        s = lax.axis_index("s")
        b = c * _NS + s

        @pl.loop(0, _CH)
        def _(r):
            for j in range(D // _L):
                rows_v[r, pl.ds(j * _L, _L)] = jnp.zeros((_L,), jnp.float32)

        lanes = lax.iota(jnp.int32, _L)

        @pl.loop(0, NZI)
        def _(q):
            for j in range(_CH // _L):
                zi_v[q, pl.ds(j * _L, _L)] = (
                    s * RPT + q * _CH + j * _L + lanes)

        zdescs = []
        for q in range(NZI):
            zdescs.append(pltpu.async_copy(rows_v, agg_sh.at[zi_v.at[q]],
                                           sem))

        @pl.loop(0, NBLK)
        def _(q):
            blk = pl.ds(q * _BR, _BR)
            pltpu.sync_copy(src_hbm.at[b, q], src_v.at[blk])
            pltpu.sync_copy(dst_hbm.at[b, q], dst_v.at[blk])
            pltpu.sync_copy(ew_hbm.at[b, q], ew_v.at[blk])

        for d in zdescs:
            d.wait()

        plsc.subcore_barrier()

        @pl.loop(0, NCH)
        def _(i):
            pltpu.async_copy(x_hbm.at[src_v.at[i]], rows_v, sem).wait()

            @pl.loop(0, _CH // _L)
            def _(g):
                cv = ew_v[i, pl.ds(g * _L, _L)]
                for k in range(_L):
                    cs = cv[k]
                    r = g * _L + k
                    for j in range(D // _L):
                        sl = pl.ds(j * _L, _L)
                        rows_v[r, sl] = rows_v[r, sl] * cs

            pltpu.sync_copy(rows_v, agg_sh.at[dst_v.at[i]], add=True)

        plsc.subcore_barrier()

        @pl.loop(0, NZ)
        def _(k):
            sl = pl.ds(s * RPT + k * ZR, ZR)

            @pl.when(c == 0)
            def _():
                pltpu.sync_copy(agg_sh.at[sl], o0_hbm.at[sl])

            @pl.when(c == 1)
            def _():
                pltpu.sync_copy(agg_sh.at[sl], o1_hbm.at[sl])

    return agg_kernel


def _make_tc_scale_kernel(N, D, BM):
    def body(x_ref, cs_ref, o_ref):
        so = lax.rsqrt(jnp.maximum(cs_ref[...], 1.0))
        o_ref[...] = x_ref[...] * so

    return pl.pallas_call(
        body,
        out_shape=jax.ShapeDtypeStruct((N, D), jnp.float32),
        grid=(N // BM,),
        in_specs=[
            pl.BlockSpec((BM, D), lambda i: (i, 0)),
            pl.BlockSpec((BM, 1), lambda i: (i, 0)),
        ],
        out_specs=pl.BlockSpec((BM, D), lambda i: (i, 0)),
    )


def _make_tc_layer_kernel(N, D, BM, mid):
    def body(a0_ref, a1_ref, cd_ref, cs_ref, w_ref, b_ref, o_ref):
        si = lax.rsqrt(jnp.maximum(cd_ref[...], 1.0))
        a = a0_ref[...] + a1_ref[...]
        y = jnp.dot(a * si, w_ref[...], preferred_element_type=jnp.float32)
        y = y + b_ref[...]
        if mid:
            so = lax.rsqrt(jnp.maximum(cs_ref[...], 1.0))
            y = jnp.maximum(y, 0.0) * so
        o_ref[...] = y

    return pl.pallas_call(
        body,
        out_shape=jax.ShapeDtypeStruct((N, D), jnp.float32),
        grid=(N // BM,),
        in_specs=[
            pl.BlockSpec((BM, D), lambda i: (i, 0)),
            pl.BlockSpec((BM, D), lambda i: (i, 0)),
            pl.BlockSpec((BM, 1), lambda i: (i, 0)),
            pl.BlockSpec((BM, 1), lambda i: (i, 0)),
            pl.BlockSpec((D, D), lambda i: (0, 0)),
            pl.BlockSpec((1, D), lambda i: (0, 0)),
        ],
        out_specs=pl.BlockSpec((BM, D), lambda i: (i, 0)),
    )


@jax.jit
def kernel(node_feats, edge_index, edge_weight, W1, b1, W2, b2):
    N, D = node_feats.shape
    E = edge_index.shape[1]
    NPAD = ((N + 2047) // 2048) * 2048
    EPT = E // _NW
    EPTP = ((EPT + _CH * _BR - 1) // (_CH * _BR)) * _CH * _BR
    NCH = EPTP // _CH

    sd = edge_index.reshape(_NC * _NS, (E // _NS) // _DC, _DC)

    def pad_slab(a, fill):
        a = a.reshape(_NW, EPT)
        pad = jnp.full((_NW, EPTP - EPT), fill, a.dtype)
        return jnp.concatenate([a, pad], axis=1).reshape(
            _NW, NCH // _BR, _BR, _CH)

    srcr = pad_slab(edge_index[0], 0)
    dstr = pad_slab(edge_index[1], 0)
    ewr = pad_slab(edge_weight, 0.0)

    deg = _make_degree_kernel(E, NPAD)
    agg = _make_agg_kernel(N, D, EPTP, NPAD)
    tc_scale = _make_tc_scale_kernel(N, D, 400)
    tc_mid = _make_tc_layer_kernel(N, D, 400, True)
    tc_fin = _make_tc_layer_kernel(N, D, 400, False)

    cnt_src, cnt_dst = deg(sd)
    cs = cnt_src[:N].reshape(N, 1)
    cd = cnt_dst[:N].reshape(N, 1)

    xs = tc_scale(node_feats, cs)
    a0, a1 = agg(xs, srcr, dstr, ewr)
    hs = tc_mid(a0[:N], a1[:N], cd, cs, W1, b1.reshape(1, D))
    a0, a1 = agg(hs, srcr, dstr, ewr)
    z = tc_fin(a0[:N], a1[:N], cd, cs, W2, b2.reshape(1, D))
    return z

# --- scband reference (transcript-rebuilt; emitter-appended) ---
"""Pipeline reference for scband-weighted-graph-gnn-180388626680 (READ-ONLY COPY).

The authoritative reference and input builder live on the scoring server;
editing this copy changes nothing except your own understanding.
"""

import jax, jax.numpy as jnp
import numpy as np

N = 10000
E = 320000
D = 128


def setup_inputs(seed: int = 0) -> dict:
    key = jax.random.key(seed)
    ks = jax.random.split(key, 8)
    node_feats = jax.random.normal(ks[0], (N, D), dtype=jnp.float32)
    edge_index = jax.random.randint(ks[1], (2, E), 0, N, dtype=jnp.int32)
    edge_weight = jax.random.uniform(ks[2], (E,), dtype=jnp.float32)
    # GraphConv layer 1 params (in=D, out=D), glorot-ish init + zero bias like DGL
    W1 = jax.random.normal(ks[3], (D, D), dtype=jnp.float32) * (1.0 / np.sqrt(D))
    b1 = jnp.zeros((D,), dtype=jnp.float32)
    # GraphConv layer 2 params
    W2 = jax.random.normal(ks[4], (D, D), dtype=jnp.float32) * (1.0 / np.sqrt(D))
    b2 = jnp.zeros((D,), dtype=jnp.float32)
    return {"node_feats": node_feats, "edge_index": edge_index, "edge_weight": edge_weight,
            "W1": W1, "b1": b1, "W2": W2, "b2": b2}


def _graph_conv(x, src, dst, edge_weight, W, b, n):
    # DGL GraphConv, norm='both', weight=True, bias=True, in_feats == out_feats
    # -> aggregate first, then matmul. Structural degrees (clamped to >= 1).
    out_deg = jnp.clip(jnp.bincount(src, length=n), 1).astype(x.dtype)
    in_deg = jnp.clip(jnp.bincount(dst, length=n), 1).astype(x.dtype)
    feat_src = x * (out_deg ** -0.5)[:, None]
    # u_mul_e: message = feat_src[src] * edge_weight, reduced by sum at dst
    msg = feat_src[src] * edge_weight[:, None]
    agg = jax.ops.segment_sum(msg, dst, num_segments=n)
    rst = agg * (in_deg ** -0.5)[:, None]
    return rst @ W + b


def reference(node_feats, edge_index, edge_weight, W1, b1, W2, b2):
    src = edge_index[0]
    dst = edge_index[1]
    h = _graph_conv(node_feats, src, dst, edge_weight, W1, b1, N)
    h = jax.nn.relu(h)
    z = _graph_conv(h, src, dst, edge_weight, W2, b2, N)
    return z

if __name__ == "__main__":
    import jax
    _d = setup_inputs()
    print(jax.jit(kernel)(*tuple(_d.values())))

</pallas_src>

<mosaic_0001>
#map = affine_map<(d0, d1) -> (0, 0)>
#map1 = affine_map<(d0, d1) -> (0, 0, 0, 0)>
module attributes {stable_mosaic.version = 14 : i64} {
  func.func @agg_kernel(%arg0: i32, %arg1: i32, %arg2: memref<10000x128xf32, #tpu.memory_space<hbm>>, %arg3: memref<32x16x5x128xi32, #tpu.memory_space<hbm>>, %arg4: memref<32x16x5x128xi32, #tpu.memory_space<hbm>>, %arg5: memref<32x16x5x128xf32, #tpu.memory_space<hbm>>, %arg6: memref<10240x128xf32, #tpu.memory_space<hbm>>, %arg7: memref<10240x128xf32, #tpu.memory_space<hbm>>, %arg8: memref<80x128xi32, #tpu.memory_space<vmem>>, %arg9: memref<80x128xi32, #tpu.memory_space<vmem>>, %arg10: memref<80x128xf32, #tpu.memory_space<vmem>>, %arg11: memref<5x128xi32, #tpu.memory_space<vmem>>, %arg12: memref<128x128xf32, #tpu.memory_space<vmem>>, %arg13: memref<10240x128xf32, #tpu.memory_space<vmem_shared>>, %arg14: memref<!tpu.dma_semaphore, #tpu.memory_space<semaphore_mem>>) attributes {dimension_semantics = [#tpu.dimension_semantics<core_parallel>, #tpu.dimension_semantics<subcore_parallel>], iteration_bounds = array<i64: 2, 16>, scalar_prefetch = 0 : i64, scratch_operands = 7 : i64, tpu.core_type = #tpu.core_type<sc_vector_subcore>, window_params = [{transform_indices = #map}, {transform_indices = #map1}, {transform_indices = #map1}, {transform_indices = #map1}, {transform_indices = #map}, {transform_indices = #map}]} {
    %mul3A = arith.constant 16 : i32
    %mul3A_0 = arith.muli %arg0, %mul3A : i32
    %add3A = arith.addi %mul3A_0, %arg1 : i32
    %scan3A = arith.constant 0 : i32
    %scan3A_1 = arith.constant 128 : i32
    %scan3A_2 = arith.addi %scan3A, %scan3A_1 : i32
    %scan3A_3 = arith.constant 1 : i32
    scf.for %scan3A_94 = %scan3A to %scan3A_2 step %scan3A_3  : i32 {
      %mul3A_95 = arith.constant 1 : i32
      %mul3A_96 = arith.muli %scan3A_94, %mul3A_95 : i32
      %add3A_97 = arith.constant 0 : i32
      %add3A_98 = arith.addi %add3A_97, %mul3A_96 : i32
      %broadcast_in_dim3A = arith.constant 0.000000e+00 : f32
      %broadcast_in_dim3A_99 = vector.broadcast %broadcast_in_dim3A : f32 to vector<16xf32>
      %swap3A = arith.index_cast %add3A_98 : i32 to index
      %swap3A_100 = arith.constant 0 : index
      %swap3A_101 = tpu.vector_load %arg12[%swap3A, %swap3A_100] {strides = array<i32>} : memref<128x128xf32, #tpu.memory_space<vmem>>, vector<16xf32>,
      tpu.vector_store %arg12[%swap3A, %swap3A_100], %broadcast_in_dim3A_99 {strides = array<i32>} : memref<128x128xf32, #tpu.memory_space<vmem>>, vector<16xf32>,
      %broadcast_in_dim3A_102 = arith.constant 0.000000e+00 : f32
      %broadcast_in_dim3A_103 = vector.broadcast %broadcast_in_dim3A_102 : f32 to vector<16xf32>
      %swap3A_104 = arith.index_cast %add3A_98 : i32 to index
      %swap3A_105 = arith.constant 16 : index
      %swap3A_106 = tpu.vector_load %arg12[%swap3A_104, %swap3A_105] {strides = array<i32>} : memref<128x128xf32, #tpu.memory_space<vmem>>, vector<16xf32>,
      tpu.vector_store %arg12[%swap3A_104, %swap3A_105], %broadcast_in_dim3A_103 {strides = array<i32>} : memref<128x128xf32, #tpu.memory_space<vmem>>, vector<16xf32>,
      %broadcast_in_dim3A_107 = arith.constant 0.000000e+00 : f32
      %broadcast_in_dim3A_108 = vector.broadcast %broadcast_in_dim3A_107 : f32 to vector<16xf32>
      %swap3A_109 = arith.index_cast %add3A_98 : i32 to index
      %swap3A_110 = arith.constant 32 : index
      %swap3A_111 = tpu.vector_load %arg12[%swap3A_109, %swap3A_110] {strides = array<i32>} : memref<128x128xf32, #tpu.memory_space<vmem>>, vector<16xf32>,
      tpu.vector_store %arg12[%swap3A_109, %swap3A_110], %broadcast_in_dim3A_108 {strides = array<i32>} : memref<128x128xf32, #tpu.memory_space<vmem>>, vector<16xf32>,
      %broadcast_in_dim3A_112 = arith.constant 0.000000e+00 : f32
      %broadcast_in_dim3A_113 = vector.broadcast %broadcast_in_dim3A_112 : f32 to vector<16xf32>
      %swap3A_114 = arith.index_cast %add3A_98 : i32 to index
      %swap3A_115 = arith.constant 48 : index
      %swap3A_116 = tpu.vector_load %arg12[%swap3A_114, %swap3A_115] {strides = array<i32>} : memref<128x128xf32, #tpu.memory_space<vmem>>, vector<16xf32>,
      tpu.vector_store %arg12[%swap3A_114, %swap3A_115], %broadcast_in_dim3A_113 {strides = array<i32>} : memref<128x128xf32, #tpu.memory_space<vmem>>, vector<16xf32>,
      %broadcast_in_dim3A_117 = arith.constant 0.000000e+00 : f32
      %broadcast_in_dim3A_118 = vector.broadcast %broadcast_in_dim3A_117 : f32 to vector<16xf32>
      %swap3A_119 = arith.index_cast %add3A_98 : i32 to index
      %swap3A_120 = arith.constant 64 : index
      %swap3A_121 = tpu.vector_load %arg12[%swap3A_119, %swap3A_120] {strides = array<i32>} : memref<128x128xf32, #tpu.memory_space<vmem>>, vector<16xf32>,
      tpu.vector_store %arg12[%swap3A_119, %swap3A_120], %broadcast_in_dim3A_118 {strides = array<i32>} : memref<128x128xf32, #tpu.memory_space<vmem>>, vector<16xf32>,
      %broadcast_in_dim3A_122 = arith.constant 0.000000e+00 : f32
      %broadcast_in_dim3A_123 = vector.broadcast %broadcast_in_dim3A_122 : f32 to vector<16xf32>
      %swap3A_124 = arith.index_cast %add3A_98 : i32 to index
      %swap3A_125 = arith.constant 80 : index
      %swap3A_126 = tpu.vector_load %arg12[%swap3A_124, %swap3A_125] {strides = array<i32>} : memref<128x128xf32, #tpu.memory_space<vmem>>, vector<16xf32>,
      tpu.vector_store %arg12[%swap3A_124, %swap3A_125], %broadcast_in_dim3A_123 {strides = array<i32>} : memref<128x128xf32, #tpu.memory_space<vmem>>, vector<16xf32>,
      %broadcast_in_dim3A_127 = arith.constant 0.000000e+00 : f32
      %broadcast_in_dim3A_128 = vector.broadcast %broadcast_in_dim3A_127 : f32 to vector<16xf32>
      %swap3A_129 = arith.index_cast %add3A_98 : i32 to index
      %swap3A_130 = arith.constant 96 : index
      %swap3A_131 = tpu.vector_load %arg12[%swap3A_129, %swap3A_130] {strides = array<i32>} : memref<128x128xf32, #tpu.memory_space<vmem>>, vector<16xf32>,
      tpu.vector_store %arg12[%swap3A_129, %swap3A_130], %broadcast_in_dim3A_128 {strides = array<i32>} : memref<128x128xf32, #tpu.memory_space<vmem>>, vector<16xf32>,
      %broadcast_in_dim3A_132 = arith.constant 0.000000e+00 : f32
      %broadcast_in_dim3A_133 = vector.broadcast %broadcast_in_dim3A_132 : f32 to vector<16xf32>
      %swap3A_134 = arith.index_cast %add3A_98 : i32 to index
      %swap3A_135 = arith.constant 112 : index
      %swap3A_136 = tpu.vector_load %arg12[%swap3A_134, %swap3A_135] {strides = array<i32>} : memref<128x128xf32, #tpu.memory_space<vmem>>, vector<16xf32>,
      tpu.vector_store %arg12[%swap3A_134, %swap3A_135], %broadcast_in_dim3A_133 {strides = array<i32>} : memref<128x128xf32, #tpu.memory_space<vmem>>, vector<16xf32>,
    }
    %scan3A_4 = arith.constant 128 : i32
    %iota3A = tpu.iota {dimensions = array<i32: 0>} : vector<16xi32>
    %scan3A_5 = arith.constant 0 : i32
    %scan3A_6 = arith.constant 5 : i32
    %scan3A_7 = arith.addi %scan3A_5, %scan3A_6 : i32
    %scan3A_8 = arith.constant 1 : i32
    scf.for %scan3A_94 = %scan3A_5 to %scan3A_7 step %scan3A_8  : i32 {
      %mul3A_95 = arith.constant 1 : i32
      %mul3A_96 = arith.muli %scan3A_94, %mul3A_95 : i32
      %add3A_97 = arith.constant 0 : i32
      %add3A_98 = arith.addi %add3A_97, %mul3A_96 : i32
      %mul3A_99 = arith.constant 640 : i32
      %mul3A_100 = arith.muli %arg1, %mul3A_99 : i32
      %mul3A_101 = arith.constant 128 : i32
      %mul3A_102 = arith.muli %add3A_98, %mul3A_101 : i32
      %add3A_103 = arith.addi %mul3A_100, %mul3A_102 : i32
      %add3A_104 = arith.constant 0 : i32
      %add3A_105 = arith.addi %add3A_103, %add3A_104 : i32
      %add3A_106 = vector.broadcast %add3A_105 : i32 to vector<16xi32>
      %add3A_107 = arith.addi %add3A_106, %iota3A : vector<16xi32>
      %swap3A = arith.index_cast %add3A_98 : i32 to index
      %swap3A_108 = arith.constant 0 : index
      %swap3A_109 = tpu.vector_load %arg11[%swap3A, %swap3A_108] {strides = array<i32>} : memref<5x128xi32, #tpu.memory_space<vmem>>, vector<16xi32>,
      tpu.vector_store %arg11[%swap3A, %swap3A_108], %add3A_107 {strides = array<i32>} : memref<5x128xi32, #tpu.memory_space<vmem>>, vector<16xi32>,
      %mul3A_110 = arith.constant 640 : i32
      %mul3A_111 = arith.muli %arg1, %mul3A_110 : i32
      %mul3A_112 = arith.constant 128 : i32
      %mul3A_113 = arith.muli %add3A_98, %mul3A_112 : i32
      %add3A_114 = arith.addi %mul3A_111, %mul3A_113 : i32
      %add3A_115 = arith.constant 16 : i32
      %add3A_116 = arith.addi %add3A_114, %add3A_115 : i32
      %add3A_117 = vector.broadcast %add3A_116 : i32 to vector<16xi32>
      %add3A_118 = arith.addi %add3A_117, %iota3A : vector<16xi32>
      %swap3A_119 = arith.index_cast %add3A_98 : i32 to index
      %swap3A_120 = arith.constant 16 : index
      %swap3A_121 = tpu.vector_load %arg11[%swap3A_119, %swap3A_120] {strides = array<i32>} : memref<5x128xi32, #tpu.memory_space<vmem>>, vector<16xi32>,
      tpu.vector_store %arg11[%swap3A_119, %swap3A_120], %add3A_118 {strides = array<i32>} : memref<5x128xi32, #tpu.memory_space<vmem>>, vector<16xi32>,
      %mul3A_122 = arith.constant 640 : i32
      %mul3A_123 = arith.muli %arg1, %mul3A_122 : i32
      %mul3A_124 = arith.constant 128 : i32
      %mul3A_125 = arith.muli %add3A_98, %mul3A_124 : i32
      %add3A_126 = arith.addi %mul3A_123, %mul3A_125 : i32
      %add3A_127 = arith.constant 32 : i32
      %add3A_128 = arith.addi %add3A_126, %add3A_127 : i32
      %add3A_129 = vector.broadcast %add3A_128 : i32 to vector<16xi32>
      %add3A_130 = arith.addi %add3A_129, %iota3A : vector<16xi32>
      %swap3A_131 = arith.index_cast %add3A_98 : i32 to index
      %swap3A_132 = arith.constant 32 : index
      %swap3A_133 = tpu.vector_load %arg11[%swap3A_131, %swap3A_132] {strides = array<i32>} : memref<5x128xi32, #tpu.memory_space<vmem>>, vector<16xi32>,
      tpu.vector_store %arg11[%swap3A_131, %swap3A_132], %add3A_130 {strides = array<i32>} : memref<5x128xi32, #tpu.memory_space<vmem>>, vector<16xi32>,
      %mul3A_134 = arith.constant 640 : i32
      %mul3A_135 = arith.muli %arg1, %mul3A_134 : i32
      %mul3A_136 = arith.constant 128 : i32
      %mul3A_137 = arith.muli %add3A_98, %mul3A_136 : i32
      %add3A_138 = arith.addi %mul3A_135, %mul3A_137 : i32
      %add3A_139 = arith.constant 48 : i32
      %add3A_140 = arith.addi %add3A_138, %add3A_139 : i32
      %add3A_141 = vector.broadcast %add3A_140 : i32 to vector<16xi32>
      %add3A_142 = arith.addi %add3A_141, %iota3A : vector<16xi32>
      %swap3A_143 = arith.index_cast %add3A_98 : i32 to index
      %swap3A_144 = arith.constant 48 : index
      %swap3A_145 = tpu.vector_load %arg11[%swap3A_143, %swap3A_144] {strides = array<i32>} : memref<5x128xi32, #tpu.memory_space<vmem>>, vector<16xi32>,
      tpu.vector_store %arg11[%swap3A_143, %swap3A_144], %add3A_142 {strides = array<i32>} : memref<5x128xi32, #tpu.memory_space<vmem>>, vector<16xi32>,
      %mul3A_146 = arith.constant 640 : i32
      %mul3A_147 = arith.muli %arg1, %mul3A_146 : i32
      %mul3A_148 = arith.constant 128 : i32
      %mul3A_149 = arith.muli %add3A_98, %mul3A_148 : i32
      %add3A_150 = arith.addi %mul3A_147, %mul3A_149 : i32
      %add3A_151 = arith.constant 64 : i32
      %add3A_152 = arith.addi %add3A_150, %add3A_151 : i32
      %add3A_153 = vector.broadcast %add3A_152 : i32 to vector<16xi32>
      %add3A_154 = arith.addi %add3A_153, %iota3A : vector<16xi32>
      %swap3A_155 = arith.index_cast %add3A_98 : i32 to index
      %swap3A_156 = arith.constant 64 : index
      %swap3A_157 = tpu.vector_load %arg11[%swap3A_155, %swap3A_156] {strides = array<i32>} : memref<5x128xi32, #tpu.memory_space<vmem>>, vector<16xi32>,
      tpu.vector_store %arg11[%swap3A_155, %swap3A_156], %add3A_154 {strides = array<i32>} : memref<5x128xi32, #tpu.memory_space<vmem>>, vector<16xi32>,
      %mul3A_158 = arith.constant 640 : i32
      %mul3A_159 = arith.muli %arg1, %mul3A_158 : i32
      %mul3A_160 = arith.constant 128 : i32
      %mul3A_161 = arith.muli %add3A_98, %mul3A_160 : i32
      %add3A_162 = arith.addi %mul3A_159, %mul3A_161 : i32
      %add3A_163 = arith.constant 80 : i32
      %add3A_164 = arith.addi %add3A_162, %add3A_163 : i32
      %add3A_165 = vector.broadcast %add3A_164 : i32 to vector<16xi32>
      %add3A_166 = arith.addi %add3A_165, %iota3A : vector<16xi32>
      %swap3A_167 = arith.index_cast %add3A_98 : i32 to index
      %swap3A_168 = arith.constant 80 : index
      %swap3A_169 = tpu.vector_load %arg11[%swap3A_167, %swap3A_168] {strides = array<i32>} : memref<5x128xi32, #tpu.memory_space<vmem>>, vector<16xi32>,
      tpu.vector_store %arg11[%swap3A_167, %swap3A_168], %add3A_166 {strides = array<i32>} : memref<5x128xi32, #tpu.memory_space<vmem>>, vector<16xi32>,
      %mul3A_170 = arith.constant 640 : i32
      %mul3A_171 = arith.muli %arg1, %mul3A_170 : i32
      %mul3A_172 = arith.constant 128 : i32
      %mul3A_173 = arith.muli %add3A_98, %mul3A_172 : i32
      %add3A_174 = arith.addi %mul3A_171, %mul3A_173 : i32
      %add3A_175 = arith.constant 96 : i32
      %add3A_176 = arith.addi %add3A_174, %add3A_175 : i32
      %add3A_177 = vector.broadcast %add3A_176 : i32 to vector<16xi32>
      %add3A_178 = arith.addi %add3A_177, %iota3A : vector<16xi32>
      %swap3A_179 = arith.index_cast %add3A_98 : i32 to index
      %swap3A_180 = arith.constant 96 : index
      %swap3A_181 = tpu.vector_load %arg11[%swap3A_179, %swap3A_180] {strides = array<i32>} : memref<5x128xi32, #tpu.memory_space<vmem>>, vector<16xi32>,
      tpu.vector_store %arg11[%swap3A_179, %swap3A_180], %add3A_178 {strides = array<i32>} : memref<5x128xi32, #tpu.memory_space<vmem>>, vector<16xi32>,
      %mul3A_182 = arith.constant 640 : i32
      %mul3A_183 = arith.muli %arg1, %mul3A_182 : i32
      %mul3A_184 = arith.constant 128 : i32
      %mul3A_185 = arith.muli %add3A_98, %mul3A_184 : i32
      %add3A_186 = arith.addi %mul3A_183, %mul3A_185 : i32
      %add3A_187 = arith.constant 112 : i32
      %add3A_188 = arith.addi %add3A_186, %add3A_187 : i32
      %add3A_189 = vector.broadcast %add3A_188 : i32 to vector<16xi32>
      %add3A_190 = arith.addi %add3A_189, %iota3A : vector<16xi32>
      %swap3A_191 = arith.index_cast %add3A_98 : i32 to index
      %swap3A_192 = arith.constant 112 : index
      %swap3A_193 = tpu.vector_load %arg11[%swap3A_191, %swap3A_192] {strides = array<i32>} : memref<5x128xi32, #tpu.memory_space<vmem>>, vector<16xi32>,
      tpu.vector_store %arg11[%swap3A_191, %swap3A_192], %add3A_190 {strides = array<i32>} : memref<5x128xi32, #tpu.memory_space<vmem>>, vector<16xi32>,
    }
    %scan3A_9 = arith.constant 5 : i32
    %dma_start3A = arith.constant 0 : i32
    %dma_start3A_10 = arith.constant 0 : i32
    %dma_start3A_11 = tpu.memref_slice %arg11[%dma_start3A, %dma_start3A_10] : memref<5x128xi32, #tpu.memory_space<vmem>> -> memref<1x128xi32, #tpu.memory_space<vmem>>
    %dma_start3A_12 = tpu.memref_squeeze %dma_start3A_11 : memref<1x128xi32, #tpu.memory_space<vmem>> -> memref<128xi32, #tpu.memory_space<vmem>>
    %dma_start3A_13 = arith.constant 0 : i32
    %dma_start3A_14 = arith.constant 0 : i32
    %dma_start3A_15 = tpu.memref_slice %arg13[%dma_start3A_13, %dma_start3A_14] : memref<10240x128xf32, #tpu.memory_space<vmem_shared>> -> memref<10240x128xf32, #tpu.memory_space<vmem_shared>>
    tpu.enqueue_indirect_dma source(%arg12 : memref<128x128xf32, #tpu.memory_space<vmem>>) target(%dma_start3A_15 : memref<10240x128xf32, #tpu.memory_space<vmem_shared>>) offsets(%dma_start3A_12 : memref<128xi32, #tpu.memory_space<vmem>>) semaphore(%arg14 : memref<!tpu.dma_semaphore, #tpu.memory_space<semaphore_mem>>)
    %dma_start3A_16 = arith.constant 1 : i32
    %dma_start3A_17 = arith.constant 0 : i32
    %dma_start3A_18 = tpu.memref_slice %arg11[%dma_start3A_16, %dma_start3A_17] : memref<5x128xi32, #tpu.memory_space<vmem>> -> memref<1x128xi32, #tpu.memory_space<vmem>>
    %dma_start3A_19 = tpu.memref_squeeze %dma_start3A_18 : memref<1x128xi32, #tpu.memory_space<vmem>> -> memref<128xi32, #tpu.memory_space<vmem>>
    %dma_start3A_20 = arith.constant 0 : i32
    %dma_start3A_21 = arith.constant 0 : i32
    %dma_start3A_22 = tpu.memref_slice %arg13[%dma_start3A_20, %dma_start3A_21] : memref<10240x128xf32, #tpu.memory_space<vmem_shared>> -> memref<10240x128xf32, #tpu.memory_space<vmem_shared>>
    tpu.enqueue_indirect_dma source(%arg12 : memref<128x128xf32, #tpu.memory_space<vmem>>) target(%dma_start3A_22 : memref<10240x128xf32, #tpu.memory_space<vmem_shared>>) offsets(%dma_start3A_19 : memref<128xi32, #tpu.memory_space<vmem>>) semaphore(%arg14 : memref<!tpu.dma_semaphore, #tpu.memory_space<semaphore_mem>>)
    %dma_start3A_23 = arith.constant 2 : i32
    %dma_start3A_24 = arith.constant 0 : i32
    %dma_start3A_25 = tpu.memref_slice %arg11[%dma_start3A_23, %dma_start3A_24] : memref<5x128xi32, #tpu.memory_space<vmem>> -> memref<1x128xi32, #tpu.memory_space<vmem>>
    %dma_start3A_26 = tpu.memref_squeeze %dma_start3A_25 : memref<1x128xi32, #tpu.memory_space<vmem>> -> memref<128xi32, #tpu.memory_space<vmem>>
    %dma_start3A_27 = arith.constant 0 : i32
    %dma_start3A_28 = arith.constant 0 : i32
    %dma_start3A_29 = tpu.memref_slice %arg13[%dma_start3A_27, %dma_start3A_28] : memref<10240x128xf32, #tpu.memory_space<vmem_shared>> -> memref<10240x128xf32, #tpu.memory_space<vmem_shared>>
    tpu.enqueue_indirect_dma source(%arg12 : memref<128x128xf32, #tpu.memory_space<vmem>>) target(%dma_start3A_29 : memref<10240x128xf32, #tpu.memory_space<vmem_shared>>) offsets(%dma_start3A_26 : memref<128xi32, #tpu.memory_space<vmem>>) semaphore(%arg14 : memref<!tpu.dma_semaphore, #tpu.memory_space<semaphore_mem>>)
    %dma_start3A_30 = arith.constant 3 : i32
    %dma_start3A_31 = arith.constant 0 : i32
    %dma_start3A_32 = tpu.memref_slice %arg11[%dma_start3A_30, %dma_start3A_31] : memref<5x128xi32, #tpu.memory_space<vmem>> -> memref<1x128xi32, #tpu.memory_space<vmem>>
    %dma_start3A_33 = tpu.memref_squeeze %dma_start3A_32 : memref<1x128xi32, #tpu.memory_space<vmem>> -> memref<128xi32, #tpu.memory_space<vmem>>
    %dma_start3A_34 = arith.constant 0 : i32
    %dma_start3A_35 = arith.constant 0 : i32
    %dma_start3A_36 = tpu.memref_slice %arg13[%dma_start3A_34, %dma_start3A_35] : memref<10240x128xf32, #tpu.memory_space<vmem_shared>> -> memref<10240x128xf32, #tpu.memory_space<vmem_shared>>
    tpu.enqueue_indirect_dma source(%arg12 : memref<128x128xf32, #tpu.memory_space<vmem>>) target(%dma_start3A_36 : memref<10240x128xf32, #tpu.memory_space<vmem_shared>>) offsets(%dma_start3A_33 : memref<128xi32, #tpu.memory_space<vmem>>) semaphore(%arg14 : memref<!tpu.dma_semaphore, #tpu.memory_space<semaphore_mem>>)
    %dma_start3A_37 = arith.constant 4 : i32
    %dma_start3A_38 = arith.constant 0 : i32
    %dma_start3A_39 = tpu.memref_slice %arg11[%dma_start3A_37, %dma_start3A_38] : memref<5x128xi32, #tpu.memory_space<vmem>> -> memref<1x128xi32, #tpu.memory_space<vmem>>
    %dma_start3A_40 = tpu.memref_squeeze %dma_start3A_39 : memref<1x128xi32, #tpu.memory_space<vmem>> -> memref<128xi32, #tpu.memory_space<vmem>>
    %dma_start3A_41 = arith.constant 0 : i32
    %dma_start3A_42 = arith.constant 0 : i32
    %dma_start3A_43 = tpu.memref_slice %arg13[%dma_start3A_41, %dma_start3A_42] : memref<10240x128xf32, #tpu.memory_space<vmem_shared>> -> memref<10240x128xf32, #tpu.memory_space<vmem_shared>>
    tpu.enqueue_indirect_dma source(%arg12 : memref<128x128xf32, #tpu.memory_space<vmem>>) target(%dma_start3A_43 : memref<10240x128xf32, #tpu.memory_space<vmem_shared>>) offsets(%dma_start3A_40 : memref<128xi32, #tpu.memory_space<vmem>>) semaphore(%arg14 : memref<!tpu.dma_semaphore, #tpu.memory_space<semaphore_mem>>)
    %scan3A_44 = arith.constant 0 : i32
    %scan3A_45 = arith.constant 16 : i32
    %scan3A_46 = arith.addi %scan3A_44, %scan3A_45 : i32
    %scan3A_47 = arith.constant 1 : i32
    scf.for %scan3A_94 = %scan3A_44 to %scan3A_46 step %scan3A_47  : i32 {
      %mul3A_95 = arith.constant 1 : i32
      %mul3A_96 = arith.muli %scan3A_94, %mul3A_95 : i32
      %add3A_97 = arith.constant 0 : i32
      %add3A_98 = arith.addi %add3A_97, %mul3A_96 : i32
      %mul3A_99 = arith.constant 5 : i32
      %mul3A_100 = arith.muli %add3A_98, %mul3A_99 : i32
      "tpu.region"() ({
        %run_scoped3A = tpu.sem_alloc : memref<!tpu.dma_semaphore, #tpu.memory_space<semaphore_mem>>
        %dma_start3A_101 = arith.constant 0 : i32
        %dma_start3A_102 = tpu.memref_slice %arg8[%mul3A_100, %dma_start3A_101] : memref<80x128xi32, #tpu.memory_space<vmem>> -> memref<5x128xi32, #tpu.memory_space<vmem>>
        %dma_start3A_103 = arith.constant 0 : i32
        %dma_start3A_104 = arith.constant 0 : i32
        %dma_start3A_105 = tpu.memref_slice %arg3[%add3A, %add3A_98, %dma_start3A_103, %dma_start3A_104] : memref<32x16x5x128xi32, #tpu.memory_space<hbm>> -> memref<1x1x5x128xi32, #tpu.memory_space<hbm>>
        %dma_start3A_106 = tpu.memref_squeeze %dma_start3A_105 : memref<1x1x5x128xi32, #tpu.memory_space<hbm>> -> memref<5x128xi32, #tpu.memory_space<hbm>>
        %dma_start3A_107 = arith.constant 0 : i32
        %dma_start3A_108 = tpu.memref_slice %arg8[%mul3A_100, %dma_start3A_107] : memref<80x128xi32, #tpu.memory_space<vmem>> -> memref<5x128xi32, #tpu.memory_space<vmem>>
        %dma_start3A_109 = arith.constant 0 : i32
        %dma_start3A_110 = arith.constant 0 : i32
        %dma_start3A_111 = tpu.memref_slice %arg3[%add3A, %add3A_98, %dma_start3A_109, %dma_start3A_110] : memref<32x16x5x128xi32, #tpu.memory_space<hbm>> -> memref<1x1x5x128xi32, #tpu.memory_space<hbm>>
        %dma_start3A_112 = tpu.memref_squeeze %dma_start3A_111 : memref<1x1x5x128xi32, #tpu.memory_space<hbm>> -> memref<5x128xi32, #tpu.memory_space<hbm>>
        tpu.enqueue_dma source(%dma_start3A_112 : memref<5x128xi32, #tpu.memory_space<hbm>>) target(%dma_start3A_108 : memref<5x128xi32, #tpu.memory_space<vmem>>) target_semaphore(%run_scoped3A : memref<!tpu.dma_semaphore, #tpu.memory_space<semaphore_mem>>)
        %dma_wait3A_113 = arith.constant 0 : i32
        %dma_wait3A_114 = tpu.memref_slice %arg8[%mul3A_100, %dma_wait3A_113] : memref<80x128xi32, #tpu.memory_space<vmem>> -> memref<5x128xi32, #tpu.memory_space<vmem>>
        %dma_wait3A_115 = arith.constant 0 : i32
        %dma_wait3A_116 = arith.constant 0 : i32
        %dma_wait3A_117 = tpu.memref_slice %arg3[%add3A, %add3A_98, %dma_wait3A_115, %dma_wait3A_116] : memref<32x16x5x128xi32, #tpu.memory_space<hbm>> -> memref<1x1x5x128xi32, #tpu.memory_space<hbm>>
        %dma_wait3A_118 = tpu.memref_squeeze %dma_wait3A_117 : memref<1x1x5x128xi32, #tpu.memory_space<hbm>> -> memref<5x128xi32, #tpu.memory_space<hbm>>
        %dma_wait3A_119 = arith.constant 0 : i32
        %dma_wait3A_120 = tpu.memref_slice %arg8[%mul3A_100, %dma_wait3A_119] : memref<80x128xi32, #tpu.memory_space<vmem>> -> memref<5x128xi32, #tpu.memory_space<vmem>>
        %dma_wait3A_121 = arith.constant 0 : i32
        %dma_wait3A_122 = arith.constant 0 : i32
        %dma_wait3A_123 = tpu.memref_slice %arg3[%add3A, %add3A_98, %dma_wait3A_121, %dma_wait3A_122] : memref<32x16x5x128xi32, #tpu.memory_space<hbm>> -> memref<1x1x5x128xi32, #tpu.memory_space<hbm>>
        %dma_wait3A_124 = tpu.memref_squeeze %dma_wait3A_123 : memref<1x1x5x128xi32, #tpu.memory_space<hbm>> -> memref<5x128xi32, #tpu.memory_space<hbm>>
        tpu.wait_dma2 semaphore(%run_scoped3A : memref<!tpu.dma_semaphore, #tpu.memory_space<semaphore_mem>>) src(%dma_wait3A_124 : memref<5x128xi32, #tpu.memory_space<hbm>>) dst(%dma_wait3A_120 : memref<5x128xi32, #tpu.memory_space<vmem>>)
        tpu.yield
      }) : () -> ()
      "tpu.region"() ({
        %run_scoped3A = tpu.sem_alloc : memref<!tpu.dma_semaphore, #tpu.memory_space<semaphore_mem>>
        %dma_start3A_101 = arith.constant 0 : i32
        %dma_start3A_102 = tpu.memref_slice %arg9[%mul3A_100, %dma_start3A_101] : memref<80x128xi32, #tpu.memory_space<vmem>> -> memref<5x128xi32, #tpu.memory_space<vmem>>
        %dma_start3A_103 = arith.constant 0 : i32
        %dma_start3A_104 = arith.constant 0 : i32
        %dma_start3A_105 = tpu.memref_slice %arg4[%add3A, %add3A_98, %dma_start3A_103, %dma_start3A_104] : memref<32x16x5x128xi32, #tpu.memory_space<hbm>> -> memref<1x1x5x128xi32, #tpu.memory_space<hbm>>
        %dma_start3A_106 = tpu.memref_squeeze %dma_start3A_105 : memref<1x1x5x128xi32, #tpu.memory_space<hbm>> -> memref<5x128xi32, #tpu.memory_space<hbm>>
        %dma_start3A_107 = arith.constant 0 : i32
        %dma_start3A_108 = tpu.memref_slice %arg9[%mul3A_100, %dma_start3A_107] : memref<80x128xi32, #tpu.memory_space<vmem>> -> memref<5x128xi32, #tpu.memory_space<vmem>>
        %dma_start3A_109 = arith.constant 0 : i32
        %dma_start3A_110 = arith.constant 0 : i32
        %dma_start3A_111 = tpu.memref_slice %arg4[%add3A, %add3A_98, %dma_start3A_109, %dma_start3A_110] : memref<32x16x5x128xi32, #tpu.memory_space<hbm>> -> memref<1x1x5x128xi32, #tpu.memory_space<hbm>>
        %dma_start3A_112 = tpu.memref_squeeze %dma_start3A_111 : memref<1x1x5x128xi32, #tpu.memory_space<hbm>> -> memref<5x128xi32, #tpu.memory_space<hbm>>
        tpu.enqueue_dma source(%dma_start3A_112 : memref<5x128xi32, #tpu.memory_space<hbm>>) target(%dma_start3A_108 : memref<5x128xi32, #tpu.memory_space<vmem>>) target_semaphore(%run_scoped3A : memref<!tpu.dma_semaphore, #tpu.memory_space<semaphore_mem>>)
        %dma_wait3A_113 = arith.constant 0 : i32
        %dma_wait3A_114 = tpu.memref_slice %arg9[%mul3A_100, %dma_wait3A_113] : memref<80x128xi32, #tpu.memory_space<vmem>> -> memref<5x128xi32, #tpu.memory_space<vmem>>
        %dma_wait3A_115 = arith.constant 0 : i32
        %dma_wait3A_116 = arith.constant 0 : i32
        %dma_wait3A_117 = tpu.memref_slice %arg4[%add3A, %add3A_98, %dma_wait3A_115, %dma_wait3A_116] : memref<32x16x5x128xi32, #tpu.memory_space<hbm>> -> memref<1x1x5x128xi32, #tpu.memory_space<hbm>>
        %dma_wait3A_118 = tpu.memref_squeeze %dma_wait3A_117 : memref<1x1x5x128xi32, #tpu.memory_space<hbm>> -> memref<5x128xi32, #tpu.memory_space<hbm>>
        %dma_wait3A_119 = arith.constant 0 : i32
        %dma_wait3A_120 = tpu.memref_slice %arg9[%mul3A_100, %dma_wait3A_119] : memref<80x128xi32, #tpu.memory_space<vmem>> -> memref<5x128xi32, #tpu.memory_space<vmem>>
        %dma_wait3A_121 = arith.constant 0 : i32
        %dma_wait3A_122 = arith.constant 0 : i32
        %dma_wait3A_123 = tpu.memref_slice %arg4[%add3A, %add3A_98, %dma_wait3A_121, %dma_wait3A_122] : memref<32x16x5x128xi32, #tpu.memory_space<hbm>> -> memref<1x1x5x128xi32, #tpu.memory_space<hbm>>
        %dma_wait3A_124 = tpu.memref_squeeze %dma_wait3A_123 : memref<1x1x5x128xi32, #tpu.memory_space<hbm>> -> memref<5x128xi32, #tpu.memory_space<hbm>>
        tpu.wait_dma2 semaphore(%run_scoped3A : memref<!tpu.dma_semaphore, #tpu.memory_space<semaphore_mem>>) src(%dma_wait3A_124 : memref<5x128xi32, #tpu.memory_space<hbm>>) dst(%dma_wait3A_120 : memref<5x128xi32, #tpu.memory_space<vmem>>)
        tpu.yield
      }) : () -> ()
      "tpu.region"() ({
        %run_scoped3A = tpu.sem_alloc : memref<!tpu.dma_semaphore, #tpu.memory_space<semaphore_mem>>
        %dma_start3A_101 = arith.constant 0 : i32
        %dma_start3A_102 = tpu.memref_slice %arg10[%mul3A_100, %dma_start3A_101] : memref<80x128xf32, #tpu.memory_space<vmem>> -> memref<5x128xf32, #tpu.memory_space<vmem>>
        %dma_start3A_103 = arith.constant 0 : i32
        %dma_start3A_104 = arith.constant 0 : i32
        %dma_start3A_105 = tpu.memref_slice %arg5[%add3A, %add3A_98, %dma_start3A_103, %dma_start3A_104] : memref<32x16x5x128xf32, #tpu.memory_space<hbm>> -> memref<1x1x5x128xf32, #tpu.memory_space<hbm>>
        %dma_start3A_106 = tpu.memref_squeeze %dma_start3A_105 : memref<1x1x5x128xf32, #tpu.memory_space<hbm>> -> memref<5x128xf32, #tpu.memory_space<hbm>>
        %dma_start3A_107 = arith.constant 0 : i32
        %dma_start3A_108 = tpu.memref_slice %arg10[%mul3A_100, %dma_start3A_107] : memref<80x128xf32, #tpu.memory_space<vmem>> -> memref<5x128xf32, #tpu.memory_space<vmem>>
        %dma_start3A_109 = arith.constant 0 : i32
        %dma_start3A_110 = arith.constant 0 : i32
        %dma_start3A_111 = tpu.memref_slice %arg5[%add3A, %add3A_98, %dma_start3A_109, %dma_start3A_110] : memref<32x16x5x128xf32, #tpu.memory_space<hbm>> -> memref<1x1x5x128xf32, #tpu.memory_space<hbm>>
        %dma_start3A_112 = tpu.memref_squeeze %dma_start3A_111 : memref<1x1x5x128xf32, #tpu.memory_space<hbm>> -> memref<5x128xf32, #tpu.memory_space<hbm>>
        tpu.enqueue_dma source(%dma_start3A_112 : memref<5x128xf32, #tpu.memory_space<hbm>>) target(%dma_start3A_108 : memref<5x128xf32, #tpu.memory_space<vmem>>) target_semaphore(%run_scoped3A : memref<!tpu.dma_semaphore, #tpu.memory_space<semaphore_mem>>)
        %dma_wait3A_113 = arith.constant 0 : i32
        %dma_wait3A_114 = tpu.memref_slice %arg10[%mul3A_100, %dma_wait3A_113] : memref<80x128xf32, #tpu.memory_space<vmem>> -> memref<5x128xf32, #tpu.memory_space<vmem>>
        %dma_wait3A_115 = arith.constant 0 : i32
        %dma_wait3A_116 = arith.constant 0 : i32
        %dma_wait3A_117 = tpu.memref_slice %arg5[%add3A, %add3A_98, %dma_wait3A_115, %dma_wait3A_116] : memref<32x16x5x128xf32, #tpu.memory_space<hbm>> -> memref<1x1x5x128xf32, #tpu.memory_space<hbm>>
        %dma_wait3A_118 = tpu.memref_squeeze %dma_wait3A_117 : memref<1x1x5x128xf32, #tpu.memory_space<hbm>> -> memref<5x128xf32, #tpu.memory_space<hbm>>
        %dma_wait3A_119 = arith.constant 0 : i32
        %dma_wait3A_120 = tpu.memref_slice %arg10[%mul3A_100, %dma_wait3A_119] : memref<80x128xf32, #tpu.memory_space<vmem>> -> memref<5x128xf32, #tpu.memory_space<vmem>>
        %dma_wait3A_121 = arith.constant 0 : i32
        %dma_wait3A_122 = arith.constant 0 : i32
        %dma_wait3A_123 = tpu.memref_slice %arg5[%add3A, %add3A_98, %dma_wait3A_121, %dma_wait3A_122] : memref<32x16x5x128xf32, #tpu.memory_space<hbm>> -> memref<1x1x5x128xf32, #tpu.memory_space<hbm>>
        %dma_wait3A_124 = tpu.memref_squeeze %dma_wait3A_123 : memref<1x1x5x128xf32, #tpu.memory_space<hbm>> -> memref<5x128xf32, #tpu.memory_space<hbm>>
        tpu.wait_dma2 semaphore(%run_scoped3A : memref<!tpu.dma_semaphore, #tpu.memory_space<semaphore_mem>>) src(%dma_wait3A_124 : memref<5x128xf32, #tpu.memory_space<hbm>>) dst(%dma_wait3A_120 : memref<5x128xf32, #tpu.memory_space<vmem>>)
        tpu.yield
      }) : () -> ()
    }
    %scan3A_48 = arith.constant 16 : i32
    %dma_wait3A = arith.constant 0 : i32
    %dma_wait3A_49 = arith.constant 0 : i32
    %dma_wait3A_50 = tpu.memref_slice %arg11[%dma_wait3A, %dma_wait3A_49] : memref<5x128xi32, #tpu.memory_space<vmem>> -> memref<1x128xi32, #tpu.memory_space<vmem>>
    %dma_wait3A_51 = tpu.memref_squeeze %dma_wait3A_50 : memref<1x128xi32, #tpu.memory_space<vmem>> -> memref<128xi32, #tpu.memory_space<vmem>>
    %dma_wait3A_52 = arith.constant 0 : i32
    %dma_wait3A_53 = arith.constant 0 : i32
    %dma_wait3A_54 = tpu.memref_slice %arg13[%dma_wait3A_52, %dma_wait3A_53] : memref<10240x128xf32, #tpu.memory_space<vmem_shared>> -> memref<10240x128xf32, #tpu.memory_space<vmem_shared>>
    tpu.wait_indirect_dma semaphore(%arg14 : memref<!tpu.dma_semaphore, #tpu.memory_space<semaphore_mem>>) src(%arg12 : memref<128x128xf32, #tpu.memory_space<vmem>>) dst(%dma_wait3A_54 : memref<10240x128xf32, #tpu.memory_space<vmem_shared>>)
    %dma_wait3A_55 = arith.constant 1 : i32
    %dma_wait3A_56 = arith.constant 0 : i32
    %dma_wait3A_57 = tpu.memref_slice %arg11[%dma_wait3A_55, %dma_wait3A_56] : memref<5x128xi32, #tpu.memory_space<vmem>> -> memref<1x128xi32, #tpu.memory_space<vmem>>
    %dma_wait3A_58 = tpu.memref_squeeze %dma_wait3A_57 : memref<1x128xi32, #tpu.memory_space<vmem>> -> memref<128xi32, #tpu.memory_space<vmem>>
    %dma_wait3A_59 = arith.constant 0 : i32
    %dma_wait3A_60 = arith.constant 0 : i32
    %dma_wait3A_61 = tpu.memref_slice %arg13[%dma_wait3A_59, %dma_wait3A_60] : memref<10240x128xf32, #tpu.memory_space<vmem_shared>> -> memref<10240x128xf32, #tpu.memory_space<vmem_shared>>
    tpu.wait_indirect_dma semaphore(%arg14 : memref<!tpu.dma_semaphore, #tpu.memory_space<semaphore_mem>>) src(%arg12 : memref<128x128xf32, #tpu.memory_space<vmem>>) dst(%dma_wait3A_61 : memref<10240x128xf32, #tpu.memory_space<vmem_shared>>)
    %dma_wait3A_62 = arith.constant 2 : i32
    %dma_wait3A_63 = arith.constant 0 : i32
    %dma_wait3A_64 = tpu.memref_slice %arg11[%dma_wait3A_62, %dma_wait3A_63] : memref<5x128xi32, #tpu.memory_space<vmem>> -> memref<1x128xi32, #tpu.memory_space<vmem>>
    %dma_wait3A_65 = tpu.memref_squeeze %dma_wait3A_64 : memref<1x128xi32, #tpu.memory_space<vmem>> -> memref<128xi32, #tpu.memory_space<vmem>>
    %dma_wait3A_66 = arith.constant 0 : i32
    %dma_wait3A_67 = arith.constant 0 : i32
    %dma_wait3A_68 = tpu.memref_slice %arg13[%dma_wait3A_66, %dma_wait3A_67] : memref<10240x128xf32, #tpu.memory_space<vmem_shared>> -> memref<10240x128xf32, #tpu.memory_space<vmem_shared>>
    tpu.wait_indirect_dma semaphore(%arg14 : memref<!tpu.dma_semaphore, #tpu.memory_space<semaphore_mem>>) src(%arg12 : memref<128x128xf32, #tpu.memory_space<vmem>>) dst(%dma_wait3A_68 : memref<10240x128xf32, #tpu.memory_space<vmem_shared>>)
    %dma_wait3A_69 = arith.constant 3 : i32
    %dma_wait3A_70 = arith.constant 0 : i32
    %dma_wait3A_71 = tpu.memref_slice %arg11[%dma_wait3A_69, %dma_wait3A_70] : memref<5x128xi32, #tpu.memory_space<vmem>> -> memref<1x128xi32, #tpu.memory_space<vmem>>
    %dma_wait3A_72 = tpu.memref_squeeze %dma_wait3A_71 : memref<1x128xi32, #tpu.memory_space<vmem>> -> memref<128xi32, #tpu.memory_space<vmem>>
    %dma_wait3A_73 = arith.constant 0 : i32
    %dma_wait3A_74 = arith.constant 0 : i32
    %dma_wait3A_75 = tpu.memref_slice %arg13[%dma_wait3A_73, %dma_wait3A_74] : memref<10240x128xf32, #tpu.memory_space<vmem_shared>> -> memref<10240x128xf32, #tpu.memory_space<vmem_shared>>
    tpu.wait_indirect_dma semaphore(%arg14 : memref<!tpu.dma_semaphore, #tpu.memory_space<semaphore_mem>>) src(%arg12 : memref<128x128xf32, #tpu.memory_space<vmem>>) dst(%dma_wait3A_75 : memref<10240x128xf32, #tpu.memory_space<vmem_shared>>)
    %dma_wait3A_76 = arith.constant 4 : i32
    %dma_wait3A_77 = arith.constant 0 : i32
    %dma_wait3A_78 = tpu.memref_slice %arg11[%dma_wait3A_76, %dma_wait3A_77] : memref<5x128xi32, #tpu.memory_space<vmem>> -> memref<1x128xi32, #tpu.memory_space<vmem>>
    %dma_wait3A_79 = tpu.memref_squeeze %dma_wait3A_78 : memref<1x128xi32, #tpu.memory_space<vmem>> -> memref<128xi32, #tpu.memory_space<vmem>>
    %dma_wait3A_80 = arith.constant 0 : i32
    %dma_wait3A_81 = arith.constant 0 : i32
    %dma_wait3A_82 = tpu.memref_slice %arg13[%dma_wait3A_80, %dma_wait3A_81] : memref<10240x128xf32, #tpu.memory_space<vmem_shared>> -> memref<10240x128xf32, #tpu.memory_space<vmem_shared>>
    tpu.wait_indirect_dma semaphore(%arg14 : memref<!tpu.dma_semaphore, #tpu.memory_space<semaphore_mem>>) src(%arg12 : memref<128x128xf32, #tpu.memory_space<vmem>>) dst(%dma_wait3A_82 : memref<10240x128xf32, #tpu.memory_space<vmem_shared>>)
    %barrier3A = arith.constant 0 : index
    tpu.barrier barrier_id(%barrier3A)
    %scan3A_83 = arith.constant 0 : i32
    %scan3A_84 = arith.constant 80 : i32
    %scan3A_85 = arith.addi %scan3A_83, %scan3A_84 : i32
    %scan3A_86 = arith.constant 1 : i32
    scf.for %scan3A_94 = %scan3A_83 to %scan3A_85 step %scan3A_86  : i32 {
      %mul3A_95 = arith.constant 1 : i32
      %mul3A_96 = arith.muli %scan3A_94, %mul3A_95 : i32
      %add3A_97 = arith.constant 0 : i32
      %add3A_98 = arith.addi %add3A_97, %mul3A_96 : i32
      %dma_start3A_99 = arith.constant 0 : i32
      %dma_start3A_100 = tpu.memref_slice %arg8[%add3A_98, %dma_start3A_99] : memref<80x128xi32, #tpu.memory_space<vmem>> -> memref<1x128xi32, #tpu.memory_space<vmem>>
      %dma_start3A_101 = tpu.memref_squeeze %dma_start3A_100 : memref<1x128xi32, #tpu.memory_space<vmem>> -> memref<128xi32, #tpu.memory_space<vmem>>
      %dma_start3A_102 = arith.constant 0 : i32
      %dma_start3A_103 = arith.constant 0 : i32
      %dma_start3A_104 = tpu.memref_slice %arg2[%dma_start3A_102, %dma_start3A_103] : memref<10000x128xf32, #tpu.memory_space<hbm>> -> memref<10000x128xf32, #tpu.memory_space<hbm>>
      tpu.enqueue_indirect_dma source(%dma_start3A_104 : memref<10000x128xf32, #tpu.memory_space<hbm>>) target(%arg12 : memref<128x128xf32, #tpu.memory_space<vmem>>) offsets(%dma_start3A_101 : memref<128xi32, #tpu.memory_space<vmem>>) semaphore(%arg14 : memref<!tpu.dma_semaphore, #tpu.memory_space<semaphore_mem>>)
      %dma_wait3A_105 = arith.constant 0 : i32
      %dma_wait3A_106 = tpu.memref_slice %arg8[%add3A_98, %dma_wait3A_105] : memref<80x128xi32, #tpu.memory_space<vmem>> -> memref<1x128xi32, #tpu.memory_space<vmem>>
      %dma_wait3A_107 = tpu.memref_squeeze %dma_wait3A_106 : memref<1x128xi32, #tpu.memory_space<vmem>> -> memref<128xi32, #tpu.memory_space<vmem>>
      %dma_wait3A_108 = arith.constant 0 : i32
      %dma_wait3A_109 = arith.constant 0 : i32
      %dma_wait3A_110 = tpu.memref_slice %arg2[%dma_wait3A_108, %dma_wait3A_109] : memref<10000x128xf32, #tpu.memory_space<hbm>> -> memref<10000x128xf32, #tpu.memory_space<hbm>>
      tpu.wait_indirect_dma semaphore(%arg14 : memref<!tpu.dma_semaphore, #tpu.memory_space<semaphore_mem>>) src(%dma_wait3A_110 : memref<10000x128xf32, #tpu.memory_space<hbm>>) dst(%arg12 : memref<128x128xf32, #tpu.memory_space<vmem>>)
      %scan3A_111 = arith.constant 0 : i32
      %scan3A_112 = arith.constant 8 : i32
      %scan3A_113 = arith.addi %scan3A_111, %scan3A_112 : i32
      %scan3A_114 = arith.constant 1 : i32
      scf.for %scan3A_116 = %scan3A_111 to %scan3A_113 step %scan3A_114  : i32 {
        %mul3A_117 = arith.constant 1 : i32
        %mul3A_118 = arith.muli %scan3A_116, %mul3A_117 : i32
        %add3A_119 = arith.constant 0 : i32
        %add3A_120 = arith.addi %add3A_119, %mul3A_118 : i32
        %mul3A_121 = arith.constant 16 : i32
        %mul3A_122 = arith.muli %add3A_120, %mul3A_121 : i32
        %get3A = arith.index_cast %add3A_98 : i32 to index
        %get3A_123 = arith.index_cast %mul3A_122 : i32 to index
        %get3A_124 = tpu.vector_load %arg10[%get3A, %get3A_123] {strides = array<i32>} : memref<80x128xf32, #tpu.memory_space<vmem>>, vector<16xf32>,
        %slice3A = vector.extract_strided_slice %get3A_124 {offsets = [0], sizes = [1], strides = [1]} : vector<16xf32> to vector<1xf32>
        %squeeze3A = vector.extract %slice3A[0] : f32 from vector<1xf32>
        %mul3A_125 = arith.constant 16 : i32
        %mul3A_126 = arith.muli %add3A_120, %mul3A_125 : i32
        %add3A_127 = arith.constant 0 : i32
        %add3A_128 = arith.addi %mul3A_126, %add3A_127 : i32
        %get3A_129 = arith.index_cast %add3A_128 : i32 to index
        %get3A_130 = arith.constant 0 : index
        %get3A_131 = tpu.vector_load %arg12[%get3A_129, %get3A_130] {strides = array<i32>} : memref<128x128xf32, #tpu.memory_space<vmem>>, vector<16xf32>,
        %mul3A_132 = vector.broadcast %squeeze3A : f32 to vector<16xf32>
        %mul3A_133 = arith.mulf %get3A_131, %mul3A_132 : vector<16xf32>
        %swap3A = arith.index_cast %add3A_128 : i32 to index
        %swap3A_134 = arith.constant 0 : index
        %swap3A_135 = tpu.vector_load %arg12[%swap3A, %swap3A_134] {strides = array<i32>} : memref<128x128xf32, #tpu.memory_space<vmem>>, vector<16xf32>,
        tpu.vector_store %arg12[%swap3A, %swap3A_134], %mul3A_133 {strides = array<i32>} : memref<128x128xf32, #tpu.memory_space<vmem>>, vector<16xf32>,
        %get3A_136 = arith.index_cast %add3A_128 : i32 to index
        %get3A_137 = arith.constant 16 : index
        %get3A_138 = tpu.vector_load %arg12[%get3A_136, %get3A_137] {strides = array<i32>} : memref<128x128xf32, #tpu.memory_space<vmem>>, vector<16xf32>,
        %mul3A_139 = vector.broadcast %squeeze3A : f32 to vector<16xf32>
        %mul3A_140 = arith.mulf %get3A_138, %mul3A_139 : vector<16xf32>
        %swap3A_141 = arith.index_cast %add3A_128 : i32 to index
        %swap3A_142 = arith.constant 16 : index
        %swap3A_143 = tpu.vector_load %arg12[%swap3A_141, %swap3A_142] {strides = array<i32>} : memref<128x128xf32, #tpu.memory_space<vmem>>, vector<16xf32>,
        tpu.vector_store %arg12[%swap3A_141, %swap3A_142], %mul3A_140 {strides = array<i32>} : memref<128x128xf32, #tpu.memory_space<vmem>>, vector<16xf32>,
        %get3A_144 = arith.index_cast %add3A_128 : i32 to index
        %get3A_145 = arith.constant 32 : index
        %get3A_146 = tpu.vector_load %arg12[%get3A_144, %get3A_145] {strides = array<i32>} : memref<128x128xf32, #tpu.memory_space<vmem>>, vector<16xf32>,
        %mul3A_147 = vector.broadcast %squeeze3A : f32 to vector<16xf32>
        %mul3A_148 = arith.mulf %get3A_146, %mul3A_147 : vector<16xf32>
        %swap3A_149 = arith.index_cast %add3A_128 : i32 to index
        %swap3A_150 = arith.constant 32 : index
        %swap3A_151 = tpu.vector_load %arg12[%swap3A_149, %swap3A_150] {strides = array<i32>} : memref<128x128xf32, #tpu.memory_space<vmem>>, vector<16xf32>,
        tpu.vector_store %arg12[%swap3A_149, %swap3A_150], %mul3A_148 {strides = array<i32>} : memref<128x128xf32, #tpu.memory_space<vmem>>, vector<16xf32>,
        %get3A_152 = arith.index_cast %add3A_128 : i32 to index
        %get3A_153 = arith.constant 48 : index
        %get3A_154 = tpu.vector_load %arg12[%get3A_152, %get3A_153] {strides = array<i32>} : memref<128x128xf32, #tpu.memory_space<vmem>>, vector<16xf32>,
        %mul3A_155 = vector.broadcast %squeeze3A : f32 to vector<16xf32>
        %mul3A_156 = arith.mulf %get3A_154, %mul3A_155 : vector<16xf32>
        %swap3A_157 = arith.index_cast %add3A_128 : i32 to index
        %swap3A_158 = arith.constant 48 : index
        %swap3A_159 = tpu.vector_load %arg12[%swap3A_157, %swap3A_158] {strides = array<i32>} : memref<128x128xf32, #tpu.memory_space<vmem>>, vector<16xf32>,
        tpu.vector_store %arg12[%swap3A_157, %swap3A_158], %mul3A_156 {strides = array<i32>} : memref<128x128xf32, #tpu.memory_space<vmem>>, vector<16xf32>,
        %get3A_160 = arith.index_cast %add3A_128 : i32 to index
        %get3A_161 = arith.constant 64 : index
        %get3A_162 = tpu.vector_load %arg12[%get3A_160, %get3A_161] {strides = array<i32>} : memref<128x128xf32, #tpu.memory_space<vmem>>, vector<16xf32>,
        %mul3A_163 = vector.broadcast %squeeze3A : f32 to vector<16xf32>
        %mul3A_164 = arith.mulf %get3A_162, %mul3A_163 : vector<16xf32>
        %swap3A_165 = arith.index_cast %add3A_128 : i32 to index
        %swap3A_166 = arith.constant 64 : index
        %swap3A_167 = tpu.vector_load %arg12[%swap3A_165, %swap3A_166] {strides = array<i32>} : memref<128x128xf32, #tpu.memory_space<vmem>>, vector<16xf32>,
        tpu.vector_store %arg12[%swap3A_165, %swap3A_166], %mul3A_164 {strides = array<i32>} : memref<128x128xf32, #tpu.memory_space<vmem>>, vector<16xf32>,
        %get3A_168 = arith.index_cast %add3A_128 : i32 to index
        %get3A_169 = arith.constant 80 : index
        %get3A_170 = tpu.vector_load %arg12[%get3A_168, %get3A_169] {strides = array<i32>} : memref<128x128xf32, #tpu.memory_space<vmem>>, vector<16xf32>,
        %mul3A_171 = vector.broadcast %squeeze3A : f32 to vector<16xf32>
        %mul3A_172 = arith.mulf %get3A_170, %mul3A_171 : vector<16xf32>
        %swap3A_173 = arith.index_cast %add3A_128 : i32 to index
        %swap3A_174 = arith.constant 80 : index
        %swap3A_175 = tpu.vector_load %arg12[%swap3A_173, %swap3A_174] {strides = array<i32>} : memref<128x128xf32, #tpu.memory_space<vmem>>, vector<16xf32>,
        tpu.vector_store %arg12[%swap3A_173, %swap3A_174], %mul3A_172 {strides = array<i32>} : memref<128x128xf32, #tpu.memory_space<vmem>>, vector<16xf32>,
        %get3A_176 = arith.index_cast %add3A_128 : i32 to index
        %get3A_177 = arith.constant 96 : index
        %get3A_178 = tpu.vector_load %arg12[%get3A_176, %get3A_177] {strides = array<i32>} : memref<128x128xf32, #tpu.memory_space<vmem>>, vector<16xf32>,
        %mul3A_179 = vector.broadcast %squeeze3A : f32 to vector<16xf32>
        %mul3A_180 = arith.mulf %get3A_178, %mul3A_179 : vector<16xf32>
        %swap3A_181 = arith.index_cast %add3A_128 : i32 to index
        %swap3A_182 = arith.constant 96 : index
        %swap3A_183 = tpu.vector_load %arg12[%swap3A_181, %swap3A_182] {strides = array<i32>} : memref<128x128xf32, #tpu.memory_space<vmem>>, vector<16xf32>,
        tpu.vector_store %arg12[%swap3A_181, %swap3A_182], %mul3A_180 {strides = array<i32>} : memref<128x128xf32, #tpu.memory_space<vmem>>, vector<16xf32>,
        %get3A_184 = arith.index_cast %add3A_128 : i32 to index
        %get3A_185 = arith.constant 112 : index
        %get3A_186 = tpu.vector_load %arg12[%get3A_184, %get3A_185] {strides = array<i32>} : memref<128x128xf32, #tpu.memory_space<vmem>>, vector<16xf32>,
        %mul3A_187 = vector.broadcast %squeeze3A : f32 to vector<16xf32>
        %mul3A_188 = arith.mulf %get3A_186, %mul3A_187 : vector<16xf32>
        %swap3A_189 = arith.index_cast %add3A_128 : i32 to index
        %swap3A_190 = arith.constant 112 : index
        %swap3A_191 = tpu.vector_load %arg12[%swap3A_189, %swap3A_190] {strides = array<i32>} : memref<128x128xf32, #tpu.memory_space<vmem>>, vector<16xf32>,
        tpu.vector_store %arg12[%swap3A_189, %swap3A_190], %mul3A_188 {strides = array<i32>} : memref<128x128xf32, #tpu.memory_space<vmem>>, vector<16xf32>,
        %slice3A_192 = vector.extract_strided_slice %get3A_124 {offsets = [1], sizes = [1], strides = [1]} : vector<16xf32> to vector<1xf32>
        %squeeze3A_193 = vector.extract %slice3A_192[0] : f32 from vector<1xf32>
        %mul3A_194 = arith.constant 16 : i32
        %mul3A_195 = arith.muli %add3A_120, %mul3A_194 : i32
        %add3A_196 = arith.constant 1 : i32
        %add3A_197 = arith.addi %mul3A_195, %add3A_196 : i32
        %get3A_198 = arith.index_cast %add3A_197 : i32 to index
        %get3A_199 = arith.constant 0 : index
        %get3A_200 = tpu.vector_load %arg12[%get3A_198, %get3A_199] {strides = array<i32>} : memref<128x128xf32, #tpu.memory_space<vmem>>, vector<16xf32>,
        %mul3A_201 = vector.broadcast %squeeze3A_193 : f32 to vector<16xf32>
        %mul3A_202 = arith.mulf %get3A_200, %mul3A_201 : vector<16xf32>
        %swap3A_203 = arith.index_cast %add3A_197 : i32 to index
        %swap3A_204 = arith.constant 0 : index
        %swap3A_205 = tpu.vector_load %arg12[%swap3A_203, %swap3A_204] {strides = array<i32>} : memref<128x128xf32, #tpu.memory_space<vmem>>, vector<16xf32>,
        tpu.vector_store %arg12[%swap3A_203, %swap3A_204], %mul3A_202 {strides = array<i32>} : memref<128x128xf32, #tpu.memory_space<vmem>>, vector<16xf32>,
        %get3A_206 = arith.index_cast %add3A_197 : i32 to index
        %get3A_207 = arith.constant 16 : index
        %get3A_208 = tpu.vector_load %arg12[%get3A_206, %get3A_207] {strides = array<i32>} : memref<128x128xf32, #tpu.memory_space<vmem>>, vector<16xf32>,
        %mul3A_209 = vector.broadcast %squeeze3A_193 : f32 to vector<16xf32>
        %mul3A_210 = arith.mulf %get3A_208, %mul3A_209 : vector<16xf32>
        %swap3A_211 = arith.index_cast %add3A_197 : i32 to index
        %swap3A_212 = arith.constant 16 : index
        %swap3A_213 = tpu.vector_load %arg12[%swap3A_211, %swap3A_212] {strides = array<i32>} : memref<128x128xf32, #tpu.memory_space<vmem>>, vector<16xf32>,
        tpu.vector_store %arg12[%swap3A_211, %swap3A_212], %mul3A_210 {strides = array<i32>} : memref<128x128xf32, #tpu.memory_space<vmem>>, vector<16xf32>,
        %get3A_214 = arith.index_cast %add3A_197 : i32 to index
        %get3A_215 = arith.constant 32 : index
        %get3A_216 = tpu.vector_load %arg12[%get3A_214, %get3A_215] {strides = array<i32>} : memref<128x128xf32, #tpu.memory_space<vmem>>, vector<16xf32>,
        %mul3A_217 = vector.broadcast %squeeze3A_193 : f32 to vector<16xf32>
        %mul3A_218 = arith.mulf %get3A_216, %mul3A_217 : vector<16xf32>
        %swap3A_219 = arith.index_cast %add3A_197 : i32 to index
        %swap3A_220 = arith.constant 32 : index
        %swap3A_221 = tpu.vector_load %arg12[%swap3A_219, %swap3A_220] {strides = array<i32>} : memref<128x128xf32, #tpu.memory_space<vmem>>, vector<16xf32>,
        tpu.vector_store %arg12[%swap3A_219, %swap3A_220], %mul3A_218 {strides = array<i32>} : memref<128x128xf32, #tpu.memory_space<vmem>>, vector<16xf32>,
        %get3A_222 = arith.index_cast %add3A_197 : i32 to index
        %get3A_223 = arith.constant 48 : index
        %get3A_224 = tpu.vector_load %arg12[%get3A_222, %get3A_223] {strides = array<i32>} : memref<128x128xf32, #tpu.memory_space<vmem>>, vector<16xf32>,
        %mul3A_225 = vector.broadcast %squeeze3A_193 : f32 to vector<16xf32>
        %mul3A_226 = arith.mulf %get3A_224, %mul3A_225 : vector<16xf32>
        %swap3A_227 = arith.index_cast %add3A_197 : i32 to index
        %swap3A_228 = arith.constant 48 : index
        %swap3A_229 = tpu.vector_load %arg12[%swap3A_227, %swap3A_228] {strides = array<i32>} : memref<128x128xf32, #tpu.memory_space<vmem>>, vector<16xf32>,
        tpu.vector_store %arg12[%swap3A_227, %swap3A_228], %mul3A_226 {strides = array<i32>} : memref<128x128xf32, #tpu.memory_space<vmem>>, vector<16xf32>,
        %get3A_230 = arith.index_cast %add3A_197 : i32 to index
        %get3A_231 = arith.constant 64 : index
        %get3A_232 = tpu.vector_load %arg12[%get3A_230, %get3A_231] {strides = array<i32>} : memref<128x128xf32, #tpu.memory_space<vmem>>, vector<16xf32>,
        %mul3A_233 = vector.broadcast %squeeze3A_193 : f32 to vector<16xf32>
        %mul3A_234 = arith.mulf %get3A_232, %mul3A_233 : vector<16xf32>
        %swap3A_235 = arith.index_cast %add3A_197 : i32 to index
        %swap3A_236 = arith.constant 64 : index
        %swap3A_237 = tpu.vector_load %arg12[%swap3A_235, %swap3A_236] {strides = array<i32>} : memref<128x128xf32, #tpu.memory_space<vmem>>, vector<16xf32>,
        tpu.vector_store %arg12[%swap3A_235, %swap3A_236], %mul3A_234 {strides = array<i32>} : memref<128x128xf32, #tpu.memory_space<vmem>>, vector<16xf32>,
        %get3A_238 = arith.index_cast %add3A_197 : i32 to index
        %get3A_239 = arith.constant 80 : index
        %get3A_240 = tpu.vector_load %arg12[%get3A_238, %get3A_239] {strides = array<i32>} : memref<128x128xf32, #tpu.memory_space<vmem>>, vector<16xf32>,
        %mul3A_241 = vector.broadcast %squeeze3A_193 : f32 to vector<16xf32>
        %mul3A_242 = arith.mulf %get3A_240, %mul3A_241 : vector<16xf32>
        %swap3A_243 = arith.index_cast %add3A_197 : i32 to index
        %swap3A_244 = arith.constant 80 : index
        %swap3A_245 = tpu.vector_load %arg12[%swap3A_243, %swap3A_244] {strides = array<i32>} : memref<128x128xf32, #tpu.memory_space<vmem>>, vector<16xf32>,
        tpu.vector_store %arg12[%swap3A_243, %swap3A_244], %mul3A_242 {strides = array<i32>} : memref<128x128xf32, #tpu.memory_space<vmem>>, vector<16xf32>,
        %get3A_246 = arith.index_cast %add3A_197 : i32 to index
        %get3A_247 = arith.constant 96 : index
        %get3A_248 = tpu.vector_load %arg12[%get3A_246, %get3A_247] {strides = array<i32>} : memref<128x128xf32, #tpu.memory_space<vmem>>, vector<16xf32>,
        %mul3A_249 = vector.broadcast %squeeze3A_193 : f32 to vector<16xf32>
        %mul3A_250 = arith.mulf %get3A_248, %mul3A_249 : vector<16xf32>
        %swap3A_251 = arith.index_cast %add3A_197 : i32 to index
        %swap3A_252 = arith.constant 96 : index
        %swap3A_253 = tpu.vector_load %arg12[%swap3A_251, %swap3A_252] {strides = array<i32>} : memref<128x128xf32, #tpu.memory_space<vmem>>, vector<16xf32>,
        tpu.vector_store %arg12[%swap3A_251, %swap3A_252], %mul3A_250 {strides = array<i32>} : memref<128x128xf32, #tpu.memory_space<vmem>>, vector<16xf32>,
        %get3A_254 = arith.index_cast %add3A_197 : i32 to index
        %get3A_255 = arith.constant 112 : index
        %get3A_256 = tpu.vector_load %arg12[%get3A_254, %get3A_255] {strides = array<i32>} : memref<128x128xf32, #tpu.memory_space<vmem>>, vector<16xf32>,
        %mul3A_257 = vector.broadcast %squeeze3A_193 : f32 to vector<16xf32>
        %mul3A_258 = arith.mulf %get3A_256, %mul3A_257 : vector<16xf32>
        %swap3A_259 = arith.index_cast %add3A_197 : i32 to index
        %swap3A_260 = arith.constant 112 : index
        %swap3A_261 = tpu.vector_load %arg12[%swap3A_259, %swap3A_260] {strides = array<i32>} : memref<128x128xf32, #tpu.memory_space<vmem>>, vector<16xf32>,
        tpu.vector_store %arg12[%swap3A_259, %swap3A_260], %mul3A_258 {strides = array<i32>} : memref<128x128xf32, #tpu.memory_space<vmem>>, vector<16xf32>,
        %slice3A_262 = vector.extract_strided_slice %get3A_124 {offsets = [2], sizes = [1], strides = [1]} : vector<16xf32> to vector<1xf32>
        %squeeze3A_263 = vector.extract %slice3A_262[0] : f32 from vector<1xf32>
        %mul3A_264 = arith.constant 16 : i32
        %mul3A_265 = arith.muli %add3A_120, %mul3A_264 : i32
        %add3A_266 = arith.constant 2 : i32
        %add3A_267 = arith.addi %mul3A_265, %add3A_266 : i32
        %get3A_268 = arith.index_cast %add3A_267 : i32 to index
        %get3A_269 = arith.constant 0 : index
        %get3A_270 = tpu.vector_load %arg12[%get3A_268, %get3A_269] {strides = array<i32>} : memref<128x128xf32, #tpu.memory_space<vmem>>, vector<16xf32>,
        %mul3A_271 = vector.broadcast %squeeze3A_263 : f32 to vector<16xf32>
        %mul3A_272 = arith.mulf %get3A_270, %mul3A_271 : vector<16xf32>
        %swap3A_273 = arith.index_cast %add3A_267 : i32 to index
        %swap3A_274 = arith.constant 0 : index
        %swap3A_275 = tpu.vector_load %arg12[%swap3A_273, %swap3A_274] {strides = array<i32>} : memref<128x128xf32, #tpu.memory_space<vmem>>, vector<16xf32>,
        tpu.vector_store %arg12[%swap3A_273, %swap3A_274], %mul3A_272 {strides = array<i32>} : memref<128x128xf32, #tpu.memory_space<vmem>>, vector<16xf32>,
        %get3A_276 = arith.index_cast %add3A_267 : i32 to index
        %get3A_277 = arith.constant 16 : index
        %get3A_278 = tpu.vector_load %arg12[%get3A_276, %get3A_277] {strides = array<i32>} : memref<128x128xf32, #tpu.memory_space<vmem>>, vector<16xf32>,
        %mul3A_279 = vector.broadcast %squeeze3A_263 : f32 to vector<16xf32>
        %mul3A_280 = arith.mulf %get3A_278, %mul3A_279 : vector<16xf32>
        %swap3A_281 = arith.index_cast %add3A_267 : i32 to index
        %swap3A_282 = arith.constant 16 : index
        %swap3A_283 = tpu.vector_load %arg12[%swap3A_281, %swap3A_282] {strides = array<i32>} : memref<128x128xf32, #tpu.memory_space<vmem>>, vector<16xf32>,
        tpu.vector_store %arg12[%swap3A_281, %swap3A_282], %mul3A_280 {strides = array<i32>} : memref<128x128xf32, #tpu.memory_space<vmem>>, vector<16xf32>,
        %get3A_284 = arith.index_cast %add3A_267 : i32 to index
        %get3A_285 = arith.constant 32 : index
        %get3A_286 = tpu.vector_load %arg12[%get3A_284, %get3A_285] {strides = array<i32>} : memref<128x128xf32, #tpu.memory_space<vmem>>, vector<16xf32>,
        %mul3A_287 = vector.broadcast %squeeze3A_263 : f32 to vector<16xf32>
        %mul3A_288 = arith.mulf %get3A_286, %mul3A_287 : vector<16xf32>
        %swap3A_289 = arith.index_cast %add3A_267 : i32 to index
        %swap3A_290 = arith.constant 32 : index
        %swap3A_291 = tpu.vector_load %arg12[%swap3A_289, %swap3A_290] {strides = array<i32>} : memref<128x128xf32, #tpu.memory_space<vmem>>, vector<16xf32>,
        tpu.vector_store %arg12[%swap3A_289, %swap3A_290], %mul3A_288 {strides = array<i32>} : memref<128x128xf32, #tpu.memory_space<vmem>>, vector<16xf32>,
        %get3A_292 = arith.index_cast %add3A_267 : i32 to index
        %get3A_293 = arith.constant 48 : index
        %get3A_294 = tpu.vector_load %arg12[%get3A_292, %get3A_293] {strides = array<i32>} : memref<128x128xf32, #tpu.memory_space<vmem>>, vector<16xf32>,
        %mul3A_295 = vector.broadcast %squeeze3A_263 : f32 to vector<16xf32>
        %mul3A_296 = arith.mulf %get3A_294, %mul3A_295 : vector<16xf32>
        %swap3A_297 = arith.index_cast %add3A_267 : i32 to index
        %swap3A_298 = arith.constant 48 : index
        %swap3A_299 = tpu.vector_load %arg12[%swap3A_297, %swap3A_298] {strides = array<i32>} : memref<128x128xf32, #tpu.memory_space<vmem>>, vector<16xf32>,
        tpu.vector_store %arg12[%swap3A_297, %swap3A_298], %mul3A_296 {strides = array<i32>} : memref<128x128xf32, #tpu.memory_space<vmem>>, vector<16xf32>,
        %get3A_300 = arith.index_cast %add3A_267 : i32 to index
        %get3A_301 = arith.constant 64 : index
        %get3A_302 = tpu.vector_load %arg12[%get3A_300, %get3A_301] {strides = array<i32>} : memref<128x128xf32, #tpu.memory_space<vmem>>, vector<16xf32>,
        %mul3A_303 = vector.broadcast %squeeze3A_263 : f32 to vector<16xf32>
        %mul3A_304 = arith.mulf %get3A_302, %mul3A_303 : vector<16xf32>
        %swap3A_305 = arith.index_cast %add3A_267 : i32 to index
        %swap3A_306 = arith.constant 64 : index
        %swap3A_307 = tpu.vector_load %arg12[%swap3A_305, %swap3A_306] {strides = array<i32>} : memref<128x128xf32, #tpu.memory_space<vmem>>, vector<16xf32>,
        tpu.vector_store %arg12[%swap3A_305, %swap3A_306], %mul3A_304 {strides = array<i32>} : memref<128x128xf32, #tpu.memory_space<vmem>>, vector<16xf32>,
        %get3A_308 = arith.index_cast %add3A_267 : i32 to index
        %get3A_309 = arith.constant 80 : index
        %get3A_310 = tpu.vector_load %arg12[%get3A_308, %get3A_309] {strides = array<i32>} : memref<128x128xf32, #tpu.memory_space<vmem>>, vector<16xf32>,
        %mul3A_311 = vector.broadcast %squeeze3A_263 : f32 to vector<16xf32>
        %mul3A_312 = arith.mulf %get3A_310, %mul3A_311 : vector<16xf32>
        %swap3A_313 = arith.index_cast %add3A_267 : i32 to index
        %swap3A_314 = arith.constant 80 : index
        %swap3A_315 = tpu.vector_load %arg12[%swap3A_313, %swap3A_314] {strides = array<i32>} : memref<128x128xf32, #tpu.memory_space<vmem>>, vector<16xf32>,
        tpu.vector_store %arg12[%swap3A_313, %swap3A_314], %mul3A_312 {strides = array<i32>} : memref<128x128xf32, #tpu.memory_space<vmem>>, vector<16xf32>,
        %get3A_316 = arith.index_cast %add3A_267 : i32 to index
        %get3A_317 = arith.constant 96 : index
        %get3A_318 = tpu.vector_load %arg12[%get3A_316, %get3A_317] {strides = array<i32>} : memref<128x128xf32, #tpu.memory_space<vmem>>, vector<16xf32>,
        %mul3A_319 = vector.broadcast %squeeze3A_263 : f32 to vector<16xf32>
        %mul3A_320 = arith.mulf %get3A_318, %mul3A_319 : vector<16xf32>
        %swap3A_321 = arith.index_cast %add3A_267 : i32 to index
        %swap3A_322 = arith.constant 96 : index
        %swap3A_323 = tpu.vector_load %arg12[%swap3A_321, %swap3A_322] {strides = array<i32>} : memref<128x128xf32, #tpu.memory_space<vmem>>, vector<16xf32>,
        tpu.vector_store %arg12[%swap3A_321, %swap3A_322], %mul3A_320 {strides = array<i32>} : memref<128x128xf32, #tpu.memory_space<vmem>>, vector<16xf32>,
        %get3A_324 = arith.index_cast %add3A_267 : i32 to index
        %get3A_325 = arith.constant 112 : index
        %get3A_326 = tpu.vector_load %arg12[%get3A_324, %get3A_325] {strides = array<i32>} : memref<128x128xf32, #tpu.memory_space<vmem>>, vector<16xf32>,
        %mul3A_327 = vector.broadcast %squeeze3A_263 : f32 to vector<16xf32>
        %mul3A_328 = arith.mulf %get3A_326, %mul3A_327 : vector<16xf32>
        %swap3A_329 = arith.index_cast %add3A_267 : i32 to index
        %swap3A_330 = arith.constant 112 : index
        %swap3A_331 = tpu.vector_load %arg12[%swap3A_329, %swap3A_330] {strides = array<i32>} : memref<128x128xf32, #tpu.memory_space<vmem>>, vector<16xf32>,
        tpu.vector_store %arg12[%swap3A_329, %swap3A_330], %mul3A_328 {strides = array<i32>} : memref<128x128xf32, #tpu.memory_space<vmem>>, vector<16xf32>,
        %slice3A_332 = vector.extract_strided_slice %get3A_124 {offsets = [3], sizes = [1], strides = [1]} : vector<16xf32> to vector<1xf32>
        %squeeze3A_333 = vector.extract %slice3A_332[0] : f32 from vector<1xf32>
        %mul3A_334 = arith.constant 16 : i32
        %mul3A_335 = arith.muli %add3A_120, %mul3A_334 : i32
        %add3A_336 = arith.constant 3 : i32
        %add3A_337 = arith.addi %mul3A_335, %add3A_336 : i32
        %get3A_338 = arith.index_cast %add3A_337 : i32 to index
        %get3A_339 = arith.constant 0 : index
        %get3A_340 = tpu.vector_load %arg12[%get3A_338, %get3A_339] {strides = array<i32>} : memref<128x128xf32, #tpu.memory_space<vmem>>, vector<16xf32>,
        %mul3A_341 = vector.broadcast %squeeze3A_333 : f32 to vector<16xf32>
        %mul3A_342 = arith.mulf %get3A_340, %mul3A_341 : vector<16xf32>
        %swap3A_343 = arith.index_cast %add3A_337 : i32 to index
        %swap3A_344 = arith.constant 0 : index
        %swap3A_345 = tpu.vector_load %arg12[%swap3A_343, %swap3A_344] {strides = array<i32>} : memref<128x128xf32, #tpu.memory_space<vmem>>, vector<16xf32>,
        tpu.vector_store %arg12[%swap3A_343, %swap3A_344], %mul3A_342 {strides = array<i32>} : memref<128x128xf32, #tpu.memory_space<vmem>>, vector<16xf32>,
        %get3A_346 = arith.index_cast %add3A_337 : i32 to index
        %get3A_347 = arith.constant 16 : index
        %get3A_348 = tpu.vector_load %arg12[%get3A_346, %get3A_347] {strides = array<i32>} : memref<128x128xf32, #tpu.memory_space<vmem>>, vector<16xf32>,
        %mul3A_349 = vector.broadcast %squeeze3A_333 : f32 to vector<16xf32>
        %mul3A_350 = arith.mulf %get3A_348, %mul3A_349 : vector<16xf32>
        %swap3A_351 = arith.index_cast %add3A_337 : i32 to index
        %swap3A_352 = arith.constant 16 : index
        %swap3A_353 = tpu.vector_load %arg12[%swap3A_351, %swap3A_352] {strides = array<i32>} : memref<128x128xf32, #tpu.memory_space<vmem>>, vector<16xf32>,
        tpu.vector_store %arg12[%swap3A_351, %swap3A_352], %mul3A_350 {strides = array<i32>} : memref<128x128xf32, #tpu.memory_space<vmem>>, vector<16xf32>,
        %get3A_354 = arith.index_cast %add3A_337 : i32 to index
        %get3A_355 = arith.constant 32 : index
        %get3A_356 = tpu.vector_load %arg12[%get3A_354, %get3A_355] {strides = array<i32>} : memref<128x128xf32, #tpu.memory_space<vmem>>, vector<16xf32>,
        %mul3A_357 = vector.broadcast %squeeze3A_333 : f32 to vector<16xf32>
        %mul3A_358 = arith.mulf %get3A_356, %mul3A_357 : vector<16xf32>
        %swap3A_359 = arith.index_cast %add3A_337 : i32 to index
        %swap3A_360 = arith.constant 32 : index
        %swap3A_361 = tpu.vector_load %arg12[%swap3A_359, %swap3A_360] {strides = array<i32>} : memref<128x128xf32, #tpu.memory_space<vmem>>, vector<16xf32>,
        tpu.vector_store %arg12[%swap3A_359, %swap3A_360], %mul3A_358 {strides = array<i32>} : memref<128x128xf32, #tpu.memory_space<vmem>>, vector<16xf32>,
        %get3A_362 = arith.index_cast %add3A_337 : i32 to index
        %get3A_363 = arith.constant 48 : index
        %get3A_364 = tpu.vector_load %arg12[%get3A_362, %get3A_363] {strides = array<i32>} : memref<128x128xf32, #tpu.memory_space<vmem>>, vector<16xf32>,
        %mul3A_365 = vector.broadcast %squeeze3A_333 : f32 to vector<16xf32>
        %mul3A_366 = arith.mulf %get3A_364, %mul3A_365 : vector<16xf32>
        %swap3A_367 = arith.index_cast %add3A_337 : i32 to index
        %swap3A_368 = arith.constant 48 : index
        %swap3A_369 = tpu.vector_load %arg12[%swap3A_367, %swap3A_368] {strides = array<i32>} : memref<128x128xf32, #tpu.memory_space<vmem>>, vector<16xf32>,
        tpu.vector_store %arg12[%swap3A_367, %swap3A_368], %mul3A_366 {strides = array<i32>} : memref<128x128xf32, #tpu.memory_space<vmem>>, vector<16xf32>,
        %get3A_370 = arith.index_cast %add3A_337 : i32 to index
        %get3A_371 = arith.constant 64 : index
        %get3A_372 = tpu.vector_load %arg12[%get3A_370, %get3A_371] {strides = array<i32>} : memref<128x128xf32, #tpu.memory_space<vmem>>, vector<16xf32>,
        %mul3A_373 = vector.broadcast %squeeze3A_333 : f32 to vector<16xf32>
        %mul3A_374 = arith.mulf %get3A_372, %mul3A_373 : vector<16xf32>
        %swap3A_375 = arith.index_cast %add3A_337 : i32 to index
        %swap3A_376 = arith.constant 64 : index
        %swap3A_377 = tpu.vector_load %arg12[%swap3A_375, %swap3A_376] {strides = array<i32>} : memref<128x128xf32, #tpu.memory_space<vmem>>, vector<16xf32>,
        tpu.vector_store %arg12[%swap3A_375, %swap3A_376], %mul3A_374 {strides = array<i32>} : memref<128x128xf32, #tpu.memory_space<vmem>>, vector<16xf32>,
        %get3A_378 = arith.index_cast %add3A_337 : i32 to index
        %get3A_379 = arith.constant 80 : index
        %get3A_380 = tpu.vector_load %arg12[%get3A_378, %get3A_379] {strides = array<i32>} : memref<128x128xf32, #tpu.memory_space<vmem>>, vector<16xf32>,
        %mul3A_381 = vector.broadcast %squeeze3A_333 : f32 to vector<16xf32>
        %mul3A_382 = arith.mulf %get3A_380, %mul3A_381 : vector<16xf32>
        %swap3A_383 = arith.index_cast %add3A_337 : i32 to index
        %swap3A_384 = arith.constant 80 : index
        %swap3A_385 = tpu.vector_load %arg12[%swap3A_383, %swap3A_384] {strides = array<i32>} : memref<128x128xf32, #tpu.memory_space<vmem>>, vector<16xf32>,
        tpu.vector_store %arg12[%swap3A_383, %swap3A_384], %mul3A_382 {strides = array<i32>} : memref<128x128xf32, #tpu.memory_space<vmem>>, vector<16xf32>,
        %get3A_386 = arith.index_cast %add3A_337 : i32 to index
        %get3A_387 = arith.constant 96 : index
        %get3A_388 = tpu.vector_load %arg12[%get3A_386, %get3A_387] {strides = array<i32>} : memref<128x128xf32, #tpu.memory_space<vmem>>, vector<16xf32>,
        %mul3A_389 = vector.broadcast %squeeze3A_333 : f32 to vector<16xf32>
        %mul3A_390 = arith.mulf %get3A_388, %mul3A_389 : vector<16xf32>
        %swap3A_391 = arith.index_cast %add3A_337 : i32 to index
        %swap3A_392 = arith.constant 96 : index
        %swap3A_393 = tpu.vector_load %arg12[%swap3A_391, %swap3A_392] {strides = array<i32>} : memref<128x128xf32, #tpu.memory_space<vmem>>, vector<16xf32>,
        tpu.vector_store %arg12[%swap3A_391, %swap3A_392], %mul3A_390 {strides = array<i32>} : memref<128x128xf32, #tpu.memory_space<vmem>>, vector<16xf32>,
        %get3A_394 = arith.index_cast %add3A_337 : i32 to index
        %get3A_395 = arith.constant 112 : index
        %get3A_396 = tpu.vector_load %arg12[%get3A_394, %get3A_395] {strides = array<i32>} : memref<128x128xf32, #tpu.memory_space<vmem>>, vector<16xf32>,
        %mul3A_397 = vector.broadcast %squeeze3A_333 : f32 to vector<16xf32>
        %mul3A_398 = arith.mulf %get3A_396, %mul3A_397 : vector<16xf32>
        %swap3A_399 = arith.index_cast %add3A_337 : i32 to index
        %swap3A_400 = arith.constant 112 : index
        %swap3A_401 = tpu.vector_load %arg12[%swap3A_399, %swap3A_400] {strides = array<i32>} : memref<128x128xf32, #tpu.memory_space<vmem>>, vector<16xf32>,
        tpu.vector_store %arg12[%swap3A_399, %swap3A_400], %mul3A_398 {strides = array<i32>} : memref<128x128xf32, #tpu.memory_space<vmem>>, vector<16xf32>,
        %slice3A_402 = vector.extract_strided_slice %get3A_124 {offsets = [4], sizes = [1], strides = [1]} : vector<16xf32> to vector<1xf32>
        %squeeze3A_403 = vector.extract %slice3A_402[0] : f32 from vector<1xf32>
        %mul3A_404 = arith.constant 16 : i32
        %mul3A_405 = arith.muli %add3A_120, %mul3A_404 : i32
        %add3A_406 = arith.constant 4 : i32
        %add3A_407 = arith.addi %mul3A_405, %add3A_406 : i32
        %get3A_408 = arith.index_cast %add3A_407 : i32 to index
        %get3A_409 = arith.constant 0 : index
        %get3A_410 = tpu.vector_load %arg12[%get3A_408, %get3A_409] {strides = array<i32>} : memref<128x128xf32, #tpu.memory_space<vmem>>, vector<16xf32>,
        %mul3A_411 = vector.broadcast %squeeze3A_403 : f32 to vector<16xf32>
        %mul3A_412 = arith.mulf %get3A_410, %mul3A_411 : vector<16xf32>
        %swap3A_413 = arith.index_cast %add3A_407 : i32 to index
        %swap3A_414 = arith.constant 0 : index
        %swap3A_415 = tpu.vector_load %arg12[%swap3A_413, %swap3A_414] {strides = array<i32>} : memref<128x128xf32, #tpu.memory_space<vmem>>, vector<16xf32>,
        tpu.vector_store %arg12[%swap3A_413, %swap3A_414], %mul3A_412 {strides = array<i32>} : memref<128x128xf32, #tpu.memory_space<vmem>>, vector<16xf32>,
        %get3A_416 = arith.index_cast %add3A_407 : i32 to index
        %get3A_417 = arith.constant 16 : index
        %get3A_418 = tpu.vector_load %arg12[%get3A_416, %get3A_417] {strides = array<i32>} : memref<128x128xf32, #tpu.memory_space<vmem>>, vector<16xf32>,
        %mul3A_419 = vector.broadcast %squeeze3A_403 : f32 to vector<16xf32>
        %mul3A_420 = arith.mulf %get3A_418, %mul3A_419 : vector<16xf32>
        %swap3A_421 = arith.index_cast %add3A_407 : i32 to index
        %swap3A_422 = arith.constant 16 : index
        %swap3A_423 = tpu.vector_load %arg12[%swap3A_421, %swap3A_422] {strides = array<i32>} : memref<128x128xf32, #tpu.memory_space<vmem>>, vector<16xf32>,
        tpu.vector_store %arg12[%swap3A_421, %swap3A_422], %mul3A_420 {strides = array<i32>} : memref<128x128xf32, #tpu.memory_space<vmem>>, vector<16xf32>,
        %get3A_424 = arith.index_cast %add3A_407 : i32 to index
        %get3A_425 = arith.constant 32 : index
        %get3A_426 = tpu.vector_load %arg12[%get3A_424, %get3A_425] {strides = array<i32>} : memref<128x128xf32, #tpu.memory_space<vmem>>, vector<16xf32>,
        %mul3A_427 = vector.broadcast %squeeze3A_403 : f32 to vector<16xf32>
        %mul3A_428 = arith.mulf %get3A_426, %mul3A_427 : vector<16xf32>
        %swap3A_429 = arith.index_cast %add3A_407 : i32 to index
        %swap3A_430 = arith.constant 32 : index
        %swap3A_431 = tpu.vector_load %arg12[%swap3A_429, %swap3A_430] {strides = array<i32>} : memref<128x128xf32, #tpu.memory_space<vmem>>, vector<16xf32>,
        tpu.vector_store %arg12[%swap3A_429, %swap3A_430], %mul3A_428 {strides = array<i32>} : memref<128x128xf32, #tpu.memory_space<vmem>>, vector<16xf32>,
        %get3A_432 = arith.index_cast %add3A_407 : i32 to index
        %get3A_433 = arith.constant 48 : index
        %get3A_434 = tpu.vector_load %arg12[%get3A_432, %get3A_433] {strides = array<i32>} : memref<128x128xf32, #tpu.memory_space<vmem>>, vector<16xf32>,
        %mul3A_435 = vector.broadcast %squeeze3A_403 : f32 to vector<16xf32>
        %mul3A_436 = arith.mulf %get3A_434, %mul3A_435 : vector<16xf32>
        %swap3A_437 = arith.index_cast %add3A_407 : i32 to index
        %swap3A_438 = arith.constant 48 : index
        %swap3A_439 = tpu.vector_load %arg12[%swap3A_437, %swap3A_438] {strides = array<i32>} : memref<128x128xf32, #tpu.memory_space<vmem>>, vector<16xf32>,
        tpu.vector_store %arg12[%swap3A_437, %swap3A_438], %mul3A_436 {strides = array<i32>} : memref<128x128xf32, #tpu.memory_space<vmem>>, vector<16xf32>,
        %get3A_440 = arith.index_cast %add3A_407 : i32 to index
        %get3A_441 = arith.constant 64 : index
        %get3A_442 = tpu.vector_load %arg12[%get3A_440, %get3A_441] {strides = array<i32>} : memref<128x128xf32, #tpu.memory_space<vmem>>, vector<16xf32>,
        %mul3A_443 = vector.broadcast %squeeze3A_403 : f32 to vector<16xf32>
        %mul3A_444 = arith.mulf %get3A_442, %mul3A_443 : vector<16xf32>
        %swap3A_445 = arith.index_cast %add3A_407 : i32 to index
        %swap3A_446 = arith.constant 64 : index
        %swap3A_447 = tpu.vector_load %arg12[%swap3A_445, %swap3A_446] {strides = array<i32>} : memref<128x128xf32, #tpu.memory_space<vmem>>, vector<16xf32>,
        tpu.vector_store %arg12[%swap3A_445, %swap3A_446], %mul3A_444 {strides = array<i32>} : memref<128x128xf32, #tpu.memory_space<vmem>>, vector<16xf32>,
        %get3A_448 = arith.index_cast %add3A_407 : i32 to index
        %get3A_449 = arith.constant 80 : index
        %get3A_450 = tpu.vector_load %arg12[%get3A_448, %get3A_449] {strides = array<i32>} : memref<128x128xf32, #tpu.memory_space<vmem>>, vector<16xf32>,
        %mul3A_451 = vector.broadcast %squeeze3A_403 : f32 to vector<16xf32>
        %mul3A_452 = arith.mulf %get3A_450, %mul3A_451 : vector<16xf32>
        %swap3A_453 = arith.index_cast %add3A_407 : i32 to index
        %swap3A_454 = arith.constant 80 : index
        %swap3A_455 = tpu.vector_load %arg12[%swap3A_453, %swap3A_454] {strides = array<i32>} : memref<128x128xf32, #tpu.memory_space<vmem>>, vector<16xf32>,
        tpu.vector_store %arg12[%swap3A_453, %swap3A_454], %mul3A_452 {strides = array<i32>} : memref<128x128xf32, #tpu.memory_space<vmem>>, vector<16xf32>,
        %get3A_456 = arith.index_cast %add3A_407 : i32 to index
        %get3A_457 = arith.constant 96 : index
        %get3A_458 = tpu.vector_load %arg12[%get3A_456, %get3A_457] {strides = array<i32>} : memref<128x128xf32, #tpu.memory_space<vmem>>, vector<16xf32>,
        %mul3A_459 = vector.broadcast %squeeze3A_403 : f32 to vector<16xf32>
        %mul3A_460 = arith.mulf %get3A_458, %mul3A_459 : vector<16xf32>
        %swap3A_461 = arith.index_cast %add3A_407 : i32 to index
        %swap3A_462 = arith.constant 96 : index
        %swap3A_463 = tpu.vector_load %arg12[%swap3A_461, %swap3A_462] {strides = array<i32>} : memref<128x128xf32, #tpu.memory_space<vmem>>, vector<16xf32>,
        tpu.vector_store %arg12[%swap3A_461, %swap3A_462], %mul3A_460 {strides = array<i32>} : memref<128x128xf32, #tpu.memory_space<vmem>>, vector<16xf32>,
        %get3A_464 = arith.index_cast %add3A_407 : i32 to index
        %get3A_465 = arith.constant 112 : index
        %get3A_466 = tpu.vector_load %arg12[%get3A_464, %get3A_465] {strides = array<i32>} : memref<128x128xf32, #tpu.memory_space<vmem>>, vector<16xf32>,
        %mul3A_467 = vector.broadcast %squeeze3A_403 : f32 to vector<16xf32>
        %mul3A_468 = arith.mulf %get3A_466, %mul3A_467 : vector<16xf32>
        %swap3A_469 = arith.index_cast %add3A_407 : i32 to index
        %swap3A_470 = arith.constant 112 : index
        %swap3A_471 = tpu.vector_load %arg12[%swap3A_469, %swap3A_470] {strides = array<i32>} : memref<128x128xf32, #tpu.memory_space<vmem>>, vector<16xf32>,
        tpu.vector_store %arg12[%swap3A_469, %swap3A_470], %mul3A_468 {strides = array<i32>} : memref<128x128xf32, #tpu.memory_space<vmem>>, vector<16xf32>,
        %slice3A_472 = vector.extract_strided_slice %get3A_124 {offsets = [5], sizes = [1], strides = [1]} : vector<16xf32> to vector<1xf32>
        %squeeze3A_473 = vector.extract %slice3A_472[0] : f32 from vector<1xf32>
        %mul3A_474 = arith.constant 16 : i32
        %mul3A_475 = arith.muli %add3A_120, %mul3A_474 : i32
        %add3A_476 = arith.constant 5 : i32
        %add3A_477 = arith.addi %mul3A_475, %add3A_476 : i32
        %get3A_478 = arith.index_cast %add3A_477 : i32 to index
        %get3A_479 = arith.constant 0 : index
        %get3A_480 = tpu.vector_load %arg12[%get3A_478, %get3A_479] {strides = array<i32>} : memref<128x128xf32, #tpu.memory_space<vmem>>, vector<16xf32>,
        %mul3A_481 = vector.broadcast %squeeze3A_473 : f32 to vector<16xf32>
        %mul3A_482 = arith.mulf %get3A_480, %mul3A_481 : vector<16xf32>
        %swap3A_483 = arith.index_cast %add3A_477 : i32 to index
        %swap3A_484 = arith.constant 0 : index
        %swap3A_485 = tpu.vector_load %arg12[%swap3A_483, %swap3A_484] {strides = array<i32>} : memref<128x128xf32, #tpu.memory_space<vmem>>, vector<16xf32>,
        tpu.vector_store %arg12[%swap3A_483, %swap3A_484], %mul3A_482 {strides = array<i32>} : memref<128x128xf32, #tpu.memory_space<vmem>>, vector<16xf32>,
        %get3A_486 = arith.index_cast %add3A_477 : i32 to index
        %get3A_487 = arith.constant 16 : index
        %get3A_488 = tpu.vector_load %arg12[%get3A_486, %get3A_487] {strides = array<i32>} : memref<128x128xf32, #tpu.memory_space<vmem>>, vector<16xf32>,
        %mul3A_489 = vector.broadcast %squeeze3A_473 : f32 to vector<16xf32>
        %mul3A_490 = arith.mulf %get3A_488, %mul3A_489 : vector<16xf32>
        %swap3A_491 = arith.index_cast %add3A_477 : i32 to index
        %swap3A_492 = arith.constant 16 : index
        %swap3A_493 = tpu.vector_load %arg12[%swap3A_491, %swap3A_492] {strides = array<i32>} : memref<128x128xf32, #tpu.memory_space<vmem>>, vector<16xf32>,
        tpu.vector_store %arg12[%swap3A_491, %swap3A_492], %mul3A_490 {strides = array<i32>} : memref<128x128xf32, #tpu.memory_space<vmem>>, vector<16xf32>,
        %get3A_494 = arith.index_cast %add3A_477 : i32 to index
        %get3A_495 = arith.constant 32 : index
        %get3A_496 = tpu.vector_load %arg12[%get3A_494, %get3A_495] {strides = array<i32>} : memref<128x128xf32, #tpu.memory_space<vmem>>, vector<16xf32>,
        %mul3A_497 = vector.broadcast %squeeze3A_473 : f32 to vector<16xf32>
        %mul3A_498 = arith.mulf %get3A_496, %mul3A_497 : vector<16xf32>
        %swap3A_499 = arith.index_cast %add3A_477 : i32 to index
        %swap3A_500 = arith.constant 32 : index
        %swap3A_501 = tpu.vector_load %arg12[%swap3A_499, %swap3A_500] {strides = array<i32>} : memref<128x128xf32, #tpu.memory_space<vmem>>, vector<16xf32>,
        tpu.vector_store %arg12[%swap3A_499, %swap3A_500], %mul3A_498 {strides = array<i32>} : memref<128x128xf32, #tpu.memory_space<vmem>>, vector<16xf32>,
        %get3A_502 = arith.index_cast %add3A_477 : i32 to index
        %get3A_503 = arith.constant 48 : index
        %get3A_504 = tpu.vector_load %arg12[%get3A_502, %get3A_503] {strides = array<i32>} : memref<128x128xf32, #tpu.memory_space<vmem>>, vector<16xf32>,
        %mul3A_505 = vector.broadcast %squeeze3A_473 : f32 to vector<16xf32>
        %mul3A_506 = arith.mulf %get3A_504, %mul3A_505 : vector<16xf32>
        %swap3A_507 = arith.index_cast %add3A_477 : i32 to index
        %swap3A_508 = arith.constant 48 : index
        %swap3A_509 = tpu.vector_load %arg12[%swap3A_507, %swap3A_508] {strides = array<i32>} : memref<128x128xf32, #tpu.memory_space<vmem>>, vector<16xf32>,
        tpu.vector_store %arg12[%swap3A_507, %swap3A_508], %mul3A_506 {strides = array<i32>} : memref<128x128xf32, #tpu.memory_space<vmem>>, vector<16xf32>,
        %get3A_510 = arith.index_cast %add3A_477 : i32 to index
        %get3A_511 = arith.constant 64 : index
        %get3A_512 = tpu.vector_load %arg12[%get3A_510, %get3A_511] {strides = array<i32>} : memref<128x128xf32, #tpu.memory_space<vmem>>, vector<16xf32>,
        %mul3A_513 = vector.broadcast %squeeze3A_473 : f32 to vector<16xf32>
        %mul3A_514 = arith.mulf %get3A_512, %mul3A_513 : vector<16xf32>
        %swap3A_515 = arith.index_cast %add3A_477 : i32 to index
        %swap3A_516 = arith.constant 64 : index
        %swap3A_517 = tpu.vector_load %arg12[%swap3A_515, %swap3A_516] {strides = array<i32>} : memref<128x128xf32, #tpu.memory_space<vmem>>, vector<16xf32>,
        tpu.vector_store %arg12[%swap3A_515, %swap3A_516], %mul3A_514 {strides = array<i32>} : memref<128x128xf32, #tpu.memory_space<vmem>>, vector<16xf32>,
        %get3A_518 = arith.index_cast %add3A_477 : i32 to index
        %get3A_519 = arith.constant 80 : index
        %get3A_520 = tpu.vector_load %arg12[%get3A_518, %get3A_519] {strides = array<i32>} : memref<128x128xf32, #tpu.memory_space<vmem>>, vector<16xf32>,
        %mul3A_521 = vector.broadcast %squeeze3A_473 : f32 to vector<16xf32>
        %mul3A_522 = arith.mulf %get3A_520, %mul3A_521 : vector<16xf32>
        %swap3A_523 = arith.index_cast %add3A_477 : i32 to index
        %swap3A_524 = arith.constant 80 : index
        %swap3A_525 = tpu.vector_load %arg12[%swap3A_523, %swap3A_524] {strides = array<i32>} : memref<128x128xf32, #tpu.memory_space<vmem>>, vector<16xf32>,
        tpu.vector_store %arg12[%swap3A_523, %swap3A_524], %mul3A_522 {strides = array<i32>} : memref<128x128xf32, #tpu.memory_space<vmem>>, vector<16xf32>,
        %get3A_526 = arith.index_cast %add3A_477 : i32 to index
        %get3A_527 = arith.constant 96 : index
        %get3A_528 = tpu.vector_load %arg12[%get3A_526, %get3A_527] {strides = array<i32>} : memref<128x128xf32, #tpu.memory_space<vmem>>, vector<16xf32>,
        %mul3A_529 = vector.broadcast %squeeze3A_473 : f32 to vector<16xf32>
        %mul3A_530 = arith.mulf %get3A_528, %mul3A_529 : vector<16xf32>
        %swap3A_531 = arith.index_cast %add3A_477 : i32 to index
        %swap3A_532 = arith.constant 96 : index
        %swap3A_533 = tpu.vector_load %arg12[%swap3A_531, %swap3A_532] {strides = array<i32>} : memref<128x128xf32, #tpu.memory_space<vmem>>, vector<16xf32>,
        tpu.vector_store %arg12[%swap3A_531, %swap3A_532], %mul3A_530 {strides = array<i32>} : memref<128x128xf32, #tpu.memory_space<vmem>>, vector<16xf32>,
        %get3A_534 = arith.index_cast %add3A_477 : i32 to index
        %get3A_535 = arith.constant 112 : index
        %get3A_536 = tpu.vector_load %arg12[%get3A_534, %get3A_535] {strides = array<i32>} : memref<128x128xf32, #tpu.memory_space<vmem>>, vector<16xf32>,
        %mul3A_537 = vector.broadcast %squeeze3A_473 : f32 to vector<16xf32>
        %mul3A_538 = arith.mulf %get3A_536, %mul3A_537 : vector<16xf32>
        %swap3A_539 = arith.index_cast %add3A_477 : i32 to index
        %swap3A_540 = arith.constant 112 : index
        %swap3A_541 = tpu.vector_load %arg12[%swap3A_539, %swap3A_540] {strides = array<i32>} : memref<128x128xf32, #tpu.memory_space<vmem>>, vector<16xf32>,
        tpu.vector_store %arg12[%swap3A_539, %swap3A_540], %mul3A_538 {strides = array<i32>} : memref<128x128xf32, #tpu.memory_space<vmem>>, vector<16xf32>,
        %slice3A_542 = vector.extract_strided_slice %get3A_124 {offsets = [6], sizes = [1], strides = [1]} : vector<16xf32> to vector<1xf32>
        %squeeze3A_543 = vector.extract %slice3A_542[0] : f32 from vector<1xf32>
        %mul3A_544 = arith.constant 16 : i32
        %mul3A_545 = arith.muli %add3A_120, %mul3A_544 : i32
        %add3A_546 = arith.constant 6 : i32
        %add3A_547 = arith.addi %mul3A_545, %add3A_546 : i32
        %get3A_548 = arith.index_cast %add3A_547 : i32 to index
        %get3A_549 = arith.constant 0 : index
        %get3A_550 = tpu.vector_load %arg12[%get3A_548, %get3A_549] {strides = array<i32>} : memref<128x128xf32, #tpu.memory_space<vmem>>, vector<16xf32>,
        %mul3A_551 = vector.broadcast %squeeze3A_543 : f32 to vector<16xf32>
        %mul3A_552 = arith.mulf %get3A_550, %mul3A_551 : vector<16xf32>
        %swap3A_553 = arith.index_cast %add3A_547 : i32 to index
        %swap3A_554 = arith.constant 0 : index
        %swap3A_555 = tpu.vector_load %arg12[%swap3A_553, %swap3A_554] {strides = array<i32>} : memref<128x128xf32, #tpu.memory_space<vmem>>, vector<16xf32>,
        tpu.vector_store %arg12[%swap3A_553, %swap3A_554], %mul3A_552 {strides = array<i32>} : memref<128x128xf32, #tpu.memory_space<vmem>>, vector<16xf32>,
        %get3A_556 = arith.index_cast %add3A_547 : i32 to index
        %get3A_557 = arith.constant 16 : index
        %get3A_558 = tpu.vector_load %arg12[%get3A_556, %get3A_557] {strides = array<i32>} : memref<128x128xf32, #tpu.memory_space<vmem>>, vector<16xf32>,
        %mul3A_559 = vector.broadcast %squeeze3A_543 : f32 to vector<16xf32>
        %mul3A_560 = arith.mulf %get3A_558, %mul3A_559 : vector<16xf32>
        %swap3A_561 = arith.index_cast %add3A_547 : i32 to index
        %swap3A_562 = arith.constant 16 : index
        %swap3A_563 = tpu.vector_load %arg12[%swap3A_561, %swap3A_562] {strides = array<i32>} : memref<128x128xf32, #tpu.memory_space<vmem>>, vector<16xf32>,
        tpu.vector_store %arg12[%swap3A_561, %swap3A_562], %mul3A_560 {strides = array<i32>} : memref<128x128xf32, #tpu.memory_space<vmem>>, vector<16xf32>,
        %get3A_564 = arith.index_cast %add3A_547 : i32 to index
        %get3A_565 = arith.constant 32 : index
        %get3A_566 = tpu.vector_load %arg12[%get3A_564, %get3A_565] {strides = array<i32>} : memref<128x128xf32, #tpu.memory_space<vmem>>, vector<16xf32>,
        %mul3A_567 = vector.broadcast %squeeze3A_543 : f32 to vector<16xf32>
        %mul3A_568 = arith.mulf %get3A_566, %mul3A_567 : vector<16xf32>
        %swap3A_569 = arith.index_cast %add3A_547 : i32 to index
        %swap3A_570 = arith.constant 32 : index
        %swap3A_571 = tpu.vector_load %arg12[%swap3A_569, %swap3A_570] {strides = array<i32>} : memref<128x128xf32, #tpu.memory_space<vmem>>, vector<16xf32>,
        tpu.vector_store %arg12[%swap3A_569, %swap3A_570], %mul3A_568 {strides = array<i32>} : memref<128x128xf32, #tpu.memory_space<vmem>>, vector<16xf32>,
        %get3A_572 = arith.index_cast %add3A_547 : i32 to index
        %get3A_573 = arith.constant 48 : index
        %get3A_574 = tpu.vector_load %arg12[%get3A_572, %get3A_573] {strides = array<i32>} : memref<128x128xf32, #tpu.memory_space<vmem>>, vector<16xf32>,
        %mul3A_575 = vector.broadcast %squeeze3A_543 : f32 to vector<16xf32>
        %mul3A_576 = arith.mulf %get3A_574, %mul3A_575 : vector<16xf32>
        %swap3A_577 = arith.index_cast %add3A_547 : i32 to index
        %swap3A_578 = arith.constant 48 : index
        %swap3A_579 = tpu.vector_load %arg12[%swap3A_577, %swap3A_578] {strides = array<i32>} : memref<128x128xf32, #tpu.memory_space<vmem>>, vector<16xf32>,
        tpu.vector_store %arg12[%swap3A_577, %swap3A_578], %mul3A_576 {strides = array<i32>} : memref<128x128xf32, #tpu.memory_space<vmem>>, vector<16xf32>,
        %get3A_580 = arith.index_cast %add3A_547 : i32 to index
        %get3A_581 = arith.constant 64 : index
        %get3A_582 = tpu.vector_load %arg12[%get3A_580, %get3A_581] {strides = array<i32>} : memref<128x128xf32, #tpu.memory_space<vmem>>, vector<16xf32>,
        %mul3A_583 = vector.broadcast %squeeze3A_543 : f32 to vector<16xf32>
        %mul3A_584 = arith.mulf %get3A_582, %mul3A_583 : vector<16xf32>
        %swap3A_585 = arith.index_cast %add3A_547 : i32 to index
        %swap3A_586 = arith.constant 64 : index
        %swap3A_587 = tpu.vector_load %arg12[%swap3A_585, %swap3A_586] {strides = array<i32>} : memref<128x128xf32, #tpu.memory_space<vmem>>, vector<16xf32>,
        tpu.vector_store %arg12[%swap3A_585, %swap3A_586], %mul3A_584 {strides = array<i32>} : memref<128x128xf32, #tpu.memory_space<vmem>>, vector<16xf32>,
        %get3A_588 = arith.index_cast %add3A_547 : i32 to index
        %get3A_589 = arith.constant 80 : index
        %get3A_590 = tpu.vector_load %arg12[%get3A_588, %get3A_589] {strides = array<i32>} : memref<128x128xf32, #tpu.memory_space<vmem>>, vector<16xf32>,
        %mul3A_591 = vector.broadcast %squeeze3A_543 : f32 to vector<16xf32>
        %mul3A_592 = arith.mulf %get3A_590, %mul3A_591 : vector<16xf32>
        %swap3A_593 = arith.index_cast %add3A_547 : i32 to index
        %swap3A_594 = arith.constant 80 : index
        %swap3A_595 = tpu.vector_load %arg12[%swap3A_593, %swap3A_594] {strides = array<i32>} : memref<128x128xf32, #tpu.memory_space<vmem>>, vector<16xf32>,
        tpu.vector_store %arg12[%swap3A_593, %swap3A_594], %mul3A_592 {strides = array<i32>} : memref<128x128xf32, #tpu.memory_space<vmem>>, vector<16xf32>,
        %get3A_596 = arith.index_cast %add3A_547 : i32 to index
        %get3A_597 = arith.constant 96 : index
        %get3A_598 = tpu.vector_load %arg12[%get3A_596, %get3A_597] {strides = array<i32>} : memref<128x128xf32, #tpu.memory_space<vmem>>, vector<16xf32>,
        %mul3A_599 = vector.broadcast %squeeze3A_543 : f32 to vector<16xf32>
        %mul3A_600 = arith.mulf %get3A_598, %mul3A_599 : vector<16xf32>
        %swap3A_601 = arith.index_cast %add3A_547 : i32 to index
        %swap3A_602 = arith.constant 96 : index
        %swap3A_603 = tpu.vector_load %arg12[%swap3A_601, %swap3A_602] {strides = array<i32>} : memref<128x128xf32, #tpu.memory_space<vmem>>, vector<16xf32>,
        tpu.vector_store %arg12[%swap3A_601, %swap3A_602], %mul3A_600 {strides = array<i32>} : memref<128x128xf32, #tpu.memory_space<vmem>>, vector<16xf32>,
        %get3A_604 = arith.index_cast %add3A_547 : i32 to index
        %get3A_605 = arith.constant 112 : index
        %get3A_606 = tpu.vector_load %arg12[%get3A_604, %get3A_605] {strides = array<i32>} : memref<128x128xf32, #tpu.memory_space<vmem>>, vector<16xf32>,
        %mul3A_607 = vector.broadcast %squeeze3A_543 : f32 to vector<16xf32>
        %mul3A_608 = arith.mulf %get3A_606, %mul3A_607 : vector<16xf32>
        %swap3A_609 = arith.index_cast %add3A_547 : i32 to index
        %swap3A_610 = arith.constant 112 : index
        %swap3A_611 = tpu.vector_load %arg12[%swap3A_609, %swap3A_610] {strides = array<i32>} : memref<128x128xf32, #tpu.memory_space<vmem>>, vector<16xf32>,
        tpu.vector_store %arg12[%swap3A_609, %swap3A_610], %mul3A_608 {strides = array<i32>} : memref<128x128xf32, #tpu.memory_space<vmem>>, vector<16xf32>,
        %slice3A_612 = vector.extract_strided_slice %get3A_124 {offsets = [7], sizes = [1], strides = [1]} : vector<16xf32> to vector<1xf32>
        %squeeze3A_613 = vector.extract %slice3A_612[0] : f32 from vector<1xf32>
        %mul3A_614 = arith.constant 16 : i32
        %mul3A_615 = arith.muli %add3A_120, %mul3A_614 : i32
        %add3A_616 = arith.constant 7 : i32
        %add3A_617 = arith.addi %mul3A_615, %add3A_616 : i32
        %get3A_618 = arith.index_cast %add3A_617 : i32 to index
        %get3A_619 = arith.constant 0 : index
        %get3A_620 = tpu.vector_load %arg12[%get3A_618, %get3A_619] {strides = array<i32>} : memref<128x128xf32, #tpu.memory_space<vmem>>, vector<16xf32>,
        %mul3A_621 = vector.broadcast %squeeze3A_613 : f32 to vector<16xf32>
        %mul3A_622 = arith.mulf %get3A_620, %mul3A_621 : vector<16xf32>
        %swap3A_623 = arith.index_cast %add3A_617 : i32 to index
        %swap3A_624 = arith.constant 0 : index
        %swap3A_625 = tpu.vector_load %arg12[%swap3A_623, %swap3A_624] {strides = array<i32>} : memref<128x128xf32, #tpu.memory_space<vmem>>, vector<16xf32>,
        tpu.vector_store %arg12[%swap3A_623, %swap3A_624], %mul3A_622 {strides = array<i32>} : memref<128x128xf32, #tpu.memory_space<vmem>>, vector<16xf32>,
        %get3A_626 = arith.index_cast %add3A_617 : i32 to index
        %get3A_627 = arith.constant 16 : index
        %get3A_628 = tpu.vector_load %arg12[%get3A_626, %get3A_627] {strides = array<i32>} : memref<128x128xf32, #tpu.memory_space<vmem>>, vector<16xf32>,
        %mul3A_629 = vector.broadcast %squeeze3A_613 : f32 to vector<16xf32>
        %mul3A_630 = arith.mulf %get3A_628, %mul3A_629 : vector<16xf32>
        %swap3A_631 = arith.index_cast %add3A_617 : i32 to index
        %swap3A_632 = arith.constant 16 : index
        %swap3A_633 = tpu.vector_load %arg12[%swap3A_631, %swap3A_632] {strides = array<i32>} : memref<128x128xf32, #tpu.memory_space<vmem>>, vector<16xf32>,
        tpu.vector_store %arg12[%swap3A_631, %swap3A_632], %mul3A_630 {strides = array<i32>} : memref<128x128xf32, #tpu.memory_space<vmem>>, vector<16xf32>,
        %get3A_634 = arith.index_cast %add3A_617 : i32 to index
        %get3A_635 = arith.constant 32 : index
        %get3A_636 = tpu.vector_load %arg12[%get3A_634, %get3A_635] {strides = array<i32>} : memref<128x128xf32, #tpu.memory_space<vmem>>, vector<16xf32>,
        %mul3A_637 = vector.broadcast %squeeze3A_613 : f32 to vector<16xf32>
        %mul3A_638 = arith.mulf %get3A_636, %mul3A_637 : vector<16xf32>
        %swap3A_639 = arith.index_cast %add3A_617 : i32 to index
        %swap3A_640 = arith.constant 32 : index
        %swap3A_641 = tpu.vector_load %arg12[%swap3A_639, %swap3A_640] {strides = array<i32>} : memref<128x128xf32, #tpu.memory_space<vmem>>, vector<16xf32>,
        tpu.vector_store %arg12[%swap3A_639, %swap3A_640], %mul3A_638 {strides = array<i32>} : memref<128x128xf32, #tpu.memory_space<vmem>>, vector<16xf32>,
        %get3A_642 = arith.index_cast %add3A_617 : i32 to index
        %get3A_643 = arith.constant 48 : index
        %get3A_644 = tpu.vector_load %arg12[%get3A_642, %get3A_643] {strides = array<i32>} : memref<128x128xf32, #tpu.memory_space<vmem>>, vector<16xf32>,
        %mul3A_645 = vector.broadcast %squeeze3A_613 : f32 to vector<16xf32>
        %mul3A_646 = arith.mulf %get3A_644, %mul3A_645 : vector<16xf32>
        %swap3A_647 = arith.index_cast %add3A_617 : i32 to index
        %swap3A_648 = arith.constant 48 : index
        %swap3A_649 = tpu.vector_load %arg12[%swap3A_647, %swap3A_648] {strides = array<i32>} : memref<128x128xf32, #tpu.memory_space<vmem>>, vector<16xf32>,
        tpu.vector_store %arg12[%swap3A_647, %swap3A_648], %mul3A_646 {strides = array<i32>} : memref<128x128xf32, #tpu.memory_space<vmem>>, vector<16xf32>,
        %get3A_650 = arith.index_cast %add3A_617 : i32 to index
        %get3A_651 = arith.constant 64 : index
        %get3A_652 = tpu.vector_load %arg12[%get3A_650, %get3A_651] {strides = array<i32>} : memref<128x128xf32, #tpu.memory_space<vmem>>, vector<16xf32>,
        %mul3A_653 = vector.broadcast %squeeze3A_613 : f32 to vector<16xf32>
        %mul3A_654 = arith.mulf %get3A_652, %mul3A_653 : vector<16xf32>
        %swap3A_655 = arith.index_cast %add3A_617 : i32 to index
        %swap3A_656 = arith.constant 64 : index
        %swap3A_657 = tpu.vector_load %arg12[%swap3A_655, %swap3A_656] {strides = array<i32>} : memref<128x128xf32, #tpu.memory_space<vmem>>, vector<16xf32>,
        tpu.vector_store %arg12[%swap3A_655, %swap3A_656], %mul3A_654 {strides = array<i32>} : memref<128x128xf32, #tpu.memory_space<vmem>>, vector<16xf32>,
        %get3A_658 = arith.index_cast %add3A_617 : i32 to index
        %get3A_659 = arith.constant 80 : index
        %get3A_660 = tpu.vector_load %arg12[%get3A_658, %get3A_659] {strides = array<i32>} : memref<128x128xf32, #tpu.memory_space<vmem>>, vector<16xf32>,
        %mul3A_661 = vector.broadcast %squeeze3A_613 : f32 to vector<16xf32>
        %mul3A_662 = arith.mulf %get3A_660, %mul3A_661 : vector<16xf32>
        %swap3A_663 = arith.index_cast %add3A_617 : i32 to index
        %swap3A_664 = arith.constant 80 : index
        %swap3A_665 = tpu.vector_load %arg12[%swap3A_663, %swap3A_664] {strides = array<i32>} : memref<128x128xf32, #tpu.memory_space<vmem>>, vector<16xf32>,
        tpu.vector_store %arg12[%swap3A_663, %swap3A_664], %mul3A_662 {strides = array<i32>} : memref<128x128xf32, #tpu.memory_space<vmem>>, vector<16xf32>,
        %get3A_666 = arith.index_cast %add3A_617 : i32 to index
        %get3A_667 = arith.constant 96 : index
        %get3A_668 = tpu.vector_load %arg12[%get3A_666, %get3A_667] {strides = array<i32>} : memref<128x128xf32, #tpu.memory_space<vmem>>, vector<16xf32>,
        %mul3A_669 = vector.broadcast %squeeze3A_613 : f32 to vector<16xf32>
        %mul3A_670 = arith.mulf %get3A_668, %mul3A_669 : vector<16xf32>
        %swap3A_671 = arith.index_cast %add3A_617 : i32 to index
        %swap3A_672 = arith.constant 96 : index
        %swap3A_673 = tpu.vector_load %arg12[%swap3A_671, %swap3A_672] {strides = array<i32>} : memref<128x128xf32, #tpu.memory_space<vmem>>, vector<16xf32>,
        tpu.vector_store %arg12[%swap3A_671, %swap3A_672], %mul3A_670 {strides = array<i32>} : memref<128x128xf32, #tpu.memory_space<vmem>>, vector<16xf32>,
        %get3A_674 = arith.index_cast %add3A_617 : i32 to index
        %get3A_675 = arith.constant 112 : index
        %get3A_676 = tpu.vector_load %arg12[%get3A_674, %get3A_675] {strides = array<i32>} : memref<128x128xf32, #tpu.memory_space<vmem>>, vector<16xf32>,
        %mul3A_677 = vector.broadcast %squeeze3A_613 : f32 to vector<16xf32>
        %mul3A_678 = arith.mulf %get3A_676, %mul3A_677 : vector<16xf32>
        %swap3A_679 = arith.index_cast %add3A_617 : i32 to index
        %swap3A_680 = arith.constant 112 : index
        %swap3A_681 = tpu.vector_load %arg12[%swap3A_679, %swap3A_680] {strides = array<i32>} : memref<128x128xf32, #tpu.memory_space<vmem>>, vector<16xf32>,
        tpu.vector_store %arg12[%swap3A_679, %swap3A_680], %mul3A_678 {strides = array<i32>} : memref<128x128xf32, #tpu.memory_space<vmem>>, vector<16xf32>,
        %slice3A_682 = vector.extract_strided_slice %get3A_124 {offsets = [8], sizes = [1], strides = [1]} : vector<16xf32> to vector<1xf32>
        %squeeze3A_683 = vector.extract %slice3A_682[0] : f32 from vector<1xf32>
        %mul3A_684 = arith.constant 16 : i32
        %mul3A_685 = arith.muli %add3A_120, %mul3A_684 : i32
        %add3A_686 = arith.constant 8 : i32
        %add3A_687 = arith.addi %mul3A_685, %add3A_686 : i32
        %get3A_688 = arith.index_cast %add3A_687 : i32 to index
        %get3A_689 = arith.constant 0 : index
        %get3A_690 = tpu.vector_load %arg12[%get3A_688, %get3A_689] {strides = array<i32>} : memref<128x128xf32, #tpu.memory_space<vmem>>, vector<16xf32>,
        %mul3A_691 = vector.broadcast %squeeze3A_683 : f32 to vector<16xf32>
        %mul3A_692 = arith.mulf %get3A_690, %mul3A_691 : vector<16xf32>
        %swap3A_693 = arith.index_cast %add3A_687 : i32 to index
        %swap3A_694 = arith.constant 0 : index
        %swap3A_695 = tpu.vector_load %arg12[%swap3A_693, %swap3A_694] {strides = array<i32>} : memref<128x128xf32, #tpu.memory_space<vmem>>, vector<16xf32>,
        tpu.vector_store %arg12[%swap3A_693, %swap3A_694], %mul3A_692 {strides = array<i32>} : memref<128x128xf32, #tpu.memory_space<vmem>>, vector<16xf32>,
        %get3A_696 = arith.index_cast %add3A_687 : i32 to index
        %get3A_697 = arith.constant 16 : index
        %get3A_698 = tpu.vector_load %arg12[%get3A_696, %get3A_697] {strides = array<i32>} : memref<128x128xf32, #tpu.memory_space<vmem>>, vector<16xf32>,
        %mul3A_699 = vector.broadcast %squeeze3A_683 : f32 to vector<16xf32>
        %mul3A_700 = arith.mulf %get3A_698, %mul3A_699 : vector<16xf32>
        %swap3A_701 = arith.index_cast %add3A_687 : i32 to index
        %swap3A_702 = arith.constant 16 : index
        %swap3A_703 = tpu.vector_load %arg12[%swap3A_701, %swap3A_702] {strides = array<i32>} : memref<128x128xf32, #tpu.memory_space<vmem>>, vector<16xf32>,
        tpu.vector_store %arg12[%swap3A_701, %swap3A_702], %mul3A_700 {strides = array<i32>} : memref<128x128xf32, #tpu.memory_space<vmem>>, vector<16xf32>,
        %get3A_704 = arith.index_cast %add3A_687 : i32 to index
        %get3A_705 = arith.constant 32 : index
        %get3A_706 = tpu.vector_load %arg12[%get3A_704, %get3A_705] {strides = array<i32>} : memref<128x128xf32, #tpu.memory_space<vmem>>, vector<16xf32>,
        %mul3A_707 = vector.broadcast %squeeze3A_683 : f32 to vector<16xf32>
        %mul3A_708 = arith.mulf %get3A_706, %mul3A_707 : vector<16xf32>
        %swap3A_709 = arith.index_cast %add3A_687 : i32 to index
        %swap3A_710 = arith.constant 32 : index
        %swap3A_711 = tpu.vector_load %arg12[%swap3A_709, %swap3A_710] {strides = array<i32>} : memref<128x128xf32, #tpu.memory_space<vmem>>, vector<16xf32>,
        tpu.vector_store %arg12[%swap3A_709, %swap3A_710], %mul3A_708 {strides = array<i32>} : memref<128x128xf32, #tpu.memory_space<vmem>>, vector<16xf32>,
        %get3A_712 = arith.index_cast %add3A_687 : i32 to index
        %get3A_713 = arith.constant 48 : index
        %get3A_714 = tpu.vector_load %arg12[%get3A_712, %get3A_713] {strides = array<i32>} : memref<128x128xf32, #tpu.memory_space<vmem>>, vector<16xf32>,
        %mul3A_715 = vector.broadcast %squeeze3A_683 : f32 to vector<16xf32>
        %mul3A_716 = arith.mulf %get3A_714, %mul3A_715 : vector<16xf32>
        %swap3A_717 = arith.index_cast %add3A_687 : i32 to index
        %swap3A_718 = arith.constant 48 : index
        %swap3A_719 = tpu.vector_load %arg12[%swap3A_717, %swap3A_718] {strides = array<i32>} : memref<128x128xf32, #tpu.memory_space<vmem>>, vector<16xf32>,
        tpu.vector_store %arg12[%swap3A_717, %swap3A_718], %mul3A_716 {strides = array<i32>} : memref<128x128xf32, #tpu.memory_space<vmem>>, vector<16xf32>,
        %get3A_720 = arith.index_cast %add3A_687 : i32 to index
        %get3A_721 = arith.constant 64 : index
        %get3A_722 = tpu.vector_load %arg12[%get3A_720, %get3A_721] {strides = array<i32>} : memref<128x128xf32, #tpu.memory_space<vmem>>, vector<16xf32>,
        %mul3A_723 = vector.broadcast %squeeze3A_683 : f32 to vector<16xf32>
        %mul3A_724 = arith.mulf %get3A_722, %mul3A_723 : vector<16xf32>
        %swap3A_725 = arith.index_cast %add3A_687 : i32 to index
        %swap3A_726 = arith.constant 64 : index
        %swap3A_727 = tpu.vector_load %arg12[%swap3A_725, %swap3A_726] {strides = array<i32>} : memref<128x128xf32, #tpu.memory_space<vmem>>, vector<16xf32>,
        tpu.vector_store %arg12[%swap3A_725, %swap3A_726], %mul3A_724 {strides = array<i32>} : memref<128x128xf32, #tpu.memory_space<vmem>>, vector<16xf32>,
        %get3A_728 = arith.index_cast %add3A_687 : i32 to index
        %get3A_729 = arith.constant 80 : index
        %get3A_730 = tpu.vector_load %arg12[%get3A_728, %get3A_729] {strides = array<i32>} : memref<128x128xf32, #tpu.memory_space<vmem>>, vector<16xf32>,
        %mul3A_731 = vector.broadcast %squeeze3A_683 : f32 to vector<16xf32>
        %mul3A_732 = arith.mulf %get3A_730, %mul3A_731 : vector<16xf32>
        %swap3A_733 = arith.index_cast %add3A_687 : i32 to index
        %swap3A_734 = arith.constant 80 : index
        %swap3A_735 = tpu.vector_load %arg12[%swap3A_733, %swap3A_734] {strides = array<i32>} : memref<128x128xf32, #tpu.memory_space<vmem>>, vector<16xf32>,
        tpu.vector_store %arg12[%swap3A_733, %swap3A_734], %mul3A_732 {strides = array<i32>} : memref<128x128xf32, #tpu.memory_space<vmem>>, vector<16xf32>,
        %get3A_736 = arith.index_cast %add3A_687 : i32 to index
        %get3A_737 = arith.constant 96 : index
        %get3A_738 = tpu.vector_load %arg12[%get3A_736, %get3A_737] {strides = array<i32>} : memref<128x128xf32, #tpu.memory_space<vmem>>, vector<16xf32>,
        %mul3A_739 = vector.broadcast %squeeze3A_683 : f32 to vector<16xf32>
        %mul3A_740 = arith.mulf %get3A_738, %mul3A_739 : vector<16xf32>
        %swap3A_741 = arith.index_cast %add3A_687 : i32 to index
        %swap3A_742 = arith.constant 96 : index
        %swap3A_743 = tpu.vector_load %arg12[%swap3A_741, %swap3A_742] {strides = array<i32>} : memref<128x128xf32, #tpu.memory_space<vmem>>, vector<16xf32>,
        tpu.vector_store %arg12[%swap3A_741, %swap3A_742], %mul3A_740 {strides = array<i32>} : memref<128x128xf32, #tpu.memory_space<vmem>>, vector<16xf32>,
        %get3A_744 = arith.index_cast %add3A_687 : i32 to index
        %get3A_745 = arith.constant 112 : index
        %get3A_746 = tpu.vector_load %arg12[%get3A_744, %get3A_745] {strides = array<i32>} : memref<128x128xf32, #tpu.memory_space<vmem>>, vector<16xf32>,
        %mul3A_747 = vector.broadcast %squeeze3A_683 : f32 to vector<16xf32>
        %mul3A_748 = arith.mulf %get3A_746, %mul3A_747 : vector<16xf32>
        %swap3A_749 = arith.index_cast %add3A_687 : i32 to index
        %swap3A_750 = arith.constant 112 : index
        %swap3A_751 = tpu.vector_load %arg12[%swap3A_749, %swap3A_750] {strides = array<i32>} : memref<128x128xf32, #tpu.memory_space<vmem>>, vector<16xf32>,
        tpu.vector_store %arg12[%swap3A_749, %swap3A_750], %mul3A_748 {strides = array<i32>} : memref<128x128xf32, #tpu.memory_space<vmem>>, vector<16xf32>,
        %slice3A_752 = vector.extract_strided_slice %get3A_124 {offsets = [9], sizes = [1], strides = [1]} : vector<16xf32> to vector<1xf32>
        %squeeze3A_753 = vector.extract %slice3A_752[0] : f32 from vector<1xf32>
        %mul3A_754 = arith.constant 16 : i32
        %mul3A_755 = arith.muli %add3A_120, %mul3A_754 : i32
        %add3A_756 = arith.constant 9 : i32
        %add3A_757 = arith.addi %mul3A_755, %add3A_756 : i32
        %get3A_758 = arith.index_cast %add3A_757 : i32 to index
        %get3A_759 = arith.constant 0 : index
        %get3A_760 = tpu.vector_load %arg12[%get3A_758, %get3A_759] {strides = array<i32>} : memref<128x128xf32, #tpu.memory_space<vmem>>, vector<16xf32>,
        %mul3A_761 = vector.broadcast %squeeze3A_753 : f32 to vector<16xf32>
        %mul3A_762 = arith.mulf %get3A_760, %mul3A_761 : vector<16xf32>
        %swap3A_763 = arith.index_cast %add3A_757 : i32 to index
        %swap3A_764 = arith.constant 0 : index
        %swap3A_765 = tpu.vector_load %arg12[%swap3A_763, %swap3A_764] {strides = array<i32>} : memref<128x128xf32, #tpu.memory_space<vmem>>, vector<16xf32>,
        tpu.vector_store %arg12[%swap3A_763, %swap3A_764], %mul3A_762 {strides = array<i32>} : memref<128x128xf32, #tpu.memory_space<vmem>>, vector<16xf32>,
        %get3A_766 = arith.index_cast %add3A_757 : i32 to index
        %get3A_767 = arith.constant 16 : index
        %get3A_768 = tpu.vector_load %arg12[%get3A_766, %get3A_767] {strides = array<i32>} : memref<128x128xf32, #tpu.memory_space<vmem>>, vector<16xf32>,
        %mul3A_769 = vector.broadcast %squeeze3A_753 : f32 to vector<16xf32>
        %mul3A_770 = arith.mulf %get3A_768, %mul3A_769 : vector<16xf32>
        %swap3A_771 = arith.index_cast %add3A_757 : i32 to index
        %swap3A_772 = arith.constant 16 : index
        %swap3A_773 = tpu.vector_load %arg12[%swap3A_771, %swap3A_772] {strides = array<i32>} : memref<128x128xf32, #tpu.memory_space<vmem>>, vector<16xf32>,
        tpu.vector_store %arg12[%swap3A_771, %swap3A_772], %mul3A_770 {strides = array<i32>} : memref<128x128xf32, #tpu.memory_space<vmem>>, vector<16xf32>,
        %get3A_774 = arith.index_cast %add3A_757 : i32 to index
        %get3A_775 = arith.constant 32 : index
        %get3A_776 = tpu.vector_load %arg12[%get3A_774, %get3A_775] {strides = array<i32>} : memref<128x128xf32, #tpu.memory_space<vmem>>, vector<16xf32>,
        %mul3A_777 = vector.broadcast %squeeze3A_753 : f32 to vector<16xf32>
        %mul3A_778 = arith.mulf %get3A_776, %mul3A_777 : vector<16xf32>
        %swap3A_779 = arith.index_cast %add3A_757 : i32 to index
        %swap3A_780 = arith.constant 32 : index
        %swap3A_781 = tpu.vector_load %arg12[%swap3A_779, %swap3A_780] {strides = array<i32>} : memref<128x128xf32, #tpu.memory_space<vmem>>, vector<16xf32>,
        tpu.vector_store %arg12[%swap3A_779, %swap3A_780], %mul3A_778 {strides = array<i32>} : memref<128x128xf32, #tpu.memory_space<vmem>>, vector<16xf32>,
        %get3A_782 = arith.index_cast %add3A_757 : i32 to index
        %get3A_783 = arith.constant 48 : index
        %get3A_784 = tpu.vector_load %arg12[%get3A_782, %get3A_783] {strides = array<i32>} : memref<128x128xf32, #tpu.memory_space<vmem>>, vector<16xf32>,
        %mul3A_785 = vector.broadcast %squeeze3A_753 : f32 to vector<16xf32>
        %mul3A_786 = arith.mulf %get3A_784, %mul3A_785 : vector<16xf32>
        %swap3A_787 = arith.index_cast %add3A_757 : i32 to index
        %swap3A_788 = arith.constant 48 : index
        %swap3A_789 = tpu.vector_load %arg12[%swap3A_787, %swap3A_788] {strides = array<i32>} : memref<128x128xf32, #tpu.memory_space<vmem>>, vector<16xf32>,
        tpu.vector_store %arg12[%swap3A_787, %swap3A_788], %mul3A_786 {strides = array<i32>} : memref<128x128xf32, #tpu.memory_space<vmem>>, vector<16xf32>,
        %get3A_790 = arith.index_cast %add3A_757 : i32 to index
        %get3A_791 = arith.constant 64 : index
        %get3A_792 = tpu.vector_load %arg12[%get3A_790, %get3A_791] {strides = array<i32>} : memref<128x128xf32, #tpu.memory_space<vmem>>, vector<16xf32>,
        %mul3A_793 = vector.broadcast %squeeze3A_753 : f32 to vector<16xf32>
        %mul3A_794 = arith.mulf %get3A_792, %mul3A_793 : vector<16xf32>
        %swap3A_795 = arith.index_cast %add3A_757 : i32 to index
        %swap3A_796 = arith.constant 64 : index
        %swap3A_797 = tpu.vector_load %arg12[%swap3A_795, %swap3A_796] {strides = array<i32>} : memref<128x128xf32, #tpu.memory_space<vmem>>, vector<16xf32>,
        tpu.vector_store %arg12[%swap3A_795, %swap3A_796], %mul3A_794 {strides = array<i32>} : memref<128x128xf32, #tpu.memory_space<vmem>>, vector<16xf32>,
        %get3A_798 = arith.index_cast %add3A_757 : i32 to index
        %get3A_799 = arith.constant 80 : index
        %get3A_800 = tpu.vector_load %arg12[%get3A_798, %get3A_799] {strides = array<i32>} : memref<128x128xf32, #tpu.memory_space<vmem>>, vector<16xf32>,
        %mul3A_801 = vector.broadcast %squeeze3A_753 : f32 to vector<16xf32>
        %mul3A_802 = arith.mulf %get3A_800, %mul3A_801 : vector<16xf32>
        %swap3A_803 = arith.index_cast %add3A_757 : i32 to index
        %swap3A_804 = arith.constant 80 : index
        %swap3A_805 = tpu.vector_load %arg12[%swap3A_803, %swap3A_804] {strides = array<i32>} : memref<128x128xf32, #tpu.memory_space<vmem>>, vector<16xf32>,
        tpu.vector_store %arg12[%swap3A_803, %swap3A_804], %mul3A_802 {strides = array<i32>} : memref<128x128xf32, #tpu.memory_space<vmem>>, vector<16xf32>,
        %get3A_806 = arith.index_cast %add3A_757 : i32 to index
        %get3A_807 = arith.constant 96 : index
        %get3A_808 = tpu.vector_load %arg12[%get3A_806, %get3A_807] {strides = array<i32>} : memref<128x128xf32, #tpu.memory_space<vmem>>, vector<16xf32>,
        %mul3A_809 = vector.broadcast %squeeze3A_753 : f32 to vector<16xf32>
        %mul3A_810 = arith.mulf %get3A_808, %mul3A_809 : vector<16xf32>
        %swap3A_811 = arith.index_cast %add3A_757 : i32 to index
        %swap3A_812 = arith.constant 96 : index
        %swap3A_813 = tpu.vector_load %arg12[%swap3A_811, %swap3A_812] {strides = array<i32>} : memref<128x128xf32, #tpu.memory_space<vmem>>, vector<16xf32>,
        tpu.vector_store %arg12[%swap3A_811, %swap3A_812], %mul3A_810 {strides = array<i32>} : memref<128x128xf32, #tpu.memory_space<vmem>>, vector<16xf32>,
        %get3A_814 = arith.index_cast %add3A_757 : i32 to index
        %get3A_815 = arith.constant 112 : index
        %get3A_816 = tpu.vector_load %arg12[%get3A_814, %get3A_815] {strides = array<i32>} : memref<128x128xf32, #tpu.memory_space<vmem>>, vector<16xf32>,
        %mul3A_817 = vector.broadcast %squeeze3A_753 : f32 to vector<16xf32>
        %mul3A_818 = arith.mulf %get3A_816, %mul3A_817 : vector<16xf32>
        %swap3A_819 = arith.index_cast %add3A_757 : i32 to index
        %swap3A_820 = arith.constant 112 : index
        %swap3A_821 = tpu.vector_load %arg12[%swap3A_819, %swap3A_820] {strides = array<i32>} : memref<128x128xf32, #tpu.memory_space<vmem>>, vector<16xf32>,
        tpu.vector_store %arg12[%swap3A_819, %swap3A_820], %mul3A_818 {strides = array<i32>} : memref<128x128xf32, #tpu.memory_space<vmem>>, vector<16xf32>,
        %slice3A_822 = vector.extract_strided_slice %get3A_124 {offsets = [10], sizes = [1], strides = [1]} : vector<16xf32> to vector<1xf32>
        %squeeze3A_823 = vector.extract %slice3A_822[0] : f32 from vector<1xf32>
        %mul3A_824 = arith.constant 16 : i32
        %mul3A_825 = arith.muli %add3A_120, %mul3A_824 : i32
        %add3A_826 = arith.constant 10 : i32
        %add3A_827 = arith.addi %mul3A_825, %add3A_826 : i32
        %get3A_828 = arith.index_cast %add3A_827 : i32 to index
        %get3A_829 = arith.constant 0 : index
        %get3A_830 = tpu.vector_load %arg12[%get3A_828, %get3A_829] {strides = array<i32>} : memref<128x128xf32, #tpu.memory_space<vmem>>, vector<16xf32>,
        %mul3A_831 = vector.broadcast %squeeze3A_823 : f32 to vector<16xf32>
        %mul3A_832 = arith.mulf %get3A_830, %mul3A_831 : vector<16xf32>
        %swap3A_833 = arith.index_cast %add3A_827 : i32 to index
        %swap3A_834 = arith.constant 0 : index
        %swap3A_835 = tpu.vector_load %arg12[%swap3A_833, %swap3A_834] {strides = array<i32>} : memref<128x128xf32, #tpu.memory_space<vmem>>, vector<16xf32>,
        tpu.vector_store %arg12[%swap3A_833, %swap3A_834], %mul3A_832 {strides = array<i32>} : memref<128x128xf32, #tpu.memory_space<vmem>>, vector<16xf32>,
        %get3A_836 = arith.index_cast %add3A_827 : i32 to index
        %get3A_837 = arith.constant 16 : index
        %get3A_838 = tpu.vector_load %arg12[%get3A_836, %get3A_837] {strides = array<i32>} : memref<128x128xf32, #tpu.memory_space<vmem>>, vector<16xf32>,
        %mul3A_839 = vector.broadcast %squeeze3A_823 : f32 to vector<16xf32>
        %mul3A_840 = arith.mulf %get3A_838, %mul3A_839 : vector<16xf32>
        %swap3A_841 = arith.index_cast %add3A_827 : i32 to index
        %swap3A_842 = arith.constant 16 : index
        %swap3A_843 = tpu.vector_load %arg12[%swap3A_841, %swap3A_842] {strides = array<i32>} : memref<128x128xf32, #tpu.memory_space<vmem>>, vector<16xf32>,
        tpu.vector_store %arg12[%swap3A_841, %swap3A_842], %mul3A_840 {strides = array<i32>} : memref<128x128xf32, #tpu.memory_space<vmem>>, vector<16xf32>,
        %get3A_844 = arith.index_cast %add3A_827 : i32 to index
        %get3A_845 = arith.constant 32 : index
        %get3A_846 = tpu.vector_load %arg12[%get3A_844, %get3A_845] {strides = array<i32>} : memref<128x128xf32, #tpu.memory_space<vmem>>, vector<16xf32>,
        %mul3A_847 = vector.broadcast %squeeze3A_823 : f32 to vector<16xf32>
        %mul3A_848 = arith.mulf %get3A_846, %mul3A_847 : vector<16xf32>
        %swap3A_849 = arith.index_cast %add3A_827 : i32 to index
        %swap3A_850 = arith.constant 32 : index
        %swap3A_851 = tpu.vector_load %arg12[%swap3A_849, %swap3A_850] {strides = array<i32>} : memref<128x128xf32, #tpu.memory_space<vmem>>, vector<16xf32>,
        tpu.vector_store %arg12[%swap3A_849, %swap3A_850], %mul3A_848 {strides = array<i32>} : memref<128x128xf32, #tpu.memory_space<vmem>>, vector<16xf32>,
        %get3A_852 = arith.index_cast %add3A_827 : i32 to index
        %get3A_853 = arith.constant 48 : index
        %get3A_854 = tpu.vector_load %arg12[%get3A_852, %get3A_853] {strides = array<i32>} : memref<128x128xf32, #tpu.memory_space<vmem>>, vector<16xf32>,
        %mul3A_855 = vector.broadcast %squeeze3A_823 : f32 to vector<16xf32>
        %mul3A_856 = arith.mulf %get3A_854, %mul3A_855 : vector<16xf32>
        %swap3A_857 = arith.index_cast %add3A_827 : i32 to index
        %swap3A_858 = arith.constant 48 : index
        %swap3A_859 = tpu.vector_load %arg12[%swap3A_857, %swap3A_858] {strides = array<i32>} : memref<128x128xf32, #tpu.memory_space<vmem>>, vector<16xf32>,
        tpu.vector_store %arg12[%swap3A_857, %swap3A_858], %mul3A_856 {strides = array<i32>} : memref<128x128xf32, #tpu.memory_space<vmem>>, vector<16xf32>,
        %get3A_860 = arith.index_cast %add3A_827 : i32 to index
        %get3A_861 = arith.constant 64 : index
        %get3A_862 = tpu.vector_load %arg12[%get3A_860, %get3A_861] {strides = array<i32>} : memref<128x128xf32, #tpu.memory_space<vmem>>, vector<16xf32>,
        %mul3A_863 = vector.broadcast %squeeze3A_823 : f32 to vector<16xf32>
        %mul3A_864 = arith.mulf %get3A_862, %mul3A_863 : vector<16xf32>
        %swap3A_865 = arith.index_cast %add3A_827 : i32 to index
        %swap3A_866 = arith.constant 64 : index
        %swap3A_867 = tpu.vector_load %arg12[%swap3A_865, %swap3A_866] {strides = array<i32>} : memref<128x128xf32, #tpu.memory_space<vmem>>, vector<16xf32>,
        tpu.vector_store %arg12[%swap3A_865, %swap3A_866], %mul3A_864 {strides = array<i32>} : memref<128x128xf32, #tpu.memory_space<vmem>>, vector<16xf32>,
        %get3A_868 = arith.index_cast %add3A_827 : i32 to index
        %get3A_869 = arith.constant 80 : index
        %get3A_870 = tpu.vector_load %arg12[%get3A_868, %get3A_869] {strides = array<i32>} : memref<128x128xf32, #tpu.memory_space<vmem>>, vector<16xf32>,
        %mul3A_871 = vector.broadcast %squeeze3A_823 : f32 to vector<16xf32>
        %mul3A_872 = arith.mulf %get3A_870, %mul3A_871 : vector<16xf32>
        %swap3A_873 = arith.index_cast %add3A_827 : i32 to index
        %swap3A_874 = arith.constant 80 : index
        %swap3A_875 = tpu.vector_load %arg12[%swap3A_873, %swap3A_874] {strides = array<i32>} : memref<128x128xf32, #tpu.memory_space<vmem>>, vector<16xf32>,
        tpu.vector_store %arg12[%swap3A_873, %swap3A_874], %mul3A_872 {strides = array<i32>} : memref<128x128xf32, #tpu.memory_space<vmem>>, vector<16xf32>,
        %get3A_876 = arith.index_cast %add3A_827 : i32 to index
        %get3A_877 = arith.constant 96 : index
        %get3A_878 = tpu.vector_load %arg12[%get3A_876, %get3A_877] {strides = array<i32>} : memref<128x128xf32, #tpu.memory_space<vmem>>, vector<16xf32>,
        %mul3A_879 = vector.broadcast %squeeze3A_823 : f32 to vector<16xf32>
        %mul3A_880 = arith.mulf %get3A_878, %mul3A_879 : vector<16xf32>
        %swap3A_881 = arith.index_cast %add3A_827 : i32 to index
        %swap3A_882 = arith.constant 96 : index
        %swap3A_883 = tpu.vector_load %arg12[%swap3A_881, %swap3A_882] {strides = array<i32>} : memref<128x128xf32, #tpu.memory_space<vmem>>, vector<16xf32>,
        tpu.vector_store %arg12[%swap3A_881, %swap3A_882], %mul3A_880 {strides = array<i32>} : memref<128x128xf32, #tpu.memory_space<vmem>>, vector<16xf32>,
        %get3A_884 = arith.index_cast %add3A_827 : i32 to index
        %get3A_885 = arith.constant 112 : index
        %get3A_886 = tpu.vector_load %arg12[%get3A_884, %get3A_885] {strides = array<i32>} : memref<128x128xf32, #tpu.memory_space<vmem>>, vector<16xf32>,
        %mul3A_887 = vector.broadcast %squeeze3A_823 : f32 to vector<16xf32>
        %mul3A_888 = arith.mulf %get3A_886, %mul3A_887 : vector<16xf32>
        %swap3A_889 = arith.index_cast %add3A_827 : i32 to index
        %swap3A_890 = arith.constant 112 : index
        %swap3A_891 = tpu.vector_load %arg12[%swap3A_889, %swap3A_890] {strides = array<i32>} : memref<128x128xf32, #tpu.memory_space<vmem>>, vector<16xf32>,
        tpu.vector_store %arg12[%swap3A_889, %swap3A_890], %mul3A_888 {strides = array<i32>} : memref<128x128xf32, #tpu.memory_space<vmem>>, vector<16xf32>,
        %slice3A_892 = vector.extract_strided_slice %get3A_124 {offsets = [11], sizes = [1], strides = [1]} : vector<16xf32> to vector<1xf32>
        %squeeze3A_893 = vector.extract %slice3A_892[0] : f32 from vector<1xf32>
        %mul3A_894 = arith.constant 16 : i32
        %mul3A_895 = arith.muli %add3A_120, %mul3A_894 : i32
        %add3A_896 = arith.constant 11 : i32
        %add3A_897 = arith.addi %mul3A_895, %add3A_896 : i32
        %get3A_898 = arith.index_cast %add3A_897 : i32 to index
        %get3A_899 = arith.constant 0 : index
        %get3A_900 = tpu.vector_load %arg12[%get3A_898, %get3A_899] {strides = array<i32>} : memref<128x128xf32, #tpu.memory_space<vmem>>, vector<16xf32>,
        %mul3A_901 = vector.broadcast %squeeze3A_893 : f32 to vector<16xf32>
        %mul3A_902 = arith.mulf %get3A_900, %mul3A_901 : vector<16xf32>
        %swap3A_903 = arith.index_cast %add3A_897 : i32 to index
        %swap3A_904 = arith.constant 0 : index
        %swap3A_905 = tpu.vector_load %arg12[%swap3A_903, %swap3A_904] {strides = array<i32>} : memref<128x128xf32, #tpu.memory_space<vmem>>, vector<16xf32>,
        tpu.vector_store %arg12[%swap3A_903, %swap3A_904], %mul3A_902 {strides = array<i32>} : memref<128x128xf32, #tpu.memory_space<vmem>>, vector<16xf32>,
        %get3A_906 = arith.index_cast %add3A_897 : i32 to index
        %get3A_907 = arith.constant 16 : index
        %get3A_908 = tpu.vector_load %arg12[%get3A_906, %get3A_907] {strides = array<i32>} : memref<128x128xf32, #tpu.memory_space<vmem>>, vector<16xf32>,
        %mul3A_909 = vector.broadcast %squeeze3A_893 : f32 to vector<16xf32>
        %mul3A_910 = arith.mulf %get3A_908, %mul3A_909 : vector<16xf32>
        %swap3A_911 = arith.index_cast %add3A_897 : i32 to index
        %swap3A_912 = arith.constant 16 : index
        %swap3A_913 = tpu.vector_load %arg12[%swap3A_911, %swap3A_912] {strides = array<i32>} : memref<128x128xf32, #tpu.memory_space<vmem>>, vector<16xf32>,
        tpu.vector_store %arg12[%swap3A_911, %swap3A_912], %mul3A_910 {strides = array<i32>} : memref<128x128xf32, #tpu.memory_space<vmem>>, vector<16xf32>,
        %get3A_914 = arith.index_cast %add3A_897 : i32 to index
        %get3A_915 = arith.constant 32 : index
        %get3A_916 = tpu.vector_load %arg12[%get3A_914, %get3A_915] {strides = array<i32>} : memref<128x128xf32, #tpu.memory_space<vmem>>, vector<16xf32>,
        %mul3A_917 = vector.broadcast %squeeze3A_893 : f32 to vector<16xf32>
        %mul3A_918 = arith.mulf %get3A_916, %mul3A_917 : vector<16xf32>
        %swap3A_919 = arith.index_cast %add3A_897 : i32 to index
        %swap3A_920 = arith.constant 32 : index
        %swap3A_921 = tpu.vector_load %arg12[%swap3A_919, %swap3A_920] {strides = array<i32>} : memref<128x128xf32, #tpu.memory_space<vmem>>, vector<16xf32>,
        tpu.vector_store %arg12[%swap3A_919, %swap3A_920], %mul3A_918 {strides = array<i32>} : memref<128x128xf32, #tpu.memory_space<vmem>>, vector<16xf32>,
        %get3A_922 = arith.index_cast %add3A_897 : i32 to index
        %get3A_923 = arith.constant 48 : index
        %get3A_924 = tpu.vector_load %arg12[%get3A_922, %get3A_923] {strides = array<i32>} : memref<128x128xf32, #tpu.memory_space<vmem>>, vector<16xf32>,
        %mul3A_925 = vector.broadcast %squeeze3A_893 : f32 to vector<16xf32>
        %mul3A_926 = arith.mulf %get3A_924, %mul3A_925 : vector<16xf32>
        %swap3A_927 = arith.index_cast %add3A_897 : i32 to index
        %swap3A_928 = arith.constant 48 : index
        %swap3A_929 = tpu.vector_load %arg12[%swap3A_927, %swap3A_928] {strides = array<i32>} : memref<128x128xf32, #tpu.memory_space<vmem>>, vector<16xf32>,
        tpu.vector_store %arg12[%swap3A_927, %swap3A_928], %mul3A_926 {strides = array<i32>} : memref<128x128xf32, #tpu.memory_space<vmem>>, vector<16xf32>,
        %get3A_930 = arith.index_cast %add3A_897 : i32 to index
        %get3A_931 = arith.constant 64 : index
        %get3A_932 = tpu.vector_load %arg12[%get3A_930, %get3A_931] {strides = array<i32>} : memref<128x128xf32, #tpu.memory_space<vmem>>, vector<16xf32>,
        %mul3A_933 = vector.broadcast %squeeze3A_893 : f32 to vector<16xf32>
        %mul3A_934 = arith.mulf %get3A_932, %mul3A_933 : vector<16xf32>
        %swap3A_935 = arith.index_cast %add3A_897 : i32 to index
        %swap3A_936 = arith.constant 64 : index
        %swap3A_937 = tpu.vector_load %arg12[%swap3A_935, %swap3A_936] {strides = array<i32>} : memref<128x128xf32, #tpu.memory_space<vmem>>, vector<16xf32>,
        tpu.vector_store %arg12[%swap3A_935, %swap3A_936], %mul3A_934 {strides = array<i32>} : memref<128x128xf32, #tpu.memory_space<vmem>>, vector<16xf32>,
        %get3A_938 = arith.index_cast %add3A_897 : i32 to index
        %get3A_939 = arith.constant 80 : index
        %get3A_940 = tpu.vector_load %arg12[%get3A_938, %get3A_939] {strides = array<i32>} : memref<128x128xf32, #tpu.memory_space<vmem>>, vector<16xf32>,
        %mul3A_941 = vector.broadcast %squeeze3A_893 : f32 to vector<16xf32>
        %mul3A_942 = arith.mulf %get3A_940, %mul3A_941 : vector<16xf32>
        %swap3A_943 = arith.index_cast %add3A_897 : i32 to index
        %swap3A_944 = arith.constant 80 : index
        %swap3A_945 = tpu.vector_load %arg12[%swap3A_943, %swap3A_944] {strides = array<i32>} : memref<128x128xf32, #tpu.memory_space<vmem>>, vector<16xf32>,
        tpu.vector_store %arg12[%swap3A_943, %swap3A_944], %mul3A_942 {strides = array<i32>} : memref<128x128xf32, #tpu.memory_space<vmem>>, vector<16xf32>,
        %get3A_946 = arith.index_cast %add3A_897 : i32 to index
        %get3A_947 = arith.constant 96 : index
        %get3A_948 = tpu.vector_load %arg12[%get3A_946, %get3A_947] {strides = array<i32>} : memref<128x128xf32, #tpu.memory_space<vmem>>, vector<16xf32>,
        %mul3A_949 = vector.broadcast %squeeze3A_893 : f32 to vector<16xf32>
        %mul3A_950 = arith.mulf %get3A_948, %mul3A_949 : vector<16xf32>
        %swap3A_951 = arith.index_cast %add3A_897 : i32 to index
        %swap3A_952 = arith.constant 96 : index
        %swap3A_953 = tpu.vector_load %arg12[%swap3A_951, %swap3A_952] {strides = array<i32>} : memref<128x128xf32, #tpu.memory_space<vmem>>, vector<16xf32>,
        tpu.vector_store %arg12[%swap3A_951, %swap3A_952], %mul3A_950 {strides = array<i32>} : memref<128x128xf32, #tpu.memory_space<vmem>>, vector<16xf32>,
        %get3A_954 = arith.index_cast %add3A_897 : i32 to index
        %get3A_955 = arith.constant 112 : index
        %get3A_956 = tpu.vector_load %arg12[%get3A_954, %get3A_955] {strides = array<i32>} : memref<128x128xf32, #tpu.memory_space<vmem>>, vector<16xf32>,
        %mul3A_957 = vector.broadcast %squeeze3A_893 : f32 to vector<16xf32>
        %mul3A_958 = arith.mulf %get3A_956, %mul3A_957 : vector<16xf32>
        %swap3A_959 = arith.index_cast %add3A_897 : i32 to index
        %swap3A_960 = arith.constant 112 : index
        %swap3A_961 = tpu.vector_load %arg12[%swap3A_959, %swap3A_960] {strides = array<i32>} : memref<128x128xf32, #tpu.memory_space<vmem>>, vector<16xf32>,
        tpu.vector_store %arg12[%swap3A_959, %swap3A_960], %mul3A_958 {strides = array<i32>} : memref<128x128xf32, #tpu.memory_space<vmem>>, vector<16xf32>,
        %slice3A_962 = vector.extract_strided_slice %get3A_124 {offsets = [12], sizes = [1], strides = [1]} : vector<16xf32> to vector<1xf32>
        %squeeze3A_963 = vector.extract %slice3A_962[0] : f32 from vector<1xf32>
        %mul3A_964 = arith.constant 16 : i32
        %mul3A_965 = arith.muli %add3A_120, %mul3A_964 : i32
        %add3A_966 = arith.constant 12 : i32
        %add3A_967 = arith.addi %mul3A_965, %add3A_966 : i32
        %get3A_968 = arith.index_cast %add3A_967 : i32 to index
        %get3A_969 = arith.constant 0 : index
        %get3A_970 = tpu.vector_load %arg12[%get3A_968, %get3A_969] {strides = array<i32>} : memref<128x128xf32, #tpu.memory_space<vmem>>, vector<16xf32>,
        %mul3A_971 = vector.broadcast %squeeze3A_963 : f32 to vector<16xf32>
        %mul3A_972 = arith.mulf %get3A_970, %mul3A_971 : vector<16xf32>
        %swap3A_973 = arith.index_cast %add3A_967 : i32 to index
        %swap3A_974 = arith.constant 0 : index
        %swap3A_975 = tpu.vector_load %arg12[%swap3A_973, %swap3A_974] {strides = array<i32>} : memref<128x128xf32, #tpu.memory_space<vmem>>, vector<16xf32>,
        tpu.vector_store %arg12[%swap3A_973, %swap3A_974], %mul3A_972 {strides = array<i32>} : memref<128x128xf32, #tpu.memory_space<vmem>>, vector<16xf32>,
        %get3A_976 = arith.index_cast %add3A_967 : i32 to index
        %get3A_977 = arith.constant 16 : index
        %get3A_978 = tpu.vector_load %arg12[%get3A_976, %get3A_977] {strides = array<i32>} : memref<128x128xf32, #tpu.memory_space<vmem>>, vector<16xf32>,
        %mul3A_979 = vector.broadcast %squeeze3A_963 : f32 to vector<16xf32>
        %mul3A_980 = arith.mulf %get3A_978, %mul3A_979 : vector<16xf32>
        %swap3A_981 = arith.index_cast %add3A_967 : i32 to index
        %swap3A_982 = arith.constant 16 : index
        %swap3A_983 = tpu.vector_load %arg12[%swap3A_981, %swap3A_982] {strides = array<i32>} : memref<128x128xf32, #tpu.memory_space<vmem>>, vector<16xf32>,
        tpu.vector_store %arg12[%swap3A_981, %swap3A_982], %mul3A_980 {strides = array<i32>} : memref<128x128xf32, #tpu.memory_space<vmem>>, vector<16xf32>,
        %get3A_984 = arith.index_cast %add3A_967 : i32 to index
        %get3A_985 = arith.constant 32 : index
        %get3A_986 = tpu.vector_load %arg12[%get3A_984, %get3A_985] {strides = array<i32>} : memref<128x128xf32, #tpu.memory_space<vmem>>, vector<16xf32>,
        %mul3A_987 = vector.broadcast %squeeze3A_963 : f32 to vector<16xf32>
        %mul3A_988 = arith.mulf %get3A_986, %mul3A_987 : vector<16xf32>
        %swap3A_989 = arith.index_cast %add3A_967 : i32 to index
        %swap3A_990 = arith.constant 32 : index
        %swap3A_991 = tpu.vector_load %arg12[%swap3A_989, %swap3A_990] {strides = array<i32>} : memref<128x128xf32, #tpu.memory_space<vmem>>, vector<16xf32>,
        tpu.vector_store %arg12[%swap3A_989, %swap3A_990], %mul3A_988 {strides = array<i32>} : memref<128x128xf32, #tpu.memory_space<vmem>>, vector<16xf32>,
        %get3A_992 = arith.index_cast %add3A_967 : i32 to index
        %get3A_993 = arith.constant 48 : index
        %get3A_994 = tpu.vector_load %arg12[%get3A_992, %get3A_993] {strides = array<i32>} : memref<128x128xf32, #tpu.memory_space<vmem>>, vector<16xf32>,
        %mul3A_995 = vector.broadcast %squeeze3A_963 : f32 to vector<16xf32>
        %mul3A_996 = arith.mulf %get3A_994, %mul3A_995 : vector<16xf32>
        %swap3A_997 = arith.index_cast %add3A_967 : i32 to index
        %swap3A_998 = arith.constant 48 : index
        %swap3A_999 = tpu.vector_load %arg12[%swap3A_997, %swap3A_998] {strides = array<i32>} : memref<128x128xf32, #tpu.memory_space<vmem>>, vector<16xf32>,
        tpu.vector_store %arg12[%swap3A_997, %swap3A_998], %mul3A_996 {strides = array<i32>} : memref<128x128xf32, #tpu.memory_space<vmem>>, vector<16xf32>,
        %get3A_1000 = arith.index_cast %add3A_967 : i32 to index
        %get3A_1001 = arith.constant 64 : index
        %get3A_1002 = tpu.vector_load %arg12[%get3A_1000, %get3A_1001] {strides = array<i32>} : memref<128x128xf32, #tpu.memory_space<vmem>>, vector<16xf32>,
        %mul3A_1003 = vector.broadcast %squeeze3A_963 : f32 to vector<16xf32>
        %mul3A_1004 = arith.mulf %get3A_1002, %mul3A_1003 : vector<16xf32>
        %swap3A_1005 = arith.index_cast %add3A_967 : i32 to index
        %swap3A_1006 = arith.constant 64 : index
        %swap3A_1007 = tpu.vector_load %arg12[%swap3A_1005, %swap3A_1006] {strides = array<i32>} : memref<128x128xf32, #tpu.memory_space<vmem>>, vector<16xf32>,
        tpu.vector_store %arg12[%swap3A_1005, %swap3A_1006], %mul3A_1004 {strides = array<i32>} : memref<128x128xf32, #tpu.memory_space<vmem>>, vector<16xf32>,
        %get3A_1008 = arith.index_cast %add3A_967 : i32 to index
        %get3A_1009 = arith.constant 80 : index
        %get3A_1010 = tpu.vector_load %arg12[%get3A_1008, %get3A_1009] {strides = array<i32>} : memref<128x128xf32, #tpu.memory_space<vmem>>, vector<16xf32>,
        %mul3A_1011 = vector.broadcast %squeeze3A_963 : f32 to vector<16xf32>
        %mul3A_1012 = arith.mulf %get3A_1010, %mul3A_1011 : vector<16xf32>
        %swap3A_1013 = arith.index_cast %add3A_967 : i32 to index
        %swap3A_1014 = arith.constant 80 : index
        %swap3A_1015 = tpu.vector_load %arg12[%swap3A_1013, %swap3A_1014] {strides = array<i32>} : memref<128x128xf32, #tpu.memory_space<vmem>>, vector<16xf32>,
        tpu.vector_store %arg12[%swap3A_1013, %swap3A_1014], %mul3A_1012 {strides = array<i32>} : memref<128x128xf32, #tpu.memory_space<vmem>>, vector<16xf32>,
        %get3A_1016 = arith.index_cast %add3A_967 : i32 to index
        %get3A_1017 = arith.constant 96 : index
        %get3A_1018 = tpu.vector_load %arg12[%get3A_1016, %get3A_1017] {strides = array<i32>} : memref<128x128xf32, #tpu.memory_space<vmem>>, vector<16xf32>,
        %mul3A_1019 = vector.broadcast %squeeze3A_963 : f32 to vector<16xf32>
        %mul3A_1020 = arith.mulf %get3A_1018, %mul3A_1019 : vector<16xf32>
        %swap3A_1021 = arith.index_cast %add3A_967 : i32 to index
        %swap3A_1022 = arith.constant 96 : index
        %swap3A_1023 = tpu.vector_load %arg12[%swap3A_1021, %swap3A_1022] {strides = array<i32>} : memref<128x128xf32, #tpu.memory_space<vmem>>, vector<16xf32>,
        tpu.vector_store %arg12[%swap3A_1021, %swap3A_1022], %mul3A_1020 {strides = array<i32>} : memref<128x128xf32, #tpu.memory_space<vmem>>, vector<16xf32>,
        %get3A_1024 = arith.index_cast %add3A_967 : i32 to index
        %get3A_1025 = arith.constant 112 : index
        %get3A_1026 = tpu.vector_load %arg12[%get3A_1024, %get3A_1025] {strides = array<i32>} : memref<128x128xf32, #tpu.memory_space<vmem>>, vector<16xf32>,
        %mul3A_1027 = vector.broadcast %squeeze3A_963 : f32 to vector<16xf32>
        %mul3A_1028 = arith.mulf %get3A_1026, %mul3A_1027 : vector<16xf32>
        %swap3A_1029 = arith.index_cast %add3A_967 : i32 to index
        %swap3A_1030 = arith.constant 112 : index
        %swap3A_1031 = tpu.vector_load %arg12[%swap3A_1029, %swap3A_1030] {strides = array<i32>} : memref<128x128xf32, #tpu.memory_space<vmem>>, vector<16xf32>,
        tpu.vector_store %arg12[%swap3A_1029, %swap3A_1030], %mul3A_1028 {strides = array<i32>} : memref<128x128xf32, #tpu.memory_space<vmem>>, vector<16xf32>,
        %slice3A_1032 = vector.extract_strided_slice %get3A_124 {offsets = [13], sizes = [1], strides = [1]} : vector<16xf32> to vector<1xf32>
        %squeeze3A_1033 = vector.extract %slice3A_1032[0] : f32 from vector<1xf32>
        %mul3A_1034 = arith.constant 16 : i32
        %mul3A_1035 = arith.muli %add3A_120, %mul3A_1034 : i32
        %add3A_1036 = arith.constant 13 : i32
        %add3A_1037 = arith.addi %mul3A_1035, %add3A_1036 : i32
        %get3A_1038 = arith.index_cast %add3A_1037 : i32 to index
        %get3A_1039 = arith.constant 0 : index
        %get3A_1040 = tpu.vector_load %arg12[%get3A_1038, %get3A_1039] {strides = array<i32>} : memref<128x128xf32, #tpu.memory_space<vmem>>, vector<16xf32>,
        %mul3A_1041 = vector.broadcast %squeeze3A_1033 : f32 to vector<16xf32>
        %mul3A_1042 = arith.mulf %get3A_1040, %mul3A_1041 : vector<16xf32>
        %swap3A_1043 = arith.index_cast %add3A_1037 : i32 to index
        %swap3A_1044 = arith.constant 0 : index
        %swap3A_1045 = tpu.vector_load %arg12[%swap3A_1043, %swap3A_1044] {strides = array<i32>} : memref<128x128xf32, #tpu.memory_space<vmem>>, vector<16xf32>,
        tpu.vector_store %arg12[%swap3A_1043, %swap3A_1044], %mul3A_1042 {strides = array<i32>} : memref<128x128xf32, #tpu.memory_space<vmem>>, vector<16xf32>,
        %get3A_1046 = arith.index_cast %add3A_1037 : i32 to index
        %get3A_1047 = arith.constant 16 : index
        %get3A_1048 = tpu.vector_load %arg12[%get3A_1046, %get3A_1047] {strides = array<i32>} : memref<128x128xf32, #tpu.memory_space<vmem>>, vector<16xf32>,
        %mul3A_1049 = vector.broadcast %squeeze3A_1033 : f32 to vector<16xf32>
        %mul3A_1050 = arith.mulf %get3A_1048, %mul3A_1049 : vector<16xf32>
        %swap3A_1051 = arith.index_cast %add3A_1037 : i32 to index
        %swap3A_1052 = arith.constant 16 : index
        %swap3A_1053 = tpu.vector_load %arg12[%swap3A_1051, %swap3A_1052] {strides = array<i32>} : memref<128x128xf32, #tpu.memory_space<vmem>>, vector<16xf32>,
        tpu.vector_store %arg12[%swap3A_1051, %swap3A_1052], %mul3A_1050 {strides = array<i32>} : memref<128x128xf32, #tpu.memory_space<vmem>>, vector<16xf32>,
        %get3A_1054 = arith.index_cast %add3A_1037 : i32 to index
        %get3A_1055 = arith.constant 32 : index
        %get3A_1056 = tpu.vector_load %arg12[%get3A_1054, %get3A_1055] {strides = array<i32>} : memref<128x128xf32, #tpu.memory_space<vmem>>, vector<16xf32>,
        %mul3A_1057 = vector.broadcast %squeeze3A_1033 : f32 to vector<16xf32>
        %mul3A_1058 = arith.mulf %get3A_1056, %mul3A_1057 : vector<16xf32>
        %swap3A_1059 = arith.index_cast %add3A_1037 : i32 to index
        %swap3A_1060 = arith.constant 32 : index
        %swap3A_1061 = tpu.vector_load %arg12[%swap3A_1059, %swap3A_1060] {strides = array<i32>} : memref<128x128xf32, #tpu.memory_space<vmem>>, vector<16xf32>,
        tpu.vector_store %arg12[%swap3A_1059, %swap3A_1060], %mul3A_1058 {strides = array<i32>} : memref<128x128xf32, #tpu.memory_space<vmem>>, vector<16xf32>,
        %get3A_1062 = arith.index_cast %add3A_1037 : i32 to index
        %get3A_1063 = arith.constant 48 : index
        %get3A_1064 = tpu.vector_load %arg12[%get3A_1062, %get3A_1063] {strides = array<i32>} : memref<128x128xf32, #tpu.memory_space<vmem>>, vector<16xf32>,
        %mul3A_1065 = vector.broadcast %squeeze3A_1033 : f32 to vector<16xf32>
        %mul3A_1066 = arith.mulf %get3A_1064, %mul3A_1065 : vector<16xf32>
        %swap3A_1067 = arith.index_cast %add3A_1037 : i32 to index
        %swap3A_1068 = arith.constant 48 : index
        %swap3A_1069 = tpu.vector_load %arg12[%swap3A_1067, %swap3A_1068] {strides = array<i32>} : memref<128x128xf32, #tpu.memory_space<vmem>>, vector<16xf32>,
        tpu.vector_store %arg12[%swap3A_1067, %swap3A_1068], %mul3A_1066 {strides = array<i32>} : memref<128x128xf32, #tpu.memory_space<vmem>>, vector<16xf32>,
        %get3A_1070 = arith.index_cast %add3A_1037 : i32 to index
        %get3A_1071 = arith.constant 64 : index
        %get3A_1072 = tpu.vector_load %arg12[%get3A_1070, %get3A_1071] {strides = array<i32>} : memref<128x128xf32, #tpu.memory_space<vmem>>, vector<16xf32>,
        %mul3A_1073 = vector.broadcast %squeeze3A_1033 : f32 to vector<16xf32>
        %mul3A_1074 = arith.mulf %get3A_1072, %mul3A_1073 : vector<16xf32>
        %swap3A_1075 = arith.index_cast %add3A_1037 : i32 to index
        %swap3A_1076 = arith.constant 64 : index
        %swap3A_1077 = tpu.vector_load %arg12[%swap3A_1075, %swap3A_1076] {strides = array<i32>} : memref<128x128xf32, #tpu.memory_space<vmem>>, vector<16xf32>,
        tpu.vector_store %arg12[%swap3A_1075, %swap3A_1076], %mul3A_1074 {strides = array<i32>} : memref<128x128xf32, #tpu.memory_space<vmem>>, vector<16xf32>,
        %get3A_1078 = arith.index_cast %add3A_1037 : i32 to index
        %get3A_1079 = arith.constant 80 : index
        %get3A_1080 = tpu.vector_load %arg12[%get3A_1078, %get3A_1079] {strides = array<i32>} : memref<128x128xf32, #tpu.memory_space<vmem>>, vector<16xf32>,
        %mul3A_1081 = vector.broadcast %squeeze3A_1033 : f32 to vector<16xf32>
        %mul3A_1082 = arith.mulf %get3A_1080, %mul3A_1081 : vector<16xf32>
        %swap3A_1083 = arith.index_cast %add3A_1037 : i32 to index
        %swap3A_1084 = arith.constant 80 : index
        %swap3A_1085 = tpu.vector_load %arg12[%swap3A_1083, %swap3A_1084] {strides = array<i32>} : memref<128x128xf32, #tpu.memory_space<vmem>>, vector<16xf32>,
        tpu.vector_store %arg12[%swap3A_1083, %swap3A_1084], %mul3A_1082 {strides = array<i32>} : memref<128x128xf32, #tpu.memory_space<vmem>>, vector<16xf32>,
        %get3A_1086 = arith.index_cast %add3A_1037 : i32 to index
        %get3A_1087 = arith.constant 96 : index
        %get3A_1088 = tpu.vector_load %arg12[%get3A_1086, %get3A_1087] {strides = array<i32>} : memref<128x128xf32, #tpu.memory_space<vmem>>, vector<16xf32>,
        %mul3A_1089 = vector.broadcast %squeeze3A_1033 : f32 to vector<16xf32>
        %mul3A_1090 = arith.mulf %get3A_1088, %mul3A_1089 : vector<16xf32>
        %swap3A_1091 = arith.index_cast %add3A_1037 : i32 to index
        %swap3A_1092 = arith.constant 96 : index
        %swap3A_1093 = tpu.vector_load %arg12[%swap3A_1091, %swap3A_1092] {strides = array<i32>} : memref<128x128xf32, #tpu.memory_space<vmem>>, vector<16xf32>,
        tpu.vector_store %arg12[%swap3A_1091, %swap3A_1092], %mul3A_1090 {strides = array<i32>} : memref<128x128xf32, #tpu.memory_space<vmem>>, vector<16xf32>,
        %get3A_1094 = arith.index_cast %add3A_1037 : i32 to index
        %get3A_1095 = arith.constant 112 : index
        %get3A_1096 = tpu.vector_load %arg12[%get3A_1094, %get3A_1095] {strides = array<i32>} : memref<128x128xf32, #tpu.memory_space<vmem>>, vector<16xf32>,
        %mul3A_1097 = vector.broadcast %squeeze3A_1033 : f32 to vector<16xf32>
        %mul3A_1098 = arith.mulf %get3A_1096, %mul3A_1097 : vector<16xf32>
        %swap3A_1099 = arith.index_cast %add3A_1037 : i32 to index
        %swap3A_1100 = arith.constant 112 : index
        %swap3A_1101 = tpu.vector_load %arg12[%swap3A_1099, %swap3A_1100] {strides = array<i32>} : memref<128x128xf32, #tpu.memory_space<vmem>>, vector<16xf32>,
        tpu.vector_store %arg12[%swap3A_1099, %swap3A_1100], %mul3A_1098 {strides = array<i32>} : memref<128x128xf32, #tpu.memory_space<vmem>>, vector<16xf32>,
        %slice3A_1102 = vector.extract_strided_slice %get3A_124 {offsets = [14], sizes = [1], strides = [1]} : vector<16xf32> to vector<1xf32>
        %squeeze3A_1103 = vector.extract %slice3A_1102[0] : f32 from vector<1xf32>
        %mul3A_1104 = arith.constant 16 : i32
        %mul3A_1105 = arith.muli %add3A_120, %mul3A_1104 : i32
        %add3A_1106 = arith.constant 14 : i32
        %add3A_1107 = arith.addi %mul3A_1105, %add3A_1106 : i32
        %get3A_1108 = arith.index_cast %add3A_1107 : i32 to index
        %get3A_1109 = arith.constant 0 : index
        %get3A_1110 = tpu.vector_load %arg12[%get3A_1108, %get3A_1109] {strides = array<i32>} : memref<128x128xf32, #tpu.memory_space<vmem>>, vector<16xf32>,
        %mul3A_1111 = vector.broadcast %squeeze3A_1103 : f32 to vector<16xf32>
        %mul3A_1112 = arith.mulf %get3A_1110, %mul3A_1111 : vector<16xf32>
        %swap3A_1113 = arith.index_cast %add3A_1107 : i32 to index
        %swap3A_1114 = arith.constant 0 : index
        %swap3A_1115 = tpu.vector_load %arg12[%swap3A_1113, %swap3A_1114] {strides = array<i32>} : memref<128x128xf32, #tpu.memory_space<vmem>>, vector<16xf32>,
        tpu.vector_store %arg12[%swap3A_1113, %swap3A_1114], %mul3A_1112 {strides = array<i32>} : memref<128x128xf32, #tpu.memory_space<vmem>>, vector<16xf32>,
        %get3A_1116 = arith.index_cast %add3A_1107 : i32 to index
        %get3A_1117 = arith.constant 16 : index
        %get3A_1118 = tpu.vector_load %arg12[%get3A_1116, %get3A_1117] {strides = array<i32>} : memref<128x128xf32, #tpu.memory_space<vmem>>, vector<16xf32>,
        %mul3A_1119 = vector.broadcast %squeeze3A_1103 : f32 to vector<16xf32>
        %mul3A_1120 = arith.mulf %get3A_1118, %mul3A_1119 : vector<16xf32>
        %swap3A_1121 = arith.index_cast %add3A_1107 : i32 to index
        %swap3A_1122 = arith.constant 16 : index
        %swap3A_1123 = tpu.vector_load %arg12[%swap3A_1121, %swap3A_1122] {strides = array<i32>} : memref<128x128xf32, #tpu.memory_space<vmem>>, vector<16xf32>,
        tpu.vector_store %arg12[%swap3A_1121, %swap3A_1122], %mul3A_1120 {strides = array<i32>} : memref<128x128xf32, #tpu.memory_space<vmem>>, vector<16xf32>,
        %get3A_1124 = arith.index_cast %add3A_1107 : i32 to index
        %get3A_1125 = arith.constant 32 : index
        %get3A_1126 = tpu.vector_load %arg12[%get3A_1124, %get3A_1125] {strides = array<i32>} : memref<128x128xf32, #tpu.memory_space<vmem>>, vector<16xf32>,
        %mul3A_1127 = vector.broadcast %squeeze3A_1103 : f32 to vector<16xf32>
        %mul3A_1128 = arith.mulf %get3A_1126, %mul3A_1127 : vector<16xf32>
        %swap3A_1129 = arith.index_cast %add3A_1107 : i32 to index
        %swap3A_1130 = arith.constant 32 : index
        %swap3A_1131 = tpu.vector_load %arg12[%swap3A_1129, %swap3A_1130] {strides = array<i32>} : memref<128x128xf32, #tpu.memory_space<vmem>>, vector<16xf32>,
        tpu.vector_store %arg12[%swap3A_1129, %swap3A_1130], %mul3A_1128 {strides = array<i32>} : memref<128x128xf32, #tpu.memory_space<vmem>>, vector<16xf32>,
        %get3A_1132 = arith.index_cast %add3A_1107 : i32 to index
        %get3A_1133 = arith.constant 48 : index
        %get3A_1134 = tpu.vector_load %arg12[%get3A_1132, %get3A_1133] {strides = array<i32>} : memref<128x128xf32, #tpu.memory_space<vmem>>, vector<16xf32>,
        %mul3A_1135 = vector.broadcast %squeeze3A_1103 : f32 to vector<16xf32>
        %mul3A_1136 = arith.mulf %get3A_1134, %mul3A_1135 : vector<16xf32>
        %swap3A_1137 = arith.index_cast %add3A_1107 : i32 to index
        %swap3A_1138 = arith.constant 48 : index
        %swap3A_1139 = tpu.vector_load %arg12[%swap3A_1137, %swap3A_1138] {strides = array<i32>} : memref<128x128xf32, #tpu.memory_space<vmem>>, vector<16xf32>,
        tpu.vector_store %arg12[%swap3A_1137, %swap3A_1138], %mul3A_1136 {strides = array<i32>} : memref<128x128xf32, #tpu.memory_space<vmem>>, vector<16xf32>,
        %get3A_1140 = arith.index_cast %add3A_1107 : i32 to index
        %get3A_1141 = arith.constant 64 : index
        %get3A_1142 = tpu.vector_load %arg12[%get3A_1140, %get3A_1141] {strides = array<i32>} : memref<128x128xf32, #tpu.memory_space<vmem>>, vector<16xf32>,
        %mul3A_1143 = vector.broadcast %squeeze3A_1103 : f32 to vector<16xf32>
        %mul3A_1144 = arith.mulf %get3A_1142, %mul3A_1143 : vector<16xf32>
        %swap3A_1145 = arith.index_cast %add3A_1107 : i32 to index
        %swap3A_1146 = arith.constant 64 : index
        %swap3A_1147 = tpu.vector_load %arg12[%swap3A_1145, %swap3A_1146] {strides = array<i32>} : memref<128x128xf32, #tpu.memory_space<vmem>>, vector<16xf32>,
        tpu.vector_store %arg12[%swap3A_1145, %swap3A_1146], %mul3A_1144 {strides = array<i32>} : memref<128x128xf32, #tpu.memory_space<vmem>>, vector<16xf32>,
        %get3A_1148 = arith.index_cast %add3A_1107 : i32 to index
        %get3A_1149 = arith.constant 80 : index
        %get3A_1150 = tpu.vector_load %arg12[%get3A_1148, %get3A_1149] {strides = array<i32>} : memref<128x128xf32, #tpu.memory_space<vmem>>, vector<16xf32>,
        %mul3A_1151 = vector.broadcast %squeeze3A_1103 : f32 to vector<16xf32>
        %mul3A_1152 = arith.mulf %get3A_1150, %mul3A_1151 : vector<16xf32>
        %swap3A_1153 = arith.index_cast %add3A_1107 : i32 to index
        %swap3A_1154 = arith.constant 80 : index
        %swap3A_1155 = tpu.vector_load %arg12[%swap3A_1153, %swap3A_1154] {strides = array<i32>} : memref<128x128xf32, #tpu.memory_space<vmem>>, vector<16xf32>,
        tpu.vector_store %arg12[%swap3A_1153, %swap3A_1154], %mul3A_1152 {strides = array<i32>} : memref<128x128xf32, #tpu.memory_space<vmem>>, vector<16xf32>,
        %get3A_1156 = arith.index_cast %add3A_1107 : i32 to index
        %get3A_1157 = arith.constant 96 : index
        %get3A_1158 = tpu.vector_load %arg12[%get3A_1156, %get3A_1157] {strides = array<i32>} : memref<128x128xf32, #tpu.memory_space<vmem>>, vector<16xf32>,
        %mul3A_1159 = vector.broadcast %squeeze3A_1103 : f32 to vector<16xf32>
        %mul3A_1160 = arith.mulf %get3A_1158, %mul3A_1159 : vector<16xf32>
        %swap3A_1161 = arith.index_cast %add3A_1107 : i32 to index
        %swap3A_1162 = arith.constant 96 : index
        %swap3A_1163 = tpu.vector_load %arg12[%swap3A_1161, %swap3A_1162] {strides = array<i32>} : memref<128x128xf32, #tpu.memory_space<vmem>>, vector<16xf32>,
        tpu.vector_store %arg12[%swap3A_1161, %swap3A_1162], %mul3A_1160 {strides = array<i32>} : memref<128x128xf32, #tpu.memory_space<vmem>>, vector<16xf32>,
        %get3A_1164 = arith.index_cast %add3A_1107 : i32 to index
        %get3A_1165 = arith.constant 112 : index
        %get3A_1166 = tpu.vector_load %arg12[%get3A_1164, %get3A_1165] {strides = array<i32>} : memref<128x128xf32, #tpu.memory_space<vmem>>, vector<16xf32>,
        %mul3A_1167 = vector.broadcast %squeeze3A_1103 : f32 to vector<16xf32>
        %mul3A_1168 = arith.mulf %get3A_1166, %mul3A_1167 : vector<16xf32>
        %swap3A_1169 = arith.index_cast %add3A_1107 : i32 to index
        %swap3A_1170 = arith.constant 112 : index
        %swap3A_1171 = tpu.vector_load %arg12[%swap3A_1169, %swap3A_1170] {strides = array<i32>} : memref<128x128xf32, #tpu.memory_space<vmem>>, vector<16xf32>,
        tpu.vector_store %arg12[%swap3A_1169, %swap3A_1170], %mul3A_1168 {strides = array<i32>} : memref<128x128xf32, #tpu.memory_space<vmem>>, vector<16xf32>,
        %slice3A_1172 = vector.extract_strided_slice %get3A_124 {offsets = [15], sizes = [1], strides = [1]} : vector<16xf32> to vector<1xf32>
        %squeeze3A_1173 = vector.extract %slice3A_1172[0] : f32 from vector<1xf32>
        %mul3A_1174 = arith.constant 16 : i32
        %mul3A_1175 = arith.muli %add3A_120, %mul3A_1174 : i32
        %add3A_1176 = arith.constant 15 : i32
        %add3A_1177 = arith.addi %mul3A_1175, %add3A_1176 : i32
        %get3A_1178 = arith.index_cast %add3A_1177 : i32 to index
        %get3A_1179 = arith.constant 0 : index
        %get3A_1180 = tpu.vector_load %arg12[%get3A_1178, %get3A_1179] {strides = array<i32>} : memref<128x128xf32, #tpu.memory_space<vmem>>, vector<16xf32>,
        %mul3A_1181 = vector.broadcast %squeeze3A_1173 : f32 to vector<16xf32>
        %mul3A_1182 = arith.mulf %get3A_1180, %mul3A_1181 : vector<16xf32>
        %swap3A_1183 = arith.index_cast %add3A_1177 : i32 to index
        %swap3A_1184 = arith.constant 0 : index
        %swap3A_1185 = tpu.vector_load %arg12[%swap3A_1183, %swap3A_1184] {strides = array<i32>} : memref<128x128xf32, #tpu.memory_space<vmem>>, vector<16xf32>,
        tpu.vector_store %arg12[%swap3A_1183, %swap3A_1184], %mul3A_1182 {strides = array<i32>} : memref<128x128xf32, #tpu.memory_space<vmem>>, vector<16xf32>,
        %get3A_1186 = arith.index_cast %add3A_1177 : i32 to index
        %get3A_1187 = arith.constant 16 : index
        %get3A_1188 = tpu.vector_load %arg12[%get3A_1186, %get3A_1187] {strides = array<i32>} : memref<128x128xf32, #tpu.memory_space<vmem>>, vector<16xf32>,
        %mul3A_1189 = vector.broadcast %squeeze3A_1173 : f32 to vector<16xf32>
        %mul3A_1190 = arith.mulf %get3A_1188, %mul3A_1189 : vector<16xf32>
        %swap3A_1191 = arith.index_cast %add3A_1177 : i32 to index
        %swap3A_1192 = arith.constant 16 : index
        %swap3A_1193 = tpu.vector_load %arg12[%swap3A_1191, %swap3A_1192] {strides = array<i32>} : memref<128x128xf32, #tpu.memory_space<vmem>>, vector<16xf32>,
        tpu.vector_store %arg12[%swap3A_1191, %swap3A_1192], %mul3A_1190 {strides = array<i32>} : memref<128x128xf32, #tpu.memory_space<vmem>>, vector<16xf32>,
        %get3A_1194 = arith.index_cast %add3A_1177 : i32 to index
        %get3A_1195 = arith.constant 32 : index
        %get3A_1196 = tpu.vector_load %arg12[%get3A_1194, %get3A_1195] {strides = array<i32>} : memref<128x128xf32, #tpu.memory_space<vmem>>, vector<16xf32>,
        %mul3A_1197 = vector.broadcast %squeeze3A_1173 : f32 to vector<16xf32>
        %mul3A_1198 = arith.mulf %get3A_1196, %mul3A_1197 : vector<16xf32>
        %swap3A_1199 = arith.index_cast %add3A_1177 : i32 to index
        %swap3A_1200 = arith.constant 32 : index
        %swap3A_1201 = tpu.vector_load %arg12[%swap3A_1199, %swap3A_1200] {strides = array<i32>} : memref<128x128xf32, #tpu.memory_space<vmem>>, vector<16xf32>,
        tpu.vector_store %arg12[%swap3A_1199, %swap3A_1200], %mul3A_1198 {strides = array<i32>} : memref<128x128xf32, #tpu.memory_space<vmem>>, vector<16xf32>,
        %get3A_1202 = arith.index_cast %add3A_1177 : i32 to index
        %get3A_1203 = arith.constant 48 : index
        %get3A_1204 = tpu.vector_load %arg12[%get3A_1202, %get3A_1203] {strides = array<i32>} : memref<128x128xf32, #tpu.memory_space<vmem>>, vector<16xf32>,
        %mul3A_1205 = vector.broadcast %squeeze3A_1173 : f32 to vector<16xf32>
        %mul3A_1206 = arith.mulf %get3A_1204, %mul3A_1205 : vector<16xf32>
        %swap3A_1207 = arith.index_cast %add3A_1177 : i32 to index
        %swap3A_1208 = arith.constant 48 : index
        %swap3A_1209 = tpu.vector_load %arg12[%swap3A_1207, %swap3A_1208] {strides = array<i32>} : memref<128x128xf32, #tpu.memory_space<vmem>>, vector<16xf32>,
        tpu.vector_store %arg12[%swap3A_1207, %swap3A_1208], %mul3A_1206 {strides = array<i32>} : memref<128x128xf32, #tpu.memory_space<vmem>>, vector<16xf32>,
        %get3A_1210 = arith.index_cast %add3A_1177 : i32 to index
        %get3A_1211 = arith.constant 64 : index
        %get3A_1212 = tpu.vector_load %arg12[%get3A_1210, %get3A_1211] {strides = array<i32>} : memref<128x128xf32, #tpu.memory_space<vmem>>, vector<16xf32>,
        %mul3A_1213 = vector.broadcast %squeeze3A_1173 : f32 to vector<16xf32>
        %mul3A_1214 = arith.mulf %get3A_1212, %mul3A_1213 : vector<16xf32>
        %swap3A_1215 = arith.index_cast %add3A_1177 : i32 to index
        %swap3A_1216 = arith.constant 64 : index
        %swap3A_1217 = tpu.vector_load %arg12[%swap3A_1215, %swap3A_1216] {strides = array<i32>} : memref<128x128xf32, #tpu.memory_space<vmem>>, vector<16xf32>,
        tpu.vector_store %arg12[%swap3A_1215, %swap3A_1216], %mul3A_1214 {strides = array<i32>} : memref<128x128xf32, #tpu.memory_space<vmem>>, vector<16xf32>,
        %get3A_1218 = arith.index_cast %add3A_1177 : i32 to index
        %get3A_1219 = arith.constant 80 : index
        %get3A_1220 = tpu.vector_load %arg12[%get3A_1218, %get3A_1219] {strides = array<i32>} : memref<128x128xf32, #tpu.memory_space<vmem>>, vector<16xf32>,
        %mul3A_1221 = vector.broadcast %squeeze3A_1173 : f32 to vector<16xf32>
        %mul3A_1222 = arith.mulf %get3A_1220, %mul3A_1221 : vector<16xf32>
        %swap3A_1223 = arith.index_cast %add3A_1177 : i32 to index
        %swap3A_1224 = arith.constant 80 : index
        %swap3A_1225 = tpu.vector_load %arg12[%swap3A_1223, %swap3A_1224] {strides = array<i32>} : memref<128x128xf32, #tpu.memory_space<vmem>>, vector<16xf32>,
        tpu.vector_store %arg12[%swap3A_1223, %swap3A_1224], %mul3A_1222 {strides = array<i32>} : memref<128x128xf32, #tpu.memory_space<vmem>>, vector<16xf32>,
        %get3A_1226 = arith.index_cast %add3A_1177 : i32 to index
        %get3A_1227 = arith.constant 96 : index
        %get3A_1228 = tpu.vector_load %arg12[%get3A_1226, %get3A_1227] {strides = array<i32>} : memref<128x128xf32, #tpu.memory_space<vmem>>, vector<16xf32>,
        %mul3A_1229 = vector.broadcast %squeeze3A_1173 : f32 to vector<16xf32>
        %mul3A_1230 = arith.mulf %get3A_1228, %mul3A_1229 : vector<16xf32>
        %swap3A_1231 = arith.index_cast %add3A_1177 : i32 to index
        %swap3A_1232 = arith.constant 96 : index
        %swap3A_1233 = tpu.vector_load %arg12[%swap3A_1231, %swap3A_1232] {strides = array<i32>} : memref<128x128xf32, #tpu.memory_space<vmem>>, vector<16xf32>,
        tpu.vector_store %arg12[%swap3A_1231, %swap3A_1232], %mul3A_1230 {strides = array<i32>} : memref<128x128xf32, #tpu.memory_space<vmem>>, vector<16xf32>,
        %get3A_1234 = arith.index_cast %add3A_1177 : i32 to index
        %get3A_1235 = arith.constant 112 : index
        %get3A_1236 = tpu.vector_load %arg12[%get3A_1234, %get3A_1235] {strides = array<i32>} : memref<128x128xf32, #tpu.memory_space<vmem>>, vector<16xf32>,
        %mul3A_1237 = vector.broadcast %squeeze3A_1173 : f32 to vector<16xf32>
        %mul3A_1238 = arith.mulf %get3A_1236, %mul3A_1237 : vector<16xf32>
        %swap3A_1239 = arith.index_cast %add3A_1177 : i32 to index
        %swap3A_1240 = arith.constant 112 : index
        %swap3A_1241 = tpu.vector_load %arg12[%swap3A_1239, %swap3A_1240] {strides = array<i32>} : memref<128x128xf32, #tpu.memory_space<vmem>>, vector<16xf32>,
        tpu.vector_store %arg12[%swap3A_1239, %swap3A_1240], %mul3A_1238 {strides = array<i32>} : memref<128x128xf32, #tpu.memory_space<vmem>>, vector<16xf32>,
      }
      %scan3A_115 = arith.constant 8 : i32
      "tpu.region"() ({
        %run_scoped3A = tpu.sem_alloc : memref<!tpu.dma_semaphore, #tpu.memory_space<semaphore_mem>>
        %dma_start3A_116 = arith.constant 0 : i32
        %dma_start3A_117 = tpu.memref_slice %arg9[%add3A_98, %dma_start3A_116] : memref<80x128xi32, #tpu.memory_space<vmem>> -> memref<1x128xi32, #tpu.memory_space<vmem>>
        %dma_start3A_118 = tpu.memref_squeeze %dma_start3A_117 : memref<1x128xi32, #tpu.memory_space<vmem>> -> memref<128xi32, #tpu.memory_space<vmem>>
        %dma_start3A_119 = arith.constant 0 : i32
        %dma_start3A_120 = arith.constant 0 : i32
        %dma_start3A_121 = tpu.memref_slice %arg13[%dma_start3A_119, %dma_start3A_120] : memref<10240x128xf32, #tpu.memory_space<vmem_shared>> -> memref<10240x128xf32, #tpu.memory_space<vmem_shared>>
        tpu.enqueue_indirect_dma source(%arg12 : memref<128x128xf32, #tpu.memory_space<vmem>>) target(%dma_start3A_121 : memref<10240x128xf32, #tpu.memory_space<vmem_shared>>) offsets(%dma_start3A_118 : memref<128xi32, #tpu.memory_space<vmem>>) semaphore(%run_scoped3A : memref<!tpu.dma_semaphore, #tpu.memory_space<semaphore_mem>>) {add = true}
        %dma_wait3A_122 = arith.constant 0 : i32
        %dma_wait3A_123 = tpu.memref_slice %arg9[%add3A_98, %dma_wait3A_122] : memref<80x128xi32, #tpu.memory_space<vmem>> -> memref<1x128xi32, #tpu.memory_space<vmem>>
        %dma_wait3A_124 = tpu.memref_squeeze %dma_wait3A_123 : memref<1x128xi32, #tpu.memory_space<vmem>> -> memref<128xi32, #tpu.memory_space<vmem>>
        %dma_wait3A_125 = arith.constant 0 : i32
        %dma_wait3A_126 = arith.constant 0 : i32
        %dma_wait3A_127 = tpu.memref_slice %arg13[%dma_wait3A_125, %dma_wait3A_126] : memref<10240x128xf32, #tpu.memory_space<vmem_shared>> -> memref<10240x128xf32, #tpu.memory_space<vmem_shared>>
        tpu.wait_indirect_dma semaphore(%run_scoped3A : memref<!tpu.dma_semaphore, #tpu.memory_space<semaphore_mem>>) src(%arg12 : memref<128x128xf32, #tpu.memory_space<vmem>>) dst(%dma_wait3A_127 : memref<10240x128xf32, #tpu.memory_space<vmem_shared>>)
        tpu.yield
      }) : () -> ()
    }
    %scan3A_87 = arith.constant 80 : i32
    %barrier3A_88 = arith.constant 0 : index
    tpu.barrier barrier_id(%barrier3A_88)
    %scan3A_89 = arith.constant 0 : i32
    %scan3A_90 = arith.constant 5 : i32
    %scan3A_91 = arith.addi %scan3A_89, %scan3A_90 : i32
    %scan3A_92 = arith.constant 1 : i32
    scf.for %scan3A_94 = %scan3A_89 to %scan3A_91 step %scan3A_92  : i32 {
      %mul3A_95 = arith.constant 1 : i32
      %mul3A_96 = arith.muli %scan3A_94, %mul3A_95 : i32
      %add3A_97 = arith.constant 0 : i32
      %add3A_98 = arith.addi %add3A_97, %mul3A_96 : i32
      %mul3A_99 = arith.constant 640 : i32
      %mul3A_100 = arith.muli %arg1, %mul3A_99 : i32
      %mul3A_101 = arith.constant 128 : i32
      %mul3A_102 = arith.muli %add3A_98, %mul3A_101 : i32
      %add3A_103 = arith.addi %mul3A_100, %mul3A_102 : i32
      %eq3A = arith.constant 0 : i32
      %eq3A_104 = arith.cmpi eq, %arg0, %eq3A : i32
      %convert_element_type3A = arith.extui %eq3A_104 : i1 to i32
      %cond3A = arith.constant 0 : i32
      %cond3A_105 = arith.cmpi ne, %convert_element_type3A, %cond3A : i32
      scf.if %cond3A_105 {
        "tpu.region"() ({
          %run_scoped3A = tpu.sem_alloc : memref<!tpu.dma_semaphore, #tpu.memory_space<semaphore_mem>>
          %dma_start3A_111 = arith.constant 0 : i32
          %dma_start3A_112 = tpu.memref_slice %arg6[%add3A_103, %dma_start3A_111] : memref<10240x128xf32, #tpu.memory_space<hbm>> -> memref<128x128xf32, #tpu.memory_space<hbm>>
          %dma_start3A_113 = arith.constant 0 : i32
          %dma_start3A_114 = tpu.memref_slice %arg13[%add3A_103, %dma_start3A_113] : memref<10240x128xf32, #tpu.memory_space<vmem_shared>> -> memref<128x128xf32, #tpu.memory_space<vmem_shared>>
          tpu.enqueue_dma source(%dma_start3A_114 : memref<128x128xf32, #tpu.memory_space<vmem_shared>>) target(%dma_start3A_112 : memref<128x128xf32, #tpu.memory_space<hbm>>) target_semaphore(%run_scoped3A : memref<!tpu.dma_semaphore, #tpu.memory_space<semaphore_mem>>)
          %dma_wait3A_115 = arith.constant 0 : i32
          %dma_wait3A_116 = tpu.memref_slice %arg6[%add3A_103, %dma_wait3A_115] : memref<10240x128xf32, #tpu.memory_space<hbm>> -> memref<128x128xf32, #tpu.memory_space<hbm>>
          %dma_wait3A_117 = arith.constant 0 : i32
          %dma_wait3A_118 = tpu.memref_slice %arg13[%add3A_103, %dma_wait3A_117] : memref<10240x128xf32, #tpu.memory_space<vmem_shared>> -> memref<128x128xf32, #tpu.memory_space<vmem_shared>>
          tpu.wait_dma2 semaphore(%run_scoped3A : memref<!tpu.dma_semaphore, #tpu.memory_space<semaphore_mem>>) src(%dma_wait3A_118 : memref<128x128xf32, #tpu.memory_space<vmem_shared>>) dst(%dma_wait3A_116 : memref<128x128xf32, #tpu.memory_space<hbm>>)
          tpu.yield
        }) : () -> ()
      } else {
      }
      %eq3A_106 = arith.constant 1 : i32
      %eq3A_107 = arith.cmpi eq, %arg0, %eq3A_106 : i32
      %convert_element_type3A_108 = arith.extui %eq3A_107 : i1 to i32
      %cond3A_109 = arith.constant 0 : i32
      %cond3A_110 = arith.cmpi ne, %convert_element_type3A_108, %cond3A_109 : i32
      scf.if %cond3A_110 {
        "tpu.region"() ({
          %run_scoped3A = tpu.sem_alloc : memref<!tpu.dma_semaphore, #tpu.memory_space<semaphore_mem>>
          %dma_start3A_111 = arith.constant 0 : i32
          %dma_start3A_112 = tpu.memref_slice %arg7[%add3A_103, %dma_start3A_111] : memref<10240x128xf32, #tpu.memory_space<hbm>> -> memref<128x128xf32, #tpu.memory_space<hbm>>
          %dma_start3A_113 = arith.constant 0 : i32
          %dma_start3A_114 = tpu.memref_slice %arg13[%add3A_103, %dma_start3A_113] : memref<10240x128xf32, #tpu.memory_space<vmem_shared>> -> memref<128x128xf32, #tpu.memory_space<vmem_shared>>
          tpu.enqueue_dma source(%dma_start3A_114 : memref<128x128xf32, #tpu.memory_space<vmem_shared>>) target(%dma_start3A_112 : memref<128x128xf32, #tpu.memory_space<hbm>>) target_semaphore(%run_scoped3A : memref<!tpu.dma_semaphore, #tpu.memory_space<semaphore_mem>>)
          %dma_wait3A_115 = arith.constant 0 : i32
          %dma_wait3A_116 = tpu.memref_slice %arg7[%add3A_103, %dma_wait3A_115] : memref<10240x128xf32, #tpu.memory_space<hbm>> -> memref<128x128xf32, #tpu.memory_space<hbm>>
          %dma_wait3A_117 = arith.constant 0 : i32
          %dma_wait3A_118 = tpu.memref_slice %arg13[%add3A_103, %dma_wait3A_117] : memref<10240x128xf32, #tpu.memory_space<vmem_shared>> -> memref<128x128xf32, #tpu.memory_space<vmem_shared>>
          tpu.wait_dma2 semaphore(%run_scoped3A : memref<!tpu.dma_semaphore, #tpu.memory_space<semaphore_mem>>) src(%dma_wait3A_118 : memref<128x128xf32, #tpu.memory_space<vmem_shared>>) dst(%dma_wait3A_116 : memref<128x128xf32, #tpu.memory_space<hbm>>)
          tpu.yield
        }) : () -> ()
      } else {
      }
    }
    %scan3A_93 = arith.constant 5 : i32
    return
  }
}

#map = affine_map<(d0, d1) -> (0, 0, 0)>
#map1 = affine_map<(d0, d1) -> (0)>
module attributes {stable_mosaic.version = 14 : i64} {
  func.func @deg_kernel(%arg0: i32, %arg1: i32, %arg2: memref<32x250x80xi32, #tpu.memory_space<hbm>>, %arg3: memref<10240xf32, #tpu.memory_space<hbm>>, %arg4: memref<10240xf32, #tpu.memory_space<hbm>>, %arg5: memref<250x80xi32, #tpu.memory_space<vmem>>, %arg6: memref<80xf32, #tpu.memory_space<vmem>>, %arg7: memref<640xf32, #tpu.memory_space<vmem>>, %arg8: memref<10240xf32, #tpu.memory_space<vmem_shared>>) attributes {dimension_semantics = [#tpu.dimension_semantics<core_parallel>, #tpu.dimension_semantics<subcore_parallel>], iteration_bounds = array<i64: 2, 16>, scalar_prefetch = 0 : i64, scratch_operands = 4 : i64, tpu.core_type = #tpu.core_type<sc_vector_subcore>, window_params = [{transform_indices = #map}, {transform_indices = #map1}, {transform_indices = #map1}]} {
    %mul3A = arith.constant 16 : i32
    %mul3A_0 = arith.muli %arg0, %mul3A : i32
    %add3A = arith.addi %mul3A_0, %arg1 : i32
    %scan3A = arith.constant 0 : i32
    %scan3A_1 = arith.constant 40 : i32
    %scan3A_2 = arith.addi %scan3A, %scan3A_1 : i32
    %scan3A_3 = arith.constant 1 : i32
    scf.for %scan3A_25 = %scan3A to %scan3A_2 step %scan3A_3  : i32 {
      %mul3A_26 = arith.constant 1 : i32
      %mul3A_27 = arith.muli %scan3A_25, %mul3A_26 : i32
      %add3A_28 = arith.constant 0 : i32
      %add3A_29 = arith.addi %add3A_28, %mul3A_27 : i32
      %broadcast_in_dim3A = arith.constant 0.000000e+00 : f32
      %broadcast_in_dim3A_30 = vector.broadcast %broadcast_in_dim3A : f32 to vector<16xf32>
      %mul3A_31 = arith.constant 16 : i32
      %mul3A_32 = arith.muli %add3A_29, %mul3A_31 : i32
      %swap3A = arith.index_cast %mul3A_32 : i32 to index
      %swap3A_33 = tpu.vector_load %arg7[%swap3A] {strides = array<i32>} : memref<640xf32, #tpu.memory_space<vmem>>, vector<16xf32>,
      tpu.vector_store %arg7[%swap3A], %broadcast_in_dim3A_30 {strides = array<i32>} : memref<640xf32, #tpu.memory_space<vmem>>, vector<16xf32>,
    }
    %scan3A_4 = arith.constant 40 : i32
    %scan3A_5 = arith.constant 0 : i32
    %scan3A_6 = arith.constant 5 : i32
    %scan3A_7 = arith.addi %scan3A_5, %scan3A_6 : i32
    %scan3A_8 = arith.constant 1 : i32
    scf.for %scan3A_25 = %scan3A_5 to %scan3A_7 step %scan3A_8  : i32 {
      %mul3A_26 = arith.constant 1 : i32
      %mul3A_27 = arith.muli %scan3A_25, %mul3A_26 : i32
      %add3A_28 = arith.constant 0 : i32
      %add3A_29 = arith.addi %add3A_28, %mul3A_27 : i32
      %broadcast_in_dim3A = arith.constant 1.000000e+00 : f32
      %broadcast_in_dim3A_30 = vector.broadcast %broadcast_in_dim3A : f32 to vector<16xf32>
      %mul3A_31 = arith.constant 16 : i32
      %mul3A_32 = arith.muli %add3A_29, %mul3A_31 : i32
      %swap3A = arith.index_cast %mul3A_32 : i32 to index
      %swap3A_33 = tpu.vector_load %arg6[%swap3A] {strides = array<i32>} : memref<80xf32, #tpu.memory_space<vmem>>, vector<16xf32>,
      tpu.vector_store %arg6[%swap3A], %broadcast_in_dim3A_30 {strides = array<i32>} : memref<80xf32, #tpu.memory_space<vmem>>, vector<16xf32>,
    }
    %scan3A_9 = arith.constant 5 : i32
    %mul3A_10 = arith.constant 640 : i32
    %mul3A_11 = arith.muli %arg1, %mul3A_10 : i32
    "tpu.region"() ({
      %run_scoped3A = tpu.sem_alloc : memref<!tpu.dma_semaphore, #tpu.memory_space<semaphore_mem>>
      %dma_start3A = tpu.memref_slice %arg8[%mul3A_11] : memref<10240xf32, #tpu.memory_space<vmem_shared>> -> memref<640xf32, #tpu.memory_space<vmem_shared>>
      %dma_start3A_25 = tpu.memref_slice %arg8[%mul3A_11] : memref<10240xf32, #tpu.memory_space<vmem_shared>> -> memref<640xf32, #tpu.memory_space<vmem_shared>>
      tpu.enqueue_dma source(%arg7 : memref<640xf32, #tpu.memory_space<vmem>>) target(%dma_start3A_25 : memref<640xf32, #tpu.memory_space<vmem_shared>>) target_semaphore(%run_scoped3A : memref<!tpu.dma_semaphore, #tpu.memory_space<semaphore_mem>>)
      %dma_wait3A = tpu.memref_slice %arg8[%mul3A_11] : memref<10240xf32, #tpu.memory_space<vmem_shared>> -> memref<640xf32, #tpu.memory_space<vmem_shared>>
      %dma_wait3A_26 = tpu.memref_slice %arg8[%mul3A_11] : memref<10240xf32, #tpu.memory_space<vmem_shared>> -> memref<640xf32, #tpu.memory_space<vmem_shared>>
      tpu.wait_dma2 semaphore(%run_scoped3A : memref<!tpu.dma_semaphore, #tpu.memory_space<semaphore_mem>>) src(%arg7 : memref<640xf32, #tpu.memory_space<vmem>>) dst(%dma_wait3A_26 : memref<640xf32, #tpu.memory_space<vmem_shared>>)
      tpu.yield
    }) : () -> ()
    "tpu.region"() ({
      %run_scoped3A = tpu.sem_alloc : memref<!tpu.dma_semaphore, #tpu.memory_space<semaphore_mem>>
      %dma_start3A = arith.constant 0 : i32
      %dma_start3A_25 = arith.constant 0 : i32
      %dma_start3A_26 = tpu.memref_slice %arg2[%add3A, %dma_start3A, %dma_start3A_25] : memref<32x250x80xi32, #tpu.memory_space<hbm>> -> memref<1x250x80xi32, #tpu.memory_space<hbm>>
      %dma_start3A_27 = tpu.memref_squeeze %dma_start3A_26 : memref<1x250x80xi32, #tpu.memory_space<hbm>> -> memref<250x80xi32, #tpu.memory_space<hbm>>
      %dma_start3A_28 = arith.constant 0 : i32
      %dma_start3A_29 = arith.constant 0 : i32
      %dma_start3A_30 = tpu.memref_slice %arg2[%add3A, %dma_start3A_28, %dma_start3A_29] : memref<32x250x80xi32, #tpu.memory_space<hbm>> -> memref<1x250x80xi32, #tpu.memory_space<hbm>>
      %dma_start3A_31 = tpu.memref_squeeze %dma_start3A_30 : memref<1x250x80xi32, #tpu.memory_space<hbm>> -> memref<250x80xi32, #tpu.memory_space<hbm>>
      tpu.enqueue_dma source(%dma_start3A_31 : memref<250x80xi32, #tpu.memory_space<hbm>>) target(%arg5 : memref<250x80xi32, #tpu.memory_space<vmem>>) target_semaphore(%run_scoped3A : memref<!tpu.dma_semaphore, #tpu.memory_space<semaphore_mem>>)
      %dma_wait3A = arith.constant 0 : i32
      %dma_wait3A_32 = arith.constant 0 : i32
      %dma_wait3A_33 = tpu.memref_slice %arg2[%add3A, %dma_wait3A, %dma_wait3A_32] : memref<32x250x80xi32, #tpu.memory_space<hbm>> -> memref<1x250x80xi32, #tpu.memory_space<hbm>>
      %dma_wait3A_34 = tpu.memref_squeeze %dma_wait3A_33 : memref<1x250x80xi32, #tpu.memory_space<hbm>> -> memref<250x80xi32, #tpu.memory_space<hbm>>
      %dma_wait3A_35 = arith.constant 0 : i32
      %dma_wait3A_36 = arith.constant 0 : i32
      %dma_wait3A_37 = tpu.memref_slice %arg2[%add3A, %dma_wait3A_35, %dma_wait3A_36] : memref<32x250x80xi32, #tpu.memory_space<hbm>> -> memref<1x250x80xi32, #tpu.memory_space<hbm>>
      %dma_wait3A_38 = tpu.memref_squeeze %dma_wait3A_37 : memref<1x250x80xi32, #tpu.memory_space<hbm>> -> memref<250x80xi32, #tpu.memory_space<hbm>>
      tpu.wait_dma2 semaphore(%run_scoped3A : memref<!tpu.dma_semaphore, #tpu.memory_space<semaphore_mem>>) src(%dma_wait3A_38 : memref<250x80xi32, #tpu.memory_space<hbm>>) dst(%arg5 : memref<250x80xi32, #tpu.memory_space<vmem>>)
      tpu.yield
    }) : () -> ()
    %barrier3A = arith.constant 0 : index
    tpu.barrier barrier_id(%barrier3A)
    %scan3A_12 = arith.constant 0 : i32
    %scan3A_13 = arith.constant 250 : i32
    %scan3A_14 = arith.addi %scan3A_12, %scan3A_13 : i32
    %scan3A_15 = arith.constant 1 : i32
    scf.for %scan3A_25 = %scan3A_12 to %scan3A_14 step %scan3A_15  : i32 {
      %mul3A_26 = arith.constant 1 : i32
      %mul3A_27 = arith.muli %scan3A_25, %mul3A_26 : i32
      %add3A_28 = arith.constant 0 : i32
      %add3A_29 = arith.addi %add3A_28, %mul3A_27 : i32
      "tpu.region"() ({
        %run_scoped3A = tpu.sem_alloc : memref<!tpu.dma_semaphore, #tpu.memory_space<semaphore_mem>>
        %dma_start3A = arith.constant 0 : i32
        %dma_start3A_30 = tpu.memref_slice %arg5[%add3A_29, %dma_start3A] : memref<250x80xi32, #tpu.memory_space<vmem>> -> memref<1x80xi32, #tpu.memory_space<vmem>>
        %dma_start3A_31 = tpu.memref_squeeze %dma_start3A_30 : memref<1x80xi32, #tpu.memory_space<vmem>> -> memref<80xi32, #tpu.memory_space<vmem>>
        %dma_start3A_32 = arith.constant 0 : i32
        %dma_start3A_33 = tpu.memref_slice %arg8[%dma_start3A_32] : memref<10240xf32, #tpu.memory_space<vmem_shared>> -> memref<10240xf32, #tpu.memory_space<vmem_shared>>
        tpu.enqueue_indirect_dma source(%arg6 : memref<80xf32, #tpu.memory_space<vmem>>) target(%dma_start3A_33 : memref<10240xf32, #tpu.memory_space<vmem_shared>>) offsets(%dma_start3A_31 : memref<80xi32, #tpu.memory_space<vmem>>) semaphore(%run_scoped3A : memref<!tpu.dma_semaphore, #tpu.memory_space<semaphore_mem>>) {add = true}
        %dma_wait3A = arith.constant 0 : i32
        %dma_wait3A_34 = tpu.memref_slice %arg5[%add3A_29, %dma_wait3A] : memref<250x80xi32, #tpu.memory_space<vmem>> -> memref<1x80xi32, #tpu.memory_space<vmem>>
        %dma_wait3A_35 = tpu.memref_squeeze %dma_wait3A_34 : memref<1x80xi32, #tpu.memory_space<vmem>> -> memref<80xi32, #tpu.memory_space<vmem>>
        %dma_wait3A_36 = arith.constant 0 : i32
        %dma_wait3A_37 = tpu.memref_slice %arg8[%dma_wait3A_36] : memref<10240xf32, #tpu.memory_space<vmem_shared>> -> memref<10240xf32, #tpu.memory_space<vmem_shared>>
        tpu.wait_indirect_dma semaphore(%run_scoped3A : memref<!tpu.dma_semaphore, #tpu.memory_space<semaphore_mem>>) src(%arg6 : memref<80xf32, #tpu.memory_space<vmem>>) dst(%dma_wait3A_37 : memref<10240xf32, #tpu.memory_space<vmem_shared>>)
        tpu.yield
      }) : () -> ()
    }
    %scan3A_16 = arith.constant 250 : i32
    %barrier3A_17 = arith.constant 0 : index
    tpu.barrier barrier_id(%barrier3A_17)
    %eq3A = arith.constant 0 : i32
    %eq3A_18 = arith.cmpi eq, %arg0, %eq3A : i32
    %convert_element_type3A = arith.extui %eq3A_18 : i1 to i32
    %cond3A = arith.constant 0 : i32
    %cond3A_19 = arith.cmpi ne, %convert_element_type3A, %cond3A : i32
    scf.if %cond3A_19 {
      %mul3A_25 = arith.constant 640 : i32
      %mul3A_26 = arith.muli %arg1, %mul3A_25 : i32
      %mul3A_27 = arith.constant 640 : i32
      %mul3A_28 = arith.muli %arg1, %mul3A_27 : i32
      "tpu.region"() ({
        %run_scoped3A = tpu.sem_alloc : memref<!tpu.dma_semaphore, #tpu.memory_space<semaphore_mem>>
        %dma_start3A = tpu.memref_slice %arg3[%mul3A_28] : memref<10240xf32, #tpu.memory_space<hbm>> -> memref<640xf32, #tpu.memory_space<hbm>>
        %dma_start3A_29 = tpu.memref_slice %arg8[%mul3A_26] : memref<10240xf32, #tpu.memory_space<vmem_shared>> -> memref<640xf32, #tpu.memory_space<vmem_shared>>
        tpu.enqueue_dma source(%dma_start3A_29 : memref<640xf32, #tpu.memory_space<vmem_shared>>) target(%dma_start3A : memref<640xf32, #tpu.memory_space<hbm>>) target_semaphore(%run_scoped3A : memref<!tpu.dma_semaphore, #tpu.memory_space<semaphore_mem>>)
        %dma_wait3A = tpu.memref_slice %arg3[%mul3A_28] : memref<10240xf32, #tpu.memory_space<hbm>> -> memref<640xf32, #tpu.memory_space<hbm>>
        %dma_wait3A_30 = tpu.memref_slice %arg8[%mul3A_26] : memref<10240xf32, #tpu.memory_space<vmem_shared>> -> memref<640xf32, #tpu.memory_space<vmem_shared>>
        tpu.wait_dma2 semaphore(%run_scoped3A : memref<!tpu.dma_semaphore, #tpu.memory_space<semaphore_mem>>) src(%dma_wait3A_30 : memref<640xf32, #tpu.memory_space<vmem_shared>>) dst(%dma_wait3A : memref<640xf32, #tpu.memory_space<hbm>>)
        tpu.yield
      }) : () -> ()
    } else {
    }
    %eq3A_20 = arith.constant 1 : i32
    %eq3A_21 = arith.cmpi eq, %arg0, %eq3A_20 : i32
    %convert_element_type3A_22 = arith.extui %eq3A_21 : i1 to i32
    %cond3A_23 = arith.constant 0 : i32
    %cond3A_24 = arith.cmpi ne, %convert_element_type3A_22, %cond3A_23 : i32
    scf.if %cond3A_24 {
      %mul3A_25 = arith.constant 640 : i32
      %mul3A_26 = arith.muli %arg1, %mul3A_25 : i32
      %mul3A_27 = arith.constant 640 : i32
      %mul3A_28 = arith.muli %arg1, %mul3A_27 : i32
      "tpu.region"() ({
        %run_scoped3A = tpu.sem_alloc : memref<!tpu.dma_semaphore, #tpu.memory_space<semaphore_mem>>
        %dma_start3A = tpu.memref_slice %arg4[%mul3A_28] : memref<10240xf32, #tpu.memory_space<hbm>> -> memref<640xf32, #tpu.memory_space<hbm>>
        %dma_start3A_29 = tpu.memref_slice %arg8[%mul3A_26] : memref<10240xf32, #tpu.memory_space<vmem_shared>> -> memref<640xf32, #tpu.memory_space<vmem_shared>>
        tpu.enqueue_dma source(%dma_start3A_29 : memref<640xf32, #tpu.memory_space<vmem_shared>>) target(%dma_start3A : memref<640xf32, #tpu.memory_space<hbm>>) target_semaphore(%run_scoped3A : memref<!tpu.dma_semaphore, #tpu.memory_space<semaphore_mem>>)
        %dma_wait3A = tpu.memref_slice %arg4[%mul3A_28] : memref<10240xf32, #tpu.memory_space<hbm>> -> memref<640xf32, #tpu.memory_space<hbm>>
        %dma_wait3A_30 = tpu.memref_slice %arg8[%mul3A_26] : memref<10240xf32, #tpu.memory_space<vmem_shared>> -> memref<640xf32, #tpu.memory_space<vmem_shared>>
        tpu.wait_dma2 semaphore(%run_scoped3A : memref<!tpu.dma_semaphore, #tpu.memory_space<semaphore_mem>>) src(%dma_wait3A_30 : memref<640xf32, #tpu.memory_space<vmem_shared>>) dst(%dma_wait3A : memref<640xf32, #tpu.memory_space<hbm>>)
        tpu.yield
      }) : () -> ()
    } else {
    }
    return
  }
}

#map = affine_map<(d0, d1) -> (0, 0)>
#map1 = affine_map<(d0, d1) -> (0, 0, 0, 0)>
module attributes {stable_mosaic.version = 14 : i64} {
  func.func @agg_kernel(%arg0: i32, %arg1: i32, %arg2: memref<10000x128xf32, #tpu.memory_space<hbm>>, %arg3: memref<32x16x5x128xi32, #tpu.memory_space<hbm>>, %arg4: memref<32x16x5x128xi32, #tpu.memory_space<hbm>>, %arg5: memref<32x16x5x128xf32, #tpu.memory_space<hbm>>, %arg6: memref<10240x128xf32, #tpu.memory_space<hbm>>, %arg7: memref<10240x128xf32, #tpu.memory_space<hbm>>, %arg8: memref<80x128xi32, #tpu.memory_space<vmem>>, %arg9: memref<80x128xi32, #tpu.memory_space<vmem>>, %arg10: memref<80x128xf32, #tpu.memory_space<vmem>>, %arg11: memref<5x128xi32, #tpu.memory_space<vmem>>, %arg12: memref<128x128xf32, #tpu.memory_space<vmem>>, %arg13: memref<10240x128xf32, #tpu.memory_space<vmem_shared>>, %arg14: memref<!tpu.dma_semaphore, #tpu.memory_space<semaphore_mem>>) attributes {dimension_semantics = [#tpu.dimension_semantics<core_parallel>, #tpu.dimension_semantics<subcore_parallel>], iteration_bounds = array<i64: 2, 16>, scalar_prefetch = 0 : i64, scratch_operands = 7 : i64, tpu.core_type = #tpu.core_type<sc_vector_subcore>, window_params = [{transform_indices = #map}, {transform_indices = #map1}, {transform_indices = #map1}, {transform_indices = #map1}, {transform_indices = #map}, {transform_indices = #map}]} {
    %mul3A = arith.constant 16 : i32
    %mul3A_0 = arith.muli %arg0, %mul3A : i32
    %add3A = arith.addi %mul3A_0, %arg1 : i32
    %scan3A = arith.constant 0 : i32
    %scan3A_1 = arith.constant 128 : i32
    %scan3A_2 = arith.addi %scan3A, %scan3A_1 : i32
    %scan3A_3 = arith.constant 1 : i32
    scf.for %scan3A_94 = %scan3A to %scan3A_2 step %scan3A_3  : i32 {
      %mul3A_95 = arith.constant 1 : i32
      %mul3A_96 = arith.muli %scan3A_94, %mul3A_95 : i32
      %add3A_97 = arith.constant 0 : i32
      %add3A_98 = arith.addi %add3A_97, %mul3A_96 : i32
      %broadcast_in_dim3A = arith.constant 0.000000e+00 : f32
      %broadcast_in_dim3A_99 = vector.broadcast %broadcast_in_dim3A : f32 to vector<16xf32>
      %swap3A = arith.index_cast %add3A_98 : i32 to index
      %swap3A_100 = arith.constant 0 : index
      %swap3A_101 = tpu.vector_load %arg12[%swap3A, %swap3A_100] {strides = array<i32>} : memref<128x128xf32, #tpu.memory_space<vmem>>, vector<16xf32>,
      tpu.vector_store %arg12[%swap3A, %swap3A_100], %broadcast_in_dim3A_99 {strides = array<i32>} : memref<128x128xf32, #tpu.memory_space<vmem>>, vector<16xf32>,
      %broadcast_in_dim3A_102 = arith.constant 0.000000e+00 : f32
      %broadcast_in_dim3A_103 = vector.broadcast %broadcast_in_dim3A_102 : f32 to vector<16xf32>
      %swap3A_104 = arith.index_cast %add3A_98 : i32 to index
      %swap3A_105 = arith.constant 16 : index
      %swap3A_106 = tpu.vector_load %arg12[%swap3A_104, %swap3A_105] {strides = array<i32>} : memref<128x128xf32, #tpu.memory_space<vmem>>, vector<16xf32>,
      tpu.vector_store %arg12[%swap3A_104, %swap3A_105], %broadcast_in_dim3A_103 {strides = array<i32>} : memref<128x128xf32, #tpu.memory_space<vmem>>, vector<16xf32>,
      %broadcast_in_dim3A_107 = arith.constant 0.000000e+00 : f32
      %broadcast_in_dim3A_108 = vector.broadcast %broadcast_in_dim3A_107 : f32 to vector<16xf32>
      %swap3A_109 = arith.index_cast %add3A_98 : i32 to index
      %swap3A_110 = arith.constant 32 : index
      %swap3A_111 = tpu.vector_load %arg12[%swap3A_109, %swap3A_110] {strides = array<i32>} : memref<128x128xf32, #tpu.memory_space<vmem>>, vector<16xf32>,
      tpu.vector_store %arg12[%swap3A_109, %swap3A_110], %broadcast_in_dim3A_108 {strides = array<i32>} : memref<128x128xf32, #tpu.memory_space<vmem>>, vector<16xf32>,
      %broadcast_in_dim3A_112 = arith.constant 0.000000e+00 : f32
      %broadcast_in_dim3A_113 = vector.broadcast %broadcast_in_dim3A_112 : f32 to vector<16xf32>
      %swap3A_114 = arith.index_cast %add3A_98 : i32 to index
      %swap3A_115 = arith.constant 48 : index
      %swap3A_116 = tpu.vector_load %arg12[%swap3A_114, %swap3A_115] {strides = array<i32>} : memref<128x128xf32, #tpu.memory_space<vmem>>, vector<16xf32>,
      tpu.vector_store %arg12[%swap3A_114, %swap3A_115], %broadcast_in_dim3A_113 {strides = array<i32>} : memref<128x128xf32, #tpu.memory_space<vmem>>, vector<16xf32>,
      %broadcast_in_dim3A_117 = arith.constant 0.000000e+00 : f32
      %broadcast_in_dim3A_118 = vector.broadcast %broadcast_in_dim3A_117 : f32 to vector<16xf32>
      %swap3A_119 = arith.index_cast %add3A_98 : i32 to index
      %swap3A_120 = arith.constant 64 : index
      %swap3A_121 = tpu.vector_load %arg12[%swap3A_119, %swap3A_120] {strides = array<i32>} : memref<128x128xf32, #tpu.memory_space<vmem>>, vector<16xf32>,
      tpu.vector_store %arg12[%swap3A_119, %swap3A_120], %broadcast_in_dim3A_118 {strides = array<i32>} : memref<128x128xf32, #tpu.memory_space<vmem>>, vector<16xf32>,
      %broadcast_in_dim3A_122 = arith.constant 0.000000e+00 : f32
      %broadcast_in_dim3A_123 = vector.broadcast %broadcast_in_dim3A_122 : f32 to vector<16xf32>
      %swap3A_124 = arith.index_cast %add3A_98 : i32 to index
      %swap3A_125 = arith.constant 80 : index
      %swap3A_126 = tpu.vector_load %arg12[%swap3A_124, %swap3A_125] {strides = array<i32>} : memref<128x128xf32, #tpu.memory_space<vmem>>, vector<16xf32>,
      tpu.vector_store %arg12[%swap3A_124, %swap3A_125], %broadcast_in_dim3A_123 {strides = array<i32>} : memref<128x128xf32, #tpu.memory_space<vmem>>, vector<16xf32>,
      %broadcast_in_dim3A_127 = arith.constant 0.000000e+00 : f32
      %broadcast_in_dim3A_128 = vector.broadcast %broadcast_in_dim3A_127 : f32 to vector<16xf32>
      %swap3A_129 = arith.index_cast %add3A_98 : i32 to index
      %swap3A_130 = arith.constant 96 : index
      %swap3A_131 = tpu.vector_load %arg12[%swap3A_129, %swap3A_130] {strides = array<i32>} : memref<128x128xf32, #tpu.memory_space<vmem>>, vector<16xf32>,
      tpu.vector_store %arg12[%swap3A_129, %swap3A_130], %broadcast_in_dim3A_128 {strides = array<i32>} : memref<128x128xf32, #tpu.memory_space<vmem>>, vector<16xf32>,
      %broadcast_in_dim3A_132 = arith.constant 0.000000e+00 : f32
      %broadcast_in_dim3A_133 = vector.broadcast %broadcast_in_dim3A_132 : f32 to vector<16xf32>
      %swap3A_134 = arith.index_cast %add3A_98 : i32 to index
      %swap3A_135 = arith.constant 112 : index
      %swap3A_136 = tpu.vector_load %arg12[%swap3A_134, %swap3A_135] {strides = array<i32>} : memref<128x128xf32, #tpu.memory_space<vmem>>, vector<16xf32>,
      tpu.vector_store %arg12[%swap3A_134, %swap3A_135], %broadcast_in_dim3A_133 {strides = array<i32>} : memref<128x128xf32, #tpu.memory_space<vmem>>, vector<16xf32>,
    }
    %scan3A_4 = arith.constant 128 : i32
    %iota3A = tpu.iota {dimensions = array<i32: 0>} : vector<16xi32>
    %scan3A_5 = arith.constant 0 : i32
    %scan3A_6 = arith.constant 5 : i32
    %scan3A_7 = arith.addi %scan3A_5, %scan3A_6 : i32
    %scan3A_8 = arith.constant 1 : i32
    scf.for %scan3A_94 = %scan3A_5 to %scan3A_7 step %scan3A_8  : i32 {
      %mul3A_95 = arith.constant 1 : i32
      %mul3A_96 = arith.muli %scan3A_94, %mul3A_95 : i32
      %add3A_97 = arith.constant 0 : i32
      %add3A_98 = arith.addi %add3A_97, %mul3A_96 : i32
      %mul3A_99 = arith.constant 640 : i32
      %mul3A_100 = arith.muli %arg1, %mul3A_99 : i32
      %mul3A_101 = arith.constant 128 : i32
      %mul3A_102 = arith.muli %add3A_98, %mul3A_101 : i32
      %add3A_103 = arith.addi %mul3A_100, %mul3A_102 : i32
      %add3A_104 = arith.constant 0 : i32
      %add3A_105 = arith.addi %add3A_103, %add3A_104 : i32
      %add3A_106 = vector.broadcast %add3A_105 : i32 to vector<16xi32>
      %add3A_107 = arith.addi %add3A_106, %iota3A : vector<16xi32>
      %swap3A = arith.index_cast %add3A_98 : i32 to index
      %swap3A_108 = arith.constant 0 : index
      %swap3A_109 = tpu.vector_load %arg11[%swap3A, %swap3A_108] {strides = array<i32>} : memref<5x128xi32, #tpu.memory_space<vmem>>, vector<16xi32>,
      tpu.vector_store %arg11[%swap3A, %swap3A_108], %add3A_107 {strides = array<i32>} : memref<5x128xi32, #tpu.memory_space<vmem>>, vector<16xi32>,
      %mul3A_110 = arith.constant 640 : i32
      %mul3A_111 = arith.muli %arg1, %mul3A_110 : i32
      %mul3A_112 = arith.constant 128 : i32
      %mul3A_113 = arith.muli %add3A_98, %mul3A_112 : i32
      %add3A_114 = arith.addi %mul3A_111, %mul3A_113 : i32
      %add3A_115 = arith.constant 16 : i32
      %add3A_116 = arith.addi %add3A_114, %add3A_115 : i32
      %add3A_117 = vector.broadcast %add3A_116 : i32 to vector<16xi32>
      %add3A_118 = arith.addi %add3A_117, %iota3A : vector<16xi32>
      %swap3A_119 = arith.index_cast %add3A_98 : i32 to index
      %swap3A_120 = arith.constant 16 : index
      %swap3A_121 = tpu.vector_load %arg11[%swap3A_119, %swap3A_120] {strides = array<i32>} : memref<5x128xi32, #tpu.memory_space<vmem>>, vector<16xi32>,
      tpu.vector_store %arg11[%swap3A_119, %swap3A_120], %add3A_118 {strides = array<i32>} : memref<5x128xi32, #tpu.memory_space<vmem>>, vector<16xi32>,
      %mul3A_122 = arith.constant 640 : i32
      %mul3A_123 = arith.muli %arg1, %mul3A_122 : i32
      %mul3A_124 = arith.constant 128 : i32
      %mul3A_125 = arith.muli %add3A_98, %mul3A_124 : i32
      %add3A_126 = arith.addi %mul3A_123, %mul3A_125 : i32
      %add3A_127 = arith.constant 32 : i32
      %add3A_128 = arith.addi %add3A_126, %add3A_127 : i32
      %add3A_129 = vector.broadcast %add3A_128 : i32 to vector<16xi32>
      %add3A_130 = arith.addi %add3A_129, %iota3A : vector<16xi32>
      %swap3A_131 = arith.index_cast %add3A_98 : i32 to index
      %swap3A_132 = arith.constant 32 : index
      %swap3A_133 = tpu.vector_load %arg11[%swap3A_131, %swap3A_132] {strides = array<i32>} : memref<5x128xi32, #tpu.memory_space<vmem>>, vector<16xi32>,
      tpu.vector_store %arg11[%swap3A_131, %swap3A_132], %add3A_130 {strides = array<i32>} : memref<5x128xi32, #tpu.memory_space<vmem>>, vector<16xi32>,
      %mul3A_134 = arith.constant 640 : i32
      %mul3A_135 = arith.muli %arg1, %mul3A_134 : i32
      %mul3A_136 = arith.constant 128 : i32
      %mul3A_137 = arith.muli %add3A_98, %mul3A_136 : i32
      %add3A_138 = arith.addi %mul3A_135, %mul3A_137 : i32
      %add3A_139 = arith.constant 48 : i32
      %add3A_140 = arith.addi %add3A_138, %add3A_139 : i32
      %add3A_141 = vector.broadcast %add3A_140 : i32 to vector<16xi32>
      %add3A_142 = arith.addi %add3A_141, %iota3A : vector<16xi32>
      %swap3A_143 = arith.index_cast %add3A_98 : i32 to index
      %swap3A_144 = arith.constant 48 : index
      %swap3A_145 = tpu.vector_load %arg11[%swap3A_143, %swap3A_144] {strides = array<i32>} : memref<5x128xi32, #tpu.memory_space<vmem>>, vector<16xi32>,
      tpu.vector_store %arg11[%swap3A_143, %swap3A_144], %add3A_142 {strides = array<i32>} : memref<5x128xi32, #tpu.memory_space<vmem>>, vector<16xi32>,
      %mul3A_146 = arith.constant 640 : i32
      %mul3A_147 = arith.muli %arg1, %mul3A_146 : i32
      %mul3A_148 = arith.constant 128 : i32
      %mul3A_149 = arith.muli %add3A_98, %mul3A_148 : i32
      %add3A_150 = arith.addi %mul3A_147, %mul3A_149 : i32
      %add3A_151 = arith.constant 64 : i32
      %add3A_152 = arith.addi %add3A_150, %add3A_151 : i32
      %add3A_153 = vector.broadcast %add3A_152 : i32 to vector<16xi32>
      %add3A_154 = arith.addi %add3A_153, %iota3A : vector<16xi32>
      %swap3A_155 = arith.index_cast %add3A_98 : i32 to index
      %swap3A_156 = arith.constant 64 : index
      %swap3A_157 = tpu.vector_load %arg11[%swap3A_155, %swap3A_156] {strides = array<i32>} : memref<5x128xi32, #tpu.memory_space<vmem>>, vector<16xi32>,
      tpu.vector_store %arg11[%swap3A_155, %swap3A_156], %add3A_154 {strides = array<i32>} : memref<5x128xi32, #tpu.memory_space<vmem>>, vector<16xi32>,
      %mul3A_158 = arith.constant 640 : i32
      %mul3A_159 = arith.muli %arg1, %mul3A_158 : i32
      %mul3A_160 = arith.constant 128 : i32
      %mul3A_161 = arith.muli %add3A_98, %mul3A_160 : i32
      %add3A_162 = arith.addi %mul3A_159, %mul3A_161 : i32
      %add3A_163 = arith.constant 80 : i32
      %add3A_164 = arith.addi %add3A_162, %add3A_163 : i32
      %add3A_165 = vector.broadcast %add3A_164 : i32 to vector<16xi32>
      %add3A_166 = arith.addi %add3A_165, %iota3A : vector<16xi32>
      %swap3A_167 = arith.index_cast %add3A_98 : i32 to index
      %swap3A_168 = arith.constant 80 : index
      %swap3A_169 = tpu.vector_load %arg11[%swap3A_167, %swap3A_168] {strides = array<i32>} : memref<5x128xi32, #tpu.memory_space<vmem>>, vector<16xi32>,
      tpu.vector_store %arg11[%swap3A_167, %swap3A_168], %add3A_166 {strides = array<i32>} : memref<5x128xi32, #tpu.memory_space<vmem>>, vector<16xi32>,
      %mul3A_170 = arith.constant 640 : i32
      %mul3A_171 = arith.muli %arg1, %mul3A_170 : i32
      %mul3A_172 = arith.constant 128 : i32
      %mul3A_173 = arith.muli %add3A_98, %mul3A_172 : i32
      %add3A_174 = arith.addi %mul3A_171, %mul3A_173 : i32
      %add3A_175 = arith.constant 96 : i32
      %add3A_176 = arith.addi %add3A_174, %add3A_175 : i32
      %add3A_177 = vector.broadcast %add3A_176 : i32 to vector<16xi32>
      %add3A_178 = arith.addi %add3A_177, %iota3A : vector<16xi32>
      %swap3A_179 = arith.index_cast %add3A_98 : i32 to index
      %swap3A_180 = arith.constant 96 : index
      %swap3A_181 = tpu.vector_load %arg11[%swap3A_179, %swap3A_180] {strides = array<i32>} : memref<5x128xi32, #tpu.memory_space<vmem>>, vector<16xi32>,
      tpu.vector_store %arg11[%swap3A_179, %swap3A_180], %add3A_178 {strides = array<i32>} : memref<5x128xi32, #tpu.memory_space<vmem>>, vector<16xi32>,
      %mul3A_182 = arith.constant 640 : i32
      %mul3A_183 = arith.muli %arg1, %mul3A_182 : i32
      %mul3A_184 = arith.constant 128 : i32
      %mul3A_185 = arith.muli %add3A_98, %mul3A_184 : i32
      %add3A_186 = arith.addi %mul3A_183, %mul3A_185 : i32
      %add3A_187 = arith.constant 112 : i32
      %add3A_188 = arith.addi %add3A_186, %add3A_187 : i32
      %add3A_189 = vector.broadcast %add3A_188 : i32 to vector<16xi32>
      %add3A_190 = arith.addi %add3A_189, %iota3A : vector<16xi32>
      %swap3A_191 = arith.index_cast %add3A_98 : i32 to index
      %swap3A_192 = arith.constant 112 : index
      %swap3A_193 = tpu.vector_load %arg11[%swap3A_191, %swap3A_192] {strides = array<i32>} : memref<5x128xi32, #tpu.memory_space<vmem>>, vector<16xi32>,
      tpu.vector_store %arg11[%swap3A_191, %swap3A_192], %add3A_190 {strides = array<i32>} : memref<5x128xi32, #tpu.memory_space<vmem>>, vector<16xi32>,
    }
    %scan3A_9 = arith.constant 5 : i32
    %dma_start3A = arith.constant 0 : i32
    %dma_start3A_10 = arith.constant 0 : i32
    %dma_start3A_11 = tpu.memref_slice %arg11[%dma_start3A, %dma_start3A_10] : memref<5x128xi32, #tpu.memory_space<vmem>> -> memref<1x128xi32, #tpu.memory_space<vmem>>
    %dma_start3A_12 = tpu.memref_squeeze %dma_start3A_11 : memref<1x128xi32, #tpu.memory_space<vmem>> -> memref<128xi32, #tpu.memory_space<vmem>>
    %dma_start3A_13 = arith.constant 0 : i32
    %dma_start3A_14 = arith.constant 0 : i32
    %dma_start3A_15 = tpu.memref_slice %arg13[%dma_start3A_13, %dma_start3A_14] : memref<10240x128xf32, #tpu.memory_space<vmem_shared>> -> memref<10240x128xf32, #tpu.memory_space<vmem_shared>>
    tpu.enqueue_indirect_dma source(%arg12 : memref<128x128xf32, #tpu.memory_space<vmem>>) target(%dma_start3A_15 : memref<10240x128xf32, #tpu.memory_space<vmem_shared>>) offsets(%dma_start3A_12 : memref<128xi32, #tpu.memory_space<vmem>>) semaphore(%arg14 : memref<!tpu.dma_semaphore, #tpu.memory_space<semaphore_mem>>)
    %dma_start3A_16 = arith.constant 1 : i32
    %dma_start3A_17 = arith.constant 0 : i32
    %dma_start3A_18 = tpu.memref_slice %arg11[%dma_start3A_16, %dma_start3A_17] : memref<5x128xi32, #tpu.memory_space<vmem>> -> memref<1x128xi32, #tpu.memory_space<vmem>>
    %dma_start3A_19 = tpu.memref_squeeze %dma_start3A_18 : memref<1x128xi32, #tpu.memory_space<vmem>> -> memref<128xi32, #tpu.memory_space<vmem>>
    %dma_start3A_20 = arith.constant 0 : i32
    %dma_start3A_21 = arith.constant 0 : i32
    %dma_start3A_22 = tpu.memref_slice %arg13[%dma_start3A_20, %dma_start3A_21] : memref<10240x128xf32, #tpu.memory_space<vmem_shared>> -> memref<10240x128xf32, #tpu.memory_space<vmem_shared>>
    tpu.enqueue_indirect_dma source(%arg12 : memref<128x128xf32, #tpu.memory_space<vmem>>) target(%dma_start3A_22 : memref<10240x128xf32, #tpu.memory_space<vmem_shared>>) offsets(%dma_start3A_19 : memref<128xi32, #tpu.memory_space<vmem>>) semaphore(%arg14 : memref<!tpu.dma_semaphore, #tpu.memory_space<semaphore_mem>>)
    %dma_start3A_23 = arith.constant 2 : i32
    %dma_start3A_24 = arith.constant 0 : i32
    %dma_start3A_25 = tpu.memref_slice %arg11[%dma_start3A_23, %dma_start3A_24] : memref<5x128xi32, #tpu.memory_space<vmem>> -> memref<1x128xi32, #tpu.memory_space<vmem>>
    %dma_start3A_26 = tpu.memref_squeeze %dma_start3A_25 : memref<1x128xi32, #tpu.memory_space<vmem>> -> memref<128xi32, #tpu.memory_space<vmem>>
    %dma_start3A_27 = arith.constant 0 : i32
    %dma_start3A_28 = arith.constant 0 : i32
    %dma_start3A_29 = tpu.memref_slice %arg13[%dma_start3A_27, %dma_start3A_28] : memref<10240x128xf32, #tpu.memory_space<vmem_shared>> -> memref<10240x128xf32, #tpu.memory_space<vmem_shared>>
    tpu.enqueue_indirect_dma source(%arg12 : memref<128x128xf32, #tpu.memory_space<vmem>>) target(%dma_start3A_29 : memref<10240x128xf32, #tpu.memory_space<vmem_shared>>) offsets(%dma_start3A_26 : memref<128xi32, #tpu.memory_space<vmem>>) semaphore(%arg14 : memref<!tpu.dma_semaphore, #tpu.memory_space<semaphore_mem>>)
    %dma_start3A_30 = arith.constant 3 : i32
    %dma_start3A_31 = arith.constant 0 : i32
    %dma_start3A_32 = tpu.memref_slice %arg11[%dma_start3A_30, %dma_start3A_31] : memref<5x128xi32, #tpu.memory_space<vmem>> -> memref<1x128xi32, #tpu.memory_space<vmem>>
    %dma_start3A_33 = tpu.memref_squeeze %dma_start3A_32 : memref<1x128xi32, #tpu.memory_space<vmem>> -> memref<128xi32, #tpu.memory_space<vmem>>
    %dma_start3A_34 = arith.constant 0 : i32
    %dma_start3A_35 = arith.constant 0 : i32
    %dma_start3A_36 = tpu.memref_slice %arg13[%dma_start3A_34, %dma_start3A_35] : memref<10240x128xf32, #tpu.memory_space<vmem_shared>> -> memref<10240x128xf32, #tpu.memory_space<vmem_shared>>
    tpu.enqueue_indirect_dma source(%arg12 : memref<128x128xf32, #tpu.memory_space<vmem>>) target(%dma_start3A_36 : memref<10240x128xf32, #tpu.memory_space<vmem_shared>>) offsets(%dma_start3A_33 : memref<128xi32, #tpu.memory_space<vmem>>) semaphore(%arg14 : memref<!tpu.dma_semaphore, #tpu.memory_space<semaphore_mem>>)
    %dma_start3A_37 = arith.constant 4 : i32
    %dma_start3A_38 = arith.constant 0 : i32
    %dma_start3A_39 = tpu.memref_slice %arg11[%dma_start3A_37, %dma_start3A_38] : memref<5x128xi32, #tpu.memory_space<vmem>> -> memref<1x128xi32, #tpu.memory_space<vmem>>
    %dma_start3A_40 = tpu.memref_squeeze %dma_start3A_39 : memref<1x128xi32, #tpu.memory_space<vmem>> -> memref<128xi32, #tpu.memory_space<vmem>>
    %dma_start3A_41 = arith.constant 0 : i32
    %dma_start3A_42 = arith.constant 0 : i32
    %dma_start3A_43 = tpu.memref_slice %arg13[%dma_start3A_41, %dma_start3A_42] : memref<10240x128xf32, #tpu.memory_space<vmem_shared>> -> memref<10240x128xf32, #tpu.memory_space<vmem_shared>>
    tpu.enqueue_indirect_dma source(%arg12 : memref<128x128xf32, #tpu.memory_space<vmem>>) target(%dma_start3A_43 : memref<10240x128xf32, #tpu.memory_space<vmem_shared>>) offsets(%dma_start3A_40 : memref<128xi32, #tpu.memory_space<vmem>>) semaphore(%arg14 : memref<!tpu.dma_semaphore, #tpu.memory_space<semaphore_mem>>)
    %scan3A_44 = arith.constant 0 : i32
    %scan3A_45 = arith.constant 16 : i32
    %scan3A_46 = arith.addi %scan3A_44, %scan3A_45 : i32
    %scan3A_47 = arith.constant 1 : i32
    scf.for %scan3A_94 = %scan3A_44 to %scan3A_46 step %scan3A_47  : i32 {
      %mul3A_95 = arith.constant 1 : i32
      %mul3A_96 = arith.muli %scan3A_94, %mul3A_95 : i32
      %add3A_97 = arith.constant 0 : i32
      %add3A_98 = arith.addi %add3A_97, %mul3A_96 : i32
      %mul3A_99 = arith.constant 5 : i32
      %mul3A_100 = arith.muli %add3A_98, %mul3A_99 : i32
      "tpu.region"() ({
        %run_scoped3A = tpu.sem_alloc : memref<!tpu.dma_semaphore, #tpu.memory_space<semaphore_mem>>
        %dma_start3A_101 = arith.constant 0 : i32
        %dma_start3A_102 = tpu.memref_slice %arg8[%mul3A_100, %dma_start3A_101] : memref<80x128xi32, #tpu.memory_space<vmem>> -> memref<5x128xi32, #tpu.memory_space<vmem>>
        %dma_start3A_103 = arith.constant 0 : i32
        %dma_start3A_104 = arith.constant 0 : i32
        %dma_start3A_105 = tpu.memref_slice %arg3[%add3A, %add3A_98, %dma_start3A_103, %dma_start3A_104] : memref<32x16x5x128xi32, #tpu.memory_space<hbm>> -> memref<1x1x5x128xi32, #tpu.memory_space<hbm>>
        %dma_start3A_106 = tpu.memref_squeeze %dma_start3A_105 : memref<1x1x5x128xi32, #tpu.memory_space<hbm>> -> memref<5x128xi32, #tpu.memory_space<hbm>>
        %dma_start3A_107 = arith.constant 0 : i32
        %dma_start3A_108 = tpu.memref_slice %arg8[%mul3A_100, %dma_start3A_107] : memref<80x128xi32, #tpu.memory_space<vmem>> -> memref<5x128xi32, #tpu.memory_space<vmem>>
        %dma_start3A_109 = arith.constant 0 : i32
        %dma_start3A_110 = arith.constant 0 : i32
        %dma_start3A_111 = tpu.memref_slice %arg3[%add3A, %add3A_98, %dma_start3A_109, %dma_start3A_110] : memref<32x16x5x128xi32, #tpu.memory_space<hbm>> -> memref<1x1x5x128xi32, #tpu.memory_space<hbm>>
        %dma_start3A_112 = tpu.memref_squeeze %dma_start3A_111 : memref<1x1x5x128xi32, #tpu.memory_space<hbm>> -> memref<5x128xi32, #tpu.memory_space<hbm>>
        tpu.enqueue_dma source(%dma_start3A_112 : memref<5x128xi32, #tpu.memory_space<hbm>>) target(%dma_start3A_108 : memref<5x128xi32, #tpu.memory_space<vmem>>) target_semaphore(%run_scoped3A : memref<!tpu.dma_semaphore, #tpu.memory_space<semaphore_mem>>)
        %dma_wait3A_113 = arith.constant 0 : i32
        %dma_wait3A_114 = tpu.memref_slice %arg8[%mul3A_100, %dma_wait3A_113] : memref<80x128xi32, #tpu.memory_space<vmem>> -> memref<5x128xi32, #tpu.memory_space<vmem>>
        %dma_wait3A_115 = arith.constant 0 : i32
        %dma_wait3A_116 = arith.constant 0 : i32
        %dma_wait3A_117 = tpu.memref_slice %arg3[%add3A, %add3A_98, %dma_wait3A_115, %dma_wait3A_116] : memref<32x16x5x128xi32, #tpu.memory_space<hbm>> -> memref<1x1x5x128xi32, #tpu.memory_space<hbm>>
        %dma_wait3A_118 = tpu.memref_squeeze %dma_wait3A_117 : memref<1x1x5x128xi32, #tpu.memory_space<hbm>> -> memref<5x128xi32, #tpu.memory_space<hbm>>
        %dma_wait3A_119 = arith.constant 0 : i32
        %dma_wait3A_120 = tpu.memref_slice %arg8[%mul3A_100, %dma_wait3A_119] : memref<80x128xi32, #tpu.memory_space<vmem>> -> memref<5x128xi32, #tpu.memory_space<vmem>>
        %dma_wait3A_121 = arith.constant 0 : i32
        %dma_wait3A_122 = arith.constant 0 : i32
        %dma_wait3A_123 = tpu.memref_slice %arg3[%add3A, %add3A_98, %dma_wait3A_121, %dma_wait3A_122] : memref<32x16x5x128xi32, #tpu.memory_space<hbm>> -> memref<1x1x5x128xi32, #tpu.memory_space<hbm>>
        %dma_wait3A_124 = tpu.memref_squeeze %dma_wait3A_123 : memref<1x1x5x128xi32, #tpu.memory_space<hbm>> -> memref<5x128xi32, #tpu.memory_space<hbm>>
        tpu.wait_dma2 semaphore(%run_scoped3A : memref<!tpu.dma_semaphore, #tpu.memory_space<semaphore_mem>>) src(%dma_wait3A_124 : memref<5x128xi32, #tpu.memory_space<hbm>>) dst(%dma_wait3A_120 : memref<5x128xi32, #tpu.memory_space<vmem>>)
        tpu.yield
      }) : () -> ()
      "tpu.region"() ({
        %run_scoped3A = tpu.sem_alloc : memref<!tpu.dma_semaphore, #tpu.memory_space<semaphore_mem>>
        %dma_start3A_101 = arith.constant 0 : i32
        %dma_start3A_102 = tpu.memref_slice %arg9[%mul3A_100, %dma_start3A_101] : memref<80x128xi32, #tpu.memory_space<vmem>> -> memref<5x128xi32, #tpu.memory_space<vmem>>
        %dma_start3A_103 = arith.constant 0 : i32
        %dma_start3A_104 = arith.constant 0 : i32
        %dma_start3A_105 = tpu.memref_slice %arg4[%add3A, %add3A_98, %dma_start3A_103, %dma_start3A_104] : memref<32x16x5x128xi32, #tpu.memory_space<hbm>> -> memref<1x1x5x128xi32, #tpu.memory_space<hbm>>
        %dma_start3A_106 = tpu.memref_squeeze %dma_start3A_105 : memref<1x1x5x128xi32, #tpu.memory_space<hbm>> -> memref<5x128xi32, #tpu.memory_space<hbm>>
        %dma_start3A_107 = arith.constant 0 : i32
        %dma_start3A_108 = tpu.memref_slice %arg9[%mul3A_100, %dma_start3A_107] : memref<80x128xi32, #tpu.memory_space<vmem>> -> memref<5x128xi32, #tpu.memory_space<vmem>>
        %dma_start3A_109 = arith.constant 0 : i32
        %dma_start3A_110 = arith.constant 0 : i32
        %dma_start3A_111 = tpu.memref_slice %arg4[%add3A, %add3A_98, %dma_start3A_109, %dma_start3A_110] : memref<32x16x5x128xi32, #tpu.memory_space<hbm>> -> memref<1x1x5x128xi32, #tpu.memory_space<hbm>>
        %dma_start3A_112 = tpu.memref_squeeze %dma_start3A_111 : memref<1x1x5x128xi32, #tpu.memory_space<hbm>> -> memref<5x128xi32, #tpu.memory_space<hbm>>
        tpu.enqueue_dma source(%dma_start3A_112 : memref<5x128xi32, #tpu.memory_space<hbm>>) target(%dma_start3A_108 : memref<5x128xi32, #tpu.memory_space<vmem>>) target_semaphore(%run_scoped3A : memref<!tpu.dma_semaphore, #tpu.memory_space<semaphore_mem>>)
        %dma_wait3A_113 = arith.constant 0 : i32
        %dma_wait3A_114 = tpu.memref_slice %arg9[%mul3A_100, %dma_wait3A_113] : memref<80x128xi32, #tpu.memory_space<vmem>> -> memref<5x128xi32, #tpu.memory_space<vmem>>
        %dma_wait3A_115 = arith.constant 0 : i32
        %dma_wait3A_116 = arith.constant 0 : i32
        %dma_wait3A_117 = tpu.memref_slice %arg4[%add3A, %add3A_98, %dma_wait3A_115, %dma_wait3A_116] : memref<32x16x5x128xi32, #tpu.memory_space<hbm>> -> memref<1x1x5x128xi32, #tpu.memory_space<hbm>>
        %dma_wait3A_118 = tpu.memref_squeeze %dma_wait3A_117 : memref<1x1x5x128xi32, #tpu.memory_space<hbm>> -> memref<5x128xi32, #tpu.memory_space<hbm>>
        %dma_wait3A_119 = arith.constant 0 : i32
        %dma_wait3A_120 = tpu.memref_slice %arg9[%mul3A_100, %dma_wait3A_119] : memref<80x128xi32, #tpu.memory_space<vmem>> -> memref<5x128xi32, #tpu.memory_space<vmem>>
        %dma_wait3A_121 = arith.constant 0 : i32
        %dma_wait3A_122 = arith.constant 0 : i32
        %dma_wait3A_123 = tpu.memref_slice %arg4[%add3A, %add3A_98, %dma_wait3A_121, %dma_wait3A_122] : memref<32x16x5x128xi32, #tpu.memory_space<hbm>> -> memref<1x1x5x128xi32, #tpu.memory_space<hbm>>
        %dma_wait3A_124 = tpu.memref_squeeze %dma_wait3A_123 : memref<1x1x5x128xi32, #tpu.memory_space<hbm>> -> memref<5x128xi32, #tpu.memory_space<hbm>>
        tpu.wait_dma2 semaphore(%run_scoped3A : memref<!tpu.dma_semaphore, #tpu.memory_space<semaphore_mem>>) src(%dma_wait3A_124 : memref<5x128xi32, #tpu.memory_space<hbm>>) dst(%dma_wait3A_120 : memref<5x128xi32, #tpu.memory_space<vmem>>)
        tpu.yield
      }) : () -> ()
      "tpu.region"() ({
        %run_scoped3A = tpu.sem_alloc : memref<!tpu.dma_semaphore, #tpu.memory_space<semaphore_mem>>
        %dma_start3A_101 = arith.constant 0 : i32
        %dma_start3A_102 = tpu.memref_slice %arg10[%mul3A_100, %dma_start3A_101] : memref<80x128xf32, #tpu.memory_space<vmem>> -> memref<5x128xf32, #tpu.memory_space<vmem>>
        %dma_start3A_103 = arith.constant 0 : i32
        %dma_start3A_104 = arith.constant 0 : i32
        %dma_start3A_105 = tpu.memref_slice %arg5[%add3A, %add3A_98, %dma_start3A_103, %dma_start3A_104] : memref<32x16x5x128xf32, #tpu.memory_space<hbm>> -> memref<1x1x5x128xf32, #tpu.memory_space<hbm>>
        %dma_start3A_106 = tpu.memref_squeeze %dma_start3A_105 : memref<1x1x5x128xf32, #tpu.memory_space<hbm>> -> memref<5x128xf32, #tpu.memory_space<hbm>>
        %dma_start3A_107 = arith.constant 0 : i32
        %dma_start3A_108 = tpu.memref_slice %arg10[%mul3A_100, %dma_start3A_107] : memref<80x128xf32, #tpu.memory_space<vmem>> -> memref<5x128xf32, #tpu.memory_space<vmem>>
        %dma_start3A_109 = arith.constant 0 : i32
        %dma_start3A_110 = arith.constant 0 : i32
        %dma_start3A_111 = tpu.memref_slice %arg5[%add3A, %add3A_98, %dma_start3A_109, %dma_start3A_110] : memref<32x16x5x128xf32, #tpu.memory_space<hbm>> -> memref<1x1x5x128xf32, #tpu.memory_space<hbm>>
        %dma_start3A_112 = tpu.memref_squeeze %dma_start3A_111 : memref<1x1x5x128xf32, #tpu.memory_space<hbm>> -> memref<5x128xf32, #tpu.memory_space<hbm>>
        tpu.enqueue_dma source(%dma_start3A_112 : memref<5x128xf32, #tpu.memory_space<hbm>>) target(%dma_start3A_108 : memref<5x128xf32, #tpu.memory_space<vmem>>) target_semaphore(%run_scoped3A : memref<!tpu.dma_semaphore, #tpu.memory_space<semaphore_mem>>)
        %dma_wait3A_113 = arith.constant 0 : i32
        %dma_wait3A_114 = tpu.memref_slice %arg10[%mul3A_100, %dma_wait3A_113] : memref<80x128xf32, #tpu.memory_space<vmem>> -> memref<5x128xf32, #tpu.memory_space<vmem>>
        %dma_wait3A_115 = arith.constant 0 : i32
        %dma_wait3A_116 = arith.constant 0 : i32
        %dma_wait3A_117 = tpu.memref_slice %arg5[%add3A, %add3A_98, %dma_wait3A_115, %dma_wait3A_116] : memref<32x16x5x128xf32, #tpu.memory_space<hbm>> -> memref<1x1x5x128xf32, #tpu.memory_space<hbm>>
        %dma_wait3A_118 = tpu.memref_squeeze %dma_wait3A_117 : memref<1x1x5x128xf32, #tpu.memory_space<hbm>> -> memref<5x128xf32, #tpu.memory_space<hbm>>
        %dma_wait3A_119 = arith.constant 0 : i32
        %dma_wait3A_120 = tpu.memref_slice %arg10[%mul3A_100, %dma_wait3A_119] : memref<80x128xf32, #tpu.memory_space<vmem>> -> memref<5x128xf32, #tpu.memory_space<vmem>>
        %dma_wait3A_121 = arith.constant 0 : i32
        %dma_wait3A_122 = arith.constant 0 : i32
        %dma_wait3A_123 = tpu.memref_slice %arg5[%add3A, %add3A_98, %dma_wait3A_121, %dma_wait3A_122] : memref<32x16x5x128xf32, #tpu.memory_space<hbm>> -> memref<1x1x5x128xf32, #tpu.memory_space<hbm>>
        %dma_wait3A_124 = tpu.memref_squeeze %dma_wait3A_123 : memref<1x1x5x128xf32, #tpu.memory_space<hbm>> -> memref<5x128xf32, #tpu.memory_space<hbm>>
        tpu.wait_dma2 semaphore(%run_scoped3A : memref<!tpu.dma_semaphore, #tpu.memory_space<semaphore_mem>>) src(%dma_wait3A_124 : memref<5x128xf32, #tpu.memory_space<hbm>>) dst(%dma_wait3A_120 : memref<5x128xf32, #tpu.memory_space<vmem>>)
        tpu.yield
      }) : () -> ()
    }
    %scan3A_48 = arith.constant 16 : i32
    %dma_wait3A = arith.constant 0 : i32
    %dma_wait3A_49 = arith.constant 0 : i32
    %dma_wait3A_50 = tpu.memref_slice %arg11[%dma_wait3A, %dma_wait3A_49] : memref<5x128xi32, #tpu.memory_space<vmem>> -> memref<1x128xi32, #tpu.memory_space<vmem>>
    %dma_wait3A_51 = tpu.memref_squeeze %dma_wait3A_50 : memref<1x128xi32, #tpu.memory_space<vmem>> -> memref<128xi32, #tpu.memory_space<vmem>>
    %dma_wait3A_52 = arith.constant 0 : i32
    %dma_wait3A_53 = arith.constant 0 : i32
    %dma_wait3A_54 = tpu.memref_slice %arg13[%dma_wait3A_52, %dma_wait3A_53] : memref<10240x128xf32, #tpu.memory_space<vmem_shared>> -> memref<10240x128xf32, #tpu.memory_space<vmem_shared>>
    tpu.wait_indirect_dma semaphore(%arg14 : memref<!tpu.dma_semaphore, #tpu.memory_space<semaphore_mem>>) src(%arg12 : memref<128x128xf32, #tpu.memory_space<vmem>>) dst(%dma_wait3A_54 : memref<10240x128xf32, #tpu.memory_space<vmem_shared>>)
    %dma_wait3A_55 = arith.constant 1 : i32
    %dma_wait3A_56 = arith.constant 0 : i32
    %dma_wait3A_57 = tpu.memref_slice %arg11[%dma_wait3A_55, %dma_wait3A_56] : memref<5x128xi32, #tpu.memory_space<vmem>> -> memref<1x128xi32, #tpu.memory_space<vmem>>
    %dma_wait3A_58 = tpu.memref_squeeze %dma_wait3A_57 : memref<1x128xi32, #tpu.memory_space<vmem>> -> memref<128xi32, #tpu.memory_space<vmem>>
    %dma_wait3A_59 = arith.constant 0 : i32
    %dma_wait3A_60 = arith.constant 0 : i32
    %dma_wait3A_61 = tpu.memref_slice %arg13[%dma_wait3A_59, %dma_wait3A_60] : memref<10240x128xf32, #tpu.memory_space<vmem_shared>> -> memref<10240x128xf32, #tpu.memory_space<vmem_shared>>
    tpu.wait_indirect_dma semaphore(%arg14 : memref<!tpu.dma_semaphore, #tpu.memory_space<semaphore_mem>>) src(%arg12 : memref<128x128xf32, #tpu.memory_space<vmem>>) dst(%dma_wait3A_61 : memref<10240x128xf32, #tpu.memory_space<vmem_shared>>)
    %dma_wait3A_62 = arith.constant 2 : i32
    %dma_wait3A_63 = arith.constant 0 : i32
    %dma_wait3A_64 = tpu.memref_slice %arg11[%dma_wait3A_62, %dma_wait3A_63] : memref<5x128xi32, #tpu.memory_space<vmem>> -> memref<1x128xi32, #tpu.memory_space<vmem>>
    %dma_wait3A_65 = tpu.memref_squeeze %dma_wait3A_64 : memref<1x128xi32, #tpu.memory_space<vmem>> -> memref<128xi32, #tpu.memory_space<vmem>>
    %dma_wait3A_66 = arith.constant 0 : i32
    %dma_wait3A_67 = arith.constant 0 : i32
    %dma_wait3A_68 = tpu.memref_slice %arg13[%dma_wait3A_66, %dma_wait3A_67] : memref<10240x128xf32, #tpu.memory_space<vmem_shared>> -> memref<10240x128xf32, #tpu.memory_space<vmem_shared>>
    tpu.wait_indirect_dma semaphore(%arg14 : memref<!tpu.dma_semaphore, #tpu.memory_space<semaphore_mem>>) src(%arg12 : memref<128x128xf32, #tpu.memory_space<vmem>>) dst(%dma_wait3A_68 : memref<10240x128xf32, #tpu.memory_space<vmem_shared>>)
    %dma_wait3A_69 = arith.constant 3 : i32
    %dma_wait3A_70 = arith.constant 0 : i32
    %dma_wait3A_71 = tpu.memref_slice %arg11[%dma_wait3A_69, %dma_wait3A_70] : memref<5x128xi32, #tpu.memory_space<vmem>> -> memref<1x128xi32, #tpu.memory_space<vmem>>
    %dma_wait3A_72 = tpu.memref_squeeze %dma_wait3A_71 : memref<1x128xi32, #tpu.memory_space<vmem>> -> memref<128xi32, #tpu.memory_space<vmem>>
    %dma_wait3A_73 = arith.constant 0 : i32
    %dma_wait3A_74 = arith.constant 0 : i32
    %dma_wait3A_75 = tpu.memref_slice %arg13[%dma_wait3A_73, %dma_wait3A_74] : memref<10240x128xf32, #tpu.memory_space<vmem_shared>> -> memref<10240x128xf32, #tpu.memory_space<vmem_shared>>
    tpu.wait_indirect_dma semaphore(%arg14 : memref<!tpu.dma_semaphore, #tpu.memory_space<semaphore_mem>>) src(%arg12 : memref<128x128xf32, #tpu.memory_space<vmem>>) dst(%dma_wait3A_75 : memref<10240x128xf32, #tpu.memory_space<vmem_shared>>)
    %dma_wait3A_76 = arith.constant 4 : i32
    %dma_wait3A_77 = arith.constant 0 : i32
    %dma_wait3A_78 = tpu.memref_slice %arg11[%dma_wait3A_76, %dma_wait3A_77] : memref<5x128xi32, #tpu.memory_space<vmem>> -> memref<1x128xi32, #tpu.memory_space<vmem>>
    %dma_wait3A_79 = tpu.memref_squeeze %dma_wait3A_78 : memref<1x128xi32, #tpu.memory_space<vmem>> -> memref<128xi32, #tpu.memory_space<vmem>>
    %dma_wait3A_80 = arith.constant 0 : i32
    %dma_wait3A_81 = arith.constant 0 : i32
    %dma_wait3A_82 = tpu.memref_slice %arg13[%dma_wait3A_80, %dma_wait3A_81] : memref<10240x128xf32, #tpu.memory_space<vmem_shared>> -> memref<10240x128xf32, #tpu.memory_space<vmem_shared>>
    tpu.wait_indirect_dma semaphore(%arg14 : memref<!tpu.dma_semaphore, #tpu.memory_space<semaphore_mem>>) src(%arg12 : memref<128x128xf32, #tpu.memory_space<vmem>>) dst(%dma_wait3A_82 : memref<10240x128xf32, #tpu.memory_space<vmem_shared>>)
    %barrier3A = arith.constant 0 : index
    tpu.barrier barrier_id(%barrier3A)
    %scan3A_83 = arith.constant 0 : i32
    %scan3A_84 = arith.constant 80 : i32
    %scan3A_85 = arith.addi %scan3A_83, %scan3A_84 : i32
    %scan3A_86 = arith.constant 1 : i32
    scf.for %scan3A_94 = %scan3A_83 to %scan3A_85 step %scan3A_86  : i32 {
      %mul3A_95 = arith.constant 1 : i32
      %mul3A_96 = arith.muli %scan3A_94, %mul3A_95 : i32
      %add3A_97 = arith.constant 0 : i32
      %add3A_98 = arith.addi %add3A_97, %mul3A_96 : i32
      %dma_start3A_99 = arith.constant 0 : i32
      %dma_start3A_100 = tpu.memref_slice %arg8[%add3A_98, %dma_start3A_99] : memref<80x128xi32, #tpu.memory_space<vmem>> -> memref<1x128xi32, #tpu.memory_space<vmem>>
      %dma_start3A_101 = tpu.memref_squeeze %dma_start3A_100 : memref<1x128xi32, #tpu.memory_space<vmem>> -> memref<128xi32, #tpu.memory_space<vmem>>
      %dma_start3A_102 = arith.constant 0 : i32
      %dma_start3A_103 = arith.constant 0 : i32
      %dma_start3A_104 = tpu.memref_slice %arg2[%dma_start3A_102, %dma_start3A_103] : memref<10000x128xf32, #tpu.memory_space<hbm>> -> memref<10000x128xf32, #tpu.memory_space<hbm>>
      tpu.enqueue_indirect_dma source(%dma_start3A_104 : memref<10000x128xf32, #tpu.memory_space<hbm>>) target(%arg12 : memref<128x128xf32, #tpu.memory_space<vmem>>) offsets(%dma_start3A_101 : memref<128xi32, #tpu.memory_space<vmem>>) semaphore(%arg14 : memref<!tpu.dma_semaphore, #tpu.memory_space<semaphore_mem>>)
      %dma_wait3A_105 = arith.constant 0 : i32
      %dma_wait3A_106 = tpu.memref_slice %arg8[%add3A_98, %dma_wait3A_105] : memref<80x128xi32, #tpu.memory_space<vmem>> -> memref<1x128xi32, #tpu.memory_space<vmem>>
      %dma_wait3A_107 = tpu.memref_squeeze %dma_wait3A_106 : memref<1x128xi32, #tpu.memory_space<vmem>> -> memref<128xi32, #tpu.memory_space<vmem>>
      %dma_wait3A_108 = arith.constant 0 : i32
      %dma_wait3A_109 = arith.constant 0 : i32
      %dma_wait3A_110 = tpu.memref_slice %arg2[%dma_wait3A_108, %dma_wait3A_109] : memref<10000x128xf32, #tpu.memory_space<hbm>> -> memref<10000x128xf32, #tpu.memory_space<hbm>>
      tpu.wait_indirect_dma semaphore(%arg14 : memref<!tpu.dma_semaphore, #tpu.memory_space<semaphore_mem>>) src(%dma_wait3A_110 : memref<10000x128xf32, #tpu.memory_space<hbm>>) dst(%arg12 : memref<128x128xf32, #tpu.memory_space<vmem>>)
      %scan3A_111 = arith.constant 0 : i32
      %scan3A_112 = arith.constant 8 : i32
      %scan3A_113 = arith.addi %scan3A_111, %scan3A_112 : i32
      %scan3A_114 = arith.constant 1 : i32
      scf.for %scan3A_116 = %scan3A_111 to %scan3A_113 step %scan3A_114  : i32 {
        %mul3A_117 = arith.constant 1 : i32
        %mul3A_118 = arith.muli %scan3A_116, %mul3A_117 : i32
        %add3A_119 = arith.constant 0 : i32
        %add3A_120 = arith.addi %add3A_119, %mul3A_118 : i32
        %mul3A_121 = arith.constant 16 : i32
        %mul3A_122 = arith.muli %add3A_120, %mul3A_121 : i32
        %get3A = arith.index_cast %add3A_98 : i32 to index
        %get3A_123 = arith.index_cast %mul3A_122 : i32 to index
        %get3A_124 = tpu.vector_load %arg10[%get3A, %get3A_123] {strides = array<i32>} : memref<80x128xf32, #tpu.memory_space<vmem>>, vector<16xf32>,
        %slice3A = vector.extract_strided_slice %get3A_124 {offsets = [0], sizes = [1], strides = [1]} : vector<16xf32> to vector<1xf32>
        %squeeze3A = vector.extract %slice3A[0] : f32 from vector<1xf32>
        %mul3A_125 = arith.constant 16 : i32
        %mul3A_126 = arith.muli %add3A_120, %mul3A_125 : i32
        %add3A_127 = arith.constant 0 : i32
        %add3A_128 = arith.addi %mul3A_126, %add3A_127 : i32
        %get3A_129 = arith.index_cast %add3A_128 : i32 to index
        %get3A_130 = arith.constant 0 : index
        %get3A_131 = tpu.vector_load %arg12[%get3A_129, %get3A_130] {strides = array<i32>} : memref<128x128xf32, #tpu.memory_space<vmem>>, vector<16xf32>,
        %mul3A_132 = vector.broadcast %squeeze3A : f32 to vector<16xf32>
        %mul3A_133 = arith.mulf %get3A_131, %mul3A_132 : vector<16xf32>
        %swap3A = arith.index_cast %add3A_128 : i32 to index
        %swap3A_134 = arith.constant 0 : index
        %swap3A_135 = tpu.vector_load %arg12[%swap3A, %swap3A_134] {strides = array<i32>} : memref<128x128xf32, #tpu.memory_space<vmem>>, vector<16xf32>,
        tpu.vector_store %arg12[%swap3A, %swap3A_134], %mul3A_133 {strides = array<i32>} : memref<128x128xf32, #tpu.memory_space<vmem>>, vector<16xf32>,
        %get3A_136 = arith.index_cast %add3A_128 : i32 to index
        %get3A_137 = arith.constant 16 : index
        %get3A_138 = tpu.vector_load %arg12[%get3A_136, %get3A_137] {strides = array<i32>} : memref<128x128xf32, #tpu.memory_space<vmem>>, vector<16xf32>,
        %mul3A_139 = vector.broadcast %squeeze3A : f32 to vector<16xf32>
        %mul3A_140 = arith.mulf %get3A_138, %mul3A_139 : vector<16xf32>
        %swap3A_141 = arith.index_cast %add3A_128 : i32 to index
        %swap3A_142 = arith.constant 16 : index
        %swap3A_143 = tpu.vector_load %arg12[%swap3A_141, %swap3A_142] {strides = array<i32>} : memref<128x128xf32, #tpu.memory_space<vmem>>, vector<16xf32>,
        tpu.vector_store %arg12[%swap3A_141, %swap3A_142], %mul3A_140 {strides = array<i32>} : memref<128x128xf32, #tpu.memory_space<vmem>>, vector<16xf32>,
        %get3A_144 = arith.index_cast %add3A_128 : i32 to index
        %get3A_145 = arith.constant 32 : index
        %get3A_146 = tpu.vector_load %arg12[%get3A_144, %get3A_145] {strides = array<i32>} : memref<128x128xf32, #tpu.memory_space<vmem>>, vector<16xf32>,
        %mul3A_147 = vector.broadcast %squeeze3A : f32 to vector<16xf32>
        %mul3A_148 = arith.mulf %get3A_146, %mul3A_147 : vector<16xf32>
        %swap3A_149 = arith.index_cast %add3A_128 : i32 to index
        %swap3A_150 = arith.constant 32 : index
        %swap3A_151 = tpu.vector_load %arg12[%swap3A_149, %swap3A_150] {strides = array<i32>} : memref<128x128xf32, #tpu.memory_space<vmem>>, vector<16xf32>,
        tpu.vector_store %arg12[%swap3A_149, %swap3A_150], %mul3A_148 {strides = array<i32>} : memref<128x128xf32, #tpu.memory_space<vmem>>, vector<16xf32>,
        %get3A_152 = arith.index_cast %add3A_128 : i32 to index
        %get3A_153 = arith.constant 48 : index
        %get3A_154 = tpu.vector_load %arg12[%get3A_152, %get3A_153] {strides = array<i32>} : memref<128x128xf32, #tpu.memory_space<vmem>>, vector<16xf32>,
        %mul3A_155 = vector.broadcast %squeeze3A : f32 to vector<16xf32>
        %mul3A_156 = arith.mulf %get3A_154, %mul3A_155 : vector<16xf32>
        %swap3A_157 = arith.index_cast %add3A_128 : i32 to index
        %swap3A_158 = arith.constant 48 : index
        %swap3A_159 = tpu.vector_load %arg12[%swap3A_157, %swap3A_158] {strides = array<i32>} : memref<128x128xf32, #tpu.memory_space<vmem>>, vector<16xf32>,
        tpu.vector_store %arg12[%swap3A_157, %swap3A_158], %mul3A_156 {strides = array<i32>} : memref<128x128xf32, #tpu.memory_space<vmem>>, vector<16xf32>,
        %get3A_160 = arith.index_cast %add3A_128 : i32 to index
        %get3A_161 = arith.constant 64 : index
        %get3A_162 = tpu.vector_load %arg12[%get3A_160, %get3A_161] {strides = array<i32>} : memref<128x128xf32, #tpu.memory_space<vmem>>, vector<16xf32>,
        %mul3A_163 = vector.broadcast %squeeze3A : f32 to vector<16xf32>
        %mul3A_164 = arith.mulf %get3A_162, %mul3A_163 : vector<16xf32>
        %swap3A_165 = arith.index_cast %add3A_128 : i32 to index
        %swap3A_166 = arith.constant 64 : index
        %swap3A_167 = tpu.vector_load %arg12[%swap3A_165, %swap3A_166] {strides = array<i32>} : memref<128x128xf32, #tpu.memory_space<vmem>>, vector<16xf32>,
        tpu.vector_store %arg12[%swap3A_165, %swap3A_166], %mul3A_164 {strides = array<i32>} : memref<128x128xf32, #tpu.memory_space<vmem>>, vector<16xf32>,
        %get3A_168 = arith.index_cast %add3A_128 : i32 to index
        %get3A_169 = arith.constant 80 : index
        %get3A_170 = tpu.vector_load %arg12[%get3A_168, %get3A_169] {strides = array<i32>} : memref<128x128xf32, #tpu.memory_space<vmem>>, vector<16xf32>,
        %mul3A_171 = vector.broadcast %squeeze3A : f32 to vector<16xf32>
        %mul3A_172 = arith.mulf %get3A_170, %mul3A_171 : vector<16xf32>
        %swap3A_173 = arith.index_cast %add3A_128 : i32 to index
        %swap3A_174 = arith.constant 80 : index
        %swap3A_175 = tpu.vector_load %arg12[%swap3A_173, %swap3A_174] {strides = array<i32>} : memref<128x128xf32, #tpu.memory_space<vmem>>, vector<16xf32>,
        tpu.vector_store %arg12[%swap3A_173, %swap3A_174], %mul3A_172 {strides = array<i32>} : memref<128x128xf32, #tpu.memory_space<vmem>>, vector<16xf32>,
        %get3A_176 = arith.index_cast %add3A_128 : i32 to index
        %get3A_177 = arith.constant 96 : index
        %get3A_178 = tpu.vector_load %arg12[%get3A_176, %get3A_177] {strides = array<i32>} : memref<128x128xf32, #tpu.memory_space<vmem>>, vector<16xf32>,
        %mul3A_179 = vector.broadcast %squeeze3A : f32 to vector<16xf32>
        %mul3A_180 = arith.mulf %get3A_178, %mul3A_179 : vector<16xf32>
        %swap3A_181 = arith.index_cast %add3A_128 : i32 to index
        %swap3A_182 = arith.constant 96 : index
        %swap3A_183 = tpu.vector_load %arg12[%swap3A_181, %swap3A_182] {strides = array<i32>} : memref<128x128xf32, #tpu.memory_space<vmem>>, vector<16xf32>,
        tpu.vector_store %arg12[%swap3A_181, %swap3A_182], %mul3A_180 {strides = array<i32>} : memref<128x128xf32, #tpu.memory_space<vmem>>, vector<16xf32>,
        %get3A_184 = arith.index_cast %add3A_128 : i32 to index
        %get3A_185 = arith.constant 112 : index
        %get3A_186 = tpu.vector_load %arg12[%get3A_184, %get3A_185] {strides = array<i32>} : memref<128x128xf32, #tpu.memory_space<vmem>>, vector<16xf32>,
        %mul3A_187 = vector.broadcast %squeeze3A : f32 to vector<16xf32>
        %mul3A_188 = arith.mulf %get3A_186, %mul3A_187 : vector<16xf32>
        %swap3A_189 = arith.index_cast %add3A_128 : i32 to index
        %swap3A_190 = arith.constant 112 : index
        %swap3A_191 = tpu.vector_load %arg12[%swap3A_189, %swap3A_190] {strides = array<i32>} : memref<128x128xf32, #tpu.memory_space<vmem>>, vector<16xf32>,
        tpu.vector_store %arg12[%swap3A_189, %swap3A_190], %mul3A_188 {strides = array<i32>} : memref<128x128xf32, #tpu.memory_space<vmem>>, vector<16xf32>,
        %slice3A_192 = vector.extract_strided_slice %get3A_124 {offsets = [1], sizes = [1], strides = [1]} : vector<16xf32> to vector<1xf32>
        %squeeze3A_193 = vector.extract %slice3A_192[0] : f32 from vector<1xf32>
        %mul3A_194 = arith.constant 16 : i32
        %mul3A_195 = arith.muli %add3A_120, %mul3A_194 : i32
        %add3A_196 = arith.constant 1 : i32
        %add3A_197 = arith.addi %mul3A_195, %add3A_196 : i32
        %get3A_198 = arith.index_cast %add3A_197 : i32 to index
        %get3A_199 = arith.constant 0 : index
        %get3A_200 = tpu.vector_load %arg12[%get3A_198, %get3A_199] {strides = array<i32>} : memref<128x128xf32, #tpu.memory_space<vmem>>, vector<16xf32>,
        %mul3A_201 = vector.broadcast %squeeze3A_193 : f32 to vector<16xf32>
        %mul3A_202 = arith.mulf %get3A_200, %mul3A_201 : vector<16xf32>
        %swap3A_203 = arith.index_cast %add3A_197 : i32 to index
        %swap3A_204 = arith.constant 0 : index
        %swap3A_205 = tpu.vector_load %arg12[%swap3A_203, %swap3A_204] {strides = array<i32>} : memref<128x128xf32, #tpu.memory_space<vmem>>, vector<16xf32>,
        tpu.vector_store %arg12[%swap3A_203, %swap3A_204], %mul3A_202 {strides = array<i32>} : memref<128x128xf32, #tpu.memory_space<vmem>>, vector<16xf32>,
        %get3A_206 = arith.index_cast %add3A_197 : i32 to index
        %get3A_207 = arith.constant 16 : index
        %get3A_208 = tpu.vector_load %arg12[%get3A_206, %get3A_207] {strides = array<i32>} : memref<128x128xf32, #tpu.memory_space<vmem>>, vector<16xf32>,
        %mul3A_209 = vector.broadcast %squeeze3A_193 : f32 to vector<16xf32>
        %mul3A_210 = arith.mulf %get3A_208, %mul3A_209 : vector<16xf32>
        %swap3A_211 = arith.index_cast %add3A_197 : i32 to index
        %swap3A_212 = arith.constant 16 : index
        %swap3A_213 = tpu.vector_load %arg12[%swap3A_211, %swap3A_212] {strides = array<i32>} : memref<128x128xf32, #tpu.memory_space<vmem>>, vector<16xf32>,
        tpu.vector_store %arg12[%swap3A_211, %swap3A_212], %mul3A_210 {strides = array<i32>} : memref<128x128xf32, #tpu.memory_space<vmem>>, vector<16xf32>,
        %get3A_214 = arith.index_cast %add3A_197 : i32 to index
        %get3A_215 = arith.constant 32 : index
        %get3A_216 = tpu.vector_load %arg12[%get3A_214, %get3A_215] {strides = array<i32>} : memref<128x128xf32, #tpu.memory_space<vmem>>, vector<16xf32>,
        %mul3A_217 = vector.broadcast %squeeze3A_193 : f32 to vector<16xf32>
        %mul3A_218 = arith.mulf %get3A_216, %mul3A_217 : vector<16xf32>
        %swap3A_219 = arith.index_cast %add3A_197 : i32 to index
        %swap3A_220 = arith.constant 32 : index
        %swap3A_221 = tpu.vector_load %arg12[%swap3A_219, %swap3A_220] {strides = array<i32>} : memref<128x128xf32, #tpu.memory_space<vmem>>, vector<16xf32>,
        tpu.vector_store %arg12[%swap3A_219, %swap3A_220], %mul3A_218 {strides = array<i32>} : memref<128x128xf32, #tpu.memory_space<vmem>>, vector<16xf32>,
        %get3A_222 = arith.index_cast %add3A_197 : i32 to index
        %get3A_223 = arith.constant 48 : index
        %get3A_224 = tpu.vector_load %arg12[%get3A_222, %get3A_223] {strides = array<i32>} : memref<128x128xf32, #tpu.memory_space<vmem>>, vector<16xf32>,
        %mul3A_225 = vector.broadcast %squeeze3A_193 : f32 to vector<16xf32>
        %mul3A_226 = arith.mulf %get3A_224, %mul3A_225 : vector<16xf32>
        %swap3A_227 = arith.index_cast %add3A_197 : i32 to index
        %swap3A_228 = arith.constant 48 : index
        %swap3A_229 = tpu.vector_load %arg12[%swap3A_227, %swap3A_228] {strides = array<i32>} : memref<128x128xf32, #tpu.memory_space<vmem>>, vector<16xf32>,
        tpu.vector_store %arg12[%swap3A_227, %swap3A_228], %mul3A_226 {strides = array<i32>} : memref<128x128xf32, #tpu.memory_space<vmem>>, vector<16xf32>,
        %get3A_230 = arith.index_cast %add3A_197 : i32 to index
        %get3A_231 = arith.constant 64 : index
        %get3A_232 = tpu.vector_load %arg12[%get3A_230, %get3A_231] {strides = array<i32>} : memref<128x128xf32, #tpu.memory_space<vmem>>, vector<16xf32>,
        %mul3A_233 = vector.broadcast %squeeze3A_193 : f32 to vector<16xf32>
        %mul3A_234 = arith.mulf %get3A_232, %mul3A_233 : vector<16xf32>
        %swap3A_235 = arith.index_cast %add3A_197 : i32 to index
        %swap3A_236 = arith.constant 64 : index
        %swap3A_237 = tpu.vector_load %arg12[%swap3A_235, %swap3A_236] {strides = array<i32>} : memref<128x128xf32, #tpu.memory_space<vmem>>, vector<16xf32>,
        tpu.vector_store %arg12[%swap3A_235, %swap3A_236], %mul3A_234 {strides = array<i32>} : memref<128x128xf32, #tpu.memory_space<vmem>>, vector<16xf32>,
        %get3A_238 = arith.index_cast %add3A_197 : i32 to index
        %get3A_239 = arith.constant 80 : index
        %get3A_240 = tpu.vector_load %arg12[%get3A_238, %get3A_239] {strides = array<i32>} : memref<128x128xf32, #tpu.memory_space<vmem>>, vector<16xf32>,
        %mul3A_241 = vector.broadcast %squeeze3A_193 : f32 to vector<16xf32>
        %mul3A_242 = arith.mulf %get3A_240, %mul3A_241 : vector<16xf32>
        %swap3A_243 = arith.index_cast %add3A_197 : i32 to index
        %swap3A_244 = arith.constant 80 : index
        %swap3A_245 = tpu.vector_load %arg12[%swap3A_243, %swap3A_244] {strides = array<i32>} : memref<128x128xf32, #tpu.memory_space<vmem>>, vector<16xf32>,
        tpu.vector_store %arg12[%swap3A_243, %swap3A_244], %mul3A_242 {strides = array<i32>} : memref<128x128xf32, #tpu.memory_space<vmem>>, vector<16xf32>,
        %get3A_246 = arith.index_cast %add3A_197 : i32 to index
        %get3A_247 = arith.constant 96 : index
        %get3A_248 = tpu.vector_load %arg12[%get3A_246, %get3A_247] {strides = array<i32>} : memref<128x128xf32, #tpu.memory_space<vmem>>, vector<16xf32>,
        %mul3A_249 = vector.broadcast %squeeze3A_193 : f32 to vector<16xf32>
        %mul3A_250 = arith.mulf %get3A_248, %mul3A_249 : vector<16xf32>
        %swap3A_251 = arith.index_cast %add3A_197 : i32 to index
        %swap3A_252 = arith.constant 96 : index
        %swap3A_253 = tpu.vector_load %arg12[%swap3A_251, %swap3A_252] {strides = array<i32>} : memref<128x128xf32, #tpu.memory_space<vmem>>, vector<16xf32>,
        tpu.vector_store %arg12[%swap3A_251, %swap3A_252], %mul3A_250 {strides = array<i32>} : memref<128x128xf32, #tpu.memory_space<vmem>>, vector<16xf32>,
        %get3A_254 = arith.index_cast %add3A_197 : i32 to index
        %get3A_255 = arith.constant 112 : index
        %get3A_256 = tpu.vector_load %arg12[%get3A_254, %get3A_255] {strides = array<i32>} : memref<128x128xf32, #tpu.memory_space<vmem>>, vector<16xf32>,
        %mul3A_257 = vector.broadcast %squeeze3A_193 : f32 to vector<16xf32>
        %mul3A_258 = arith.mulf %get3A_256, %mul3A_257 : vector<16xf32>
        %swap3A_259 = arith.index_cast %add3A_197 : i32 to index
        %swap3A_260 = arith.constant 112 : index
        %swap3A_261 = tpu.vector_load %arg12[%swap3A_259, %swap3A_260] {strides = array<i32>} : memref<128x128xf32, #tpu.memory_space<vmem>>, vector<16xf32>,
        tpu.vector_store %arg12[%swap3A_259, %swap3A_260], %mul3A_258 {strides = array<i32>} : memref<128x128xf32, #tpu.memory_space<vmem>>, vector<16xf32>,
        %slice3A_262 = vector.extract_strided_slice %get3A_124 {offsets = [2], sizes = [1], strides = [1]} : vector<16xf32> to vector<1xf32>
        %squeeze3A_263 = vector.extract %slice3A_262[0] : f32 from vector<1xf32>
        %mul3A_264 = arith.constant 16 : i32
        %mul3A_265 = arith.muli %add3A_120, %mul3A_264 : i32
        %add3A_266 = arith.constant 2 : i32
        %add3A_267 = arith.addi %mul3A_265, %add3A_266 : i32
        %get3A_268 = arith.index_cast %add3A_267 : i32 to index
        %get3A_269 = arith.constant 0 : index
        %get3A_270 = tpu.vector_load %arg12[%get3A_268, %get3A_269] {strides = array<i32>} : memref<128x128xf32, #tpu.memory_space<vmem>>, vector<16xf32>,
        %mul3A_271 = vector.broadcast %squeeze3A_263 : f32 to vector<16xf32>
        %mul3A_272 = arith.mulf %get3A_270, %mul3A_271 : vector<16xf32>
        %swap3A_273 = arith.index_cast %add3A_267 : i32 to index
        %swap3A_274 = arith.constant 0 : index
        %swap3A_275 = tpu.vector_load %arg12[%swap3A_273, %swap3A_274] {strides = array<i32>} : memref<128x128xf32, #tpu.memory_space<vmem>>, vector<16xf32>,
        tpu.vector_store %arg12[%swap3A_273, %swap3A_274], %mul3A_272 {strides = array<i32>} : memref<128x128xf32, #tpu.memory_space<vmem>>, vector<16xf32>,
        %get3A_276 = arith.index_cast %add3A_267 : i32 to index
        %get3A_277 = arith.constant 16 : index
        %get3A_278 = tpu.vector_load %arg12[%get3A_276, %get3A_277] {strides = array<i32>} : memref<128x128xf32, #tpu.memory_space<vmem>>, vector<16xf32>,
        %mul3A_279 = vector.broadcast %squeeze3A_263 : f32 to vector<16xf32>
        %mul3A_280 = arith.mulf %get3A_278, %mul3A_279 : vector<16xf32>
        %swap3A_281 = arith.index_cast %add3A_267 : i32 to index
        %swap3A_282 = arith.constant 16 : index
        %swap3A_283 = tpu.vector_load %arg12[%swap3A_281, %swap3A_282] {strides = array<i32>} : memref<128x128xf32, #tpu.memory_space<vmem>>, vector<16xf32>,
        tpu.vector_store %arg12[%swap3A_281, %swap3A_282], %mul3A_280 {strides = array<i32>} : memref<128x128xf32, #tpu.memory_space<vmem>>, vector<16xf32>,
        %get3A_284 = arith.index_cast %add3A_267 : i32 to index
        %get3A_285 = arith.constant 32 : index
        %get3A_286 = tpu.vector_load %arg12[%get3A_284, %get3A_285] {strides = array<i32>} : memref<128x128xf32, #tpu.memory_space<vmem>>, vector<16xf32>,
        %mul3A_287 = vector.broadcast %squeeze3A_263 : f32 to vector<16xf32>
        %mul3A_288 = arith.mulf %get3A_286, %mul3A_287 : vector<16xf32>
        %swap3A_289 = arith.index_cast %add3A_267 : i32 to index
        %swap3A_290 = arith.constant 32 : index
        %swap3A_291 = tpu.vector_load %arg12[%swap3A_289, %swap3A_290] {strides = array<i32>} : memref<128x128xf32, #tpu.memory_space<vmem>>, vector<16xf32>,
        tpu.vector_store %arg12[%swap3A_289, %swap3A_290], %mul3A_288 {strides = array<i32>} : memref<128x128xf32, #tpu.memory_space<vmem>>, vector<16xf32>,
        %get3A_292 = arith.index_cast %add3A_267 : i32 to index
        %get3A_293 = arith.constant 48 : index
        %get3A_294 = tpu.vector_load %arg12[%get3A_292, %get3A_293] {strides = array<i32>} : memref<128x128xf32, #tpu.memory_space<vmem>>, vector<16xf32>,
        %mul3A_295 = vector.broadcast %squeeze3A_263 : f32 to vector<16xf32>
        %mul3A_296 = arith.mulf %get3A_294, %mul3A_295 : vector<16xf32>
        %swap3A_297 = arith.index_cast %add3A_267 : i32 to index
        %swap3A_298 = arith.constant 48 : index
        %swap3A_299 = tpu.vector_load %arg12[%swap3A_297, %swap3A_298] {strides = array<i32>} : memref<128x128xf32, #tpu.memory_space<vmem>>, vector<16xf32>,
        tpu.vector_store %arg12[%swap3A_297, %swap3A_298], %mul3A_296 {strides = array<i32>} : memref<128x128xf32, #tpu.memory_space<vmem>>, vector<16xf32>,
        %get3A_300 = arith.index_cast %add3A_267 : i32 to index
        %get3A_301 = arith.constant 64 : index
        %get3A_302 = tpu.vector_load %arg12[%get3A_300, %get3A_301] {strides = array<i32>} : memref<128x128xf32, #tpu.memory_space<vmem>>, vector<16xf32>,
        %mul3A_303 = vector.broadcast %squeeze3A_263 : f32 to vector<16xf32>
        %mul3A_304 = arith.mulf %get3A_302, %mul3A_303 : vector<16xf32>
        %swap3A_305 = arith.index_cast %add3A_267 : i32 to index
        %swap3A_306 = arith.constant 64 : index
        %swap3A_307 = tpu.vector_load %arg12[%swap3A_305, %swap3A_306] {strides = array<i32>} : memref<128x128xf32, #tpu.memory_space<vmem>>, vector<16xf32>,
        tpu.vector_store %arg12[%swap3A_305, %swap3A_306], %mul3A_304 {strides = array<i32>} : memref<128x128xf32, #tpu.memory_space<vmem>>, vector<16xf32>,
        %get3A_308 = arith.index_cast %add3A_267 : i32 to index
        %get3A_309 = arith.constant 80 : index
        %get3A_310 = tpu.vector_load %arg12[%get3A_308, %get3A_309] {strides = array<i32>} : memref<128x128xf32, #tpu.memory_space<vmem>>, vector<16xf32>,
        %mul3A_311 = vector.broadcast %squeeze3A_263 : f32 to vector<16xf32>
        %mul3A_312 = arith.mulf %get3A_310, %mul3A_311 : vector<16xf32>
        %swap3A_313 = arith.index_cast %add3A_267 : i32 to index
        %swap3A_314 = arith.constant 80 : index
        %swap3A_315 = tpu.vector_load %arg12[%swap3A_313, %swap3A_314] {strides = array<i32>} : memref<128x128xf32, #tpu.memory_space<vmem>>, vector<16xf32>,
        tpu.vector_store %arg12[%swap3A_313, %swap3A_314], %mul3A_312 {strides = array<i32>} : memref<128x128xf32, #tpu.memory_space<vmem>>, vector<16xf32>,
        %get3A_316 = arith.index_cast %add3A_267 : i32 to index
        %get3A_317 = arith.constant 96 : index
        %get3A_318 = tpu.vector_load %arg12[%get3A_316, %get3A_317] {strides = array<i32>} : memref<128x128xf32, #tpu.memory_space<vmem>>, vector<16xf32>,
        %mul3A_319 = vector.broadcast %squeeze3A_263 : f32 to vector<16xf32>
        %mul3A_320 = arith.mulf %get3A_318, %mul3A_319 : vector<16xf32>
        %swap3A_321 = arith.index_cast %add3A_267 : i32 to index
        %swap3A_322 = arith.constant 96 : index
        %swap3A_323 = tpu.vector_load %arg12[%swap3A_321, %swap3A_322] {strides = array<i32>} : memref<128x128xf32, #tpu.memory_space<vmem>>, vector<16xf32>,
        tpu.vector_store %arg12[%swap3A_321, %swap3A_322], %mul3A_320 {strides = array<i32>} : memref<128x128xf32, #tpu.memory_space<vmem>>, vector<16xf32>,
        %get3A_324 = arith.index_cast %add3A_267 : i32 to index
        %get3A_325 = arith.constant 112 : index
        %get3A_326 = tpu.vector_load %arg12[%get3A_324, %get3A_325] {strides = array<i32>} : memref<128x128xf32, #tpu.memory_space<vmem>>, vector<16xf32>,
        %mul3A_327 = vector.broadcast %squeeze3A_263 : f32 to vector<16xf32>
        %mul3A_328 = arith.mulf %get3A_326, %mul3A_327 : vector<16xf32>
        %swap3A_329 = arith.index_cast %add3A_267 : i32 to index
        %swap3A_330 = arith.constant 112 : index
        %swap3A_331 = tpu.vector_load %arg12[%swap3A_329, %swap3A_330] {strides = array<i32>} : memref<128x128xf32, #tpu.memory_space<vmem>>, vector<16xf32>,
        tpu.vector_store %arg12[%swap3A_329, %swap3A_330], %mul3A_328 {strides = array<i32>} : memref<128x128xf32, #tpu.memory_space<vmem>>, vector<16xf32>,
        %slice3A_332 = vector.extract_strided_slice %get3A_124 {offsets = [3], sizes = [1], strides = [1]} : vector<16xf32> to vector<1xf32>
        %squeeze3A_333 = vector.extract %slice3A_332[0] : f32 from vector<1xf32>
        %mul3A_334 = arith.constant 16 : i32
        %mul3A_335 = arith.muli %add3A_120, %mul3A_334 : i32
        %add3A_336 = arith.constant 3 : i32
        %add3A_337 = arith.addi %mul3A_335, %add3A_336 : i32
        %get3A_338 = arith.index_cast %add3A_337 : i32 to index
        %get3A_339 = arith.constant 0 : index
        %get3A_340 = tpu.vector_load %arg12[%get3A_338, %get3A_339] {strides = array<i32>} : memref<128x128xf32, #tpu.memory_space<vmem>>, vector<16xf32>,
        %mul3A_341 = vector.broadcast %squeeze3A_333 : f32 to vector<16xf32>
        %mul3A_342 = arith.mulf %get3A_340, %mul3A_341 : vector<16xf32>
        %swap3A_343 = arith.index_cast %add3A_337 : i32 to index
        %swap3A_344 = arith.constant 0 : index
        %swap3A_345 = tpu.vector_load %arg12[%swap3A_343, %swap3A_344] {strides = array<i32>} : memref<128x128xf32, #tpu.memory_space<vmem>>, vector<16xf32>,
        tpu.vector_store %arg12[%swap3A_343, %swap3A_344], %mul3A_342 {strides = array<i32>} : memref<128x128xf32, #tpu.memory_space<vmem>>, vector<16xf32>,
        %get3A_346 = arith.index_cast %add3A_337 : i32 to index
        %get3A_347 = arith.constant 16 : index
        %get3A_348 = tpu.vector_load %arg12[%get3A_346, %get3A_347] {strides = array<i32>} : memref<128x128xf32, #tpu.memory_space<vmem>>, vector<16xf32>,
        %mul3A_349 = vector.broadcast %squeeze3A_333 : f32 to vector<16xf32>
        %mul3A_350 = arith.mulf %get3A_348, %mul3A_349 : vector<16xf32>
        %swap3A_351 = arith.index_cast %add3A_337 : i32 to index
        %swap3A_352 = arith.constant 16 : index
        %swap3A_353 = tpu.vector_load %arg12[%swap3A_351, %swap3A_352] {strides = array<i32>} : memref<128x128xf32, #tpu.memory_space<vmem>>, vector<16xf32>,
        tpu.vector_store %arg12[%swap3A_351, %swap3A_352], %mul3A_350 {strides = array<i32>} : memref<128x128xf32, #tpu.memory_space<vmem>>, vector<16xf32>,
        %get3A_354 = arith.index_cast %add3A_337 : i32 to index
        %get3A_355 = arith.constant 32 : index
        %get3A_356 = tpu.vector_load %arg12[%get3A_354, %get3A_355] {strides = array<i32>} : memref<128x128xf32, #tpu.memory_space<vmem>>, vector<16xf32>,
        %mul3A_357 = vector.broadcast %squeeze3A_333 : f32 to vector<16xf32>
        %mul3A_358 = arith.mulf %get3A_356, %mul3A_357 : vector<16xf32>
        %swap3A_359 = arith.index_cast %add3A_337 : i32 to index
        %swap3A_360 = arith.constant 32 : index
        %swap3A_361 = tpu.vector_load %arg12[%swap3A_359, %swap3A_360] {strides = array<i32>} : memref<128x128xf32, #tpu.memory_space<vmem>>, vector<16xf32>,
        tpu.vector_store %arg12[%swap3A_359, %swap3A_360], %mul3A_358 {strides = array<i32>} : memref<128x128xf32, #tpu.memory_space<vmem>>, vector<16xf32>,
        %get3A_362 = arith.index_cast %add3A_337 : i32 to index
        %get3A_363 = arith.constant 48 : index
        %get3A_364 = tpu.vector_load %arg12[%get3A_362, %get3A_363] {strides = array<i32>} : memref<128x128xf32, #tpu.memory_space<vmem>>, vector<16xf32>,
        %mul3A_365 = vector.broadcast %squeeze3A_333 : f32 to vector<16xf32>
        %mul3A_366 = arith.mulf %get3A_364, %mul3A_365 : vector<16xf32>
        %swap3A_367 = arith.index_cast %add3A_337 : i32 to index
        %swap3A_368 = arith.constant 48 : index
        %swap3A_369 = tpu.vector_load %arg12[%swap3A_367, %swap3A_368] {strides = array<i32>} : memref<128x128xf32, #tpu.memory_space<vmem>>, vector<16xf32>,
        tpu.vector_store %arg12[%swap3A_367, %swap3A_368], %mul3A_366 {strides = array<i32>} : memref<128x128xf32, #tpu.memory_space<vmem>>, vector<16xf32>,
        %get3A_370 = arith.index_cast %add3A_337 : i32 to index
        %get3A_371 = arith.constant 64 : index
        %get3A_372 = tpu.vector_load %arg12[%get3A_370, %get3A_371] {strides = array<i32>} : memref<128x128xf32, #tpu.memory_space<vmem>>, vector<16xf32>,
        %mul3A_373 = vector.broadcast %squeeze3A_333 : f32 to vector<16xf32>
        %mul3A_374 = arith.mulf %get3A_372, %mul3A_373 : vector<16xf32>
        %swap3A_375 = arith.index_cast %add3A_337 : i32 to index
        %swap3A_376 = arith.constant 64 : index
        %swap3A_377 = tpu.vector_load %arg12[%swap3A_375, %swap3A_376] {strides = array<i32>} : memref<128x128xf32, #tpu.memory_space<vmem>>, vector<16xf32>,
        tpu.vector_store %arg12[%swap3A_375, %swap3A_376], %mul3A_374 {strides = array<i32>} : memref<128x128xf32, #tpu.memory_space<vmem>>, vector<16xf32>,
        %get3A_378 = arith.index_cast %add3A_337 : i32 to index
        %get3A_379 = arith.constant 80 : index
        %get3A_380 = tpu.vector_load %arg12[%get3A_378, %get3A_379] {strides = array<i32>} : memref<128x128xf32, #tpu.memory_space<vmem>>, vector<16xf32>,
        %mul3A_381 = vector.broadcast %squeeze3A_333 : f32 to vector<16xf32>
        %mul3A_382 = arith.mulf %get3A_380, %mul3A_381 : vector<16xf32>
        %swap3A_383 = arith.index_cast %add3A_337 : i32 to index
        %swap3A_384 = arith.constant 80 : index
        %swap3A_385 = tpu.vector_load %arg12[%swap3A_383, %swap3A_384] {strides = array<i32>} : memref<128x128xf32, #tpu.memory_space<vmem>>, vector<16xf32>,
        tpu.vector_store %arg12[%swap3A_383, %swap3A_384], %mul3A_382 {strides = array<i32>} : memref<128x128xf32, #tpu.memory_space<vmem>>, vector<16xf32>,
        %get3A_386 = arith.index_cast %add3A_337 : i32 to index
        %get3A_387 = arith.constant 96 : index
        %get3A_388 = tpu.vector_load %arg12[%get3A_386, %get3A_387] {strides = array<i32>} : memref<128x128xf32, #tpu.memory_space<vmem>>, vector<16xf32>,
        %mul3A_389 = vector.broadcast %squeeze3A_333 : f32 to vector<16xf32>
        %mul3A_390 = arith.mulf %get3A_388, %mul3A_389 : vector<16xf32>
        %swap3A_391 = arith.index_cast %add3A_337 : i32 to index
        %swap3A_392 = arith.constant 96 : index
        %swap3A_393 = tpu.vector_load %arg12[%swap3A_391, %swap3A_392] {strides = array<i32>} : memref<128x128xf32, #tpu.memory_space<vmem>>, vector<16xf32>,
        tpu.vector_store %arg12[%swap3A_391, %swap3A_392], %mul3A_390 {strides = array<i32>} : memref<128x128xf32, #tpu.memory_space<vmem>>, vector<16xf32>,
        %get3A_394 = arith.index_cast %add3A_337 : i32 to index
        %get3A_395 = arith.constant 112 : index
        %get3A_396 = tpu.vector_load %arg12[%get3A_394, %get3A_395] {strides = array<i32>} : memref<128x128xf32, #tpu.memory_space<vmem>>, vector<16xf32>,
        %mul3A_397 = vector.broadcast %squeeze3A_333 : f32 to vector<16xf32>
        %mul3A_398 = arith.mulf %get3A_396, %mul3A_397 : vector<16xf32>
        %swap3A_399 = arith.index_cast %add3A_337 : i32 to index
        %swap3A_400 = arith.constant 112 : index
        %swap3A_401 = tpu.vector_load %arg12[%swap3A_399, %swap3A_400] {strides = array<i32>} : memref<128x128xf32, #tpu.memory_space<vmem>>, vector<16xf32>,
        tpu.vector_store %arg12[%swap3A_399, %swap3A_400], %mul3A_398 {strides = array<i32>} : memref<128x128xf32, #tpu.memory_space<vmem>>, vector<16xf32>,
        %slice3A_402 = vector.extract_strided_slice %get3A_124 {offsets = [4], sizes = [1], strides = [1]} : vector<16xf32> to vector<1xf32>
        %squeeze3A_403 = vector.extract %slice3A_402[0] : f32 from vector<1xf32>
        %mul3A_404 = arith.constant 16 : i32
        %mul3A_405 = arith.muli %add3A_120, %mul3A_404 : i32
        %add3A_406 = arith.constant 4 : i32
        %add3A_407 = arith.addi %mul3A_405, %add3A_406 : i32
        %get3A_408 = arith.index_cast %add3A_407 : i32 to index
        %get3A_409 = arith.constant 0 : index
        %get3A_410 = tpu.vector_load %arg12[%get3A_408, %get3A_409] {strides = array<i32>} : memref<128x128xf32, #tpu.memory_space<vmem>>, vector<16xf32>,
        %mul3A_411 = vector.broadcast %squeeze3A_403 : f32 to vector<16xf32>
        %mul3A_412 = arith.mulf %get3A_410, %mul3A_411 : vector<16xf32>
        %swap3A_413 = arith.index_cast %add3A_407 : i32 to index
        %swap3A_414 = arith.constant 0 : index
        %swap3A_415 = tpu.vector_load %arg12[%swap3A_413, %swap3A_414] {strides = array<i32>} : memref<128x128xf32, #tpu.memory_space<vmem>>, vector<16xf32>,
        tpu.vector_store %arg12[%swap3A_413, %swap3A_414], %mul3A_412 {strides = array<i32>} : memref<128x128xf32, #tpu.memory_space<vmem>>, vector<16xf32>,
        %get3A_416 = arith.index_cast %add3A_407 : i32 to index
        %get3A_417 = arith.constant 16 : index
        %get3A_418 = tpu.vector_load %arg12[%get3A_416, %get3A_417] {strides = array<i32>} : memref<128x128xf32, #tpu.memory_space<vmem>>, vector<16xf32>,
        %mul3A_419 = vector.broadcast %squeeze3A_403 : f32 to vector<16xf32>
        %mul3A_420 = arith.mulf %get3A_418, %mul3A_419 : vector<16xf32>
        %swap3A_421 = arith.index_cast %add3A_407 : i32 to index
        %swap3A_422 = arith.constant 16 : index
        %swap3A_423 = tpu.vector_load %arg12[%swap3A_421, %swap3A_422] {strides = array<i32>} : memref<128x128xf32, #tpu.memory_space<vmem>>, vector<16xf32>,
        tpu.vector_store %arg12[%swap3A_421, %swap3A_422], %mul3A_420 {strides = array<i32>} : memref<128x128xf32, #tpu.memory_space<vmem>>, vector<16xf32>,
        %get3A_424 = arith.index_cast %add3A_407 : i32 to index
        %get3A_425 = arith.constant 32 : index
        %get3A_426 = tpu.vector_load %arg12[%get3A_424, %get3A_425] {strides = array<i32>} : memref<128x128xf32, #tpu.memory_space<vmem>>, vector<16xf32>,
        %mul3A_427 = vector.broadcast %squeeze3A_403 : f32 to vector<16xf32>
        %mul3A_428 = arith.mulf %get3A_426, %mul3A_427 : vector<16xf32>
        %swap3A_429 = arith.index_cast %add3A_407 : i32 to index
        %swap3A_430 = arith.constant 32 : index
        %swap3A_431 = tpu.vector_load %arg12[%swap3A_429, %swap3A_430] {strides = array<i32>} : memref<128x128xf32, #tpu.memory_space<vmem>>, vector<16xf32>,
        tpu.vector_store %arg12[%swap3A_429, %swap3A_430], %mul3A_428 {strides = array<i32>} : memref<128x128xf32, #tpu.memory_space<vmem>>, vector<16xf32>,
        %get3A_432 = arith.index_cast %add3A_407 : i32 to index
        %get3A_433 = arith.constant 48 : index
        %get3A_434 = tpu.vector_load %arg12[%get3A_432, %get3A_433] {strides = array<i32>} : memref<128x128xf32, #tpu.memory_space<vmem>>, vector<16xf32>,
        %mul3A_435 = vector.broadcast %squeeze3A_403 : f32 to vector<16xf32>
        %mul3A_436 = arith.mulf %get3A_434, %mul3A_435 : vector<16xf32>
        %swap3A_437 = arith.index_cast %add3A_407 : i32 to index
        %swap3A_438 = arith.constant 48 : index
        %swap3A_439 = tpu.vector_load %arg12[%swap3A_437, %swap3A_438] {strides = array<i32>} : memref<128x128xf32, #tpu.memory_space<vmem>>, vector<16xf32>,
        tpu.vector_store %arg12[%swap3A_437, %swap3A_438], %mul3A_436 {strides = array<i32>} : memref<128x128xf32, #tpu.memory_space<vmem>>, vector<16xf32>,
        %get3A_440 = arith.index_cast %add3A_407 : i32 to index
        %get3A_441 = arith.constant 64 : index
        %get3A_442 = tpu.vector_load %arg12[%get3A_440, %get3A_441] {strides = array<i32>} : memref<128x128xf32, #tpu.memory_space<vmem>>, vector<16xf32>,
        %mul3A_443 = vector.broadcast %squeeze3A_403 : f32 to vector<16xf32>
        %mul3A_444 = arith.mulf %get3A_442, %mul3A_443 : vector<16xf32>
        %swap3A_445 = arith.index_cast %add3A_407 : i32 to index
        %swap3A_446 = arith.constant 64 : index
        %swap3A_447 = tpu.vector_load %arg12[%swap3A_445, %swap3A_446] {strides = array<i32>} : memref<128x128xf32, #tpu.memory_space<vmem>>, vector<16xf32>,
        tpu.vector_store %arg12[%swap3A_445, %swap3A_446], %mul3A_444 {strides = array<i32>} : memref<128x128xf32, #tpu.memory_space<vmem>>, vector<16xf32>,
        %get3A_448 = arith.index_cast %add3A_407 : i32 to index
        %get3A_449 = arith.constant 80 : index
        %get3A_450 = tpu.vector_load %arg12[%get3A_448, %get3A_449] {strides = array<i32>} : memref<128x128xf32, #tpu.memory_space<vmem>>, vector<16xf32>,
        %mul3A_451 = vector.broadcast %squeeze3A_403 : f32 to vector<16xf32>
        %mul3A_452 = arith.mulf %get3A_450, %mul3A_451 : vector<16xf32>
        %swap3A_453 = arith.index_cast %add3A_407 : i32 to index
        %swap3A_454 = arith.constant 80 : index
        %swap3A_455 = tpu.vector_load %arg12[%swap3A_453, %swap3A_454] {strides = array<i32>} : memref<128x128xf32, #tpu.memory_space<vmem>>, vector<16xf32>,
        tpu.vector_store %arg12[%swap3A_453, %swap3A_454], %mul3A_452 {strides = array<i32>} : memref<128x128xf32, #tpu.memory_space<vmem>>, vector<16xf32>,
        %get3A_456 = arith.index_cast %add3A_407 : i32 to index
        %get3A_457 = arith.constant 96 : index
        %get3A_458 = tpu.vector_load %arg12[%get3A_456, %get3A_457] {strides = array<i32>} : memref<128x128xf32, #tpu.memory_space<vmem>>, vector<16xf32>,
        %mul3A_459 = vector.broadcast %squeeze3A_403 : f32 to vector<16xf32>
        %mul3A_460 = arith.mulf %get3A_458, %mul3A_459 : vector<16xf32>
        %swap3A_461 = arith.index_cast %add3A_407 : i32 to index
        %swap3A_462 = arith.constant 96 : index
        %swap3A_463 = tpu.vector_load %arg12[%swap3A_461, %swap3A_462] {strides = array<i32>} : memref<128x128xf32, #tpu.memory_space<vmem>>, vector<16xf32>,
        tpu.vector_store %arg12[%swap3A_461, %swap3A_462], %mul3A_460 {strides = array<i32>} : memref<128x128xf32, #tpu.memory_space<vmem>>, vector<16xf32>,
        %get3A_464 = arith.index_cast %add3A_407 : i32 to index
        %get3A_465 = arith.constant 112 : index
        %get3A_466 = tpu.vector_load %arg12[%get3A_464, %get3A_465] {strides = array<i32>} : memref<128x128xf32, #tpu.memory_space<vmem>>, vector<16xf32>,
        %mul3A_467 = vector.broadcast %squeeze3A_403 : f32 to vector<16xf32>
        %mul3A_468 = arith.mulf %get3A_466, %mul3A_467 : vector<16xf32>
        %swap3A_469 = arith.index_cast %add3A_407 : i32 to index
        %swap3A_470 = arith.constant 112 : index
        %swap3A_471 = tpu.vector_load %arg12[%swap3A_469, %swap3A_470] {strides = array<i32>} : memref<128x128xf32, #tpu.memory_space<vmem>>, vector<16xf32>,
        tpu.vector_store %arg12[%swap3A_469, %swap3A_470], %mul3A_468 {strides = array<i32>} : memref<128x128xf32, #tpu.memory_space<vmem>>, vector<16xf32>,
        %slice3A_472 = vector.extract_strided_slice %get3A_124 {offsets = [5], sizes = [1], strides = [1]} : vector<16xf32> to vector<1xf32>
        %squeeze3A_473 = vector.extract %slice3A_472[0] : f32 from vector<1xf32>
        %mul3A_474 = arith.constant 16 : i32
        %mul3A_475 = arith.muli %add3A_120, %mul3A_474 : i32
        %add3A_476 = arith.constant 5 : i32
        %add3A_477 = arith.addi %mul3A_475, %add3A_476 : i32
        %get3A_478 = arith.index_cast %add3A_477 : i32 to index
        %get3A_479 = arith.constant 0 : index
        %get3A_480 = tpu.vector_load %arg12[%get3A_478, %get3A_479] {strides = array<i32>} : memref<128x128xf32, #tpu.memory_space<vmem>>, vector<16xf32>,
        %mul3A_481 = vector.broadcast %squeeze3A_473 : f32 to vector<16xf32>
        %mul3A_482 = arith.mulf %get3A_480, %mul3A_481 : vector<16xf32>
        %swap3A_483 = arith.index_cast %add3A_477 : i32 to index
        %swap3A_484 = arith.constant 0 : index
        %swap3A_485 = tpu.vector_load %arg12[%swap3A_483, %swap3A_484] {strides = array<i32>} : memref<128x128xf32, #tpu.memory_space<vmem>>, vector<16xf32>,
        tpu.vector_store %arg12[%swap3A_483, %swap3A_484], %mul3A_482 {strides = array<i32>} : memref<128x128xf32, #tpu.memory_space<vmem>>, vector<16xf32>,
        %get3A_486 = arith.index_cast %add3A_477 : i32 to index
        %get3A_487 = arith.constant 16 : index
        %get3A_488 = tpu.vector_load %arg12[%get3A_486, %get3A_487] {strides = array<i32>} : memref<128x128xf32, #tpu.memory_space<vmem>>, vector<16xf32>,
        %mul3A_489 = vector.broadcast %squeeze3A_473 : f32 to vector<16xf32>
        %mul3A_490 = arith.mulf %get3A_488, %mul3A_489 : vector<16xf32>
        %swap3A_491 = arith.index_cast %add3A_477 : i32 to index
        %swap3A_492 = arith.constant 16 : index
        %swap3A_493 = tpu.vector_load %arg12[%swap3A_491, %swap3A_492] {strides = array<i32>} : memref<128x128xf32, #tpu.memory_space<vmem>>, vector<16xf32>,
        tpu.vector_store %arg12[%swap3A_491, %swap3A_492], %mul3A_490 {strides = array<i32>} : memref<128x128xf32, #tpu.memory_space<vmem>>, vector<16xf32>,
        %get3A_494 = arith.index_cast %add3A_477 : i32 to index
        %get3A_495 = arith.constant 32 : index
        %get3A_496 = tpu.vector_load %arg12[%get3A_494, %get3A_495] {strides = array<i32>} : memref<128x128xf32, #tpu.memory_space<vmem>>, vector<16xf32>,
        %mul3A_497 = vector.broadcast %squeeze3A_473 : f32 to vector<16xf32>
        %mul3A_498 = arith.mulf %get3A_496, %mul3A_497 : vector<16xf32>
        %swap3A_499 = arith.index_cast %add3A_477 : i32 to index
        %swap3A_500 = arith.constant 32 : index
        %swap3A_501 = tpu.vector_load %arg12[%swap3A_499, %swap3A_500] {strides = array<i32>} : memref<128x128xf32, #tpu.memory_space<vmem>>, vector<16xf32>,
        tpu.vector_store %arg12[%swap3A_499, %swap3A_500], %mul3A_498 {strides = array<i32>} : memref<128x128xf32, #tpu.memory_space<vmem>>, vector<16xf32>,
        %get3A_502 = arith.index_cast %add3A_477 : i32 to index
        %get3A_503 = arith.constant 48 : index
        %get3A_504 = tpu.vector_load %arg12[%get3A_502, %get3A_503] {strides = array<i32>} : memref<128x128xf32, #tpu.memory_space<vmem>>, vector<16xf32>,
        %mul3A_505 = vector.broadcast %squeeze3A_473 : f32 to vector<16xf32>
        %mul3A_506 = arith.mulf %get3A_504, %mul3A_505 : vector<16xf32>
        %swap3A_507 = arith.index_cast %add3A_477 : i32 to index
        %swap3A_508 = arith.constant 48 : index
        %swap3A_509 = tpu.vector_load %arg12[%swap3A_507, %swap3A_508] {strides = array<i32>} : memref<128x128xf32, #tpu.memory_space<vmem>>, vector<16xf32>,
        tpu.vector_store %arg12[%swap3A_507, %swap3A_508], %mul3A_506 {strides = array<i32>} : memref<128x128xf32, #tpu.memory_space<vmem>>, vector<16xf32>,
        %get3A_510 = arith.index_cast %add3A_477 : i32 to index
        %get3A_511 = arith.constant 64 : index
        %get3A_512 = tpu.vector_load %arg12[%get3A_510, %get3A_511] {strides = array<i32>} : memref<128x128xf32, #tpu.memory_space<vmem>>, vector<16xf32>,
        %mul3A_513 = vector.broadcast %squeeze3A_473 : f32 to vector<16xf32>
        %mul3A_514 = arith.mulf %get3A_512, %mul3A_513 : vector<16xf32>
        %swap3A_515 = arith.index_cast %add3A_477 : i32 to index
        %swap3A_516 = arith.constant 64 : index
        %swap3A_517 = tpu.vector_load %arg12[%swap3A_515, %swap3A_516] {strides = array<i32>} : memref<128x128xf32, #tpu.memory_space<vmem>>, vector<16xf32>,
        tpu.vector_store %arg12[%swap3A_515, %swap3A_516], %mul3A_514 {strides = array<i32>} : memref<128x128xf32, #tpu.memory_space<vmem>>, vector<16xf32>,
        %get3A_518 = arith.index_cast %add3A_477 : i32 to index
        %get3A_519 = arith.constant 80 : index
        %get3A_520 = tpu.vector_load %arg12[%get3A_518, %get3A_519] {strides = array<i32>} : memref<128x128xf32, #tpu.memory_space<vmem>>, vector<16xf32>,
        %mul3A_521 = vector.broadcast %squeeze3A_473 : f32 to vector<16xf32>
        %mul3A_522 = arith.mulf %get3A_520, %mul3A_521 : vector<16xf32>
        %swap3A_523 = arith.index_cast %add3A_477 : i32 to index
        %swap3A_524 = arith.constant 80 : index
        %swap3A_525 = tpu.vector_load %arg12[%swap3A_523, %swap3A_524] {strides = array<i32>} : memref<128x128xf32, #tpu.memory_space<vmem>>, vector<16xf32>,
        tpu.vector_store %arg12[%swap3A_523, %swap3A_524], %mul3A_522 {strides = array<i32>} : memref<128x128xf32, #tpu.memory_space<vmem>>, vector<16xf32>,
        %get3A_526 = arith.index_cast %add3A_477 : i32 to index
        %get3A_527 = arith.constant 96 : index
        %get3A_528 = tpu.vector_load %arg12[%get3A_526, %get3A_527] {strides = array<i32>} : memref<128x128xf32, #tpu.memory_space<vmem>>, vector<16xf32>,
        %mul3A_529 = vector.broadcast %squeeze3A_473 : f32 to vector<16xf32>
        %mul3A_530 = arith.mulf %get3A_528, %mul3A_529 : vector<16xf32>
        %swap3A_531 = arith.index_cast %add3A_477 : i32 to index
        %swap3A_532 = arith.constant 96 : index
        %swap3A_533 = tpu.vector_load %arg12[%swap3A_531, %swap3A_532] {strides = array<i32>} : memref<128x128xf32, #tpu.memory_space<vmem>>, vector<16xf32>,
        tpu.vector_store %arg12[%swap3A_531, %swap3A_532], %mul3A_530 {strides = array<i32>} : memref<128x128xf32, #tpu.memory_space<vmem>>, vector<16xf32>,
        %get3A_534 = arith.index_cast %add3A_477 : i32 to index
        %get3A_535 = arith.constant 112 : index
        %get3A_536 = tpu.vector_load %arg12[%get3A_534, %get3A_535] {strides = array<i32>} : memref<128x128xf32, #tpu.memory_space<vmem>>, vector<16xf32>,
        %mul3A_537 = vector.broadcast %squeeze3A_473 : f32 to vector<16xf32>
        %mul3A_538 = arith.mulf %get3A_536, %mul3A_537 : vector<16xf32>
        %swap3A_539 = arith.index_cast %add3A_477 : i32 to index
        %swap3A_540 = arith.constant 112 : index
        %swap3A_541 = tpu.vector_load %arg12[%swap3A_539, %swap3A_540] {strides = array<i32>} : memref<128x128xf32, #tpu.memory_space<vmem>>, vector<16xf32>,
        tpu.vector_store %arg12[%swap3A_539, %swap3A_540], %mul3A_538 {strides = array<i32>} : memref<128x128xf32, #tpu.memory_space<vmem>>, vector<16xf32>,
        %slice3A_542 = vector.extract_strided_slice %get3A_124 {offsets = [6], sizes = [1], strides = [1]} : vector<16xf32> to vector<1xf32>
        %squeeze3A_543 = vector.extract %slice3A_542[0] : f32 from vector<1xf32>
        %mul3A_544 = arith.constant 16 : i32
        %mul3A_545 = arith.muli %add3A_120, %mul3A_544 : i32
        %add3A_546 = arith.constant 6 : i32
        %add3A_547 = arith.addi %mul3A_545, %add3A_546 : i32
        %get3A_548 = arith.index_cast %add3A_547 : i32 to index
        %get3A_549 = arith.constant 0 : index
        %get3A_550 = tpu.vector_load %arg12[%get3A_548, %get3A_549] {strides = array<i32>} : memref<128x128xf32, #tpu.memory_space<vmem>>, vector<16xf32>,
        %mul3A_551 = vector.broadcast %squeeze3A_543 : f32 to vector<16xf32>
        %mul3A_552 = arith.mulf %get3A_550, %mul3A_551 : vector<16xf32>
        %swap3A_553 = arith.index_cast %add3A_547 : i32 to index
        %swap3A_554 = arith.constant 0 : index
        %swap3A_555 = tpu.vector_load %arg12[%swap3A_553, %swap3A_554] {strides = array<i32>} : memref<128x128xf32, #tpu.memory_space<vmem>>, vector<16xf32>,
        tpu.vector_store %arg12[%swap3A_553, %swap3A_554], %mul3A_552 {strides = array<i32>} : memref<128x128xf32, #tpu.memory_space<vmem>>, vector<16xf32>,
        %get3A_556 = arith.index_cast %add3A_547 : i32 to index
        %get3A_557 = arith.constant 16 : index
        %get3A_558 = tpu.vector_load %arg12[%get3A_556, %get3A_557] {strides = array<i32>} : memref<128x128xf32, #tpu.memory_space<vmem>>, vector<16xf32>,
        %mul3A_559 = vector.broadcast %squeeze3A_543 : f32 to vector<16xf32>
        %mul3A_560 = arith.mulf %get3A_558, %mul3A_559 : vector<16xf32>
        %swap3A_561 = arith.index_cast %add3A_547 : i32 to index
        %swap3A_562 = arith.constant 16 : index
        %swap3A_563 = tpu.vector_load %arg12[%swap3A_561, %swap3A_562] {strides = array<i32>} : memref<128x128xf32, #tpu.memory_space<vmem>>, vector<16xf32>,
        tpu.vector_store %arg12[%swap3A_561, %swap3A_562], %mul3A_560 {strides = array<i32>} : memref<128x128xf32, #tpu.memory_space<vmem>>, vector<16xf32>,
        %get3A_564 = arith.index_cast %add3A_547 : i32 to index
        %get3A_565 = arith.constant 32 : index
        %get3A_566 = tpu.vector_load %arg12[%get3A_564, %get3A_565] {strides = array<i32>} : memref<128x128xf32, #tpu.memory_space<vmem>>, vector<16xf32>,
        %mul3A_567 = vector.broadcast %squeeze3A_543 : f32 to vector<16xf32>
        %mul3A_568 = arith.mulf %get3A_566, %mul3A_567 : vector<16xf32>
        %swap3A_569 = arith.index_cast %add3A_547 : i32 to index
        %swap3A_570 = arith.constant 32 : index
        %swap3A_571 = tpu.vector_load %arg12[%swap3A_569, %swap3A_570] {strides = array<i32>} : memref<128x128xf32, #tpu.memory_space<vmem>>, vector<16xf32>,
        tpu.vector_store %arg12[%swap3A_569, %swap3A_570], %mul3A_568 {strides = array<i32>} : memref<128x128xf32, #tpu.memory_space<vmem>>, vector<16xf32>,
        %get3A_572 = arith.index_cast %add3A_547 : i32 to index
        %get3A_573 = arith.constant 48 : index
        %get3A_574 = tpu.vector_load %arg12[%get3A_572, %get3A_573] {strides = array<i32>} : memref<128x128xf32, #tpu.memory_space<vmem>>, vector<16xf32>,
        %mul3A_575 = vector.broadcast %squeeze3A_543 : f32 to vector<16xf32>
        %mul3A_576 = arith.mulf %get3A_574, %mul3A_575 : vector<16xf32>
        %swap3A_577 = arith.index_cast %add3A_547 : i32 to index
        %swap3A_578 = arith.constant 48 : index
        %swap3A_579 = tpu.vector_load %arg12[%swap3A_577, %swap3A_578] {strides = array<i32>} : memref<128x128xf32, #tpu.memory_space<vmem>>, vector<16xf32>,
        tpu.vector_store %arg12[%swap3A_577, %swap3A_578], %mul3A_576 {strides = array<i32>} : memref<128x128xf32, #tpu.memory_space<vmem>>, vector<16xf32>,
        %get3A_580 = arith.index_cast %add3A_547 : i32 to index
        %get3A_581 = arith.constant 64 : index
        %get3A_582 = tpu.vector_load %arg12[%get3A_580, %get3A_581] {strides = array<i32>} : memref<128x128xf32, #tpu.memory_space<vmem>>, vector<16xf32>,
        %mul3A_583 = vector.broadcast %squeeze3A_543 : f32 to vector<16xf32>
        %mul3A_584 = arith.mulf %get3A_582, %mul3A_583 : vector<16xf32>
        %swap3A_585 = arith.index_cast %add3A_547 : i32 to index
        %swap3A_586 = arith.constant 64 : index
        %swap3A_587 = tpu.vector_load %arg12[%swap3A_585, %swap3A_586] {strides = array<i32>} : memref<128x128xf32, #tpu.memory_space<vmem>>, vector<16xf32>,
        tpu.vector_store %arg12[%swap3A_585, %swap3A_586], %mul3A_584 {strides = array<i32>} : memref<128x128xf32, #tpu.memory_space<vmem>>, vector<16xf32>,
        %get3A_588 = arith.index_cast %add3A_547 : i32 to index
        %get3A_589 = arith.constant 80 : index
        %get3A_590 = tpu.vector_load %arg12[%get3A_588, %get3A_589] {strides = array<i32>} : memref<128x128xf32, #tpu.memory_space<vmem>>, vector<16xf32>,
        %mul3A_591 = vector.broadcast %squeeze3A_543 : f32 to vector<16xf32>
        %mul3A_592 = arith.mulf %get3A_590, %mul3A_591 : vector<16xf32>
        %swap3A_593 = arith.index_cast %add3A_547 : i32 to index
        %swap3A_594 = arith.constant 80 : index
        %swap3A_595 = tpu.vector_load %arg12[%swap3A_593, %swap3A_594] {strides = array<i32>} : memref<128x128xf32, #tpu.memory_space<vmem>>, vector<16xf32>,
        tpu.vector_store %arg12[%swap3A_593, %swap3A_594], %mul3A_592 {strides = array<i32>} : memref<128x128xf32, #tpu.memory_space<vmem>>, vector<16xf32>,
        %get3A_596 = arith.index_cast %add3A_547 : i32 to index
        %get3A_597 = arith.constant 96 : index
        %get3A_598 = tpu.vector_load %arg12[%get3A_596, %get3A_597] {strides = array<i32>} : memref<128x128xf32, #tpu.memory_space<vmem>>, vector<16xf32>,
        %mul3A_599 = vector.broadcast %squeeze3A_543 : f32 to vector<16xf32>
        %mul3A_600 = arith.mulf %get3A_598, %mul3A_599 : vector<16xf32>
        %swap3A_601 = arith.index_cast %add3A_547 : i32 to index
        %swap3A_602 = arith.constant 96 : index
        %swap3A_603 = tpu.vector_load %arg12[%swap3A_601, %swap3A_602] {strides = array<i32>} : memref<128x128xf32, #tpu.memory_space<vmem>>, vector<16xf32>,
        tpu.vector_store %arg12[%swap3A_601, %swap3A_602], %mul3A_600 {strides = array<i32>} : memref<128x128xf32, #tpu.memory_space<vmem>>, vector<16xf32>,
        %get3A_604 = arith.index_cast %add3A_547 : i32 to index
        %get3A_605 = arith.constant 112 : index
        %get3A_606 = tpu.vector_load %arg12[%get3A_604, %get3A_605] {strides = array<i32>} : memref<128x128xf32, #tpu.memory_space<vmem>>, vector<16xf32>,
        %mul3A_607 = vector.broadcast %squeeze3A_543 : f32 to vector<16xf32>
        %mul3A_608 = arith.mulf %get3A_606, %mul3A_607 : vector<16xf32>
        %swap3A_609 = arith.index_cast %add3A_547 : i32 to index
        %swap3A_610 = arith.constant 112 : index
        %swap3A_611 = tpu.vector_load %arg12[%swap3A_609, %swap3A_610] {strides = array<i32>} : memref<128x128xf32, #tpu.memory_space<vmem>>, vector<16xf32>,
        tpu.vector_store %arg12[%swap3A_609, %swap3A_610], %mul3A_608 {strides = array<i32>} : memref<128x128xf32, #tpu.memory_space<vmem>>, vector<16xf32>,
        %slice3A_612 = vector.extract_strided_slice %get3A_124 {offsets = [7], sizes = [1], strides = [1]} : vector<16xf32> to vector<1xf32>
        %squeeze3A_613 = vector.extract %slice3A_612[0] : f32 from vector<1xf32>
        %mul3A_614 = arith.constant 16 : i32
        %mul3A_615 = arith.muli %add3A_120, %mul3A_614 : i32
        %add3A_616 = arith.constant 7 : i32
        %add3A_617 = arith.addi %mul3A_615, %add3A_616 : i32
        %get3A_618 = arith.index_cast %add3A_617 : i32 to index
        %get3A_619 = arith.constant 0 : index
        %get3A_620 = tpu.vector_load %arg12[%get3A_618, %get3A_619] {strides = array<i32>} : memref<128x128xf32, #tpu.memory_space<vmem>>, vector<16xf32>,
        %mul3A_621 = vector.broadcast %squeeze3A_613 : f32 to vector<16xf32>
        %mul3A_622 = arith.mulf %get3A_620, %mul3A_621 : vector<16xf32>
        %swap3A_623 = arith.index_cast %add3A_617 : i32 to index
        %swap3A_624 = arith.constant 0 : index
        %swap3A_625 = tpu.vector_load %arg12[%swap3A_623, %swap3A_624] {strides = array<i32>} : memref<128x128xf32, #tpu.memory_space<vmem>>, vector<16xf32>,
        tpu.vector_store %arg12[%swap3A_623, %swap3A_624], %mul3A_622 {strides = array<i32>} : memref<128x128xf32, #tpu.memory_space<vmem>>, vector<16xf32>,
        %get3A_626 = arith.index_cast %add3A_617 : i32 to index
        %get3A_627 = arith.constant 16 : index
        %get3A_628 = tpu.vector_load %arg12[%get3A_626, %get3A_627] {strides = array<i32>} : memref<128x128xf32, #tpu.memory_space<vmem>>, vector<16xf32>,
        %mul3A_629 = vector.broadcast %squeeze3A_613 : f32 to vector<16xf32>
        %mul3A_630 = arith.mulf %get3A_628, %mul3A_629 : vector<16xf32>
        %swap3A_631 = arith.index_cast %add3A_617 : i32 to index
        %swap3A_632 = arith.constant 16 : index
        %swap3A_633 = tpu.vector_load %arg12[%swap3A_631, %swap3A_632] {strides = array<i32>} : memref<128x128xf32, #tpu.memory_space<vmem>>, vector<16xf32>,
        tpu.vector_store %arg12[%swap3A_631, %swap3A_632], %mul3A_630 {strides = array<i32>} : memref<128x128xf32, #tpu.memory_space<vmem>>, vector<16xf32>,
        %get3A_634 = arith.index_cast %add3A_617 : i32 to index
        %get3A_635 = arith.constant 32 : index
        %get3A_636 = tpu.vector_load %arg12[%get3A_634, %get3A_635] {strides = array<i32>} : memref<128x128xf32, #tpu.memory_space<vmem>>, vector<16xf32>,
        %mul3A_637 = vector.broadcast %squeeze3A_613 : f32 to vector<16xf32>
        %mul3A_638 = arith.mulf %get3A_636, %mul3A_637 : vector<16xf32>
        %swap3A_639 = arith.index_cast %add3A_617 : i32 to index
        %swap3A_640 = arith.constant 32 : index
        %swap3A_641 = tpu.vector_load %arg12[%swap3A_639, %swap3A_640] {strides = array<i32>} : memref<128x128xf32, #tpu.memory_space<vmem>>, vector<16xf32>,
        tpu.vector_store %arg12[%swap3A_639, %swap3A_640], %mul3A_638 {strides = array<i32>} : memref<128x128xf32, #tpu.memory_space<vmem>>, vector<16xf32>,
        %get3A_642 = arith.index_cast %add3A_617 : i32 to index
        %get3A_643 = arith.constant 48 : index
        %get3A_644 = tpu.vector_load %arg12[%get3A_642, %get3A_643] {strides = array<i32>} : memref<128x128xf32, #tpu.memory_space<vmem>>, vector<16xf32>,
        %mul3A_645 = vector.broadcast %squeeze3A_613 : f32 to vector<16xf32>
        %mul3A_646 = arith.mulf %get3A_644, %mul3A_645 : vector<16xf32>
        %swap3A_647 = arith.index_cast %add3A_617 : i32 to index
        %swap3A_648 = arith.constant 48 : index
        %swap3A_649 = tpu.vector_load %arg12[%swap3A_647, %swap3A_648] {strides = array<i32>} : memref<128x128xf32, #tpu.memory_space<vmem>>, vector<16xf32>,
        tpu.vector_store %arg12[%swap3A_647, %swap3A_648], %mul3A_646 {strides = array<i32>} : memref<128x128xf32, #tpu.memory_space<vmem>>, vector<16xf32>,
        %get3A_650 = arith.index_cast %add3A_617 : i32 to index
        %get3A_651 = arith.constant 64 : index
        %get3A_652 = tpu.vector_load %arg12[%get3A_650, %get3A_651] {strides = array<i32>} : memref<128x128xf32, #tpu.memory_space<vmem>>, vector<16xf32>,
        %mul3A_653 = vector.broadcast %squeeze3A_613 : f32 to vector<16xf32>
        %mul3A_654 = arith.mulf %get3A_652, %mul3A_653 : vector<16xf32>
        %swap3A_655 = arith.index_cast %add3A_617 : i32 to index
        %swap3A_656 = arith.constant 64 : index
        %swap3A_657 = tpu.vector_load %arg12[%swap3A_655, %swap3A_656] {strides = array<i32>} : memref<128x128xf32, #tpu.memory_space<vmem>>, vector<16xf32>,
        tpu.vector_store %arg12[%swap3A_655, %swap3A_656], %mul3A_654 {strides = array<i32>} : memref<128x128xf32, #tpu.memory_space<vmem>>, vector<16xf32>,
        %get3A_658 = arith.index_cast %add3A_617 : i32 to index
        %get3A_659 = arith.constant 80 : index
        %get3A_660 = tpu.vector_load %arg12[%get3A_658, %get3A_659] {strides = array<i32>} : memref<128x128xf32, #tpu.memory_space<vmem>>, vector<16xf32>,
        %mul3A_661 = vector.broadcast %squeeze3A_613 : f32 to vector<16xf32>
        %mul3A_662 = arith.mulf %get3A_660, %mul3A_661 : vector<16xf32>
        %swap3A_663 = arith.index_cast %add3A_617 : i32 to index
        %swap3A_664 = arith.constant 80 : index
        %swap3A_665 = tpu.vector_load %arg12[%swap3A_663, %swap3A_664] {strides = array<i32>} : memref<128x128xf32, #tpu.memory_space<vmem>>, vector<16xf32>,
        tpu.vector_store %arg12[%swap3A_663, %swap3A_664], %mul3A_662 {strides = array<i32>} : memref<128x128xf32, #tpu.memory_space<vmem>>, vector<16xf32>,
        %get3A_666 = arith.index_cast %add3A_617 : i32 to index
        %get3A_667 = arith.constant 96 : index
        %get3A_668 = tpu.vector_load %arg12[%get3A_666, %get3A_667] {strides = array<i32>} : memref<128x128xf32, #tpu.memory_space<vmem>>, vector<16xf32>,
        %mul3A_669 = vector.broadcast %squeeze3A_613 : f32 to vector<16xf32>
        %mul3A_670 = arith.mulf %get3A_668, %mul3A_669 : vector<16xf32>
        %swap3A_671 = arith.index_cast %add3A_617 : i32 to index
        %swap3A_672 = arith.constant 96 : index
        %swap3A_673 = tpu.vector_load %arg12[%swap3A_671, %swap3A_672] {strides = array<i32>} : memref<128x128xf32, #tpu.memory_space<vmem>>, vector<16xf32>,
        tpu.vector_store %arg12[%swap3A_671, %swap3A_672], %mul3A_670 {strides = array<i32>} : memref<128x128xf32, #tpu.memory_space<vmem>>, vector<16xf32>,
        %get3A_674 = arith.index_cast %add3A_617 : i32 to index
        %get3A_675 = arith.constant 112 : index
        %get3A_676 = tpu.vector_load %arg12[%get3A_674, %get3A_675] {strides = array<i32>} : memref<128x128xf32, #tpu.memory_space<vmem>>, vector<16xf32>,
        %mul3A_677 = vector.broadcast %squeeze3A_613 : f32 to vector<16xf32>
        %mul3A_678 = arith.mulf %get3A_676, %mul3A_677 : vector<16xf32>
        %swap3A_679 = arith.index_cast %add3A_617 : i32 to index
        %swap3A_680 = arith.constant 112 : index
        %swap3A_681 = tpu.vector_load %arg12[%swap3A_679, %swap3A_680] {strides = array<i32>} : memref<128x128xf32, #tpu.memory_space<vmem>>, vector<16xf32>,
        tpu.vector_store %arg12[%swap3A_679, %swap3A_680], %mul3A_678 {strides = array<i32>} : memref<128x128xf32, #tpu.memory_space<vmem>>, vector<16xf32>,
        %slice3A_682 = vector.extract_strided_slice %get3A_124 {offsets = [8], sizes = [1], strides = [1]} : vector<16xf32> to vector<1xf32>
        %squeeze3A_683 = vector.extract %slice3A_682[0] : f32 from vector<1xf32>
        %mul3A_684 = arith.constant 16 : i32
        %mul3A_685 = arith.muli %add3A_120, %mul3A_684 : i32
        %add3A_686 = arith.constant 8 : i32
        %add3A_687 = arith.addi %mul3A_685, %add3A_686 : i32
        %get3A_688 = arith.index_cast %add3A_687 : i32 to index
        %get3A_689 = arith.constant 0 : index
        %get3A_690 = tpu.vector_load %arg12[%get3A_688, %get3A_689] {strides = array<i32>} : memref<128x128xf32, #tpu.memory_space<vmem>>, vector<16xf32>,
        %mul3A_691 = vector.broadcast %squeeze3A_683 : f32 to vector<16xf32>
        %mul3A_692 = arith.mulf %get3A_690, %mul3A_691 : vector<16xf32>
        %swap3A_693 = arith.index_cast %add3A_687 : i32 to index
        %swap3A_694 = arith.constant 0 : index
        %swap3A_695 = tpu.vector_load %arg12[%swap3A_693, %swap3A_694] {strides = array<i32>} : memref<128x128xf32, #tpu.memory_space<vmem>>, vector<16xf32>,
        tpu.vector_store %arg12[%swap3A_693, %swap3A_694], %mul3A_692 {strides = array<i32>} : memref<128x128xf32, #tpu.memory_space<vmem>>, vector<16xf32>,
        %get3A_696 = arith.index_cast %add3A_687 : i32 to index
        %get3A_697 = arith.constant 16 : index
        %get3A_698 = tpu.vector_load %arg12[%get3A_696, %get3A_697] {strides = array<i32>} : memref<128x128xf32, #tpu.memory_space<vmem>>, vector<16xf32>,
        %mul3A_699 = vector.broadcast %squeeze3A_683 : f32 to vector<16xf32>
        %mul3A_700 = arith.mulf %get3A_698, %mul3A_699 : vector<16xf32>
        %swap3A_701 = arith.index_cast %add3A_687 : i32 to index
        %swap3A_702 = arith.constant 16 : index
        %swap3A_703 = tpu.vector_load %arg12[%swap3A_701, %swap3A_702] {strides = array<i32>} : memref<128x128xf32, #tpu.memory_space<vmem>>, vector<16xf32>,
        tpu.vector_store %arg12[%swap3A_701, %swap3A_702], %mul3A_700 {strides = array<i32>} : memref<128x128xf32, #tpu.memory_space<vmem>>, vector<16xf32>,
        %get3A_704 = arith.index_cast %add3A_687 : i32 to index
        %get3A_705 = arith.constant 32 : index
        %get3A_706 = tpu.vector_load %arg12[%get3A_704, %get3A_705] {strides = array<i32>} : memref<128x128xf32, #tpu.memory_space<vmem>>, vector<16xf32>,
        %mul3A_707 = vector.broadcast %squeeze3A_683 : f32 to vector<16xf32>
        %mul3A_708 = arith.mulf %get3A_706, %mul3A_707 : vector<16xf32>
        %swap3A_709 = arith.index_cast %add3A_687 : i32 to index
        %swap3A_710 = arith.constant 32 : index
        %swap3A_711 = tpu.vector_load %arg12[%swap3A_709, %swap3A_710] {strides = array<i32>} : memref<128x128xf32, #tpu.memory_space<vmem>>, vector<16xf32>,
        tpu.vector_store %arg12[%swap3A_709, %swap3A_710], %mul3A_708 {strides = array<i32>} : memref<128x128xf32, #tpu.memory_space<vmem>>, vector<16xf32>,
        %get3A_712 = arith.index_cast %add3A_687 : i32 to index
        %get3A_713 = arith.constant 48 : index
        %get3A_714 = tpu.vector_load %arg12[%get3A_712, %get3A_713] {strides = array<i32>} : memref<128x128xf32, #tpu.memory_space<vmem>>, vector<16xf32>,
        %mul3A_715 = vector.broadcast %squeeze3A_683 : f32 to vector<16xf32>
        %mul3A_716 = arith.mulf %get3A_714, %mul3A_715 : vector<16xf32>
        %swap3A_717 = arith.index_cast %add3A_687 : i32 to index
        %swap3A_718 = arith.constant 48 : index
        %swap3A_719 = tpu.vector_load %arg12[%swap3A_717, %swap3A_718] {strides = array<i32>} : memref<128x128xf32, #tpu.memory_space<vmem>>, vector<16xf32>,
        tpu.vector_store %arg12[%swap3A_717, %swap3A_718], %mul3A_716 {strides = array<i32>} : memref<128x128xf32, #tpu.memory_space<vmem>>, vector<16xf32>,
        %get3A_720 = arith.index_cast %add3A_687 : i32 to index
        %get3A_721 = arith.constant 64 : index
        %get3A_722 = tpu.vector_load %arg12[%get3A_720, %get3A_721] {strides = array<i32>} : memref<128x128xf32, #tpu.memory_space<vmem>>, vector<16xf32>,
        %mul3A_723 = vector.broadcast %squeeze3A_683 : f32 to vector<16xf32>
        %mul3A_724 = arith.mulf %get3A_722, %mul3A_723 : vector<16xf32>
        %swap3A_725 = arith.index_cast %add3A_687 : i32 to index
        %swap3A_726 = arith.constant 64 : index
        %swap3A_727 = tpu.vector_load %arg12[%swap3A_725, %swap3A_726] {strides = array<i32>} : memref<128x128xf32, #tpu.memory_space<vmem>>, vector<16xf32>,
        tpu.vector_store %arg12[%swap3A_725, %swap3A_726], %mul3A_724 {strides = array<i32>} : memref<128x128xf32, #tpu.memory_space<vmem>>, vector<16xf32>,
        %get3A_728 = arith.index_cast %add3A_687 : i32 to index
        %get3A_729 = arith.constant 80 : index
        %get3A_730 = tpu.vector_load %arg12[%get3A_728, %get3A_729] {strides = array<i32>} : memref<128x128xf32, #tpu.memory_space<vmem>>, vector<16xf32>,
        %mul3A_731 = vector.broadcast %squeeze3A_683 : f32 to vector<16xf32>
        %mul3A_732 = arith.mulf %get3A_730, %mul3A_731 : vector<16xf32>
        %swap3A_733 = arith.index_cast %add3A_687 : i32 to index
        %swap3A_734 = arith.constant 80 : index
        %swap3A_735 = tpu.vector_load %arg12[%swap3A_733, %swap3A_734] {strides = array<i32>} : memref<128x128xf32, #tpu.memory_space<vmem>>, vector<16xf32>,
        tpu.vector_store %arg12[%swap3A_733, %swap3A_734], %mul3A_732 {strides = array<i32>} : memref<128x128xf32, #tpu.memory_space<vmem>>, vector<16xf32>,
        %get3A_736 = arith.index_cast %add3A_687 : i32 to index
        %get3A_737 = arith.constant 96 : index
        %get3A_738 = tpu.vector_load %arg12[%get3A_736, %get3A_737] {strides = array<i32>} : memref<128x128xf32, #tpu.memory_space<vmem>>, vector<16xf32>,
        %mul3A_739 = vector.broadcast %squeeze3A_683 : f32 to vector<16xf32>
        %mul3A_740 = arith.mulf %get3A_738, %mul3A_739 : vector<16xf32>
        %swap3A_741 = arith.index_cast %add3A_687 : i32 to index
        %swap3A_742 = arith.constant 96 : index
        %swap3A_743 = tpu.vector_load %arg12[%swap3A_741, %swap3A_742] {strides = array<i32>} : memref<128x128xf32, #tpu.memory_space<vmem>>, vector<16xf32>,
        tpu.vector_store %arg12[%swap3A_741, %swap3A_742], %mul3A_740 {strides = array<i32>} : memref<128x128xf32, #tpu.memory_space<vmem>>, vector<16xf32>,
        %get3A_744 = arith.index_cast %add3A_687 : i32 to index
        %get3A_745 = arith.constant 112 : index
        %get3A_746 = tpu.vector_load %arg12[%get3A_744, %get3A_745] {strides = array<i32>} : memref<128x128xf32, #tpu.memory_space<vmem>>, vector<16xf32>,
        %mul3A_747 = vector.broadcast %squeeze3A_683 : f32 to vector<16xf32>
        %mul3A_748 = arith.mulf %get3A_746, %mul3A_747 : vector<16xf32>
        %swap3A_749 = arith.index_cast %add3A_687 : i32 to index
        %swap3A_750 = arith.constant 112 : index
        %swap3A_751 = tpu.vector_load %arg12[%swap3A_749, %swap3A_750] {strides = array<i32>} : memref<128x128xf32, #tpu.memory_space<vmem>>, vector<16xf32>,
        tpu.vector_store %arg12[%swap3A_749, %swap3A_750], %mul3A_748 {strides = array<i32>} : memref<128x128xf32, #tpu.memory_space<vmem>>, vector<16xf32>,
        %slice3A_752 = vector.extract_strided_slice %get3A_124 {offsets = [9], sizes = [1], strides = [1]} : vector<16xf32> to vector<1xf32>
        %squeeze3A_753 = vector.extract %slice3A_752[0] : f32 from vector<1xf32>
        %mul3A_754 = arith.constant 16 : i32
        %mul3A_755 = arith.muli %add3A_120, %mul3A_754 : i32
        %add3A_756 = arith.constant 9 : i32
        %add3A_757 = arith.addi %mul3A_755, %add3A_756 : i32
        %get3A_758 = arith.index_cast %add3A_757 : i32 to index
        %get3A_759 = arith.constant 0 : index
        %get3A_760 = tpu.vector_load %arg12[%get3A_758, %get3A_759] {strides = array<i32>} : memref<128x128xf32, #tpu.memory_space<vmem>>, vector<16xf32>,
        %mul3A_761 = vector.broadcast %squeeze3A_753 : f32 to vector<16xf32>
        %mul3A_762 = arith.mulf %get3A_760, %mul3A_761 : vector<16xf32>
        %swap3A_763 = arith.index_cast %add3A_757 : i32 to index
        %swap3A_764 = arith.constant 0 : index
        %swap3A_765 = tpu.vector_load %arg12[%swap3A_763, %swap3A_764] {strides = array<i32>} : memref<128x128xf32, #tpu.memory_space<vmem>>, vector<16xf32>,
        tpu.vector_store %arg12[%swap3A_763, %swap3A_764], %mul3A_762 {strides = array<i32>} : memref<128x128xf32, #tpu.memory_space<vmem>>, vector<16xf32>,
        %get3A_766 = arith.index_cast %add3A_757 : i32 to index
        %get3A_767 = arith.constant 16 : index
        %get3A_768 = tpu.vector_load %arg12[%get3A_766, %get3A_767] {strides = array<i32>} : memref<128x128xf32, #tpu.memory_space<vmem>>, vector<16xf32>,
        %mul3A_769 = vector.broadcast %squeeze3A_753 : f32 to vector<16xf32>
        %mul3A_770 = arith.mulf %get3A_768, %mul3A_769 : vector<16xf32>
        %swap3A_771 = arith.index_cast %add3A_757 : i32 to index
        %swap3A_772 = arith.constant 16 : index
        %swap3A_773 = tpu.vector_load %arg12[%swap3A_771, %swap3A_772] {strides = array<i32>} : memref<128x128xf32, #tpu.memory_space<vmem>>, vector<16xf32>,
        tpu.vector_store %arg12[%swap3A_771, %swap3A_772], %mul3A_770 {strides = array<i32>} : memref<128x128xf32, #tpu.memory_space<vmem>>, vector<16xf32>,
        %get3A_774 = arith.index_cast %add3A_757 : i32 to index
        %get3A_775 = arith.constant 32 : index
        %get3A_776 = tpu.vector_load %arg12[%get3A_774, %get3A_775] {strides = array<i32>} : memref<128x128xf32, #tpu.memory_space<vmem>>, vector<16xf32>,
        %mul3A_777 = vector.broadcast %squeeze3A_753 : f32 to vector<16xf32>
        %mul3A_778 = arith.mulf %get3A_776, %mul3A_777 : vector<16xf32>
        %swap3A_779 = arith.index_cast %add3A_757 : i32 to index
        %swap3A_780 = arith.constant 32 : index
        %swap3A_781 = tpu.vector_load %arg12[%swap3A_779, %swap3A_780] {strides = array<i32>} : memref<128x128xf32, #tpu.memory_space<vmem>>, vector<16xf32>,
        tpu.vector_store %arg12[%swap3A_779, %swap3A_780], %mul3A_778 {strides = array<i32>} : memref<128x128xf32, #tpu.memory_space<vmem>>, vector<16xf32>,
        %get3A_782 = arith.index_cast %add3A_757 : i32 to index
        %get3A_783 = arith.constant 48 : index
        %get3A_784 = tpu.vector_load %arg12[%get3A_782, %get3A_783] {strides = array<i32>} : memref<128x128xf32, #tpu.memory_space<vmem>>, vector<16xf32>,
        %mul3A_785 = vector.broadcast %squeeze3A_753 : f32 to vector<16xf32>
        %mul3A_786 = arith.mulf %get3A_784, %mul3A_785 : vector<16xf32>
        %swap3A_787 = arith.index_cast %add3A_757 : i32 to index
        %swap3A_788 = arith.constant 48 : index
        %swap3A_789 = tpu.vector_load %arg12[%swap3A_787, %swap3A_788] {strides = array<i32>} : memref<128x128xf32, #tpu.memory_space<vmem>>, vector<16xf32>,
        tpu.vector_store %arg12[%swap3A_787, %swap3A_788], %mul3A_786 {strides = array<i32>} : memref<128x128xf32, #tpu.memory_space<vmem>>, vector<16xf32>,
        %get3A_790 = arith.index_cast %add3A_757 : i32 to index
        %get3A_791 = arith.constant 64 : index
        %get3A_792 = tpu.vector_load %arg12[%get3A_790, %get3A_791] {strides = array<i32>} : memref<128x128xf32, #tpu.memory_space<vmem>>, vector<16xf32>,
        %mul3A_793 = vector.broadcast %squeeze3A_753 : f32 to vector<16xf32>
        %mul3A_794 = arith.mulf %get3A_792, %mul3A_793 : vector<16xf32>
        %swap3A_795 = arith.index_cast %add3A_757 : i32 to index
        %swap3A_796 = arith.constant 64 : index
        %swap3A_797 = tpu.vector_load %arg12[%swap3A_795, %swap3A_796] {strides = array<i32>} : memref<128x128xf32, #tpu.memory_space<vmem>>, vector<16xf32>,
        tpu.vector_store %arg12[%swap3A_795, %swap3A_796], %mul3A_794 {strides = array<i32>} : memref<128x128xf32, #tpu.memory_space<vmem>>, vector<16xf32>,
        %get3A_798 = arith.index_cast %add3A_757 : i32 to index
        %get3A_799 = arith.constant 80 : index
        %get3A_800 = tpu.vector_load %arg12[%get3A_798, %get3A_799] {strides = array<i32>} : memref<128x128xf32, #tpu.memory_space<vmem>>, vector<16xf32>,
        %mul3A_801 = vector.broadcast %squeeze3A_753 : f32 to vector<16xf32>
        %mul3A_802 = arith.mulf %get3A_800, %mul3A_801 : vector<16xf32>
        %swap3A_803 = arith.index_cast %add3A_757 : i32 to index
        %swap3A_804 = arith.constant 80 : index
        %swap3A_805 = tpu.vector_load %arg12[%swap3A_803, %swap3A_804] {strides = array<i32>} : memref<128x128xf32, #tpu.memory_space<vmem>>, vector<16xf32>,
        tpu.vector_store %arg12[%swap3A_803, %swap3A_804], %mul3A_802 {strides = array<i32>} : memref<128x128xf32, #tpu.memory_space<vmem>>, vector<16xf32>,
        %get3A_806 = arith.index_cast %add3A_757 : i32 to index
        %get3A_807 = arith.constant 96 : index
        %get3A_808 = tpu.vector_load %arg12[%get3A_806, %get3A_807] {strides = array<i32>} : memref<128x128xf32, #tpu.memory_space<vmem>>, vector<16xf32>,
        %mul3A_809 = vector.broadcast %squeeze3A_753 : f32 to vector<16xf32>
        %mul3A_810 = arith.mulf %get3A_808, %mul3A_809 : vector<16xf32>
        %swap3A_811 = arith.index_cast %add3A_757 : i32 to index
        %swap3A_812 = arith.constant 96 : index
        %swap3A_813 = tpu.vector_load %arg12[%swap3A_811, %swap3A_812] {strides = array<i32>} : memref<128x128xf32, #tpu.memory_space<vmem>>, vector<16xf32>,
        tpu.vector_store %arg12[%swap3A_811, %swap3A_812], %mul3A_810 {strides = array<i32>} : memref<128x128xf32, #tpu.memory_space<vmem>>, vector<16xf32>,
        %get3A_814 = arith.index_cast %add3A_757 : i32 to index
        %get3A_815 = arith.constant 112 : index
        %get3A_816 = tpu.vector_load %arg12[%get3A_814, %get3A_815] {strides = array<i32>} : memref<128x128xf32, #tpu.memory_space<vmem>>, vector<16xf32>,
        %mul3A_817 = vector.broadcast %squeeze3A_753 : f32 to vector<16xf32>
        %mul3A_818 = arith.mulf %get3A_816, %mul3A_817 : vector<16xf32>
        %swap3A_819 = arith.index_cast %add3A_757 : i32 to index
        %swap3A_820 = arith.constant 112 : index
        %swap3A_821 = tpu.vector_load %arg12[%swap3A_819, %swap3A_820] {strides = array<i32>} : memref<128x128xf32, #tpu.memory_space<vmem>>, vector<16xf32>,
        tpu.vector_store %arg12[%swap3A_819, %swap3A_820], %mul3A_818 {strides = array<i32>} : memref<128x128xf32, #tpu.memory_space<vmem>>, vector<16xf32>,
        %slice3A_822 = vector.extract_strided_slice %get3A_124 {offsets = [10], sizes = [1], strides = [1]} : vector<16xf32> to vector<1xf32>
        %squeeze3A_823 = vector.extract %slice3A_822[0] : f32 from vector<1xf32>
        %mul3A_824 = arith.constant 16 : i32
        %mul3A_825 = arith.muli %add3A_120, %mul3A_824 : i32
        %add3A_826 = arith.constant 10 : i32
        %add3A_827 = arith.addi %mul3A_825, %add3A_826 : i32
        %get3A_828 = arith.index_cast %add3A_827 : i32 to index
        %get3A_829 = arith.constant 0 : index
        %get3A_830 = tpu.vector_load %arg12[%get3A_828, %get3A_829] {strides = array<i32>} : memref<128x128xf32, #tpu.memory_space<vmem>>, vector<16xf32>,
        %mul3A_831 = vector.broadcast %squeeze3A_823 : f32 to vector<16xf32>
        %mul3A_832 = arith.mulf %get3A_830, %mul3A_831 : vector<16xf32>
        %swap3A_833 = arith.index_cast %add3A_827 : i32 to index
        %swap3A_834 = arith.constant 0 : index
        %swap3A_835 = tpu.vector_load %arg12[%swap3A_833, %swap3A_834] {strides = array<i32>} : memref<128x128xf32, #tpu.memory_space<vmem>>, vector<16xf32>,
        tpu.vector_store %arg12[%swap3A_833, %swap3A_834], %mul3A_832 {strides = array<i32>} : memref<128x128xf32, #tpu.memory_space<vmem>>, vector<16xf32>,
        %get3A_836 = arith.index_cast %add3A_827 : i32 to index
        %get3A_837 = arith.constant 16 : index
        %get3A_838 = tpu.vector_load %arg12[%get3A_836, %get3A_837] {strides = array<i32>} : memref<128x128xf32, #tpu.memory_space<vmem>>, vector<16xf32>,
        %mul3A_839 = vector.broadcast %squeeze3A_823 : f32 to vector<16xf32>
        %mul3A_840 = arith.mulf %get3A_838, %mul3A_839 : vector<16xf32>
        %swap3A_841 = arith.index_cast %add3A_827 : i32 to index
        %swap3A_842 = arith.constant 16 : index
        %swap3A_843 = tpu.vector_load %arg12[%swap3A_841, %swap3A_842] {strides = array<i32>} : memref<128x128xf32, #tpu.memory_space<vmem>>, vector<16xf32>,
        tpu.vector_store %arg12[%swap3A_841, %swap3A_842], %mul3A_840 {strides = array<i32>} : memref<128x128xf32, #tpu.memory_space<vmem>>, vector<16xf32>,
        %get3A_844 = arith.index_cast %add3A_827 : i32 to index
        %get3A_845 = arith.constant 32 : index
        %get3A_846 = tpu.vector_load %arg12[%get3A_844, %get3A_845] {strides = array<i32>} : memref<128x128xf32, #tpu.memory_space<vmem>>, vector<16xf32>,
        %mul3A_847 = vector.broadcast %squeeze3A_823 : f32 to vector<16xf32>
        %mul3A_848 = arith.mulf %get3A_846, %mul3A_847 : vector<16xf32>
        %swap3A_849 = arith.index_cast %add3A_827 : i32 to index
        %swap3A_850 = arith.constant 32 : index
        %swap3A_851 = tpu.vector_load %arg12[%swap3A_849, %swap3A_850] {strides = array<i32>} : memref<128x128xf32, #tpu.memory_space<vmem>>, vector<16xf32>,
        tpu.vector_store %arg12[%swap3A_849, %swap3A_850], %mul3A_848 {strides = array<i32>} : memref<128x128xf32, #tpu.memory_space<vmem>>, vector<16xf32>,
        %get3A_852 = arith.index_cast %add3A_827 : i32 to index
        %get3A_853 = arith.constant 48 : index
        %get3A_854 = tpu.vector_load %arg12[%get3A_852, %get3A_853] {strides = array<i32>} : memref<128x128xf32, #tpu.memory_space<vmem>>, vector<16xf32>,
        %mul3A_855 = vector.broadcast %squeeze3A_823 : f32 to vector<16xf32>
        %mul3A_856 = arith.mulf %get3A_854, %mul3A_855 : vector<16xf32>
        %swap3A_857 = arith.index_cast %add3A_827 : i32 to index
        %swap3A_858 = arith.constant 48 : index
        %swap3A_859 = tpu.vector_load %arg12[%swap3A_857, %swap3A_858] {strides = array<i32>} : memref<128x128xf32, #tpu.memory_space<vmem>>, vector<16xf32>,
        tpu.vector_store %arg12[%swap3A_857, %swap3A_858], %mul3A_856 {strides = array<i32>} : memref<128x128xf32, #tpu.memory_space<vmem>>, vector<16xf32>,
        %get3A_860 = arith.index_cast %add3A_827 : i32 to index
        %get3A_861 = arith.constant 64 : index
        %get3A_862 = tpu.vector_load %arg12[%get3A_860, %get3A_861] {strides = array<i32>} : memref<128x128xf32, #tpu.memory_space<vmem>>, vector<16xf32>,
        %mul3A_863 = vector.broadcast %squeeze3A_823 : f32 to vector<16xf32>
        %mul3A_864 = arith.mulf %get3A_862, %mul3A_863 : vector<16xf32>
        %swap3A_865 = arith.index_cast %add3A_827 : i32 to index
        %swap3A_866 = arith.constant 64 : index
        %swap3A_867 = tpu.vector_load %arg12[%swap3A_865, %swap3A_866] {strides = array<i32>} : memref<128x128xf32, #tpu.memory_space<vmem>>, vector<16xf32>,
        tpu.vector_store %arg12[%swap3A_865, %swap3A_866], %mul3A_864 {strides = array<i32>} : memref<128x128xf32, #tpu.memory_space<vmem>>, vector<16xf32>,
        %get3A_868 = arith.index_cast %add3A_827 : i32 to index
        %get3A_869 = arith.constant 80 : index
        %get3A_870 = tpu.vector_load %arg12[%get3A_868, %get3A_869] {strides = array<i32>} : memref<128x128xf32, #tpu.memory_space<vmem>>, vector<16xf32>,
        %mul3A_871 = vector.broadcast %squeeze3A_823 : f32 to vector<16xf32>
        %mul3A_872 = arith.mulf %get3A_870, %mul3A_871 : vector<16xf32>
        %swap3A_873 = arith.index_cast %add3A_827 : i32 to index
        %swap3A_874 = arith.constant 80 : index
        %swap3A_875 = tpu.vector_load %arg12[%swap3A_873, %swap3A_874] {strides = array<i32>} : memref<128x128xf32, #tpu.memory_space<vmem>>, vector<16xf32>,
        tpu.vector_store %arg12[%swap3A_873, %swap3A_874], %mul3A_872 {strides = array<i32>} : memref<128x128xf32, #tpu.memory_space<vmem>>, vector<16xf32>,
        %get3A_876 = arith.index_cast %add3A_827 : i32 to index
        %get3A_877 = arith.constant 96 : index
        %get3A_878 = tpu.vector_load %arg12[%get3A_876, %get3A_877] {strides = array<i32>} : memref<128x128xf32, #tpu.memory_space<vmem>>, vector<16xf32>,
        %mul3A_879 = vector.broadcast %squeeze3A_823 : f32 to vector<16xf32>
        %mul3A_880 = arith.mulf %get3A_878, %mul3A_879 : vector<16xf32>
        %swap3A_881 = arith.index_cast %add3A_827 : i32 to index
        %swap3A_882 = arith.constant 96 : index
        %swap3A_883 = tpu.vector_load %arg12[%swap3A_881, %swap3A_882] {strides = array<i32>} : memref<128x128xf32, #tpu.memory_space<vmem>>, vector<16xf32>,
        tpu.vector_store %arg12[%swap3A_881, %swap3A_882], %mul3A_880 {strides = array<i32>} : memref<128x128xf32, #tpu.memory_space<vmem>>, vector<16xf32>,
        %get3A_884 = arith.index_cast %add3A_827 : i32 to index
        %get3A_885 = arith.constant 112 : index
        %get3A_886 = tpu.vector_load %arg12[%get3A_884, %get3A_885] {strides = array<i32>} : memref<128x128xf32, #tpu.memory_space<vmem>>, vector<16xf32>,
        %mul3A_887 = vector.broadcast %squeeze3A_823 : f32 to vector<16xf32>
        %mul3A_888 = arith.mulf %get3A_886, %mul3A_887 : vector<16xf32>
        %swap3A_889 = arith.index_cast %add3A_827 : i32 to index
        %swap3A_890 = arith.constant 112 : index
        %swap3A_891 = tpu.vector_load %arg12[%swap3A_889, %swap3A_890] {strides = array<i32>} : memref<128x128xf32, #tpu.memory_space<vmem>>, vector<16xf32>,
        tpu.vector_store %arg12[%swap3A_889, %swap3A_890], %mul3A_888 {strides = array<i32>} : memref<128x128xf32, #tpu.memory_space<vmem>>, vector<16xf32>,
        %slice3A_892 = vector.extract_strided_slice %get3A_124 {offsets = [11], sizes = [1], strides = [1]} : vector<16xf32> to vector<1xf32>
        %squeeze3A_893 = vector.extract %slice3A_892[0] : f32 from vector<1xf32>
        %mul3A_894 = arith.constant 16 : i32
        %mul3A_895 = arith.muli %add3A_120, %mul3A_894 : i32
        %add3A_896 = arith.constant 11 : i32
        %add3A_897 = arith.addi %mul3A_895, %add3A_896 : i32
        %get3A_898 = arith.index_cast %add3A_897 : i32 to index
        %get3A_899 = arith.constant 0 : index
        %get3A_900 = tpu.vector_load %arg12[%get3A_898, %get3A_899] {strides = array<i32>} : memref<128x128xf32, #tpu.memory_space<vmem>>, vector<16xf32>,
        %mul3A_901 = vector.broadcast %squeeze3A_893 : f32 to vector<16xf32>
        %mul3A_902 = arith.mulf %get3A_900, %mul3A_901 : vector<16xf32>
        %swap3A_903 = arith.index_cast %add3A_897 : i32 to index
        %swap3A_904 = arith.constant 0 : index
        %swap3A_905 = tpu.vector_load %arg12[%swap3A_903, %swap3A_904] {strides = array<i32>} : memref<128x128xf32, #tpu.memory_space<vmem>>, vector<16xf32>,
        tpu.vector_store %arg12[%swap3A_903, %swap3A_904], %mul3A_902 {strides = array<i32>} : memref<128x128xf32, #tpu.memory_space<vmem>>, vector<16xf32>,
        %get3A_906 = arith.index_cast %add3A_897 : i32 to index
        %get3A_907 = arith.constant 16 : index
        %get3A_908 = tpu.vector_load %arg12[%get3A_906, %get3A_907] {strides = array<i32>} : memref<128x128xf32, #tpu.memory_space<vmem>>, vector<16xf32>,
        %mul3A_909 = vector.broadcast %squeeze3A_893 : f32 to vector<16xf32>
        %mul3A_910 = arith.mulf %get3A_908, %mul3A_909 : vector<16xf32>
        %swap3A_911 = arith.index_cast %add3A_897 : i32 to index
        %swap3A_912 = arith.constant 16 : index
        %swap3A_913 = tpu.vector_load %arg12[%swap3A_911, %swap3A_912] {strides = array<i32>} : memref<128x128xf32, #tpu.memory_space<vmem>>, vector<16xf32>,
        tpu.vector_store %arg12[%swap3A_911, %swap3A_912], %mul3A_910 {strides = array<i32>} : memref<128x128xf32, #tpu.memory_space<vmem>>, vector<16xf32>,
        %get3A_914 = arith.index_cast %add3A_897 : i32 to index
        %get3A_915 = arith.constant 32 : index
        %get3A_916 = tpu.vector_load %arg12[%get3A_914, %get3A_915] {strides = array<i32>} : memref<128x128xf32, #tpu.memory_space<vmem>>, vector<16xf32>,
        %mul3A_917 = vector.broadcast %squeeze3A_893 : f32 to vector<16xf32>
        %mul3A_918 = arith.mulf %get3A_916, %mul3A_917 : vector<16xf32>
        %swap3A_919 = arith.index_cast %add3A_897 : i32 to index
        %swap3A_920 = arith.constant 32 : index
        %swap3A_921 = tpu.vector_load %arg12[%swap3A_919, %swap3A_920] {strides = array<i32>} : memref<128x128xf32, #tpu.memory_space<vmem>>, vector<16xf32>,
        tpu.vector_store %arg12[%swap3A_919, %swap3A_920], %mul3A_918 {strides = array<i32>} : memref<128x128xf32, #tpu.memory_space<vmem>>, vector<16xf32>,
        %get3A_922 = arith.index_cast %add3A_897 : i32 to index
        %get3A_923 = arith.constant 48 : index
        %get3A_924 = tpu.vector_load %arg12[%get3A_922, %get3A_923] {strides = array<i32>} : memref<128x128xf32, #tpu.memory_space<vmem>>, vector<16xf32>,
        %mul3A_925 = vector.broadcast %squeeze3A_893 : f32 to vector<16xf32>
        %mul3A_926 = arith.mulf %get3A_924, %mul3A_925 : vector<16xf32>
        %swap3A_927 = arith.index_cast %add3A_897 : i32 to index
        %swap3A_928 = arith.constant 48 : index
        %swap3A_929 = tpu.vector_load %arg12[%swap3A_927, %swap3A_928] {strides = array<i32>} : memref<128x128xf32, #tpu.memory_space<vmem>>, vector<16xf32>,
        tpu.vector_store %arg12[%swap3A_927, %swap3A_928], %mul3A_926 {strides = array<i32>} : memref<128x128xf32, #tpu.memory_space<vmem>>, vector<16xf32>,
        %get3A_930 = arith.index_cast %add3A_897 : i32 to index
        %get3A_931 = arith.constant 64 : index
        %get3A_932 = tpu.vector_load %arg12[%get3A_930, %get3A_931] {strides = array<i32>} : memref<128x128xf32, #tpu.memory_space<vmem>>, vector<16xf32>,
        %mul3A_933 = vector.broadcast %squeeze3A_893 : f32 to vector<16xf32>
        %mul3A_934 = arith.mulf %get3A_932, %mul3A_933 : vector<16xf32>
        %swap3A_935 = arith.index_cast %add3A_897 : i32 to index
        %swap3A_936 = arith.constant 64 : index
        %swap3A_937 = tpu.vector_load %arg12[%swap3A_935, %swap3A_936] {strides = array<i32>} : memref<128x128xf32, #tpu.memory_space<vmem>>, vector<16xf32>,
        tpu.vector_store %arg12[%swap3A_935, %swap3A_936], %mul3A_934 {strides = array<i32>} : memref<128x128xf32, #tpu.memory_space<vmem>>, vector<16xf32>,
        %get3A_938 = arith.index_cast %add3A_897 : i32 to index
        %get3A_939 = arith.constant 80 : index
        %get3A_940 = tpu.vector_load %arg12[%get3A_938, %get3A_939] {strides = array<i32>} : memref<128x128xf32, #tpu.memory_space<vmem>>, vector<16xf32>,
        %mul3A_941 = vector.broadcast %squeeze3A_893 : f32 to vector<16xf32>
        %mul3A_942 = arith.mulf %get3A_940, %mul3A_941 : vector<16xf32>
        %swap3A_943 = arith.index_cast %add3A_897 : i32 to index
        %swap3A_944 = arith.constant 80 : index
        %swap3A_945 = tpu.vector_load %arg12[%swap3A_943, %swap3A_944] {strides = array<i32>} : memref<128x128xf32, #tpu.memory_space<vmem>>, vector<16xf32>,
        tpu.vector_store %arg12[%swap3A_943, %swap3A_944], %mul3A_942 {strides = array<i32>} : memref<128x128xf32, #tpu.memory_space<vmem>>, vector<16xf32>,
        %get3A_946 = arith.index_cast %add3A_897 : i32 to index
        %get3A_947 = arith.constant 96 : index
        %get3A_948 = tpu.vector_load %arg12[%get3A_946, %get3A_947] {strides = array<i32>} : memref<128x128xf32, #tpu.memory_space<vmem>>, vector<16xf32>,
        %mul3A_949 = vector.broadcast %squeeze3A_893 : f32 to vector<16xf32>
        %mul3A_950 = arith.mulf %get3A_948, %mul3A_949 : vector<16xf32>
        %swap3A_951 = arith.index_cast %add3A_897 : i32 to index
        %swap3A_952 = arith.constant 96 : index
        %swap3A_953 = tpu.vector_load %arg12[%swap3A_951, %swap3A_952] {strides = array<i32>} : memref<128x128xf32, #tpu.memory_space<vmem>>, vector<16xf32>,
        tpu.vector_store %arg12[%swap3A_951, %swap3A_952], %mul3A_950 {strides = array<i32>} : memref<128x128xf32, #tpu.memory_space<vmem>>, vector<16xf32>,
        %get3A_954 = arith.index_cast %add3A_897 : i32 to index
        %get3A_955 = arith.constant 112 : index
        %get3A_956 = tpu.vector_load %arg12[%get3A_954, %get3A_955] {strides = array<i32>} : memref<128x128xf32, #tpu.memory_space<vmem>>, vector<16xf32>,
        %mul3A_957 = vector.broadcast %squeeze3A_893 : f32 to vector<16xf32>
        %mul3A_958 = arith.mulf %get3A_956, %mul3A_957 : vector<16xf32>
        %swap3A_959 = arith.index_cast %add3A_897 : i32 to index
        %swap3A_960 = arith.constant 112 : index
        %swap3A_961 = tpu.vector_load %arg12[%swap3A_959, %swap3A_960] {strides = array<i32>} : memref<128x128xf32, #tpu.memory_space<vmem>>, vector<16xf32>,
        tpu.vector_store %arg12[%swap3A_959, %swap3A_960], %mul3A_958 {strides = array<i32>} : memref<128x128xf32, #tpu.memory_space<vmem>>, vector<16xf32>,
        %slice3A_962 = vector.extract_strided_slice %get3A_124 {offsets = [12], sizes = [1], strides = [1]} : vector<16xf32> to vector<1xf32>
        %squeeze3A_963 = vector.extract %slice3A_962[0] : f32 from vector<1xf32>
        %mul3A_964 = arith.constant 16 : i32
        %mul3A_965 = arith.muli %add3A_120, %mul3A_964 : i32
        %add3A_966 = arith.constant 12 : i32
        %add3A_967 = arith.addi %mul3A_965, %add3A_966 : i32
        %get3A_968 = arith.index_cast %add3A_967 : i32 to index
        %get3A_969 = arith.constant 0 : index
        %get3A_970 = tpu.vector_load %arg12[%get3A_968, %get3A_969] {strides = array<i32>} : memref<128x128xf32, #tpu.memory_space<vmem>>, vector<16xf32>,
        %mul3A_971 = vector.broadcast %squeeze3A_963 : f32 to vector<16xf32>
        %mul3A_972 = arith.mulf %get3A_970, %mul3A_971 : vector<16xf32>
        %swap3A_973 = arith.index_cast %add3A_967 : i32 to index
        %swap3A_974 = arith.constant 0 : index
        %swap3A_975 = tpu.vector_load %arg12[%swap3A_973, %swap3A_974] {strides = array<i32>} : memref<128x128xf32, #tpu.memory_space<vmem>>, vector<16xf32>,
        tpu.vector_store %arg12[%swap3A_973, %swap3A_974], %mul3A_972 {strides = array<i32>} : memref<128x128xf32, #tpu.memory_space<vmem>>, vector<16xf32>,
        %get3A_976 = arith.index_cast %add3A_967 : i32 to index
        %get3A_977 = arith.constant 16 : index
        %get3A_978 = tpu.vector_load %arg12[%get3A_976, %get3A_977] {strides = array<i32>} : memref<128x128xf32, #tpu.memory_space<vmem>>, vector<16xf32>,
        %mul3A_979 = vector.broadcast %squeeze3A_963 : f32 to vector<16xf32>
        %mul3A_980 = arith.mulf %get3A_978, %mul3A_979 : vector<16xf32>
        %swap3A_981 = arith.index_cast %add3A_967 : i32 to index
        %swap3A_982 = arith.constant 16 : index
        %swap3A_983 = tpu.vector_load %arg12[%swap3A_981, %swap3A_982] {strides = array<i32>} : memref<128x128xf32, #tpu.memory_space<vmem>>, vector<16xf32>,
        tpu.vector_store %arg12[%swap3A_981, %swap3A_982], %mul3A_980 {strides = array<i32>} : memref<128x128xf32, #tpu.memory_space<vmem>>, vector<16xf32>,
        %get3A_984 = arith.index_cast %add3A_967 : i32 to index
        %get3A_985 = arith.constant 32 : index
        %get3A_986 = tpu.vector_load %arg12[%get3A_984, %get3A_985] {strides = array<i32>} : memref<128x128xf32, #tpu.memory_space<vmem>>, vector<16xf32>,
        %mul3A_987 = vector.broadcast %squeeze3A_963 : f32 to vector<16xf32>
        %mul3A_988 = arith.mulf %get3A_986, %mul3A_987 : vector<16xf32>
        %swap3A_989 = arith.index_cast %add3A_967 : i32 to index
        %swap3A_990 = arith.constant 32 : index
        %swap3A_991 = tpu.vector_load %arg12[%swap3A_989, %swap3A_990] {strides = array<i32>} : memref<128x128xf32, #tpu.memory_space<vmem>>, vector<16xf32>,
        tpu.vector_store %arg12[%swap3A_989, %swap3A_990], %mul3A_988 {strides = array<i32>} : memref<128x128xf32, #tpu.memory_space<vmem>>, vector<16xf32>,
        %get3A_992 = arith.index_cast %add3A_967 : i32 to index
        %get3A_993 = arith.constant 48 : index
        %get3A_994 = tpu.vector_load %arg12[%get3A_992, %get3A_993] {strides = array<i32>} : memref<128x128xf32, #tpu.memory_space<vmem>>, vector<16xf32>,
        %mul3A_995 = vector.broadcast %squeeze3A_963 : f32 to vector<16xf32>
        %mul3A_996 = arith.mulf %get3A_994, %mul3A_995 : vector<16xf32>
        %swap3A_997 = arith.index_cast %add3A_967 : i32 to index
        %swap3A_998 = arith.constant 48 : index
        %swap3A_999 = tpu.vector_load %arg12[%swap3A_997, %swap3A_998] {strides = array<i32>} : memref<128x128xf32, #tpu.memory_space<vmem>>, vector<16xf32>,
        tpu.vector_store %arg12[%swap3A_997, %swap3A_998], %mul3A_996 {strides = array<i32>} : memref<128x128xf32, #tpu.memory_space<vmem>>, vector<16xf32>,
        %get3A_1000 = arith.index_cast %add3A_967 : i32 to index
        %get3A_1001 = arith.constant 64 : index
        %get3A_1002 = tpu.vector_load %arg12[%get3A_1000, %get3A_1001] {strides = array<i32>} : memref<128x128xf32, #tpu.memory_space<vmem>>, vector<16xf32>,
        %mul3A_1003 = vector.broadcast %squeeze3A_963 : f32 to vector<16xf32>
        %mul3A_1004 = arith.mulf %get3A_1002, %mul3A_1003 : vector<16xf32>
        %swap3A_1005 = arith.index_cast %add3A_967 : i32 to index
        %swap3A_1006 = arith.constant 64 : index
        %swap3A_1007 = tpu.vector_load %arg12[%swap3A_1005, %swap3A_1006] {strides = array<i32>} : memref<128x128xf32, #tpu.memory_space<vmem>>, vector<16xf32>,
        tpu.vector_store %arg12[%swap3A_1005, %swap3A_1006], %mul3A_1004 {strides = array<i32>} : memref<128x128xf32, #tpu.memory_space<vmem>>, vector<16xf32>,
        %get3A_1008 = arith.index_cast %add3A_967 : i32 to index
        %get3A_1009 = arith.constant 80 : index
        %get3A_1010 = tpu.vector_load %arg12[%get3A_1008, %get3A_1009] {strides = array<i32>} : memref<128x128xf32, #tpu.memory_space<vmem>>, vector<16xf32>,
        %mul3A_1011 = vector.broadcast %squeeze3A_963 : f32 to vector<16xf32>
        %mul3A_1012 = arith.mulf %get3A_1010, %mul3A_1011 : vector<16xf32>
        %swap3A_1013 = arith.index_cast %add3A_967 : i32 to index
        %swap3A_1014 = arith.constant 80 : index
        %swap3A_1015 = tpu.vector_load %arg12[%swap3A_1013, %swap3A_1014] {strides = array<i32>} : memref<128x128xf32, #tpu.memory_space<vmem>>, vector<16xf32>,
        tpu.vector_store %arg12[%swap3A_1013, %swap3A_1014], %mul3A_1012 {strides = array<i32>} : memref<128x128xf32, #tpu.memory_space<vmem>>, vector<16xf32>,
        %get3A_1016 = arith.index_cast %add3A_967 : i32 to index
        %get3A_1017 = arith.constant 96 : index
        %get3A_1018 = tpu.vector_load %arg12[%get3A_1016, %get3A_1017] {strides = array<i32>} : memref<128x128xf32, #tpu.memory_space<vmem>>, vector<16xf32>,
        %mul3A_1019 = vector.broadcast %squeeze3A_963 : f32 to vector<16xf32>
        %mul3A_1020 = arith.mulf %get3A_1018, %mul3A_1019 : vector<16xf32>
        %swap3A_1021 = arith.index_cast %add3A_967 : i32 to index
        %swap3A_1022 = arith.constant 96 : index
        %swap3A_1023 = tpu.vector_load %arg12[%swap3A_1021, %swap3A_1022] {strides = array<i32>} : memref<128x128xf32, #tpu.memory_space<vmem>>, vector<16xf32>,
        tpu.vector_store %arg12[%swap3A_1021, %swap3A_1022], %mul3A_1020 {strides = array<i32>} : memref<128x128xf32, #tpu.memory_space<vmem>>, vector<16xf32>,
        %get3A_1024 = arith.index_cast %add3A_967 : i32 to index
        %get3A_1025 = arith.constant 112 : index
        %get3A_1026 = tpu.vector_load %arg12[%get3A_1024, %get3A_1025] {strides = array<i32>} : memref<128x128xf32, #tpu.memory_space<vmem>>, vector<16xf32>,
        %mul3A_1027 = vector.broadcast %squeeze3A_963 : f32 to vector<16xf32>
        %mul3A_1028 = arith.mulf %get3A_1026, %mul3A_1027 : vector<16xf32>
        %swap3A_1029 = arith.index_cast %add3A_967 : i32 to index
        %swap3A_1030 = arith.constant 112 : index
        %swap3A_1031 = tpu.vector_load %arg12[%swap3A_1029, %swap3A_1030] {strides = array<i32>} : memref<128x128xf32, #tpu.memory_space<vmem>>, vector<16xf32>,
        tpu.vector_store %arg12[%swap3A_1029, %swap3A_1030], %mul3A_1028 {strides = array<i32>} : memref<128x128xf32, #tpu.memory_space<vmem>>, vector<16xf32>,
        %slice3A_1032 = vector.extract_strided_slice %get3A_124 {offsets = [13], sizes = [1], strides = [1]} : vector<16xf32> to vector<1xf32>
        %squeeze3A_1033 = vector.extract %slice3A_1032[0] : f32 from vector<1xf32>
        %mul3A_1034 = arith.constant 16 : i32
        %mul3A_1035 = arith.muli %add3A_120, %mul3A_1034 : i32
        %add3A_1036 = arith.constant 13 : i32
        %add3A_1037 = arith.addi %mul3A_1035, %add3A_1036 : i32
        %get3A_1038 = arith.index_cast %add3A_1037 : i32 to index
        %get3A_1039 = arith.constant 0 : index
        %get3A_1040 = tpu.vector_load %arg12[%get3A_1038, %get3A_1039] {strides = array<i32>} : memref<128x128xf32, #tpu.memory_space<vmem>>, vector<16xf32>,
        %mul3A_1041 = vector.broadcast %squeeze3A_1033 : f32 to vector<16xf32>
        %mul3A_1042 = arith.mulf %get3A_1040, %mul3A_1041 : vector<16xf32>
        %swap3A_1043 = arith.index_cast %add3A_1037 : i32 to index
        %swap3A_1044 = arith.constant 0 : index
        %swap3A_1045 = tpu.vector_load %arg12[%swap3A_1043, %swap3A_1044] {strides = array<i32>} : memref<128x128xf32, #tpu.memory_space<vmem>>, vector<16xf32>,
        tpu.vector_store %arg12[%swap3A_1043, %swap3A_1044], %mul3A_1042 {strides = array<i32>} : memref<128x128xf32, #tpu.memory_space<vmem>>, vector<16xf32>,
        %get3A_1046 = arith.index_cast %add3A_1037 : i32 to index
        %get3A_1047 = arith.constant 16 : index
        %get3A_1048 = tpu.vector_load %arg12[%get3A_1046, %get3A_1047] {strides = array<i32>} : memref<128x128xf32, #tpu.memory_space<vmem>>, vector<16xf32>,
        %mul3A_1049 = vector.broadcast %squeeze3A_1033 : f32 to vector<16xf32>
        %mul3A_1050 = arith.mulf %get3A_1048, %mul3A_1049 : vector<16xf32>
        %swap3A_1051 = arith.index_cast %add3A_1037 : i32 to index
        %swap3A_1052 = arith.constant 16 : index
        %swap3A_1053 = tpu.vector_load %arg12[%swap3A_1051, %swap3A_1052] {strides = array<i32>} : memref<128x128xf32, #tpu.memory_space<vmem>>, vector<16xf32>,
        tpu.vector_store %arg12[%swap3A_1051, %swap3A_1052], %mul3A_1050 {strides = array<i32>} : memref<128x128xf32, #tpu.memory_space<vmem>>, vector<16xf32>,
        %get3A_1054 = arith.index_cast %add3A_1037 : i32 to index
        %get3A_1055 = arith.constant 32 : index
        %get3A_1056 = tpu.vector_load %arg12[%get3A_1054, %get3A_1055] {strides = array<i32>} : memref<128x128xf32, #tpu.memory_space<vmem>>, vector<16xf32>,
        %mul3A_1057 = vector.broadcast %squeeze3A_1033 : f32 to vector<16xf32>
        %mul3A_1058 = arith.mulf %get3A_1056, %mul3A_1057 : vector<16xf32>
        %swap3A_1059 = arith.index_cast %add3A_1037 : i32 to index
        %swap3A_1060 = arith.constant 32 : index
        %swap3A_1061 = tpu.vector_load %arg12[%swap3A_1059, %swap3A_1060] {strides = array<i32>} : memref<128x128xf32, #tpu.memory_space<vmem>>, vector<16xf32>,
        tpu.vector_store %arg12[%swap3A_1059, %swap3A_1060], %mul3A_1058 {strides = array<i32>} : memref<128x128xf32, #tpu.memory_space<vmem>>, vector<16xf32>,
        %get3A_1062 = arith.index_cast %add3A_1037 : i32 to index
        %get3A_1063 = arith.constant 48 : index
        %get3A_1064 = tpu.vector_load %arg12[%get3A_1062, %get3A_1063] {strides = array<i32>} : memref<128x128xf32, #tpu.memory_space<vmem>>, vector<16xf32>,
        %mul3A_1065 = vector.broadcast %squeeze3A_1033 : f32 to vector<16xf32>
        %mul3A_1066 = arith.mulf %get3A_1064, %mul3A_1065 : vector<16xf32>
        %swap3A_1067 = arith.index_cast %add3A_1037 : i32 to index
        %swap3A_1068 = arith.constant 48 : index
        %swap3A_1069 = tpu.vector_load %arg12[%swap3A_1067, %swap3A_1068] {strides = array<i32>} : memref<128x128xf32, #tpu.memory_space<vmem>>, vector<16xf32>,
        tpu.vector_store %arg12[%swap3A_1067, %swap3A_1068], %mul3A_1066 {strides = array<i32>} : memref<128x128xf32, #tpu.memory_space<vmem>>, vector<16xf32>,
        %get3A_1070 = arith.index_cast %add3A_1037 : i32 to index
        %get3A_1071 = arith.constant 64 : index
        %get3A_1072 = tpu.vector_load %arg12[%get3A_1070, %get3A_1071] {strides = array<i32>} : memref<128x128xf32, #tpu.memory_space<vmem>>, vector<16xf32>,
        %mul3A_1073 = vector.broadcast %squeeze3A_1033 : f32 to vector<16xf32>
        %mul3A_1074 = arith.mulf %get3A_1072, %mul3A_1073 : vector<16xf32>
        %swap3A_1075 = arith.index_cast %add3A_1037 : i32 to index
        %swap3A_1076 = arith.constant 64 : index
        %swap3A_1077 = tpu.vector_load %arg12[%swap3A_1075, %swap3A_1076] {strides = array<i32>} : memref<128x128xf32, #tpu.memory_space<vmem>>, vector<16xf32>,
        tpu.vector_store %arg12[%swap3A_1075, %swap3A_1076], %mul3A_1074 {strides = array<i32>} : memref<128x128xf32, #tpu.memory_space<vmem>>, vector<16xf32>,
        %get3A_1078 = arith.index_cast %add3A_1037 : i32 to index
        %get3A_1079 = arith.constant 80 : index
        %get3A_1080 = tpu.vector_load %arg12[%get3A_1078, %get3A_1079] {strides = array<i32>} : memref<128x128xf32, #tpu.memory_space<vmem>>, vector<16xf32>,
        %mul3A_1081 = vector.broadcast %squeeze3A_1033 : f32 to vector<16xf32>
        %mul3A_1082 = arith.mulf %get3A_1080, %mul3A_1081 : vector<16xf32>
        %swap3A_1083 = arith.index_cast %add3A_1037 : i32 to index
        %swap3A_1084 = arith.constant 80 : index
        %swap3A_1085 = tpu.vector_load %arg12[%swap3A_1083, %swap3A_1084] {strides = array<i32>} : memref<128x128xf32, #tpu.memory_space<vmem>>, vector<16xf32>,
        tpu.vector_store %arg12[%swap3A_1083, %swap3A_1084], %mul3A_1082 {strides = array<i32>} : memref<128x128xf32, #tpu.memory_space<vmem>>, vector<16xf32>,
        %get3A_1086 = arith.index_cast %add3A_1037 : i32 to index
        %get3A_1087 = arith.constant 96 : index
        %get3A_1088 = tpu.vector_load %arg12[%get3A_1086, %get3A_1087] {strides = array<i32>} : memref<128x128xf32, #tpu.memory_space<vmem>>, vector<16xf32>,
        %mul3A_1089 = vector.broadcast %squeeze3A_1033 : f32 to vector<16xf32>
        %mul3A_1090 = arith.mulf %get3A_1088, %mul3A_1089 : vector<16xf32>
        %swap3A_1091 = arith.index_cast %add3A_1037 : i32 to index
        %swap3A_1092 = arith.constant 96 : index
        %swap3A_1093 = tpu.vector_load %arg12[%swap3A_1091, %swap3A_1092] {strides = array<i32>} : memref<128x128xf32, #tpu.memory_space<vmem>>, vector<16xf32>,
        tpu.vector_store %arg12[%swap3A_1091, %swap3A_1092], %mul3A_1090 {strides = array<i32>} : memref<128x128xf32, #tpu.memory_space<vmem>>, vector<16xf32>,
        %get3A_1094 = arith.index_cast %add3A_1037 : i32 to index
        %get3A_1095 = arith.constant 112 : index
        %get3A_1096 = tpu.vector_load %arg12[%get3A_1094, %get3A_1095] {strides = array<i32>} : memref<128x128xf32, #tpu.memory_space<vmem>>, vector<16xf32>,
        %mul3A_1097 = vector.broadcast %squeeze3A_1033 : f32 to vector<16xf32>
        %mul3A_1098 = arith.mulf %get3A_1096, %mul3A_1097 : vector<16xf32>
        %swap3A_1099 = arith.index_cast %add3A_1037 : i32 to index
        %swap3A_1100 = arith.constant 112 : index
        %swap3A_1101 = tpu.vector_load %arg12[%swap3A_1099, %swap3A_1100] {strides = array<i32>} : memref<128x128xf32, #tpu.memory_space<vmem>>, vector<16xf32>,
        tpu.vector_store %arg12[%swap3A_1099, %swap3A_1100], %mul3A_1098 {strides = array<i32>} : memref<128x128xf32, #tpu.memory_space<vmem>>, vector<16xf32>,
        %slice3A_1102 = vector.extract_strided_slice %get3A_124 {offsets = [14], sizes = [1], strides = [1]} : vector<16xf32> to vector<1xf32>
        %squeeze3A_1103 = vector.extract %slice3A_1102[0] : f32 from vector<1xf32>
        %mul3A_1104 = arith.constant 16 : i32
        %mul3A_1105 = arith.muli %add3A_120, %mul3A_1104 : i32
        %add3A_1106 = arith.constant 14 : i32
        %add3A_1107 = arith.addi %mul3A_1105, %add3A_1106 : i32
        %get3A_1108 = arith.index_cast %add3A_1107 : i32 to index
        %get3A_1109 = arith.constant 0 : index
        %get3A_1110 = tpu.vector_load %arg12[%get3A_1108, %get3A_1109] {strides = array<i32>} : memref<128x128xf32, #tpu.memory_space<vmem>>, vector<16xf32>,
        %mul3A_1111 = vector.broadcast %squeeze3A_1103 : f32 to vector<16xf32>
        %mul3A_1112 = arith.mulf %get3A_1110, %mul3A_1111 : vector<16xf32>
        %swap3A_1113 = arith.index_cast %add3A_1107 : i32 to index
        %swap3A_1114 = arith.constant 0 : index
        %swap3A_1115 = tpu.vector_load %arg12[%swap3A_1113, %swap3A_1114] {strides = array<i32>} : memref<128x128xf32, #tpu.memory_space<vmem>>, vector<16xf32>,
        tpu.vector_store %arg12[%swap3A_1113, %swap3A_1114], %mul3A_1112 {strides = array<i32>} : memref<128x128xf32, #tpu.memory_space<vmem>>, vector<16xf32>,
        %get3A_1116 = arith.index_cast %add3A_1107 : i32 to index
        %get3A_1117 = arith.constant 16 : index
        %get3A_1118 = tpu.vector_load %arg12[%get3A_1116, %get3A_1117] {strides = array<i32>} : memref<128x128xf32, #tpu.memory_space<vmem>>, vector<16xf32>,
        %mul3A_1119 = vector.broadcast %squeeze3A_1103 : f32 to vector<16xf32>
        %mul3A_1120 = arith.mulf %get3A_1118, %mul3A_1119 : vector<16xf32>
        %swap3A_1121 = arith.index_cast %add3A_1107 : i32 to index
        %swap3A_1122 = arith.constant 16 : index
        %swap3A_1123 = tpu.vector_load %arg12[%swap3A_1121, %swap3A_1122] {strides = array<i32>} : memref<128x128xf32, #tpu.memory_space<vmem>>, vector<16xf32>,
        tpu.vector_store %arg12[%swap3A_1121, %swap3A_1122], %mul3A_1120 {strides = array<i32>} : memref<128x128xf32, #tpu.memory_space<vmem>>, vector<16xf32>,
        %get3A_1124 = arith.index_cast %add3A_1107 : i32 to index
        %get3A_1125 = arith.constant 32 : index
        %get3A_1126 = tpu.vector_load %arg12[%get3A_1124, %get3A_1125] {strides = array<i32>} : memref<128x128xf32, #tpu.memory_space<vmem>>, vector<16xf32>,
        %mul3A_1127 = vector.broadcast %squeeze3A_1103 : f32 to vector<16xf32>
        %mul3A_1128 = arith.mulf %get3A_1126, %mul3A_1127 : vector<16xf32>
        %swap3A_1129 = arith.index_cast %add3A_1107 : i32 to index
        %swap3A_1130 = arith.constant 32 : index
        %swap3A_1131 = tpu.vector_load %arg12[%swap3A_1129, %swap3A_1130] {strides = array<i32>} : memref<128x128xf32, #tpu.memory_space<vmem>>, vector<16xf32>,
        tpu.vector_store %arg12[%swap3A_1129, %swap3A_1130], %mul3A_1128 {strides = array<i32>} : memref<128x128xf32, #tpu.memory_space<vmem>>, vector<16xf32>,
        %get3A_1132 = arith.index_cast %add3A_1107 : i32 to index
        %get3A_1133 = arith.constant 48 : index
        %get3A_1134 = tpu.vector_load %arg12[%get3A_1132, %get3A_1133] {strides = array<i32>} : memref<128x128xf32, #tpu.memory_space<vmem>>, vector<16xf32>,
        %mul3A_1135 = vector.broadcast %squeeze3A_1103 : f32 to vector<16xf32>
        %mul3A_1136 = arith.mulf %get3A_1134, %mul3A_1135 : vector<16xf32>
        %swap3A_1137 = arith.index_cast %add3A_1107 : i32 to index
        %swap3A_1138 = arith.constant 48 : index
        %swap3A_1139 = tpu.vector_load %arg12[%swap3A_1137, %swap3A_1138] {strides = array<i32>} : memref<128x128xf32, #tpu.memory_space<vmem>>, vector<16xf32>,
        tpu.vector_store %arg12[%swap3A_1137, %swap3A_1138], %mul3A_1136 {strides = array<i32>} : memref<128x128xf32, #tpu.memory_space<vmem>>, vector<16xf32>,
        %get3A_1140 = arith.index_cast %add3A_1107 : i32 to index
        %get3A_1141 = arith.constant 64 : index
        %get3A_1142 = tpu.vector_load %arg12[%get3A_1140, %get3A_1141] {strides = array<i32>} : memref<128x128xf32, #tpu.memory_space<vmem>>, vector<16xf32>,
        %mul3A_1143 = vector.broadcast %squeeze3A_1103 : f32 to vector<16xf32>
        %mul3A_1144 = arith.mulf %get3A_1142, %mul3A_1143 : vector<16xf32>
        %swap3A_1145 = arith.index_cast %add3A_1107 : i32 to index
        %swap3A_1146 = arith.constant 64 : index
        %swap3A_1147 = tpu.vector_load %arg12[%swap3A_1145, %swap3A_1146] {strides = array<i32>} : memref<128x128xf32, #tpu.memory_space<vmem>>, vector<16xf32>,
        tpu.vector_store %arg12[%swap3A_1145, %swap3A_1146], %mul3A_1144 {strides = array<i32>} : memref<128x128xf32, #tpu.memory_space<vmem>>, vector<16xf32>,
        %get3A_1148 = arith.index_cast %add3A_1107 : i32 to index
        %get3A_1149 = arith.constant 80 : index
        %get3A_1150 = tpu.vector_load %arg12[%get3A_1148, %get3A_1149] {strides = array<i32>} : memref<128x128xf32, #tpu.memory_space<vmem>>, vector<16xf32>,
        %mul3A_1151 = vector.broadcast %squeeze3A_1103 : f32 to vector<16xf32>
        %mul3A_1152 = arith.mulf %get3A_1150, %mul3A_1151 : vector<16xf32>
        %swap3A_1153 = arith.index_cast %add3A_1107 : i32 to index
        %swap3A_1154 = arith.constant 80 : index
        %swap3A_1155 = tpu.vector_load %arg12[%swap3A_1153, %swap3A_1154] {strides = array<i32>} : memref<128x128xf32, #tpu.memory_space<vmem>>, vector<16xf32>,
        tpu.vector_store %arg12[%swap3A_1153, %swap3A_1154], %mul3A_1152 {strides = array<i32>} : memref<128x128xf32, #tpu.memory_space<vmem>>, vector<16xf32>,
        %get3A_1156 = arith.index_cast %add3A_1107 : i32 to index
        %get3A_1157 = arith.constant 96 : index
        %get3A_1158 = tpu.vector_load %arg12[%get3A_1156, %get3A_1157] {strides = array<i32>} : memref<128x128xf32, #tpu.memory_space<vmem>>, vector<16xf32>,
        %mul3A_1159 = vector.broadcast %squeeze3A_1103 : f32 to vector<16xf32>
        %mul3A_1160 = arith.mulf %get3A_1158, %mul3A_1159 : vector<16xf32>
        %swap3A_1161 = arith.index_cast %add3A_1107 : i32 to index
        %swap3A_1162 = arith.constant 96 : index
        %swap3A_1163 = tpu.vector_load %arg12[%swap3A_1161, %swap3A_1162] {strides = array<i32>} : memref<128x128xf32, #tpu.memory_space<vmem>>, vector<16xf32>,
        tpu.vector_store %arg12[%swap3A_1161, %swap3A_1162], %mul3A_1160 {strides = array<i32>} : memref<128x128xf32, #tpu.memory_space<vmem>>, vector<16xf32>,
        %get3A_1164 = arith.index_cast %add3A_1107 : i32 to index
        %get3A_1165 = arith.constant 112 : index
        %get3A_1166 = tpu.vector_load %arg12[%get3A_1164, %get3A_1165] {strides = array<i32>} : memref<128x128xf32, #tpu.memory_space<vmem>>, vector<16xf32>,
        %mul3A_1167 = vector.broadcast %squeeze3A_1103 : f32 to vector<16xf32>
        %mul3A_1168 = arith.mulf %get3A_1166, %mul3A_1167 : vector<16xf32>
        %swap3A_1169 = arith.index_cast %add3A_1107 : i32 to index
        %swap3A_1170 = arith.constant 112 : index
        %swap3A_1171 = tpu.vector_load %arg12[%swap3A_1169, %swap3A_1170] {strides = array<i32>} : memref<128x128xf32, #tpu.memory_space<vmem>>, vector<16xf32>,
        tpu.vector_store %arg12[%swap3A_1169, %swap3A_1170], %mul3A_1168 {strides = array<i32>} : memref<128x128xf32, #tpu.memory_space<vmem>>, vector<16xf32>,
        %slice3A_1172 = vector.extract_strided_slice %get3A_124 {offsets = [15], sizes = [1], strides = [1]} : vector<16xf32> to vector<1xf32>
        %squeeze3A_1173 = vector.extract %slice3A_1172[0] : f32 from vector<1xf32>
        %mul3A_1174 = arith.constant 16 : i32
        %mul3A_1175 = arith.muli %add3A_120, %mul3A_1174 : i32
        %add3A_1176 = arith.constant 15 : i32
        %add3A_1177 = arith.addi %mul3A_1175, %add3A_1176 : i32
        %get3A_1178 = arith.index_cast %add3A_1177 : i32 to index
        %get3A_1179 = arith.constant 0 : index
        %get3A_1180 = tpu.vector_load %arg12[%get3A_1178, %get3A_1179] {strides = array<i32>} : memref<128x128xf32, #tpu.memory_space<vmem>>, vector<16xf32>,
        %mul3A_1181 = vector.broadcast %squeeze3A_1173 : f32 to vector<16xf32>
        %mul3A_1182 = arith.mulf %get3A_1180, %mul3A_1181 : vector<16xf32>
        %swap3A_1183 = arith.index_cast %add3A_1177 : i32 to index
        %swap3A_1184 = arith.constant 0 : index
        %swap3A_1185 = tpu.vector_load %arg12[%swap3A_1183, %swap3A_1184] {strides = array<i32>} : memref<128x128xf32, #tpu.memory_space<vmem>>, vector<16xf32>,
        tpu.vector_store %arg12[%swap3A_1183, %swap3A_1184], %mul3A_1182 {strides = array<i32>} : memref<128x128xf32, #tpu.memory_space<vmem>>, vector<16xf32>,
        %get3A_1186 = arith.index_cast %add3A_1177 : i32 to index
        %get3A_1187 = arith.constant 16 : index
        %get3A_1188 = tpu.vector_load %arg12[%get3A_1186, %get3A_1187] {strides = array<i32>} : memref<128x128xf32, #tpu.memory_space<vmem>>, vector<16xf32>,
        %mul3A_1189 = vector.broadcast %squeeze3A_1173 : f32 to vector<16xf32>
        %mul3A_1190 = arith.mulf %get3A_1188, %mul3A_1189 : vector<16xf32>
        %swap3A_1191 = arith.index_cast %add3A_1177 : i32 to index
        %swap3A_1192 = arith.constant 16 : index
        %swap3A_1193 = tpu.vector_load %arg12[%swap3A_1191, %swap3A_1192] {strides = array<i32>} : memref<128x128xf32, #tpu.memory_space<vmem>>, vector<16xf32>,
        tpu.vector_store %arg12[%swap3A_1191, %swap3A_1192], %mul3A_1190 {strides = array<i32>} : memref<128x128xf32, #tpu.memory_space<vmem>>, vector<16xf32>,
        %get3A_1194 = arith.index_cast %add3A_1177 : i32 to index
        %get3A_1195 = arith.constant 32 : index
        %get3A_1196 = tpu.vector_load %arg12[%get3A_1194, %get3A_1195] {strides = array<i32>} : memref<128x128xf32, #tpu.memory_space<vmem>>, vector<16xf32>,
        %mul3A_1197 = vector.broadcast %squeeze3A_1173 : f32 to vector<16xf32>
        %mul3A_1198 = arith.mulf %get3A_1196, %mul3A_1197 : vector<16xf32>
        %swap3A_1199 = arith.index_cast %add3A_1177 : i32 to index
        %swap3A_1200 = arith.constant 32 : index
        %swap3A_1201 = tpu.vector_load %arg12[%swap3A_1199, %swap3A_1200] {strides = array<i32>} : memref<128x128xf32, #tpu.memory_space<vmem>>, vector<16xf32>,
        tpu.vector_store %arg12[%swap3A_1199, %swap3A_1200], %mul3A_1198 {strides = array<i32>} : memref<128x128xf32, #tpu.memory_space<vmem>>, vector<16xf32>,
        %get3A_1202 = arith.index_cast %add3A_1177 : i32 to index
        %get3A_1203 = arith.constant 48 : index
        %get3A_1204 = tpu.vector_load %arg12[%get3A_1202, %get3A_1203] {strides = array<i32>} : memref<128x128xf32, #tpu.memory_space<vmem>>, vector<16xf32>,
        %mul3A_1205 = vector.broadcast %squeeze3A_1173 : f32 to vector<16xf32>
        %mul3A_1206 = arith.mulf %get3A_1204, %mul3A_1205 : vector<16xf32>
        %swap3A_1207 = arith.index_cast %add3A_1177 : i32 to index
        %swap3A_1208 = arith.constant 48 : index
        %swap3A_1209 = tpu.vector_load %arg12[%swap3A_1207, %swap3A_1208] {strides = array<i32>} : memref<128x128xf32, #tpu.memory_space<vmem>>, vector<16xf32>,
        tpu.vector_store %arg12[%swap3A_1207, %swap3A_1208], %mul3A_1206 {strides = array<i32>} : memref<128x128xf32, #tpu.memory_space<vmem>>, vector<16xf32>,
        %get3A_1210 = arith.index_cast %add3A_1177 : i32 to index
        %get3A_1211 = arith.constant 64 : index
        %get3A_1212 = tpu.vector_load %arg12[%get3A_1210, %get3A_1211] {strides = array<i32>} : memref<128x128xf32, #tpu.memory_space<vmem>>, vector<16xf32>,
        %mul3A_1213 = vector.broadcast %squeeze3A_1173 : f32 to vector<16xf32>
        %mul3A_1214 = arith.mulf %get3A_1212, %mul3A_1213 : vector<16xf32>
        %swap3A_1215 = arith.index_cast %add3A_1177 : i32 to index
        %swap3A_1216 = arith.constant 64 : index
        %swap3A_1217 = tpu.vector_load %arg12[%swap3A_1215, %swap3A_1216] {strides = array<i32>} : memref<128x128xf32, #tpu.memory_space<vmem>>, vector<16xf32>,
        tpu.vector_store %arg12[%swap3A_1215, %swap3A_1216], %mul3A_1214 {strides = array<i32>} : memref<128x128xf32, #tpu.memory_space<vmem>>, vector<16xf32>,
        %get3A_1218 = arith.index_cast %add3A_1177 : i32 to index
        %get3A_1219 = arith.constant 80 : index
        %get3A_1220 = tpu.vector_load %arg12[%get3A_1218, %get3A_1219] {strides = array<i32>} : memref<128x128xf32, #tpu.memory_space<vmem>>, vector<16xf32>,
        %mul3A_1221 = vector.broadcast %squeeze3A_1173 : f32 to vector<16xf32>
        %mul3A_1222 = arith.mulf %get3A_1220, %mul3A_1221 : vector<16xf32>
        %swap3A_1223 = arith.index_cast %add3A_1177 : i32 to index
        %swap3A_1224 = arith.constant 80 : index
        %swap3A_1225 = tpu.vector_load %arg12[%swap3A_1223, %swap3A_1224] {strides = array<i32>} : memref<128x128xf32, #tpu.memory_space<vmem>>, vector<16xf32>,
        tpu.vector_store %arg12[%swap3A_1223, %swap3A_1224], %mul3A_1222 {strides = array<i32>} : memref<128x128xf32, #tpu.memory_space<vmem>>, vector<16xf32>,
        %get3A_1226 = arith.index_cast %add3A_1177 : i32 to index
        %get3A_1227 = arith.constant 96 : index
        %get3A_1228 = tpu.vector_load %arg12[%get3A_1226, %get3A_1227] {strides = array<i32>} : memref<128x128xf32, #tpu.memory_space<vmem>>, vector<16xf32>,
        %mul3A_1229 = vector.broadcast %squeeze3A_1173 : f32 to vector<16xf32>
        %mul3A_1230 = arith.mulf %get3A_1228, %mul3A_1229 : vector<16xf32>
        %swap3A_1231 = arith.index_cast %add3A_1177 : i32 to index
        %swap3A_1232 = arith.constant 96 : index
        %swap3A_1233 = tpu.vector_load %arg12[%swap3A_1231, %swap3A_1232] {strides = array<i32>} : memref<128x128xf32, #tpu.memory_space<vmem>>, vector<16xf32>,
        tpu.vector_store %arg12[%swap3A_1231, %swap3A_1232], %mul3A_1230 {strides = array<i32>} : memref<128x128xf32, #tpu.memory_space<vmem>>, vector<16xf32>,
        %get3A_1234 = arith.index_cast %add3A_1177 : i32 to index
        %get3A_1235 = arith.constant 112 : index
        %get3A_1236 = tpu.vector_load %arg12[%get3A_1234, %get3A_1235] {strides = array<i32>} : memref<128x128xf32, #tpu.memory_space<vmem>>, vector<16xf32>,
        %mul3A_1237 = vector.broadcast %squeeze3A_1173 : f32 to vector<16xf32>
        %mul3A_1238 = arith.mulf %get3A_1236, %mul3A_1237 : vector<16xf32>
        %swap3A_1239 = arith.index_cast %add3A_1177 : i32 to index
        %swap3A_1240 = arith.constant 112 : index
        %swap3A_1241 = tpu.vector_load %arg12[%swap3A_1239, %swap3A_1240] {strides = array<i32>} : memref<128x128xf32, #tpu.memory_space<vmem>>, vector<16xf32>,
        tpu.vector_store %arg12[%swap3A_1239, %swap3A_1240], %mul3A_1238 {strides = array<i32>} : memref<128x128xf32, #tpu.memory_space<vmem>>, vector<16xf32>,
      }
      %scan3A_115 = arith.constant 8 : i32
      "tpu.region"() ({
        %run_scoped3A = tpu.sem_alloc : memref<!tpu.dma_semaphore, #tpu.memory_space<semaphore_mem>>
        %dma_start3A_116 = arith.constant 0 : i32
        %dma_start3A_117 = tpu.memref_slice %arg9[%add3A_98, %dma_start3A_116] : memref<80x128xi32, #tpu.memory_space<vmem>> -> memref<1x128xi32, #tpu.memory_space<vmem>>
        %dma_start3A_118 = tpu.memref_squeeze %dma_start3A_117 : memref<1x128xi32, #tpu.memory_space<vmem>> -> memref<128xi32, #tpu.memory_space<vmem>>
        %dma_start3A_119 = arith.constant 0 : i32
        %dma_start3A_120 = arith.constant 0 : i32
        %dma_start3A_121 = tpu.memref_slice %arg13[%dma_start3A_119, %dma_start3A_120] : memref<10240x128xf32, #tpu.memory_space<vmem_shared>> -> memref<10240x128xf32, #tpu.memory_space<vmem_shared>>
        tpu.enqueue_indirect_dma source(%arg12 : memref<128x128xf32, #tpu.memory_space<vmem>>) target(%dma_start3A_121 : memref<10240x128xf32, #tpu.memory_space<vmem_shared>>) offsets(%dma_start3A_118 : memref<128xi32, #tpu.memory_space<vmem>>) semaphore(%run_scoped3A : memref<!tpu.dma_semaphore, #tpu.memory_space<semaphore_mem>>) {add = true}
        %dma_wait3A_122 = arith.constant 0 : i32
        %dma_wait3A_123 = tpu.memref_slice %arg9[%add3A_98, %dma_wait3A_122] : memref<80x128xi32, #tpu.memory_space<vmem>> -> memref<1x128xi32, #tpu.memory_space<vmem>>
        %dma_wait3A_124 = tpu.memref_squeeze %dma_wait3A_123 : memref<1x128xi32, #tpu.memory_space<vmem>> -> memref<128xi32, #tpu.memory_space<vmem>>
        %dma_wait3A_125 = arith.constant 0 : i32
        %dma_wait3A_126 = arith.constant 0 : i32
        %dma_wait3A_127 = tpu.memref_slice %arg13[%dma_wait3A_125, %dma_wait3A_126] : memref<10240x128xf32, #tpu.memory_space<vmem_shared>> -> memref<10240x128xf32, #tpu.memory_space<vmem_shared>>
        tpu.wait_indirect_dma semaphore(%run_scoped3A : memref<!tpu.dma_semaphore, #tpu.memory_space<semaphore_mem>>) src(%arg12 : memref<128x128xf32, #tpu.memory_space<vmem>>) dst(%dma_wait3A_127 : memref<10240x128xf32, #tpu.memory_space<vmem_shared>>)
        tpu.yield
      }) : () -> ()
    }
    %scan3A_87 = arith.constant 80 : i32
    %barrier3A_88 = arith.constant 0 : index
    tpu.barrier barrier_id(%barrier3A_88)
    %scan3A_89 = arith.constant 0 : i32
    %scan3A_90 = arith.constant 5 : i32
    %scan3A_91 = arith.addi %scan3A_89, %scan3A_90 : i32
    %scan3A_92 = arith.constant 1 : i32
    scf.for %scan3A_94 = %scan3A_89 to %scan3A_91 step %scan3A_92  : i32 {
      %mul3A_95 = arith.constant 1 : i32
      %mul3A_96 = arith.muli %scan3A_94, %mul3A_95 : i32
      %add3A_97 = arith.constant 0 : i32
      %add3A_98 = arith.addi %add3A_97, %mul3A_96 : i32
      %mul3A_99 = arith.constant 640 : i32
      %mul3A_100 = arith.muli %arg1, %mul3A_99 : i32
      %mul3A_101 = arith.constant 128 : i32
      %mul3A_102 = arith.muli %add3A_98, %mul3A_101 : i32
      %add3A_103 = arith.addi %mul3A_100, %mul3A_102 : i32
      %eq3A = arith.constant 0 : i32
      %eq3A_104 = arith.cmpi eq, %arg0, %eq3A : i32
      %convert_element_type3A = arith.extui %eq3A_104 : i1 to i32
      %cond3A = arith.constant 0 : i32
      %cond3A_105 = arith.cmpi ne, %convert_element_type3A, %cond3A : i32
      scf.if %cond3A_105 {
        "tpu.region"() ({
          %run_scoped3A = tpu.sem_alloc : memref<!tpu.dma_semaphore, #tpu.memory_space<semaphore_mem>>
          %dma_start3A_111 = arith.constant 0 : i32
          %dma_start3A_112 = tpu.memref_slice %arg6[%add3A_103, %dma_start3A_111] : memref<10240x128xf32, #tpu.memory_space<hbm>> -> memref<128x128xf32, #tpu.memory_space<hbm>>
          %dma_start3A_113 = arith.constant 0 : i32
          %dma_start3A_114 = tpu.memref_slice %arg13[%add3A_103, %dma_start3A_113] : memref<10240x128xf32, #tpu.memory_space<vmem_shared>> -> memref<128x128xf32, #tpu.memory_space<vmem_shared>>
          tpu.enqueue_dma source(%dma_start3A_114 : memref<128x128xf32, #tpu.memory_space<vmem_shared>>) target(%dma_start3A_112 : memref<128x128xf32, #tpu.memory_space<hbm>>) target_semaphore(%run_scoped3A : memref<!tpu.dma_semaphore, #tpu.memory_space<semaphore_mem>>)
          %dma_wait3A_115 = arith.constant 0 : i32
          %dma_wait3A_116 = tpu.memref_slice %arg6[%add3A_103, %dma_wait3A_115] : memref<10240x128xf32, #tpu.memory_space<hbm>> -> memref<128x128xf32, #tpu.memory_space<hbm>>
          %dma_wait3A_117 = arith.constant 0 : i32
          %dma_wait3A_118 = tpu.memref_slice %arg13[%add3A_103, %dma_wait3A_117] : memref<10240x128xf32, #tpu.memory_space<vmem_shared>> -> memref<128x128xf32, #tpu.memory_space<vmem_shared>>
          tpu.wait_dma2 semaphore(%run_scoped3A : memref<!tpu.dma_semaphore, #tpu.memory_space<semaphore_mem>>) src(%dma_wait3A_118 : memref<128x128xf32, #tpu.memory_space<vmem_shared>>) dst(%dma_wait3A_116 : memref<128x128xf32, #tpu.memory_space<hbm>>)
          tpu.yield
        }) : () -> ()
      } else {
      }
      %eq3A_106 = arith.constant 1 : i32
      %eq3A_107 = arith.cmpi eq, %arg0, %eq3A_106 : i32
      %convert_element_type3A_108 = arith.extui %eq3A_107 : i1 to i32
      %cond3A_109 = arith.constant 0 : i32
      %cond3A_110 = arith.cmpi ne, %convert_element_type3A_108, %cond3A_109 : i32
      scf.if %cond3A_110 {
        "tpu.region"() ({
          %run_scoped3A = tpu.sem_alloc : memref<!tpu.dma_semaphore, #tpu.memory_space<semaphore_mem>>
          %dma_start3A_111 = arith.constant 0 : i32
          %dma_start3A_112 = tpu.memref_slice %arg7[%add3A_103, %dma_start3A_111] : memref<10240x128xf32, #tpu.memory_space<hbm>> -> memref<128x128xf32, #tpu.memory_space<hbm>>
          %dma_start3A_113 = arith.constant 0 : i32
          %dma_start3A_114 = tpu.memref_slice %arg13[%add3A_103, %dma_start3A_113] : memref<10240x128xf32, #tpu.memory_space<vmem_shared>> -> memref<128x128xf32, #tpu.memory_space<vmem_shared>>
          tpu.enqueue_dma source(%dma_start3A_114 : memref<128x128xf32, #tpu.memory_space<vmem_shared>>) target(%dma_start3A_112 : memref<128x128xf32, #tpu.memory_space<hbm>>) target_semaphore(%run_scoped3A : memref<!tpu.dma_semaphore, #tpu.memory_space<semaphore_mem>>)
          %dma_wait3A_115 = arith.constant 0 : i32
          %dma_wait3A_116 = tpu.memref_slice %arg7[%add3A_103, %dma_wait3A_115] : memref<10240x128xf32, #tpu.memory_space<hbm>> -> memref<128x128xf32, #tpu.memory_space<hbm>>
          %dma_wait3A_117 = arith.constant 0 : i32
          %dma_wait3A_118 = tpu.memref_slice %arg13[%add3A_103, %dma_wait3A_117] : memref<10240x128xf32, #tpu.memory_space<vmem_shared>> -> memref<128x128xf32, #tpu.memory_space<vmem_shared>>
          tpu.wait_dma2 semaphore(%run_scoped3A : memref<!tpu.dma_semaphore, #tpu.memory_space<semaphore_mem>>) src(%dma_wait3A_118 : memref<128x128xf32, #tpu.memory_space<vmem_shared>>) dst(%dma_wait3A_116 : memref<128x128xf32, #tpu.memory_space<hbm>>)
          tpu.yield
        }) : () -> ()
      } else {
      }
    }
    %scan3A_93 = arith.constant 5 : i32
    return
  }
}

module attributes {stable_mosaic.version = 14 : i64} {
  func.func @body(%arg0: i32, %arg1: memref<400x128xf32, #tpu.memory_space<vmem>>, %arg2: memref<400x1xf32, #tpu.memory_space<vmem>>, %arg3: memref<400x128xf32, #tpu.memory_space<vmem>>) attributes {dimension_semantics = [#tpu.dimension_semantics<arbitrary>], iteration_bounds = array<i64: 25>, scalar_prefetch = 0 : i64, scratch_operands = 0 : i64, tpu.core_type = #tpu.core_type<tc>, window_params = [{transform_indices = @transform_0, window_bounds = array<i64: 400, 128>}, {transform_indices = @transform_1, window_bounds = array<i64: 400, 1>}, {transform_indices = @transform_2, window_bounds = array<i64: 400, 128>}]} {
    %get3A = arith.constant 0 : index
    %get3A_0 = arith.constant 0 : index
    %get3A_1 = vector.load %arg2[%get3A, %get3A_0] : memref<400x1xf32, #tpu.memory_space<vmem>>, vector<400x1xf32>
    %max3A = arith.constant 1.000000e+00 : f32
    %max3A_2 = vector.broadcast %max3A : f32 to vector<400x1xf32>
    %max3A_3 = arith.maximumf %get3A_1, %max3A_2 : vector<400x1xf32>
    %rsqrt3A = math.rsqrt %max3A_3 : vector<400x1xf32>
    %get3A_4 = arith.constant 0 : index
    %get3A_5 = arith.constant 0 : index
    %get3A_6 = vector.load %arg1[%get3A_4, %get3A_5] : memref<400x128xf32, #tpu.memory_space<vmem>>, vector<400x128xf32>
    %mul3A = vector.broadcast %rsqrt3A : vector<400x1xf32> to vector<400x128xf32>
    %mul3A_7 = arith.mulf %get3A_6, %mul3A : vector<400x128xf32>
    %swap3A = arith.constant 0 : index
    %swap3A_8 = arith.constant 0 : index
    %swap3A_9 = vector.load %arg3[%swap3A, %swap3A_8] : memref<400x128xf32, #tpu.memory_space<vmem>>, vector<400x128xf32>
    tpu.vector_store %arg3[%swap3A, %swap3A_8], %mul3A_7 {strides = array<i32>} : memref<400x128xf32, #tpu.memory_space<vmem>>, vector<400x128xf32>,
    return
  }
  func.func @transform_0(%arg0: i32) -> (i32, i32) {
    %c0_i32 = arith.constant 0 : i32
    %c0_i32_0 = arith.constant 0 : i32
    return %arg0, %c0_i32 : i32, i32
  }
  func.func @transform_1(%arg0: i32) -> (i32, i32) {
    %c0_i32 = arith.constant 0 : i32
    %c0_i32_0 = arith.constant 0 : i32
    return %arg0, %c0_i32 : i32, i32
  }
  func.func @transform_2(%arg0: i32) -> (i32, i32) {
    %c0_i32 = arith.constant 0 : i32
    %c0_i32_0 = arith.constant 0 : i32
    return %arg0, %c0_i32 : i32, i32
  }
}

module attributes {stable_mosaic.version = 14 : i64} {
  func.func @body(%arg0: i32, %arg1: memref<400x128xf32, #tpu.memory_space<vmem>>, %arg2: memref<400x128xf32, #tpu.memory_space<vmem>>, %arg3: memref<400x1xf32, #tpu.memory_space<vmem>>, %arg4: memref<400x1xf32, #tpu.memory_space<vmem>>, %arg5: memref<128x128xf32, #tpu.memory_space<vmem>>, %arg6: memref<1x128xf32, #tpu.memory_space<vmem>>, %arg7: memref<400x128xf32, #tpu.memory_space<vmem>>) attributes {dimension_semantics = [#tpu.dimension_semantics<arbitrary>], iteration_bounds = array<i64: 25>, scalar_prefetch = 0 : i64, scratch_operands = 0 : i64, tpu.core_type = #tpu.core_type<tc>, window_params = [{transform_indices = @transform_0, window_bounds = array<i64: 400, 128>}, {transform_indices = @transform_1, window_bounds = array<i64: 400, 128>}, {transform_indices = @transform_2, window_bounds = array<i64: 400, 1>}, {transform_indices = @transform_3, window_bounds = array<i64: 400, 1>}, {pipeline_mode = #tpu.pipeline_mode<synchronous>, transform_indices = @transform_4, window_bounds = array<i64: 128, 128>}, {pipeline_mode = #tpu.pipeline_mode<synchronous>, transform_indices = @transform_5, window_bounds = array<i64: 1, 128>}, {transform_indices = @transform_6, window_bounds = array<i64: 400, 128>}]} {
    %get3A = arith.constant 0 : index
    %get3A_0 = arith.constant 0 : index
    %get3A_1 = vector.load %arg3[%get3A, %get3A_0] : memref<400x1xf32, #tpu.memory_space<vmem>>, vector<400x1xf32>
    %max3A = arith.constant 1.000000e+00 : f32
    %max3A_2 = vector.broadcast %max3A : f32 to vector<400x1xf32>
    %max3A_3 = arith.maximumf %get3A_1, %max3A_2 : vector<400x1xf32>
    %rsqrt3A = math.rsqrt %max3A_3 : vector<400x1xf32>
    %get3A_4 = arith.constant 0 : index
    %get3A_5 = arith.constant 0 : index
    %get3A_6 = vector.load %arg1[%get3A_4, %get3A_5] : memref<400x128xf32, #tpu.memory_space<vmem>>, vector<400x128xf32>
    %get3A_7 = arith.constant 0 : index
    %get3A_8 = arith.constant 0 : index
    %get3A_9 = vector.load %arg2[%get3A_7, %get3A_8] : memref<400x128xf32, #tpu.memory_space<vmem>>, vector<400x128xf32>
    %add3A = arith.addf %get3A_6, %get3A_9 : vector<400x128xf32>
    %mul3A = vector.broadcast %rsqrt3A : vector<400x1xf32> to vector<400x128xf32>
    %mul3A_10 = arith.mulf %add3A, %mul3A : vector<400x128xf32>
    %get3A_11 = arith.constant 0 : index
    %get3A_12 = arith.constant 0 : index
    %get3A_13 = vector.load %arg5[%get3A_11, %get3A_12] : memref<128x128xf32, #tpu.memory_space<vmem>>, vector<128x128xf32>
    %dot_general3A = arith.constant dense<0.000000e+00> : vector<400x128xf32>
    %dot_general3A_14 = tpu.matmul %mul3A_10, %get3A_13, %dot_general3A {dimension_numbers = #tpu.dot_dimension_numbers<[1], [0], [0], [1], [0, 0, 1, 1], [], []>, transpose_lhs_hint = false} : vector<400x128xf32>, vector<128x128xf32>, vector<400x128xf32> -> vector<400x128xf32>
    %get3A_15 = arith.constant 0 : index
    %get3A_16 = arith.constant 0 : index
    %get3A_17 = vector.load %arg6[%get3A_15, %get3A_16] : memref<1x128xf32, #tpu.memory_space<vmem>>, vector<1x128xf32>
    %add3A_18 = vector.broadcast %get3A_17 : vector<1x128xf32> to vector<400x128xf32>
    %add3A_19 = arith.addf %dot_general3A_14, %add3A_18 : vector<400x128xf32>
    %get3A_20 = arith.constant 0 : index
    %get3A_21 = arith.constant 0 : index
    %get3A_22 = vector.load %arg4[%get3A_20, %get3A_21] : memref<400x1xf32, #tpu.memory_space<vmem>>, vector<400x1xf32>
    %max3A_23 = arith.constant 1.000000e+00 : f32
    %max3A_24 = vector.broadcast %max3A_23 : f32 to vector<400x1xf32>
    %max3A_25 = arith.maximumf %get3A_22, %max3A_24 : vector<400x1xf32>
    %rsqrt3A_26 = math.rsqrt %max3A_25 : vector<400x1xf32>
    %max3A_27 = arith.constant 0.000000e+00 : f32
    %max3A_28 = vector.broadcast %max3A_27 : f32 to vector<400x128xf32>
    %max3A_29 = arith.maximumf %add3A_19, %max3A_28 : vector<400x128xf32>
    %mul3A_30 = vector.broadcast %rsqrt3A_26 : vector<400x1xf32> to vector<400x128xf32>
    %mul3A_31 = arith.mulf %max3A_29, %mul3A_30 : vector<400x128xf32>
    %swap3A = arith.constant 0 : index
    %swap3A_32 = arith.constant 0 : index
    %swap3A_33 = vector.load %arg7[%swap3A, %swap3A_32] : memref<400x128xf32, #tpu.memory_space<vmem>>, vector<400x128xf32>
    tpu.vector_store %arg7[%swap3A, %swap3A_32], %mul3A_31 {strides = array<i32>} : memref<400x128xf32, #tpu.memory_space<vmem>>, vector<400x128xf32>,
    return
  }
  func.func @transform_0(%arg0: i32) -> (i32, i32) {
    %c0_i32 = arith.constant 0 : i32
    %c0_i32_0 = arith.constant 0 : i32
    return %arg0, %c0_i32 : i32, i32
  }
  func.func @transform_1(%arg0: i32) -> (i32, i32) {
    %c0_i32 = arith.constant 0 : i32
    %c0_i32_0 = arith.constant 0 : i32
    return %arg0, %c0_i32 : i32, i32
  }
  func.func @transform_2(%arg0: i32) -> (i32, i32) {
    %c0_i32 = arith.constant 0 : i32
    %c0_i32_0 = arith.constant 0 : i32
    return %arg0, %c0_i32 : i32, i32
  }
  func.func @transform_3(%arg0: i32) -> (i32, i32) {
    %c0_i32 = arith.constant 0 : i32
    %c0_i32_0 = arith.constant 0 : i32
    return %arg0, %c0_i32 : i32, i32
  }
  func.func @transform_4(%arg0: i32) -> (i32, i32) {
    %c0_i32 = arith.constant 0 : i32
    %c0_i32_0 = arith.constant 0 : i32
    %c0_i32_1 = arith.constant 0 : i32
    return %c0_i32, %c0_i32_0 : i32, i32
  }
  func.func @transform_5(%arg0: i32) -> (i32, i32) {
    %c0_i32 = arith.constant 0 : i32
    %c0_i32_0 = arith.constant 0 : i32
    %c0_i32_1 = arith.constant 0 : i32
    return %c0_i32, %c0_i32_0 : i32, i32
  }
  func.func @transform_6(%arg0: i32) -> (i32, i32) {
    %c0_i32 = arith.constant 0 : i32
    %c0_i32_0 = arith.constant 0 : i32
    return %arg0, %c0_i32 : i32, i32
  }
}

module attributes {stable_mosaic.version = 14 : i64} {
  func.func @body(%arg0: i32, %arg1: memref<400x128xf32, #tpu.memory_space<vmem>>, %arg2: memref<400x128xf32, #tpu.memory_space<vmem>>, %arg3: memref<400x1xf32, #tpu.memory_space<vmem>>, %arg4: memref<400x1xf32, #tpu.memory_space<vmem>>, %arg5: memref<128x128xf32, #tpu.memory_space<vmem>>, %arg6: memref<1x128xf32, #tpu.memory_space<vmem>>, %arg7: memref<400x128xf32, #tpu.memory_space<vmem>>) attributes {dimension_semantics = [#tpu.dimension_semantics<arbitrary>], iteration_bounds = array<i64: 25>, scalar_prefetch = 0 : i64, scratch_operands = 0 : i64, tpu.core_type = #tpu.core_type<tc>, window_params = [{transform_indices = @transform_0, window_bounds = array<i64: 400, 128>}, {transform_indices = @transform_1, window_bounds = array<i64: 400, 128>}, {transform_indices = @transform_2, window_bounds = array<i64: 400, 1>}, {transform_indices = @transform_3, window_bounds = array<i64: 400, 1>}, {pipeline_mode = #tpu.pipeline_mode<synchronous>, transform_indices = @transform_4, window_bounds = array<i64: 128, 128>}, {pipeline_mode = #tpu.pipeline_mode<synchronous>, transform_indices = @transform_5, window_bounds = array<i64: 1, 128>}, {transform_indices = @transform_6, window_bounds = array<i64: 400, 128>}]} {
    %get3A = arith.constant 0 : index
    %get3A_0 = arith.constant 0 : index
    %get3A_1 = vector.load %arg3[%get3A, %get3A_0] : memref<400x1xf32, #tpu.memory_space<vmem>>, vector<400x1xf32>
    %max3A = arith.constant 1.000000e+00 : f32
    %max3A_2 = vector.broadcast %max3A : f32 to vector<400x1xf32>
    %max3A_3 = arith.maximumf %get3A_1, %max3A_2 : vector<400x1xf32>
    %rsqrt3A = math.rsqrt %max3A_3 : vector<400x1xf32>
    %get3A_4 = arith.constant 0 : index
    %get3A_5 = arith.constant 0 : index
    %get3A_6 = vector.load %arg1[%get3A_4, %get3A_5] : memref<400x128xf32, #tpu.memory_space<vmem>>, vector<400x128xf32>
    %get3A_7 = arith.constant 0 : index
    %get3A_8 = arith.constant 0 : index
    %get3A_9 = vector.load %arg2[%get3A_7, %get3A_8] : memref<400x128xf32, #tpu.memory_space<vmem>>, vector<400x128xf32>
    %add3A = arith.addf %get3A_6, %get3A_9 : vector<400x128xf32>
    %mul3A = vector.broadcast %rsqrt3A : vector<400x1xf32> to vector<400x128xf32>
    %mul3A_10 = arith.mulf %add3A, %mul3A : vector<400x128xf32>
    %get3A_11 = arith.constant 0 : index
    %get3A_12 = arith.constant 0 : index
    %get3A_13 = vector.load %arg5[%get3A_11, %get3A_12] : memref<128x128xf32, #tpu.memory_space<vmem>>, vector<128x128xf32>
    %dot_general3A = arith.constant dense<0.000000e+00> : vector<400x128xf32>
    %dot_general3A_14 = tpu.matmul %mul3A_10, %get3A_13, %dot_general3A {dimension_numbers = #tpu.dot_dimension_numbers<[1], [0], [0], [1], [0, 0, 1, 1], [], []>, transpose_lhs_hint = false} : vector<400x128xf32>, vector<128x128xf32>, vector<400x128xf32> -> vector<400x128xf32>
    %get3A_15 = arith.constant 0 : index
    %get3A_16 = arith.constant 0 : index
    %get3A_17 = vector.load %arg6[%get3A_15, %get3A_16] : memref<1x128xf32, #tpu.memory_space<vmem>>, vector<1x128xf32>
    %add3A_18 = vector.broadcast %get3A_17 : vector<1x128xf32> to vector<400x128xf32>
    %add3A_19 = arith.addf %dot_general3A_14, %add3A_18 : vector<400x128xf32>
    %swap3A = arith.constant 0 : index
    %swap3A_20 = arith.constant 0 : index
    %swap3A_21 = vector.load %arg7[%swap3A, %swap3A_20] : memref<400x128xf32, #tpu.memory_space<vmem>>, vector<400x128xf32>
    tpu.vector_store %arg7[%swap3A, %swap3A_20], %add3A_19 {strides = array<i32>} : memref<400x128xf32, #tpu.memory_space<vmem>>, vector<400x128xf32>,
    return
  }
  func.func @transform_0(%arg0: i32) -> (i32, i32) {
    %c0_i32 = arith.constant 0 : i32
    %c0_i32_0 = arith.constant 0 : i32
    return %arg0, %c0_i32 : i32, i32
  }
  func.func @transform_1(%arg0: i32) -> (i32, i32) {
    %c0_i32 = arith.constant 0 : i32
    %c0_i32_0 = arith.constant 0 : i32
    return %arg0, %c0_i32 : i32, i32
  }
  func.func @transform_2(%arg0: i32) -> (i32, i32) {
    %c0_i32 = arith.constant 0 : i32
    %c0_i32_0 = arith.constant 0 : i32
    return %arg0, %c0_i32 : i32, i32
  }
  func.func @transform_3(%arg0: i32) -> (i32, i32) {
    %c0_i32 = arith.constant 0 : i32
    %c0_i32_0 = arith.constant 0 : i32
    return %arg0, %c0_i32 : i32, i32
  }
  func.func @transform_4(%arg0: i32) -> (i32, i32) {
    %c0_i32 = arith.constant 0 : i32
    %c0_i32_0 = arith.constant 0 : i32
    %c0_i32_1 = arith.constant 0 : i32
    return %c0_i32, %c0_i32_0 : i32, i32
  }
  func.func @transform_5(%arg0: i32) -> (i32, i32) {
    %c0_i32 = arith.constant 0 : i32
    %c0_i32_0 = arith.constant 0 : i32
    %c0_i32_1 = arith.constant 0 : i32
    return %c0_i32, %c0_i32_0 : i32, i32
  }
  func.func @transform_6(%arg0: i32) -> (i32, i32) {
    %c0_i32 = arith.constant 0 : i32
    %c0_i32_0 = arith.constant 0 : i32
    return %arg0, %c0_i32 : i32, i32
  }
}

</mosaic_0001>

<sc_bundles>
// kernel: kernel.11.cloned.1.call-start
scs
__scs_entry_jumppad:
0x0: {  	(pc) =	sbr.rel $0x88, $3  }
0x1: {  	(tag) =	ssettag $0x0;
	lr =	simm.s32 $0x1  }
0x2: {  	[smem:$0x3F9A] =	sst lr;
	_ =	strace $0xD0000000  }
0x3: {  	_ = 	snop  }
0x4: {  	_ = 	snop  }
0x5: {  	_ = 	snop  }
0x6: {  	_ = 	snop  }
0x7: {  	_ = 	snop  }
__scs_overlays_trampoline_lowered:
0x8: {  	[smem:$0x3FA9] =	sst s0  }
0x9: {  	[smem:$0x3FAA] =	sst s1  }
0xa: {  	[smem:$0x3FAB] =	sst s2  }
0xb: {  	[smem:$0x3FAC] =	sst s3  }
0xc: {  	[smem:$0x3FAD] =	sst s4  }
0xd: {  	[smem:$0x3FAE] =	sst s5  }
0xe: {  	[smem:$0x3FAF] =	sst s6  }
0xf: {  	[smem:$0x3FB0] =	sst s7  }
0x10: {  	[smem:$0x3FB1] =	sst s8  }
0x11: {  	[smem:$0x3FB2] =	sst s9;
	s0 =	simm.s32 @!p0 $0x0  }
0x12: {  	s1 =	sld [smem:$0x3F98];
	s0 =	simm.s32 @p0 $0x1  }
0x13: {  	[smem:$0x3FB3] =	sst s0;
	s0 =	simm.s32 @!p1 $0x0  }
0x14: {  	s2 =	sld [smem:$0x3F97];
	s0 =	simm.s32 @p1 $0x1  }
0x15: {  	[smem:$0x3FB4] =	sst s0;
	s0 =	simm.s32 @!p2 $0x0  }
0x16: {  	s3 =	sld [smem:$0x3FDB];
	s0 =	simm.s32 @p2 $0x1  }
0x17: {  	s4 =	simm.s32 $0x1BF5;
	[smem:$0x3FB6] =	sst s0  }
0x18: {  	s0 =	sld [smem:$0x3F99];
	_ =	swait.ge [sflag:s4], $0x0  }
0x19: {  	s7 =	sld [smem:$0x3F9A]  }
0x1a: {  	s8 =	sadd.s32 $0xFFFFE003, lr  }
0x1b: {  	s9 =	sadd.s32 $0xFFFFFEF7, lr;
	s5 =	simm.s32 $0xFFFFFFFF;
	p2 =	slt.u32 s8, $0xFFFFF086  }
0x1c: {  	p1 =	slt.u32 s9, $0xF7A;
	s5 =	simm.s32 @!p2 $0x0  }
0x1d: {  	s5 =	simm.s32 @p1 $0x1;
	p0 =	seq.s32 s7, s2  }
0x1e: {  	s7 =	smul.u32 @!p0 $0xF7A, s2;
	p2 =	seq.s32 @!p0 s5, $0x0  }
0x1f: {  	s9 =	smul.u32 $0xF7A, s1;
	s8 =	simm.s32 @!p0 $0x1BF5;
	p2 =	por !p2, p0  }
0x20: {  	[sflag:s8] =	ssyncset.s32 @!p0 $0xFFFFF086;
	s6 =	sadd.s32 @!p0 s3, s7;
	s7 =	simm.s32 @!p0 $0x108  }
0x21: {  	s3 =	sadd.s32 s3, s9;
	s6 =	sadd.s32 @!p0 $0x88, s6;
	s7 =	simm.s32 @p2 $0x1082  }
0x22: {  	[simem:s7], [sflag:s8] =	dma.local @!p0 [hbm:s6], $0xF7A  }
0x23: {  	s9 =	sor.u32 $0xD0000000, s2;
	s6 =	simm.s32 $0x108;
	_ =	swait.ge @!p0 [sflag:s8], $0x0  }
0x24: {  	s3 =	sadd.s32 $0x88, s3;
	s6 =	simm.s32 @!p1 $0x1082;
	[sflag:s4] =	ssyncset.s32 $0xFFFFF086  }
0x25: {  	[simem:s6], [sflag:s4] =	dma.local [hbm:s3], $0xF7A  }
0x26: {  	[smem:$0x3F9A] =	sst s1;
	(tag) =	ssettag s2;
	_ =	strace s9  }
0x27: {  	s1 =	sld [smem:$0x3FAA]  }
0x28: {  	s2 =	sld [smem:$0x3FAB]  }
0x29: {  	s4 =	sld [smem:$0x3FAD]  }
0x2a: {  	p0 =	seq.s32 s5, $0x0;
	s5 =	sld [smem:$0x3FAE]  }
0x2b: {  	s6 =	sld [smem:$0x3FAF]  }
0x2c: {  	s7 =	sld [smem:$0x3FB0]  }
0x2d: {  	s3 =	simm.s32 $0x108;
	s8 =	sld [smem:$0x3FB1]  }
0x2e: {  	s3 =	simm.s32 @!p0 $0x1082;
	s9 =	sld [smem:$0x3FB2]  }
0x2f: {  	lr =	sadd.s32 s0, s3;
	s0 =	sld [smem:$0x3FA9]  }
0x30: {  	s3 =	sld [smem:$0x3FAC]  }
0x31: {  	[smem:$0x3FB5] =	sst s10  }
0x32: {  	s10 =	sld [smem:$0x3FB3];
	_ =	sdelay $0x3  }
0x33: {  	p0 =	seq.s32 s10, $0x1;
	s10 =	sld [smem:$0x3FB5];
	_ =	sdelay $0x3  }
0x34: {  	[smem:$0x3FB5] =	sst s10  }
0x35: {  	s10 =	sld [smem:$0x3FB4];
	_ =	sdelay $0x3  }
0x36: {  	p1 =	seq.s32 s10, $0x1;
	s10 =	sld [smem:$0x3FB5];
	_ =	sdelay $0x3  }
0x37: {  	[smem:$0x3FB5] =	sst s10  }
0x38: {  	s10 =	sld [smem:$0x3FB6]  }
0x39: {  	_ = 	snop;
	(pc) =	sbr.ind lr, $3  }
0x3a: {  	_ = 	snop  }
0x3b: {  	_ = 	snop  }
0x3c: {  	p2 =	seq.s32 s10, $0x1;
	s10 =	sld [smem:$0x3FB5]  }
0x3d: {  	_ =	shalt  }
0x3e: {  	_ =	shalt  }
0x3f: {  	_ =	shalt  }
0x40: {  	_ =	shalt  }
0x41: {  	_ =	shalt  }
0x42: {  	_ =	shalt  }
0x43: {  	_ =	shalt  }
0x44: {  	_ =	shalt  }
0x45: {  	_ =	shalt  }
0x46: {  	_ =	shalt  }
0x47: {  	_ =	shalt  }
0x48: {  	_ =	shalt  }
0x49: {  	_ =	shalt  }
0x4a: {  	_ =	shalt  }
0x4b: {  	_ =	shalt  }
0x4c: {  	_ =	shalt  }
0x4d: {  	_ =	shalt  }
0x4e: {  	_ =	shalt  }
0x4f: {  	_ =	shalt  }
0x50: {  	_ =	shalt  }
0x51: {  	_ =	shalt  }
0x52: {  	_ =	shalt  }
0x53: {  	_ =	shalt  }
0x54: {  	_ =	shalt  }
0x55: {  	_ =	shalt  }
0x56: {  	_ =	shalt  }
0x57: {  	_ =	shalt  }
0x58: {  	_ =	shalt  }
0x59: {  	_ =	shalt  }
0x5a: {  	_ =	shalt  }
0x5b: {  	_ =	shalt  }
0x5c: {  	_ =	shalt  }
0x5d: {  	_ =	shalt  }
0x5e: {  	_ =	shalt  }
0x5f: {  	_ =	shalt  }
0x60: {  	_ =	shalt  }
0x61: {  	_ =	shalt  }
0x62: {  	_ =	shalt  }
0x63: {  	_ =	shalt  }
0x64: {  	_ =	shalt  }
0x65: {  	_ =	shalt  }
0x66: {  	_ =	shalt  }
0x67: {  	_ =	shalt  }
0x68: {  	_ =	shalt  }
0x69: {  	_ =	shalt  }
0x6a: {  	_ =	shalt  }
0x6b: {  	_ =	shalt  }
0x6c: {  	_ =	shalt  }
0x6d: {  	_ =	shalt  }
0x6e: {  	_ =	shalt  }
0x6f: {  	_ =	shalt  }
0x70: {  	_ =	shalt  }
0x71: {  	_ =	shalt  }
0x72: {  	_ =	shalt  }
0x73: {  	_ =	shalt  }
0x74: {  	_ =	shalt  }
0x75: {  	_ =	shalt  }
0x76: {  	_ =	shalt  }
0x77: {  	_ =	shalt  }
0x78: {  	_ =	shalt  }
0x79: {  	_ =	shalt  }
0x7a: {  	_ =	shalt  }
0x7b: {  	_ =	shalt  }
0x7c: {  	_ =	shalt  }
0x7d: {  	_ =	shalt  }
0x7e: {  	_ =	shalt  }
0x7f: {  	_ =	shalt  }
0x80: {  	_ =	shalt  }
0x81: {  	_ =	shalt  }
0x82: {  	_ =	shalt  }
0x83: {  	_ =	shalt  }
0x84: {  	_ =	shalt  }
0x85: {  	_ =	shalt  }
0x86: {  	_ =	shalt  }
0x87: {  	_ =	shalt  }
.Lfunc_end0:
.L_simem_size_0:
called_computation.1_lowered:
.L_overlay_start_0:
0x88: {  	s2 =	sld [smem:$0x3FD9]  }
0x89: {  	s3 =	sld [smem:$0x3FFE];
	_ =	sdelay $0x1  }
0x8a: {  	s1 =	srdreg.scid  }
0x8b: {  	s0 =	sand.u32 $0x1, s1  }
0x8c: {  	s17 =	sshll.u32 s0, $0xA;
	s2 =	sadd.s32 s3, s2  }
0x8d: {  	s2 =	sadd.s32 s2, s17  }
0x8e: {  	[smem:$0x3FC1] =	sst s2  }
0x8f: {  	_ = 	snop  }
0x90: {  	s2 =	sld [smem:$0x3FD0];
	(tm) =	ssettm $0x1  }
0x91: {  	s18 =	sld [smem:$0x3FFB];
	_ =	sdelay $0x3  }
0x92: {  	_ =	strace s18  }
0x93: {  	s3 =	sld [smem:$0x3FFC];
	_ =	sdelay $0x3  }
0x94: {  	_ =	strace s3  }
0x95: {  	s3 =	sld [smem:$0x3FFD];
	_ =	sdelay $0x3  }
0x96: {  	_ =	strace s3  }
0x97: {  	_ =	strace $0x8FFFFFFF  }
0x98: {  	s19 =	sld [smem:$0x3FDB];
	_ =	sdelay $0x1  }
0x99: {  	s4 =	simm.s32 $_scs_section_size  }
0x9a: {  	s5 =	simm.s32 $_size__tile_overlayer_lowered;
	s6 =	simm.s32 $_tile_overlayer_lowered  }
0x9b: {  	s22 =	simm.s32 $0x1BFF;
	s21 =	sshll.u32 s6, $0x1;
	s3 =	sadd.s32 s4, s19  }
0x9c: {  	s7 =	simm.s32 $0x0;
	s20 =	sshll.u32 s5, $0x1;
	s5 =	sadd.s32 s21, s3  }
0x9d: {  	[timem:s7], [sflag:s22] =	dma.local [hbm:s5], s20  }
0x9e: {  	_ =	swait.ge [sflag:s22], s20  }
0x9f: {  	s4 =	ssub.s32 $0x0, s20;
	[sflag:s22] =	ssyncset.done $0x0  }
0xa0: {  	[sflag:s22] =	ssyncadd.s32 s4;
	_ =	sdelay $0x1  }
0xa1: {  	s23 =	simm.s32 $0x1B8B  }
0xa2: {  	_ =	swait.ge [sflag:s23], $0x1  }
0xa3: {  	[sflag:s23] =	ssyncset.done $0x0  }
0xa4: {  	s25 =	simm.s32 $0x1B8E;
	s24 =	sld [smem:$0x3FFE];
	[sflag:s23] =	ssyncadd.s32 $0xFFFFFFFF  }
0xa5: {  	s26 =	simm.s32 $execute0_lowered;
	[smem:$0x3FD2] =	sst s25  }
0xa6: {  	s5 =	sshll.u32 s26, $0x1;
	_ =	strace $0x80000049;
	[dreg:$0x1] =	wrdreg $0xFFFFFFFF  }
0xa7: {  	s28 =	simm.s32 $_size_execute0_lowered;
	s3 =	sadd.s32 s3, s5;
	[dreg:$0x0] =	wrdreg $0x0  }
0xa8: {  	s5 =	sshll.u32 s28, $0x1;
	[dreg:$0x2] =	wrdreg s3  }
0xa9: {  	[dreg:$0x3] =	wrdreg s5  }
0xaa: {  	[dreg:$0x4] =	wrdreg $0xC0  }
0xab: {  	_ =	task [dreg:s7], $0x5FFFF  }
0xac: {  	[dreg:$0x1] =	wrdreg $0xFFFFFFFF  }
0xad: {  	[dreg:$0x0] =	wrdreg $0x60  }
0xae: {  	[dreg:$0x2] =	wrdreg s2  }
0xaf: {  	[dreg:$0x3] =	wrdreg s24  }
0xb0: {  	[dreg:$0x4] =	wrdreg $0xBC000  }
0xb1: {  	[dreg:$0x5] =	wrdreg $0x9  }
0xb2: {  	_ =	task.clear_ibuf [dreg:s7], $0x6FFFF;
	_ =	strace $0x90000049  }
0xb3: {  	s29 =	simm.s32 $0x9;
	_ =	strace $0x8000004B  }
0xb4: {  	_ =	swait.ge [sflag:s29], $0x1  }
0xb5: {  	[sflag:s29] =	ssyncadd.s32 $0xFFFFFFFF  }
0xb6: {  	_ =	strace $0x9000004B  }
0xb7: {  	_ =	sfence  }
0xb8: {  	s30 =	sld [smem:$0x0];
	_ =	sdelay $0x2  }
0xb9: {  	s31 =	sshll.u32 s1, $0xD;
	s1 =	sshrl.u32 s1, $0x2  }
0xba: {  	s3 =	sand.u32 $0x4000, s31;
	s1 =	sadd.s32 s1, s30  }
0xbb: {  	s0 =	sor.u32 s3, s0;
	s1 =	sshll.u32 s1, $0x11  }
0xbc: {  	s0 =	sor.u32 s1, s0  }
0xbd: {  	s0 =	sadd.s32 $0x8F2B, s0  }
0xbe: {  	[sflag:s0] =	ssyncadd.remote.s32 $0x1  }
0xbf: {  	_ =	sfence.sel $0xFFFF  }
0xc0: {  	[dreg:$0x0] =	wrdreg $0xFFFFFFFF;
	(pc) =	sbr.abs _section_cstart, $3  }
0xc1: {  	[dreg:$0x1] =	wrdreg $0xFFFFFFFF  }
0xc2: {  	_ =	task.clear_ibuf [dreg:s7], $0x2FFFF;
	_ =	strace $0x9FFFFFFF  }
0xc3: {  	(tm) =	ssettm $0x7FFFFFFF  }
tec
execute0_lowered:
.L_overlay_start_1:
0x0: {  	(tag) =	ssettag $0x1  }
0x1: {  	s1 =	rddreg [dreg:$0x0]  }
0x2: {  	s0 =	rddreg [dreg:$0x1]  }
0x3: {  	s2 =	rddreg [dreg:$0x2];
	s3 =	simm.s32 $0x0;
	s4 =	srdreg.scid  }
0x4: {  	s29 =	simm.s32 $0x7C00;
	s30 =	simm.s32 $0x2;
	s31 =	simm.s32 $0x1  }
0x5: {  	[smem:$0x7FF] =	sst s3;
	s8 =	sand.u32 $0x1, s4;
	s5 =	sadd.s32 $0x5B600, s0  }
0x6: {  	s6 =	sadd.s32 $0x83600, s0;
	_ =	strace $0x8000004A;
	s4 =	sshll.u32 s8, $0xF  }
0x7: {  	s7 =	ssub.s32 $0x2, s8;
	s10 =	sadd.s32 s4, s0;
	s4 =	stileid.u32  }
0x8: {  	p0 =	seq.s32 s8, $0x0;
	s9 =	sshrl.u32 s7, $0x1;
	s11 =	smul.u32 $0x50000, s4  }
0x9: {  	s18 =	ssub.s32 s7, s9;
	s7 =	smul.u32 $0x280, s4;
	s12 =	sshll.u32 s4, $0xB  }
0xa: {  	s14 =	smul.u32 $0x2800, s4;
	s0 =	smax.u32 s18, $0x1;
	s28 =	sadd.s32 s12, s10  }
0xb: {  	s19 =	sshrl.u32 s11, $0x2;
	[dreg:$0x4] =	wrdreg s0;
	s20 =	sadd.s32 $0x80, s7  }
0xc: {  	s21 =	sadd.s32 s6, s14;
	s23 =	sadd.s32 $0x100, s7;
	s16 =	sadd.s32 $0x180, s7  }
0xd: {  	s14 =	sadd.s32 s5, s14;
	s9 =	sadd.s32 s19, s2;
	[dreg:$0x5] =	wrdreg s21  }
0xe: {  	s22 =	sshll.u32 s20, $0x7;
	s0 =	sshll.u32 s20, $0x4;
	s15 =	sshll.u32 s23, $0x7  }
0xf: {  	s21 =	sshll.u32 s23, $0x4;
	s25 =	sshll.u32 s16, $0x7;
	[dreg:$0xa] =	wrdreg s14  }
0x10: {  	s23 =	sadd.s32 $0x4400, s28;
	s11 =	sadd.s32 s22, s2;
	s13 =	sadd.s32 s6, s0  }
0x11: {  	s24 =	sadd.s32 s6, s21;
	s22 =	sshll.u32 s16, $0x4;
	s16 =	sadd.s32 $0x200, s7  }
0x12: {  	s20 =	sadd.s32 s5, s0;
	s21 =	sadd.s32 s5, s21;
	[dreg:$0x6] =	wrdreg s13  }
0x13: {  	s0 =	simm.s32 $0x0;
	s13 =	sadd.s32 s15, s2;
	[dreg:$0x7] =	wrdreg s24  }
0x14: {  	s15 =	sadd.s32 s25, s2;
	s17 =	sadd.s32 s6, s22;
	s26 =	sshll.u32 s16, $0x4  }
0x15: {  	s22 =	sadd.s32 s5, s22;
	s24 =	sadd.s32 $0x14400, s28;
	[dreg:$0x8] =	wrdreg s17  }
0x16: {  	v0 =	vimm.f32 $0.0e+00;
	v1 =	vlaneseq.u32;
	s25 =	sadd.s32 $0x24400, s28;
	[dreg:$0x9] =	wrdreg s26;
	s26 =	simm.s32 $0x80  }
.LBB2_1:
0x17: {  	s8 =	simm.s32 $0x0;
	s10 =	simm.s32 $0x200  }
.LBB2_2:
0x18: {  	p1 =	sne.s32 s10, $0xFE00;
	[tilespmem:s8+$0x7C70] =	vst v0  }
0x19: {  	[tilespmem:s8+$0x7C00] =	vst v0  }
0x1a: {  	[tilespmem:s8+$0x7C10] =	vst v0  }
.Ltmp0:
0x1b: {  	[tilespmem:s8+$0x7C20] =	vst v0;
	(pc) =	sbr.rel @p1 .LBB2_2-.Ltmp0, $4  }
0x1c: {  	[tilespmem:s8+$0x7C30] =	vst v0  }
0x1d: {  	[tilespmem:s8+$0x7C40] =	vst v0  }
0x1e: {  	[tilespmem:s8+$0x7C50] =	vst v0  }
0x1f: {  	[tilespmem:s8+$0x7C60] =	vst v0;
	s8 =	sshra.s32 s10, $0x2;
	s10 =	sadd.s32 $0x200, s10  }
0x20: {  	[tilespmem:s8+$0x7C70] =	vst v0  }
0x21: {  	[tilespmem:s8+$0x7C00] =	vst v0  }
0x22: {  	[tilespmem:s8+$0x7C10] =	vst v0  }
0x23: {  	[tilespmem:s8+$0x7C20] =	vst v0  }
0x24: {  	[tilespmem:s8+$0x7C30] =	vst v0  }
0x25: {  	[tilespmem:s8+$0x7C40] =	vst v0;
	s10 =	sadd.s32 $0x0, s7  }
0x26: {  	[tilespmem:s8+$0x7C50] =	vst v0;
	s12 =	sadd.s32 $0x70, s10  }
0x27: {  	[tilespmem:s8+$0x7C60] =	vst v0;
	s8 =	simm.s32 $0x7840;
	s14 =	sadd.s32 $0x10, s10;
	v2 =	vor.u32 s12, v1  }
0x28: {  	s19 =	sadd.s32 $0x50, s10;
	v3 =	vor.u32 s14, v1;
	[tilespmem:s8+$0x30] =	vst v2  }
0x29: {  	s14 =	sadd.s32 $0x20, s10;
	v4 =	vor.u32 s19, v1;
	[tilespmem:s8+$0xFFFFFFD0] =	vst v3  }
0x2a: {  	s17 =	sadd.s32 $0x30, s10;
	v2 =	vor.u32 s14, v1;
	[tilespmem:s8+$0x10] =	vst v4  }
0x2b: {  	s18 =	sadd.s32 $0x40, s10;
	v3 =	vor.u32 s17, v1;
	[tilespmem:s8+$0xFFFFFFE0] =	vst v2  }
0x2c: {  	s28 =	sadd.s32 $0x60, s10;
	v2 =	vor.u32 s18, v1;
	[tilespmem:s8+$0xFFFFFFF0] =	vst v3  }
0x2d: {  	s12 =	simm.s32 $0x100;
	v3 =	vor.u32 s28, v1;
	[tilespmem:s8+$0x0] =	vst v2;
	v2 =	vor.u32 s10, v1;
	s10 =	sadd.s32 $0x80, s7  }
.LBB2_4:
0x2e: {  	p1 =	sne.s32 s12, $0x200;
	v4 =	vor.u32 s10, v1;
	s14 =	sadd.s32 $0x10, s10;
	s28 =	sadd.s32 $0x70, s10;
	[tilespmem:s8+$0x20] =	vst v3  }
0x2f: {  	s17 =	sadd.s32 $0x30, s10;
	v3 =	vor.u32 s14, v1;
	s14 =	sadd.s32 $0x20, s10;
	v5 =	vor.u32 s28, v1;
	[tilespmem:s8+$0xFFFFFFC0] =	vst v2;
	s8 =	sadd.s32 $0x80, s8;
	v2 =	vmov v4  }
0x30: {  	v6 =	vor.u32 s17, v1;
	s17 =	sadd.s32 $0x50, s10;
	v4 =	vor.u32 s14, v1;
	s14 =	sadd.s32 $0x40, s10;
	s10 =	sadd.s32 $0x60, s10;
	[tilespmem:s8+$0x30] =	vst v5  }
.Ltmp1:
0x31: {  	v7 =	vor.u32 s17, v1;
	[tilespmem:s8+$0xFFFFFFD0] =	vst v3;
	v5 =	vor.u32 s14, v1;
	v3 =	vor.u32 s10, v1;
	(pc) =	sbr.rel @p1 .LBB2_4-.Ltmp1, $4  }
0x32: {  	[tilespmem:s8+$0xFFFFFFE0] =	vst v4  }
0x33: {  	[tilespmem:s8+$0xFFFFFFF0] =	vst v6  }
0x34: {  	[tilespmem:s8+$0x0] =	vst v5  }
0x35: {  	s10 =	sadd.s32 s12, s7;
	s12 =	sadd.s32 $0x80, s12;
	[tilespmem:s8+$0x10] =	vst v7  }
0x36: {  	s12 =	sadd.s32 $0x70, s10;
	[tilespmem:s8+$0x20] =	vst v3  }
0x37: {  	s14 =	sadd.s32 $0x10, s10;
	[tilespmem:s8+$0xFFFFFFC0] =	vst v2;
	s8 =	sadd.s32 $0x80, s8;
	v3 =	vor.u32 s12, v1  }
0x38: {  	s18 =	sadd.s32 $0x20, s10;
	v2 =	vor.u32 s14, v1;
	[tilespmem:s8+$0x30] =	vst v3  }
0x39: {  	s19 =	sadd.s32 $0x30, s10;
	v3 =	vor.u32 s18, v1;
	[tilespmem:s8+$0xFFFFFFD0] =	vst v2  }
0x3a: {  	s17 =	sadd.s32 $0x40, s10;
	v2 =	vor.u32 s19, v1;
	[tilespmem:s8+$0xFFFFFFE0] =	vst v3  }
0x3b: {  	s18 =	sadd.s32 $0x50, s10;
	v3 =	vor.u32 s17, v1;
	[tilespmem:s8+$0xFFFFFFF0] =	vst v2  }
0x3c: {  	s19 =	sadd.s32 $0x60, s10;
	v2 =	vor.u32 s18, v1;
	[tilespmem:s8+$0x0] =	vst v3  }
0x3d: {  	v3 =	vor.u32 s19, v1;
	[tilespmem:s8+$0x10] =	vst v2  }
0x3e: {  	v2 =	vor.u32 s10, v1;
	[tilespmem:s8+$0x20] =	vst v3  }
0x3f: {  	s12 =	simm.s32 $0x7800;
	[tilespmem:s8+$0xFFFFFFC0] =	vst v2  }
0x40: {  	[spmem:s2] =	stream.indirect.scatter [tilespmem:s29], [sflag:$0x1], $0x80, s12, s26, $0xb8;
	[tilespmem:$0x1FC00] =	vst v63  }
0x41: {  	s14 =	simm.s32 $0x7880  }
0x42: {  	[spmem:s2] =	stream.indirect.scatter [tilespmem:s29], [sflag:$0x1], $0x80, s14, s26, $0xb8;
	[tilespmem:$0x1FC00] =	vst v63  }
0x43: {  	s17 =	simm.s32 $0x7900  }
0x44: {  	[spmem:s2] =	stream.indirect.scatter [tilespmem:s29], [sflag:$0x1], $0x80, s17, s26, $0xb8;
	[tilespmem:$0x1FC00] =	vst v63  }
0x45: {  	s18 =	simm.s32 $0x7980  }
0x46: {  	[spmem:s2] =	stream.indirect.scatter [tilespmem:s29], [sflag:$0x1], $0x80, s18, s26, $0xb8;
	[tilespmem:$0x1FC00] =	vst v63  }
0x47: {  	s19 =	simm.s32 $0x7A00  }
0x48: {  	[spmem:s2] =	stream.indirect.scatter [tilespmem:s29], [sflag:$0x1], $0x80, s19, s26, $0xb8;
	[tilespmem:$0x1FC00] =	vst v63  }
0x49: {  	s10 =	simm.s32 $0x0;
	s12 =	sadd.s32 $0x0, s25  }
0x4a: {  	[tilespmem:s10], [sflag:$0x2] =	stream.linear.gather [hbm4b:s12+s3], $0x280, $0x38;
	[tilespmem:$0x1FC00] =	vst v63  }
0x4b: {  	_ =	swait.ge [sflag:s30], $0x280  }
0x4c: {  	[sflag:s30] =	ssyncset.done $0x0  }
0x4d: {  	s14 =	simm.s32 $0x2800;
	s17 =	sadd.s32 $0x0, s24;
	[sflag:s30] =	ssyncadd.s32 $0xFFFFFD80  }
0x4e: {  	[tilespmem:s14], [sflag:$0x2] =	stream.linear.gather [hbm4b:s17+s3], $0x280, $0x38;
	[tilespmem:$0x1FC00] =	vst v63  }
0x4f: {  	_ =	swait.ge [sflag:s30], $0x280  }
0x50: {  	s28 =	simm.s32 $0x280;
	[sflag:s30] =	ssyncset.done $0x0  }
0x51: {  	s18 =	simm.s32 $0x5000;
	s19 =	sadd.s32 $0x0, s23;
	[sflag:s30] =	ssyncadd.s32 $0xFFFFFD80  }
0x52: {  	[tilespmem:s18], [sflag:$0x2] =	stream.linear.gather [hbm4b:s19+s3], $0x280, $0x38;
	[tilespmem:$0x1FC00] =	vst v63  }
0x53: {  	s8 =	simm.s32 $0x80;
	s10 =	simm.s32 $0x5280;
	_ =	swait.ge [sflag:s30], $0x280  }
0x54: {  	s12 =	simm.s32 $0x2A80;
	s14 =	simm.s32 $0x100;
	[sflag:s30] =	ssyncset.done $0x0  }
.LBB2_6:
0x55: {  	s17 =	sadd.s32 s8, s25  }
0x56: {  	[sflag:s30] =	ssyncadd.s32 $0xFFFFFD80;
	s18 =	smov.u32 s14;
	s19 =	sadd.s32 $0x80, s14  }
0x57: {  	[tilespmem:s28], [sflag:$0x2] =	stream.linear.gather [hbm4b:s17+s3], $0x280, $0x38;
	[tilespmem:$0x1FC00] =	vst v63  }
0x58: {  	p1 =	sne.s32 s14, $0x780;
	_ =	swait.ge [sflag:s30], $0x280  }
0x59: {  	[sflag:s30] =	ssyncset.done $0x0  }
0x5a: {  	s14 =	sadd.s32 s8, s24;
	[sflag:s30] =	ssyncadd.s32 $0xFFFFFD80  }
0x5b: {  	[tilespmem:s12], [sflag:$0x2] =	stream.linear.gather [hbm4b:s14+s3], $0x280, $0x38;
	[tilespmem:$0x1FC00] =	vst v63  }
0x5c: {  	_ =	swait.ge [sflag:s30], $0x280  }
.Ltmp2:
0x5d: {  	[sflag:s30] =	ssyncset.done $0x0;
	(pc) =	sbr.rel @p1 .LBB2_6-.Ltmp2, $4  }
0x5e: {  	s14 =	sadd.s32 s8, s23;
	s8 =	smov.u32 s18;
	[sflag:s30] =	ssyncadd.s32 $0xFFFFFD80  }
0x5f: {  	[tilespmem:s10], [sflag:$0x2] =	stream.linear.gather [hbm4b:s14+s3], $0x280, $0x38;
	[tilespmem:$0x1FC00] =	vst v63  }
0x60: {  	s28 =	sadd.s32 $0x280, s28;
	s12 =	sadd.s32 $0x280, s12;
	_ =	swait.ge [sflag:s30], $0x280  }
0x61: {  	s10 =	sadd.s32 $0x280, s10;
	s14 =	smov.u32 s19;
	[sflag:s30] =	ssyncset.done $0x0  }
0x62: {  	s14 =	sadd.s32 s8, s25;
	[sflag:s30] =	ssyncadd.s32 $0xFFFFFD80  }
0x63: {  	[tilespmem:s28], [sflag:$0x2] =	stream.linear.gather [hbm4b:s14+s3], $0x280, $0x38;
	[tilespmem:$0x1FC00] =	vst v63  }
0x64: {  	_ =	swait.ge [sflag:s30], $0x280  }
0x65: {  	[sflag:s30] =	ssyncset.done $0x0  }
0x66: {  	s18 =	sadd.s32 s8, s24;
	[sflag:s30] =	ssyncadd.s32 $0xFFFFFD80  }
0x67: {  	[tilespmem:s12], [sflag:$0x2] =	stream.linear.gather [hbm4b:s18+s3], $0x280, $0x38;
	[tilespmem:$0x1FC00] =	vst v63  }
0x68: {  	_ =	swait.ge [sflag:s30], $0x280  }
0x69: {  	[sflag:s30] =	ssyncset.done $0x0  }
0x6a: {  	s19 =	sadd.s32 s8, s23;
	[sflag:s30] =	ssyncadd.s32 $0xFFFFFD80  }
0x6b: {  	[tilespmem:s10], [sflag:$0x2] =	stream.linear.gather [hbm4b:s19+s3], $0x280, $0x38;
	[tilespmem:$0x1FC00] =	vst v63  }
0x6c: {  	_ =	swait.ge [sflag:s30], $0x280  }
0x6d: {  	[sflag:s30] =	ssyncset.done $0x0  }
0x6e: {  	[sflag:s30] =	ssyncadd.s32 $0xFFFFFD80  }
0x6f: {  	_ =	swait.ge [sflag:s31], $0x4000  }
0x70: {  	[sflag:s31] =	ssyncset.done $0x0  }
0x71: {  	[sflag:s31] =	ssyncadd.s32 $0xFFFFC000  }
0x72: {  	_ =	swait.ge [sflag:s31], $0x4000  }
0x73: {  	[sflag:s31] =	ssyncset.done $0x0  }
0x74: {  	[sflag:s31] =	ssyncadd.s32 $0xFFFFC000  }
0x75: {  	_ =	swait.ge [sflag:s31], $0x4000  }
0x76: {  	[sflag:s31] =	ssyncset.done $0x0  }
0x77: {  	[sflag:s31] =	ssyncadd.s32 $0xFFFFC000  }
0x78: {  	_ =	swait.ge [sflag:s31], $0x4000  }
0x79: {  	[sflag:s31] =	ssyncset.done $0x0  }
0x7a: {  	[sflag:s31] =	ssyncadd.s32 $0xFFFFC000  }
0x7b: {  	_ =	swait.ge [sflag:s31], $0x4000  }
0x7c: {  	[sflag:s31] =	ssyncset.done $0x0  }
0x7d: {  	[sflag:s31] =	ssyncadd.s32 $0xFFFFC000  }
0x7e: {  	s28 =	simm.s32 $0x0;
	[bflag:$0x0] =	sbarrier.arrive $0xFFFF  }
.LBB2_8:
0x7f: {  	s8 =	sshll.u32 s28, $0x7  }
0x80: {  	s10 =	sadd.s32 $0x5000, s8  }
0x81: {  	v2 =	vmov s10  }
0x82: {  	[tilespmem:s29], [sflag:$0x1] =	stream.indirect.gather [hbm4b:s1+s26], $0x80, s8, s26, $0xb8;
	[tilespmem:$0x1FC00] =	vst v63  }
0x83: {  	_ =	swait.ge [sflag:s31], $0x4000  }
0x84: {  	s19 =	simm.s32 $0x0;
	[sflag:s31] =	ssyncset.done $0x0  }
0x85: {  	s12 =	simm.s32 $0x0;
	s10 =	sand.u32 $0x3FFFFFF0, s19;
	[sflag:s31] =	ssyncadd.s32 $0xFFFFC000  }
0x86: {  	v3 =	vld.idx.msk [tilespmem:v2+s10+$0x0 ss:$0x1], $0xffff;
	s10 =	sand.u32 $0x3FFFF800, s12  }
0x87: {  	v9 =	vld [tilespmem:s10+$0x7CC0]  }
0x88: {  	v10 =	vld [tilespmem:s10+$0x7CD0]  }
0x89: {  	v11 =	vld [tilespmem:s10+$0x7CB0]  }
0x8a: {  	v5 =	vld [tilespmem:s10+$0x7C20]  }
0x8b: {  	v6 =	vld [tilespmem:s10+$0x7C30]  }
0x8c: {  	v12 =	vld [tilespmem:s10+$0x7C60]  }
0x8d: {  	v13 =	vld [tilespmem:s10+$0x7C70];
	v4 =	vbroadcast v3, $0x0  }
0x8e: {  	v14 =	vld [tilespmem:s10+$0x7C80]  }
0x8f: {  	v15 =	vld [tilespmem:s10+$0x7C90];
	v5 =	vmul.f32 v5, v4  }
0x90: {  	v16 =	vld [tilespmem:s10+$0x7CA0];
	v6 =	vmul.f32 v6, v4  }
0x91: {  	v8 =	vld [tilespmem:s10+$0x8170];
	v27 =	vbroadcast v3, $0x1;
	v26 =	vmul.f32 v12, v4;
	[tilespmem:s10+$0x7C20] =	vst v5  }
0x92: {  	v28 =	vld [tilespmem:s10+$0x7CE0];
	v13 =	vmul.f32 v13, v4;
	[tilespmem:s10+$0x7C30] =	vst v6  }
0x93: {  	v29 =	vld [tilespmem:s10+$0x7CF0];
	v14 =	vmul.f32 v14, v27;
	[tilespmem:s10+$0x7C60] =	vst v26  }
0x94: {  	v30 =	vld [tilespmem:s10+$0x7D00];
	v15 =	vmul.f32 v15, v27;
	[tilespmem:s10+$0x7C70] =	vst v13  }
0x95: {  	v31 =	vld [tilespmem:s10+$0x7D10];
	v16 =	vmul.f32 v16, v27;
	[tilespmem:s10+$0x7C80] =	vst v14  }
0x96: {  	v32 =	vld [tilespmem:s10+$0x7D20];
	v11 =	vmul.f32 v11, v27;
	[tilespmem:s10+$0x7C90] =	vst v15  }
0x97: {  	v33 =	vld [tilespmem:s10+$0x7D30];
	v9 =	vmul.f32 v9, v27;
	[tilespmem:s10+$0x7CA0] =	vst v16  }
0x98: {  	v34 =	vld [tilespmem:s10+$0x7D40];
	v17 =	vbroadcast v3, $0x2;
	v10 =	vmul.f32 v10, v27;
	[tilespmem:s10+$0x7CB0] =	vst v11  }
0x99: {  	v35 =	vld [tilespmem:s10+$0x7D50];
	v12 =	vmul.f32 v29, v27;
	[tilespmem:s10+$0x7CC0] =	vst v9  }
0x9a: {  	v37 =	vld [tilespmem:s10+$0x7D60];
	v7 =	vbroadcast v3, $0xA;
	v36 =	vmul.f32 v30, v17;
	[tilespmem:s10+$0x7CD0] =	vst v10  }
0x9b: {  	v39 =	vld [tilespmem:s10+$0x7D70];
	v38 =	vmul.f32 v31, v17;
	[tilespmem:s10+$0x7CF0] =	vst v12  }
0x9c: {  	v40 =	vld [tilespmem:s10+$0x7D80];
	v5 =	vmul.f32 v8, v7;
	[tilespmem:s10+$0x7D00] =	vst v36  }
0x9d: {  	v41 =	vld [tilespmem:s10+$0x7D90];
	v13 =	vmul.f32 v28, v27;
	[tilespmem:s10+$0x7D10] =	vst v38  }
0x9e: {  	v42 =	vld [tilespmem:s10+$0x7DA0];
	v11 =	vmul.f32 v32, v17;
	[tilespmem:s10+$0x8170] =	vst v5  }
0x9f: {  	v43 =	vld [tilespmem:s10+$0x7DB0];
	v9 =	vmul.f32 v33, v17;
	[tilespmem:s10+$0x7CE0] =	vst v13  }
0xa0: {  	v44 =	vld [tilespmem:s10+$0x7DC0];
	v10 =	vmul.f32 v34, v17;
	[tilespmem:s10+$0x7D20] =	vst v11  }
0xa1: {  	v46 =	vld [tilespmem:s10+$0x7DD0];
	v45 =	vbroadcast v3, $0x3;
	v12 =	vmul.f32 v37, v17;
	[tilespmem:s10+$0x7D30] =	vst v9  }
0xa2: {  	v47 =	vld [tilespmem:s10+$0x7DE0];
	v14 =	vmul.f32 v39, v17;
	[tilespmem:s10+$0x7D40] =	vst v10  }
0xa3: {  	v48 =	vld [tilespmem:s10+$0x7DF0];
	v15 =	vmul.f32 v40, v45;
	[tilespmem:s10+$0x7D60] =	vst v12  }
0xa4: {  	v49 =	vld [tilespmem:s10+$0x7E00];
	v13 =	vmul.f32 v35, v17;
	[tilespmem:s10+$0x7D70] =	vst v14  }
0xa5: {  	v50 =	vld [tilespmem:s10+$0x7E10];
	v11 =	vmul.f32 v41, v45;
	[tilespmem:s10+$0x7D80] =	vst v15  }
0xa6: {  	v51 =	vld [tilespmem:s10+$0x7E20];
	v9 =	vmul.f32 v42, v45;
	[tilespmem:s10+$0x7D50] =	vst v13  }
0xa7: {  	v52 =	vld [tilespmem:s10+$0x7E30];
	v10 =	vmul.f32 v43, v45;
	[tilespmem:s10+$0x7D90] =	vst v11  }
0xa8: {  	v53 =	vld [tilespmem:s10+$0x7E40];
	v12 =	vmul.f32 v46, v45;
	[tilespmem:s10+$0x7DA0] =	vst v9  }
0xa9: {  	v55 =	vld [tilespmem:s10+$0x7E50];
	v14 =	vmul.f32 v47, v45;
	[tilespmem:s10+$0x7DB0] =	vst v10  }
0xaa: {  	v56 =	vld [tilespmem:s10+$0x7E60];
	v54 =	vbroadcast v3, $0x4;
	v15 =	vmul.f32 v48, v45;
	[tilespmem:s10+$0x7DD0] =	vst v12  }
0xab: {  	v57 =	vld [tilespmem:s10+$0x7E70];
	v13 =	vmul.f32 v44, v45;
	[tilespmem:s10+$0x7DE0] =	vst v14  }
0xac: {  	v58 =	vld [tilespmem:s10+$0x7E80];
	v11 =	vmul.f32 v49, v54;
	[tilespmem:s10+$0x7DF0] =	vst v15  }
0xad: {  	v59 =	vld [tilespmem:s10+$0x7E90];
	v9 =	vmul.f32 v50, v54;
	[tilespmem:s10+$0x7DC0] =	vst v13  }
0xae: {  	v60 =	vld [tilespmem:s10+$0x7EA0];
	v10 =	vmul.f32 v51, v54;
	[tilespmem:s10+$0x7E00] =	vst v11  }
0xaf: {  	v61 =	vld [tilespmem:s10+$0x7EB0];
	v12 =	vmul.f32 v53, v54;
	[tilespmem:s10+$0x7E10] =	vst v9  }
0xb0: {  	v62 =	vld [tilespmem:s10+$0x7EC0];
	v14 =	vmul.f32 v55, v54;
	[tilespmem:s10+$0x7E20] =	vst v10  }
0xb1: {  	v20 =	vld [tilespmem:s10+$0x7ED0];
	v15 =	vmul.f32 v56, v54;
	[tilespmem:s10+$0x7E40] =	vst v12  }
0xb2: {  	v21 =	vld [tilespmem:s10+$0x7EE0];
	v63 =	vbroadcast v3, $0x5;
	v13 =	vmul.f32 v52, v54;
	[tilespmem:s10+$0x7E50] =	vst v14  }
0xb3: {  	v22 =	vld [tilespmem:s10+$0x7EF0];
	v11 =	vmul.f32 v57, v54;
	[tilespmem:s10+$0x7E60] =	vst v15  }
0xb4: {  	v23 =	vld [tilespmem:s10+$0x7F00];
	v9 =	vmul.f32 v58, v63;
	[tilespmem:s10+$0x7E30] =	vst v13  }
0xb5: {  	v24 =	vld [tilespmem:s10+$0x7F10];
	v10 =	vmul.f32 v59, v63;
	[tilespmem:s10+$0x7E70] =	vst v11  }
0xb6: {  	v25 =	vld [tilespmem:s10+$0x7F20];
	v12 =	vmul.f32 v61, v63;
	[tilespmem:s10+$0x7E80] =	vst v9  }
0xb7: {  	v29 =	vld [tilespmem:s10+$0x7F50];
	v14 =	vmul.f32 v62, v63;
	[tilespmem:s10+$0x7E90] =	vst v10  }
0xb8: {  	v30 =	vld [tilespmem:s10+$0x7F60];
	v15 =	vmul.f32 v20, v63;
	[tilespmem:s10+$0x7EB0] =	vst v12  }
0xb9: {  	v26 =	vld [tilespmem:s10+$0x7F30];
	v13 =	vmul.f32 v60, v63;
	[tilespmem:s10+$0x7EC0] =	vst v14  }
0xba: {  	v27 =	vld [tilespmem:s10+$0x7F40];
	v28 =	vbroadcast v3, $0x6;
	v11 =	vmul.f32 v21, v63;
	[tilespmem:s10+$0x7ED0] =	vst v15  }
0xbb: {  	v31 =	vld [tilespmem:s10+$0x7F70];
	v9 =	vmul.f32 v22, v63;
	[tilespmem:s10+$0x7EA0] =	vst v13  }
0xbc: {  	v6 =	vld [tilespmem:s10+$0x8180];
	v10 =	vmul.f32 v23, v28;
	[tilespmem:s10+$0x7EE0] =	vst v11  }
0xbd: {  	v8 =	vld [tilespmem:s10+$0x8190];
	v12 =	vmul.f32 v25, v28;
	[tilespmem:s10+$0x7EF0] =	vst v9  }
0xbe: {  	v32 =	vld [tilespmem:s10+$0x7F80];
	v14 =	vmul.f32 v26, v28;
	[tilespmem:s10+$0x7F00] =	vst v10  }
0xbf: {  	v33 =	vld [tilespmem:s10+$0x7F90];
	v15 =	vmul.f32 v27, v28;
	[tilespmem:s10+$0x7F20] =	vst v12  }
0xc0: {  	v34 =	vld [tilespmem:s10+$0x7FA0];
	v13 =	vmul.f32 v24, v28;
	[tilespmem:s10+$0x7F30] =	vst v14  }
0xc1: {  	v35 =	vld [tilespmem:s10+$0x7FB0];
	v11 =	vmul.f32 v29, v28;
	[tilespmem:s10+$0x7F40] =	vst v15  }
0xc2: {  	v37 =	vbroadcast v3, $0x7;
	v59 =	vld [tilespmem:s10+$0x8100];
	v9 =	vmul.f32 v30, v28;
	[tilespmem:s10+$0x7F10] =	vst v13  }
0xc3: {  	v20 =	vld [tilespmem:s10+$0x8150];
	v10 =	vmul.f32 v31, v28;
	[tilespmem:s10+$0x7F50] =	vst v11  }
0xc4: {  	v36 =	vld [tilespmem:s10+$0x7FC0];
	v12 =	vmul.f32 v33, v37;
	[tilespmem:s10+$0x7F60] =	vst v9  }
0xc5: {  	v38 =	vld [tilespmem:s10+$0x7FD0];
	v14 =	vmul.f32 v34, v37;
	[tilespmem:s10+$0x7F70] =	vst v10  }
0xc6: {  	v39 =	vld [tilespmem:s10+$0x7FE0];
	v15 =	vmul.f32 v35, v37;
	[tilespmem:s10+$0x7F90] =	vst v12  }
0xc7: {  	v40 =	vld [tilespmem:s10+$0x7FF0];
	v21 =	vmul.f32 v59, v7;
	[tilespmem:s10+$0x7FA0] =	vst v14  }
0xc8: {  	v41 =	vld [tilespmem:s10+$0x8000];
	v28 =	vmul.f32 v20, v7;
	[tilespmem:s10+$0x7FB0] =	vst v15  }
0xc9: {  	v42 =	vld [tilespmem:s10+$0x8010];
	v13 =	vmul.f32 v32, v37;
	[tilespmem:s10+$0x8100] =	vst v21  }
0xca: {  	v43 =	vld [tilespmem:s10+$0x8020];
	v11 =	vmul.f32 v36, v37;
	[tilespmem:s10+$0x8150] =	vst v28  }
0xcb: {  	v5 =	vld [tilespmem:s10+$0x83D0];
	v46 =	vbroadcast v3, $0x8;
	v9 =	vmul.f32 v38, v37;
	[tilespmem:s10+$0x7F80] =	vst v13  }
0xcc: {  	v47 =	vld [tilespmem:s10+$0x8050];
	v10 =	vmul.f32 v39, v37;
	[tilespmem:s10+$0x7FC0] =	vst v11  }
0xcd: {  	v63 =	vld [tilespmem:s10+$0x8140];
	v12 =	vmul.f32 v41, v46;
	[tilespmem:s10+$0x7FD0] =	vst v9  }
0xce: {  	v23 =	vld [tilespmem:s10+$0x7C00];
	v31 =	vbroadcast v3, $0xB;
	v14 =	vmul.f32 v42, v46;
	[tilespmem:s10+$0x7FE0] =	vst v10  }
0xcf: {  	v48 =	vld [tilespmem:s10+$0x8060];
	v15 =	vmul.f32 v43, v46;
	[tilespmem:s10+$0x8000] =	vst v12  }
0xd0: {  	v44 =	vld [tilespmem:s10+$0x8030];
	v6 =	vmul.f32 v6, v31;
	[tilespmem:s10+$0x8010] =	vst v14  }
0xd1: {  	v45 =	vld [tilespmem:s10+$0x8040];
	v8 =	vmul.f32 v8, v31;
	[tilespmem:s10+$0x8020] =	vst v15  }
0xd2: {  	v49 =	vld [tilespmem:s10+$0x8070];
	v26 =	vmul.f32 v63, v7;
	[tilespmem:s10+$0x8180] =	vst v6  }
0xd3: {  	v50 =	vld [tilespmem:s10+$0x8080];
	v32 =	vmul.f32 v4, v23;
	[tilespmem:s10+$0x8190] =	vst v8  }
0xd4: {  	v51 =	vld [tilespmem:s10+$0x8090];
	v13 =	vmul.f32 v40, v37;
	[tilespmem:s10+$0x8140] =	vst v26  }
0xd5: {  	v53 =	vld [tilespmem:s10+$0x80B0];
	v11 =	vmul.f32 v44, v46;
	[tilespmem:s10+$0x7C00] =	vst v32  }
0xd6: {  	v33 =	vld [tilespmem:s10+$0x81D0];
	v9 =	vmul.f32 v45, v46;
	[tilespmem:s10+$0x7FF0] =	vst v13  }
0xd7: {  	v55 =	vbroadcast v3, $0x9;
	v34 =	vld [tilespmem:s10+$0x81E0];
	v10 =	vmul.f32 v47, v46;
	[tilespmem:s10+$0x8030] =	vst v11  }
0xd8: {  	v35 =	vld [tilespmem:s10+$0x81F0];
	v12 =	vmul.f32 v49, v46;
	[tilespmem:s10+$0x8040] =	vst v9  }
0xd9: {  	v52 =	vld [tilespmem:s10+$0x80A0];
	v14 =	vmul.f32 v50, v55;
	[tilespmem:s10+$0x8050] =	vst v10  }
0xda: {  	v54 =	vld [tilespmem:s10+$0x80C0];
	v15 =	vmul.f32 v51, v55;
	[tilespmem:s10+$0x8070] =	vst v12  }
0xdb: {  	v57 =	vld [tilespmem:s10+$0x80E0];
	v38 =	vmul.f32 v33, v31;
	[tilespmem:s10+$0x8080] =	vst v14  }
0xdc: {  	v58 =	vld [tilespmem:s10+$0x80F0];
	v45 =	vmul.f32 v34, v31;
	[tilespmem:s10+$0x8090] =	vst v15  }
0xdd: {  	v61 =	vld [tilespmem:s10+$0x8120];
	v8 =	vmul.f32 v35, v31;
	[tilespmem:s10+$0x81D0] =	vst v38  }
0xde: {  	v62 =	vld [tilespmem:s10+$0x8130];
	v13 =	vmul.f32 v48, v46;
	[tilespmem:s10+$0x81E0] =	vst v45  }
0xdf: {  	v36 =	vld [tilespmem:s10+$0x8200];
	v11 =	vmul.f32 v52, v55;
	[tilespmem:s10+$0x81F0] =	vst v8  }
0xe0: {  	v60 =	vld [tilespmem:s10+$0x8110];
	v9 =	vmul.f32 v53, v55;
	[tilespmem:s10+$0x8060] =	vst v13  }
0xe1: {  	v22 =	vld [tilespmem:s10+$0x8160];
	v41 =	vbroadcast v3, $0xC;
	v10 =	vmul.f32 v54, v55;
	[tilespmem:s10+$0x80A0] =	vst v11  }
0xe2: {  	v56 =	vld [tilespmem:s10+$0x80D0];
	v6 =	vbroadcast v3, $0xF;
	v12 =	vmul.f32 v57, v55;
	[tilespmem:s10+$0x80B0] =	vst v9  }
0xe3: {  	v14 =	vmul.f32 v58, v55;
	[tilespmem:s10+$0x80C0] =	vst v10  }
0xe4: {  	v5 =	vmul.f32 v5, v6;
	v17 =	vmul.f32 v36, v41;
	[tilespmem:s10+$0x80E0] =	vst v12  }
0xe5: {  	[tilespmem:s10+$0x80F0] =	vst v14;
	v11 =	vmul.f32 v60, v7;
	v9 =	vmul.f32 v61, v7  }
0xe6: {  	v24 =	vld [tilespmem:s10+$0x7C10];
	v10 =	vmul.f32 v62, v7;
	v7 =	vmul.f32 v22, v7;
	[tilespmem:s10+$0x83D0] =	vst v5  }
0xe7: {  	v25 =	vld [tilespmem:s10+$0x7C40];
	v13 =	vmul.f32 v56, v55;
	[tilespmem:s10+$0x8200] =	vst v17  }
0xe8: {  	[tilespmem:s10+$0x8160] =	vst v7;
	v7 =	vld [tilespmem:s10+$0x81C0]  }
0xe9: {  	v27 =	vld [tilespmem:s10+$0x7C50];
	[tilespmem:s10+$0x80D0] =	vst v13  }
0xea: {  	v43 =	vld [tilespmem:s10+$0x8270];
	[tilespmem:s10+$0x8110] =	vst v11  }
0xeb: {  	v50 =	vld [tilespmem:s10+$0x82E0];
	v14 =	vmul.f32 v24, v4;
	[tilespmem:s10+$0x8120] =	vst v9  }
0xec: {  	v29 =	vld [tilespmem:s10+$0x81A0];
	v5 =	vmul.f32 v25, v4;
	[tilespmem:s10+$0x8130] =	vst v10  }
0xed: {  	v30 =	vld [tilespmem:s10+$0x81B0];
	[tilespmem:s10+$0x7C10] =	vst v14;
	v7 =	vmul.f32 v7, v31  }
0xee: {  	v37 =	vld [tilespmem:s10+$0x8210];
	v49 =	vbroadcast v3, $0xD;
	v4 =	vmul.f32 v27, v4;
	[tilespmem:s10+$0x7C40] =	vst v5  }
0xef: {  	v17 =	vmul.f32 v43, v41;
	[tilespmem:s10+$0x81C0] =	vst v7;
	v7 =	vld [tilespmem:s10+$0x8260]  }
0xf0: {  	v40 =	vld [tilespmem:s10+$0x8240];
	v55 =	vmul.f32 v50, v49;
	[tilespmem:s10+$0x7C50] =	vst v4  }
0xf1: {  	v46 =	vld [tilespmem:s10+$0x82A0];
	v9 =	vmul.f32 v29, v31;
	[tilespmem:s10+$0x8270] =	vst v17  }
0xf2: {  	v10 =	vmul.f32 v30, v31;
	v4 =	vld [tilespmem:s10+$0x8290];
	[tilespmem:s10+$0x82E0] =	vst v55  }
0xf3: {  	v53 =	vld [tilespmem:s10+$0x8320];
	v11 =	vmul.f32 v37, v41;
	[tilespmem:s10+$0x81A0] =	vst v9  }
0xf4: {  	v54 =	vld [tilespmem:s10+$0x8330];
	[tilespmem:s10+$0x81B0] =	vst v10;
	v7 =	vmul.f32 v7, v41  }
0xf5: {  	v42 =	vld [tilespmem:s10+$0x8250];
	v14 =	vmul.f32 v40, v41;
	[tilespmem:s10+$0x8210] =	vst v11  }
0xf6: {  	v3 =	vbroadcast v3, $0xE;
	v13 =	vmul.f32 v46, v49;
	[tilespmem:s10+$0x8260] =	vst v7;
	v7 =	vld [tilespmem:s10+$0x82D0]  }
0xf7: {  	v44 =	vld [tilespmem:s10+$0x8280];
	[tilespmem:s10+$0x8240] =	vst v14;
	v4 =	vmul.f32 v4, v49  }
0xf8: {  	v47 =	vld [tilespmem:s10+$0x82B0];
	v12 =	vmul.f32 v53, v3;
	[tilespmem:s10+$0x82A0] =	vst v13  }
0xf9: {  	v8 =	vmul.f32 v54, v3;
	[tilespmem:s10+$0x8290] =	vst v4;
	v4 =	vld [tilespmem:s10+$0x8300]  }
0xfa: {  	v52 =	vld [tilespmem:s10+$0x8310];
	v10 =	vmul.f32 v42, v41;
	[tilespmem:s10+$0x8320] =	vst v12  }
0xfb: {  	v60 =	vld [tilespmem:s10+$0x83A0];
	[tilespmem:s10+$0x8330] =	vst v8;
	v7 =	vmul.f32 v7, v49  }
0xfc: {  	v51 =	vld [tilespmem:s10+$0x82F0];
	v11 =	vmul.f32 v44, v49;
	[tilespmem:s10+$0x8250] =	vst v10  }
0xfd: {  	v14 =	vmul.f32 v47, v49;
	[tilespmem:s10+$0x82D0] =	vst v7;
	v7 =	vld [tilespmem:s10+$0x8340]  }
0xfe: {  	v48 =	vld [tilespmem:s10+$0x82C0];
	[tilespmem:s10+$0x8280] =	vst v11;
	v4 =	vmul.f32 v4, v3  }
0xff: {  	v58 =	vld [tilespmem:s10+$0x8380];
	v13 =	vmul.f32 v52, v3;
	[tilespmem:s10+$0x82B0] =	vst v14  }
0x100: {  	v8 =	vmul.f32 v60, v6;
	[tilespmem:s10+$0x8300] =	vst v4;
	v4 =	vld [tilespmem:s10+$0x8370]  }
0x101: {  	v57 =	vld [tilespmem:s10+$0x8360];
	v11 =	vmul.f32 v51, v49;
	[tilespmem:s10+$0x8310] =	vst v13  }
0x102: {  	v59 =	vld [tilespmem:s10+$0x8390];
	[tilespmem:s10+$0x83A0] =	vst v8;
	v7 =	vmul.f32 v7, v3  }
0x103: {  	v56 =	vld [tilespmem:s10+$0x8350];
	v10 =	vmul.f32 v48, v49;
	[tilespmem:s10+$0x82F0] =	vst v11  }
0x104: {  	v13 =	vmul.f32 v58, v6;
	[tilespmem:s10+$0x8340] =	vst v7;
	v7 =	vld [tilespmem:s10+$0x83B0]  }
0x105: {  	v39 =	vld [tilespmem:s10+$0x8230];
	[tilespmem:s10+$0x82C0] =	vst v10;
	v4 =	vmul.f32 v4, v3  }
0x106: {  	v61 =	vld [tilespmem:s10+$0x83C0];
	v11 =	vmul.f32 v57, v3;
	[tilespmem:s10+$0x8380] =	vst v13  }
0x107: {  	v63 =	vld [tilespmem:s10+$0x83F0];
	[tilespmem:s10+$0x8370] =	vst v4;
	v4 =	vmul.f32 v59, v6  }
0x108: {  	v62 =	vld [tilespmem:s10+$0x83E0];
	[tilespmem:s10+$0x8360] =	vst v11;
	v3 =	vmul.f32 v56, v3  }
0x109: {  	[tilespmem:s10+$0x8390] =	vst v4;
	v4 =	vmul.f32 v7, v6  }
0x10a: {  	v5 =	vld [tilespmem:s10+$0x8220];
	[tilespmem:s10+$0x8350] =	vst v3;
	v7 =	vmul.f32 v39, v41  }
0x10b: {  	[tilespmem:s10+$0x83B0] =	vst v4;
	v4 =	vmul.f32 v61, v6  }
0x10c: {  	[tilespmem:s10+$0x8230] =	vst v7;
	v7 =	vmul.f32 v63, v6  }
0x10d: {  	v6 =	vmul.f32 v62, v6;
	[tilespmem:s10+$0x83C0] =	vst v4  }
0x10e: {  	[tilespmem:s10+$0x83F0] =	vst v7  }
0x10f: {  	s12 =	simm.s32 $0x1;
	v4 =	vmul.f32 v5, v41;
	[tilespmem:s10+$0x83E0] =	vst v6  }
.LBB2_9:
0x110: {  	s14 =	sshll.u32 s12, $0x4  }
0x111: {  	p1 =	sne.s32 s12, $0x7;
	[tilespmem:s10+$0x8220] =	vst v4;
	s10 =	smov.u32 s12;
	s12 =	sadd.s32 $0x1, s12  }
0x112: {  	s14 =	sand.u32 $0x3FFFFFF0, s14  }
0x113: {  	v3 =	vld.idx.msk [tilespmem:v2+s14+$0x0 ss:$0x1], $0xffff  }
0x114: {  	s10 =	sshll.u32 s10, $0xB  }
0x115: {  	s10 =	sand.u32 $0x3FFFF800, s10  }
0x116: {  	v10 =	vld [tilespmem:s10+$0x7CC0]  }
0x117: {  	v11 =	vld [tilespmem:s10+$0x7CD0]  }
0x118: {  	v12 =	vld [tilespmem:s10+$0x7CB0]  }
0x119: {  	v4 =	vbroadcast v3, $0x0;
	v9 =	vbroadcast v3, $0x4;
	v5 =	vld [tilespmem:s10+$0x7C20]  }
0x11a: {  	v7 =	vld [tilespmem:s10+$0x7C30]  }
0x11b: {  	v8 =	vld [tilespmem:s10+$0x8170]  }
0x11c: {  	v13 =	vld [tilespmem:s10+$0x7C60]  }
0x11d: {  	v14 =	vld [tilespmem:s10+$0x7C70]  }
0x11e: {  	v6 =	vbroadcast v3, $0xA;
	v5 =	vmul.f32 v5, v4;
	v15 =	vld [tilespmem:s10+$0x7C80]  }
0x11f: {  	v7 =	vmul.f32 v7, v4;
	v16 =	vld [tilespmem:s10+$0x7C90]  }
0x120: {  	[tilespmem:s10+$0x7C20] =	vst v5;
	v17 =	vld [tilespmem:s10+$0x7CA0];
	v5 =	vmul.f32 v8, v6  }
0x121: {  	[tilespmem:s10+$0x7C30] =	vst v7;
	v8 =	vmul.f32 v13, v4;
	v13 =	vbroadcast v3, $0x1;
	v7 =	vld [tilespmem:s10+$0x8180]  }
0x122: {  	v14 =	vmul.f32 v14, v4;
	[tilespmem:s10+$0x8170] =	vst v5;
	v5 =	vld [tilespmem:s10+$0x83D0]  }
0x123: {  	[tilespmem:s10+$0x7C60] =	vst v8;
	v15 =	vmul.f32 v15, v13;
	v8 =	vld [tilespmem:s10+$0x8190]  }
0x124: {  	[tilespmem:s10+$0x7C70] =	vst v14;
	v14 =	vmul.f32 v16, v13;
	v16 =	vld [tilespmem:s10+$0x7CE0]  }
0x125: {  	[tilespmem:s10+$0x7C80] =	vst v15;
	v15 =	vmul.f32 v17, v13;
	v17 =	vld [tilespmem:s10+$0x7CF0]  }
0x126: {  	v12 =	vmul.f32 v12, v13;
	[tilespmem:s10+$0x7C90] =	vst v14;
	v14 =	vld [tilespmem:s10+$0x7D00]  }
0x127: {  	v10 =	vmul.f32 v10, v13;
	[tilespmem:s10+$0x7CA0] =	vst v15;
	v15 =	vld [tilespmem:s10+$0x7D10]  }
0x128: {  	v11 =	vmul.f32 v11, v13;
	[tilespmem:s10+$0x7CB0] =	vst v12;
	v12 =	vld [tilespmem:s10+$0x7D20]  }
0x129: {  	[tilespmem:s10+$0x7CC0] =	vst v10;
	v10 =	vmul.f32 v16, v13;
	v16 =	vbroadcast v3, $0x2;
	v18 =	vld [tilespmem:s10+$0x7D30]  }
0x12a: {  	[tilespmem:s10+$0x7CD0] =	vst v11;
	v11 =	vmul.f32 v17, v13;
	v13 =	vld [tilespmem:s10+$0x7D40]  }
0x12b: {  	[tilespmem:s10+$0x7CE0] =	vst v10;
	v10 =	vmul.f32 v14, v16;
	v14 =	vld [tilespmem:s10+$0x7D50]  }
0x12c: {  	[tilespmem:s10+$0x7CF0] =	vst v11;
	v11 =	vmul.f32 v15, v16;
	v15 =	vld [tilespmem:s10+$0x7D60]  }
0x12d: {  	[tilespmem:s10+$0x7D00] =	vst v10;
	v10 =	vmul.f32 v12, v16;
	v12 =	vld [tilespmem:s10+$0x7D70]  }
0x12e: {  	[tilespmem:s10+$0x7D10] =	vst v11;
	v11 =	vmul.f32 v18, v16;
	v17 =	vld [tilespmem:s10+$0x7D80]  }
0x12f: {  	[tilespmem:s10+$0x7D20] =	vst v10;
	v10 =	vmul.f32 v13, v16;
	v13 =	vld [tilespmem:s10+$0x7D90]  }
0x130: {  	[tilespmem:s10+$0x7D30] =	vst v11;
	v11 =	vmul.f32 v14, v16;
	v14 =	vld [tilespmem:s10+$0x7DA0]  }
0x131: {  	[tilespmem:s10+$0x7D40] =	vst v10;
	v10 =	vmul.f32 v15, v16;
	v15 =	vbroadcast v3, $0x3;
	v18 =	vld [tilespmem:s10+$0x7DB0]  }
0x132: {  	[tilespmem:s10+$0x7D50] =	vst v11;
	v11 =	vmul.f32 v12, v16;
	v12 =	vld [tilespmem:s10+$0x7DC0]  }
0x133: {  	[tilespmem:s10+$0x7D60] =	vst v10;
	v10 =	vmul.f32 v17, v15;
	v16 =	vld [tilespmem:s10+$0x7DD0]  }
0x134: {  	[tilespmem:s10+$0x7D70] =	vst v11;
	v11 =	vmul.f32 v13, v15;
	v13 =	vld [tilespmem:s10+$0x7DE0]  }
0x135: {  	[tilespmem:s10+$0x7D80] =	vst v10;
	v10 =	vmul.f32 v14, v15;
	v14 =	vld [tilespmem:s10+$0x7DF0]  }
0x136: {  	[tilespmem:s10+$0x7D90] =	vst v11;
	v11 =	vmul.f32 v18, v15;
	v17 =	vld [tilespmem:s10+$0x7E00]  }
0x137: {  	[tilespmem:s10+$0x7DA0] =	vst v10;
	v10 =	vmul.f32 v12, v15;
	v12 =	vld [tilespmem:s10+$0x7E10]  }
0x138: {  	[tilespmem:s10+$0x7DB0] =	vst v11;
	v11 =	vmul.f32 v16, v15;
	v16 =	vld [tilespmem:s10+$0x7E20]  }
0x139: {  	[tilespmem:s10+$0x7DC0] =	vst v10;
	v10 =	vmul.f32 v13, v15;
	v13 =	vld [tilespmem:s10+$0x7E30]  }
0x13a: {  	[tilespmem:s10+$0x7DD0] =	vst v11;
	v11 =	vmul.f32 v14, v15;
	v14 =	vld [tilespmem:s10+$0x7E40]  }
0x13b: {  	[tilespmem:s10+$0x7DE0] =	vst v10;
	v10 =	vmul.f32 v17, v9;
	v15 =	vld [tilespmem:s10+$0x7E50]  }
0x13c: {  	[tilespmem:s10+$0x7DF0] =	vst v11;
	v11 =	vmul.f32 v12, v9;
	v12 =	vld [tilespmem:s10+$0x7E60]  }
0x13d: {  	[tilespmem:s10+$0x7E00] =	vst v10;
	v10 =	vmul.f32 v16, v9;
	v16 =	vld [tilespmem:s10+$0x7E70]  }
0x13e: {  	[tilespmem:s10+$0x7E10] =	vst v11;
	v11 =	vmul.f32 v13, v9;
	v13 =	vld [tilespmem:s10+$0x7E80]  }
0x13f: {  	[tilespmem:s10+$0x7E20] =	vst v10;
	v10 =	vmul.f32 v14, v9;
	v14 =	vld [tilespmem:s10+$0x7E90]  }
0x140: {  	[tilespmem:s10+$0x7E30] =	vst v11;
	v11 =	vmul.f32 v15, v9;
	v15 =	vld [tilespmem:s10+$0x7EA0]  }
0x141: {  	[tilespmem:s10+$0x7E40] =	vst v10;
	v10 =	vmul.f32 v12, v9;
	v12 =	vbroadcast v3, $0x5;
	v17 =	vld [tilespmem:s10+$0x7EB0]  }
0x142: {  	[tilespmem:s10+$0x7E50] =	vst v11;
	v9 =	vmul.f32 v16, v9;
	v11 =	vld [tilespmem:s10+$0x7EC0]  }
0x143: {  	[tilespmem:s10+$0x7E60] =	vst v10;
	v10 =	vmul.f32 v13, v12;
	v13 =	vld [tilespmem:s10+$0x7ED0]  }
0x144: {  	[tilespmem:s10+$0x7E70] =	vst v9;
	v9 =	vmul.f32 v14, v12;
	v14 =	vld [tilespmem:s10+$0x7EE0]  }
0x145: {  	[tilespmem:s10+$0x7E80] =	vst v10;
	v10 =	vmul.f32 v15, v12;
	v15 =	vld [tilespmem:s10+$0x7EF0]  }
0x146: {  	[tilespmem:s10+$0x7E90] =	vst v9;
	v9 =	vmul.f32 v17, v12;
	v16 =	vld [tilespmem:s10+$0x7F00]  }
0x147: {  	[tilespmem:s10+$0x7EA0] =	vst v10;
	v10 =	vmul.f32 v11, v12;
	v11 =	vld [tilespmem:s10+$0x7F10]  }
0x148: {  	[tilespmem:s10+$0x7EB0] =	vst v9;
	v9 =	vmul.f32 v13, v12;
	v13 =	vld [tilespmem:s10+$0x7F20]  }
0x149: {  	[tilespmem:s10+$0x7EC0] =	vst v10;
	v10 =	vmul.f32 v14, v12;
	v14 =	vbroadcast v3, $0x6;
	v17 =	vld [tilespmem:s10+$0x7F30]  }
0x14a: {  	[tilespmem:s10+$0x7ED0] =	vst v9;
	v9 =	vmul.f32 v15, v12;
	v12 =	vld [tilespmem:s10+$0x7F40]  }
0x14b: {  	[tilespmem:s10+$0x7EE0] =	vst v10;
	v10 =	vmul.f32 v16, v14;
	v15 =	vld [tilespmem:s10+$0x7F50]  }
0x14c: {  	[tilespmem:s10+$0x7EF0] =	vst v9;
	v9 =	vmul.f32 v11, v14;
	v11 =	vld [tilespmem:s10+$0x7F60]  }
0x14d: {  	[tilespmem:s10+$0x7F00] =	vst v10;
	v10 =	vmul.f32 v13, v14;
	v13 =	vld [tilespmem:s10+$0x7F70]  }
0x14e: {  	[tilespmem:s10+$0x7F10] =	vst v9;
	v9 =	vmul.f32 v17, v14;
	v16 =	vld [tilespmem:s10+$0x7F80]  }
0x14f: {  	[tilespmem:s10+$0x7F20] =	vst v10;
	v10 =	vmul.f32 v12, v14;
	v12 =	vld [tilespmem:s10+$0x7F90]  }
0x150: {  	[tilespmem:s10+$0x7F30] =	vst v9;
	v9 =	vmul.f32 v15, v14;
	v15 =	vld [tilespmem:s10+$0x7FA0]  }
0x151: {  	[tilespmem:s10+$0x7F40] =	vst v10;
	v10 =	vmul.f32 v11, v14;
	v11 =	vbroadcast v3, $0x7;
	v17 =	vld [tilespmem:s10+$0x7FB0]  }
0x152: {  	[tilespmem:s10+$0x7F50] =	vst v9;
	v9 =	vmul.f32 v13, v14;
	v13 =	vld [tilespmem:s10+$0x7FC0]  }
0x153: {  	[tilespmem:s10+$0x7F60] =	vst v10;
	v10 =	vmul.f32 v16, v11;
	v14 =	vld [tilespmem:s10+$0x7FD0]  }
0x154: {  	[tilespmem:s10+$0x7F70] =	vst v9;
	v9 =	vmul.f32 v12, v11;
	v12 =	vld [tilespmem:s10+$0x7FE0]  }
0x155: {  	[tilespmem:s10+$0x7F80] =	vst v10;
	v10 =	vmul.f32 v15, v11;
	v15 =	vld [tilespmem:s10+$0x7FF0]  }
0x156: {  	[tilespmem:s10+$0x7F90] =	vst v9;
	v9 =	vmul.f32 v17, v11;
	v16 =	vld [tilespmem:s10+$0x8000]  }
0x157: {  	[tilespmem:s10+$0x7FA0] =	vst v10;
	v10 =	vmul.f32 v13, v11;
	v13 =	vld [tilespmem:s10+$0x8010]  }
0x158: {  	[tilespmem:s10+$0x7FB0] =	vst v9;
	v9 =	vmul.f32 v14, v11;
	v14 =	vld [tilespmem:s10+$0x8020]  }
0x159: {  	[tilespmem:s10+$0x7FC0] =	vst v10;
	v10 =	vmul.f32 v12, v11;
	v12 =	vbroadcast v3, $0x8;
	v17 =	vld [tilespmem:s10+$0x8030]  }
0x15a: {  	[tilespmem:s10+$0x7FD0] =	vst v9;
	v9 =	vmul.f32 v15, v11;
	v11 =	vld [tilespmem:s10+$0x8040]  }
0x15b: {  	[tilespmem:s10+$0x7FE0] =	vst v10;
	v10 =	vmul.f32 v16, v12;
	v15 =	vld [tilespmem:s10+$0x8050]  }
0x15c: {  	[tilespmem:s10+$0x7FF0] =	vst v9;
	v9 =	vmul.f32 v13, v12;
	v13 =	vld [tilespmem:s10+$0x8060]  }
0x15d: {  	[tilespmem:s10+$0x8000] =	vst v10;
	v10 =	vmul.f32 v14, v12;
	v14 =	vld [tilespmem:s10+$0x8070]  }
0x15e: {  	[tilespmem:s10+$0x8010] =	vst v9;
	v9 =	vmul.f32 v17, v12;
	v16 =	vld [tilespmem:s10+$0x8080]  }
0x15f: {  	[tilespmem:s10+$0x8020] =	vst v10;
	v10 =	vmul.f32 v11, v12;
	v11 =	vld [tilespmem:s10+$0x8090]  }
0x160: {  	[tilespmem:s10+$0x8030] =	vst v9;
	v9 =	vmul.f32 v15, v12;
	v15 =	vld [tilespmem:s10+$0x80A0]  }
0x161: {  	[tilespmem:s10+$0x8040] =	vst v10;
	v10 =	vmul.f32 v13, v12;
	v13 =	vbroadcast v3, $0x9;
	v17 =	vld [tilespmem:s10+$0x80B0]  }
0x162: {  	[tilespmem:s10+$0x8050] =	vst v9;
	v9 =	vmul.f32 v14, v12;
	v12 =	vld [tilespmem:s10+$0x80C0]  }
0x163: {  	[tilespmem:s10+$0x8060] =	vst v10;
	v10 =	vmul.f32 v16, v13;
	v14 =	vld [tilespmem:s10+$0x80D0]  }
0x164: {  	[tilespmem:s10+$0x8070] =	vst v9;
	v9 =	vmul.f32 v11, v13;
	v11 =	vld [tilespmem:s10+$0x80E0]  }
0x165: {  	[tilespmem:s10+$0x8080] =	vst v10;
	v10 =	vmul.f32 v15, v13;
	v15 =	vld [tilespmem:s10+$0x80F0]  }
0x166: {  	[tilespmem:s10+$0x8090] =	vst v9;
	v9 =	vmul.f32 v17, v13;
	v16 =	vld [tilespmem:s10+$0x8100]  }
0x167: {  	[tilespmem:s10+$0x80A0] =	vst v10;
	v10 =	vmul.f32 v12, v13;
	v12 =	vld [tilespmem:s10+$0x8110]  }
0x168: {  	[tilespmem:s10+$0x80B0] =	vst v9;
	v9 =	vmul.f32 v14, v13;
	v14 =	vld [tilespmem:s10+$0x8120]  }
0x169: {  	[tilespmem:s10+$0x80C0] =	vst v10;
	v10 =	vmul.f32 v11, v13;
	v11 =	vld [tilespmem:s10+$0x8130]  }
0x16a: {  	[tilespmem:s10+$0x80D0] =	vst v9;
	v9 =	vmul.f32 v15, v13;
	v13 =	vld [tilespmem:s10+$0x8140]  }
0x16b: {  	[tilespmem:s10+$0x80E0] =	vst v10;
	v10 =	vmul.f32 v16, v6;
	v15 =	vld [tilespmem:s10+$0x8150]  }
0x16c: {  	[tilespmem:s10+$0x80F0] =	vst v9;
	v9 =	vmul.f32 v12, v6;
	v12 =	vld [tilespmem:s10+$0x8160]  }
0x16d: {  	v16 =	vld [tilespmem:s10+$0x7C00];
	[tilespmem:s10+$0x8100] =	vst v10;
	v10 =	vmul.f32 v14, v6  }
0x16e: {  	v14 =	vld [tilespmem:s10+$0x7C10];
	[tilespmem:s10+$0x8110] =	vst v9;
	v9 =	vmul.f32 v11, v6  }
0x16f: {  	v11 =	vld [tilespmem:s10+$0x7C40];
	[tilespmem:s10+$0x8120] =	vst v10;
	v10 =	vmul.f32 v13, v6  }
0x170: {  	v13 =	vld [tilespmem:s10+$0x7C50];
	[tilespmem:s10+$0x8130] =	vst v9;
	v9 =	vmul.f32 v15, v6  }
0x171: {  	[tilespmem:s10+$0x8140] =	vst v10;
	v10 =	vmul.f32 v12, v6;
	v12 =	vbroadcast v3, $0xB;
	v15 =	vld [tilespmem:s10+$0x81A0]  }
0x172: {  	v6 =	vbroadcast v3, $0xF;
	v16 =	vmul.f32 v4, v16;
	[tilespmem:s10+$0x8150] =	vst v9;
	v9 =	vld [tilespmem:s10+$0x81B0]  }
0x173: {  	v14 =	vmul.f32 v14, v4;
	[tilespmem:s10+$0x8160] =	vst v10;
	v7 =	vmul.f32 v7, v12;
	v10 =	vld [tilespmem:s10+$0x81C0]  }
0x174: {  	v8 =	vmul.f32 v8, v12;
	[tilespmem:s10+$0x7C00] =	vst v16;
	v11 =	vmul.f32 v11, v4;
	v16 =	vld [tilespmem:s10+$0x81D0]  }
0x175: {  	v5 =	vmul.f32 v5, v6;
	v13 =	vmul.f32 v13, v4;
	[tilespmem:s10+$0x8180] =	vst v7;
	v4 =	vld [tilespmem:s10+$0x81E0]  }
0x176: {  	[tilespmem:s10+$0x8190] =	vst v8;
	v7 =	vmul.f32 v15, v12;
	v8 =	vld [tilespmem:s10+$0x81F0]  }
0x177: {  	v9 =	vmul.f32 v9, v12;
	v15 =	vld [tilespmem:s10+$0x8200];
	[tilespmem:s10+$0x83D0] =	vst v5  }
0x178: {  	[tilespmem:s10+$0x7C10] =	vst v14;
	v5 =	vmul.f32 v10, v12;
	v10 =	vld [tilespmem:s10+$0x8210]  }
0x179: {  	[tilespmem:s10+$0x7C40] =	vst v11;
	v11 =	vmul.f32 v16, v12;
	v14 =	vld [tilespmem:s10+$0x8220]  }
0x17a: {  	v16 =	vbroadcast v3, $0xC;
	[tilespmem:s10+$0x81A0] =	vst v7;
	v7 =	vmul.f32 v4, v12;
	v17 =	vld [tilespmem:s10+$0x8230]  }
0x17b: {  	[tilespmem:s10+$0x81D0] =	vst v11;
	v8 =	vmul.f32 v8, v12;
	v11 =	vld [tilespmem:s10+$0x8240]  }
0x17c: {  	[tilespmem:s10+$0x81B0] =	vst v9;
	v4 =	vmul.f32 v15, v16;
	v9 =	vld [tilespmem:s10+$0x8250]  }
0x17d: {  	[tilespmem:s10+$0x81C0] =	vst v5;
	v5 =	vmul.f32 v10, v16;
	v10 =	vld [tilespmem:s10+$0x8260]  }
0x17e: {  	[tilespmem:s10+$0x8200] =	vst v4;
	v4 =	vmul.f32 v14, v16;
	v12 =	vld [tilespmem:s10+$0x8270]  }
0x17f: {  	[tilespmem:s10+$0x8210] =	vst v5;
	v5 =	vld [tilespmem:s10+$0x8280]  }
0x180: {  	[tilespmem:s10+$0x7C50] =	vst v13;
	v11 =	vmul.f32 v11, v16;
	v13 =	vld [tilespmem:s10+$0x8290]  }
0x181: {  	[tilespmem:s10+$0x81E0] =	vst v7;
	v7 =	vmul.f32 v9, v16;
	v9 =	vld [tilespmem:s10+$0x82A0]  }
0x182: {  	[tilespmem:s10+$0x8240] =	vst v11;
	v10 =	vmul.f32 v10, v16;
	v11 =	vbroadcast v3, $0xD;
	v14 =	vld [tilespmem:s10+$0x82B0]  }
0x183: {  	[tilespmem:s10+$0x8250] =	vst v7;
	v7 =	vmul.f32 v12, v16;
	v12 =	vld [tilespmem:s10+$0x82C0]  }
0x184: {  	[tilespmem:s10+$0x8260] =	vst v10;
	v5 =	vmul.f32 v5, v11;
	v10 =	vld [tilespmem:s10+$0x82D0]  }
0x185: {  	[tilespmem:s10+$0x8270] =	vst v7;
	v7 =	vmul.f32 v13, v11;
	v13 =	vld [tilespmem:s10+$0x82E0]  }
0x186: {  	[tilespmem:s10+$0x8280] =	vst v5;
	v5 =	vmul.f32 v9, v11;
	v9 =	vld [tilespmem:s10+$0x82F0]  }
0x187: {  	[tilespmem:s10+$0x8290] =	vst v7;
	v7 =	vmul.f32 v14, v11;
	v14 =	vld [tilespmem:s10+$0x8300]  }
0x188: {  	[tilespmem:s10+$0x82A0] =	vst v5;
	v5 =	vmul.f32 v12, v11;
	v12 =	vld [tilespmem:s10+$0x8310]  }
0x189: {  	[tilespmem:s10+$0x82B0] =	vst v7;
	v7 =	vmul.f32 v10, v11;
	v10 =	vld [tilespmem:s10+$0x8320]  }
0x18a: {  	v3 =	vbroadcast v3, $0xE;
	[tilespmem:s10+$0x81F0] =	vst v8;
	v8 =	vmul.f32 v13, v11;
	v13 =	vld [tilespmem:s10+$0x8330]  }
0x18b: {  	[tilespmem:s10+$0x82D0] =	vst v7;
	v7 =	vmul.f32 v9, v11;
	v9 =	vld [tilespmem:s10+$0x8340]  }
0x18c: {  	[tilespmem:s10+$0x82E0] =	vst v8;
	v8 =	vmul.f32 v14, v3;
	v11 =	vld [tilespmem:s10+$0x8350]  }
0x18d: {  	[tilespmem:s10+$0x82F0] =	vst v7;
	v7 =	vmul.f32 v12, v3;
	v12 =	vld [tilespmem:s10+$0x8360]  }
0x18e: {  	[tilespmem:s10+$0x8300] =	vst v8;
	v8 =	vmul.f32 v10, v3;
	v10 =	vld [tilespmem:s10+$0x8370]  }
0x18f: {  	[tilespmem:s10+$0x8310] =	vst v7;
	v7 =	vmul.f32 v13, v3;
	v13 =	vld [tilespmem:s10+$0x8380]  }
0x190: {  	[tilespmem:s10+$0x8320] =	vst v8;
	v8 =	vmul.f32 v9, v3;
	v9 =	vld [tilespmem:s10+$0x8390]  }
0x191: {  	[tilespmem:s10+$0x8330] =	vst v7;
	v7 =	vmul.f32 v11, v3;
	v11 =	vld [tilespmem:s10+$0x83A0]  }
0x192: {  	[tilespmem:s10+$0x8340] =	vst v8;
	v8 =	vmul.f32 v12, v3;
	v12 =	vld [tilespmem:s10+$0x83B0]  }
0x193: {  	[tilespmem:s10+$0x82C0] =	vst v5;
	v3 =	vmul.f32 v10, v3;
	v5 =	vld [tilespmem:s10+$0x83C0]  }
0x194: {  	[tilespmem:s10+$0x8360] =	vst v8;
	v8 =	vmul.f32 v13, v6;
	v10 =	vld [tilespmem:s10+$0x83E0]  }
0x195: {  	[tilespmem:s10+$0x8370] =	vst v3;
	v3 =	vmul.f32 v9, v6;
	v9 =	vld [tilespmem:s10+$0x83F0]  }
0x196: {  	[tilespmem:s10+$0x8380] =	vst v8;
	v8 =	vmul.f32 v11, v6  }
0x197: {  	[tilespmem:s10+$0x8390] =	vst v3;
	v3 =	vmul.f32 v12, v6  }
0x198: {  	v11 =	vmul.f32 v17, v16;
	[tilespmem:s10+$0x83A0] =	vst v8  }
0x199: {  	[tilespmem:s10+$0x83B0] =	vst v3;
	v3 =	vmul.f32 v5, v6  }
.Ltmp3:
0x19a: {  	[tilespmem:s10+$0x8230] =	vst v11;
	v5 =	vmul.f32 v9, v6;
	(pc) =	sbr.rel @p1 .LBB2_9-.Ltmp3, $4  }
0x19b: {  	[tilespmem:s10+$0x83C0] =	vst v3  }
0x19c: {  	v3 =	vmul.f32 v10, v6;
	[tilespmem:s10+$0x83F0] =	vst v5  }
0x19d: {  	[tilespmem:s10+$0x8350] =	vst v7  }
0x19e: {  	[tilespmem:s10+$0x83E0] =	vst v3  }
0x19f: {  	s28 =	sadd.s32 $0x1, s28  }
0x1a0: {  	p1 =	sne.s32 s28, $0x50  }
.Ltmp4:
0x1a1: {  	[tilespmem:s10+$0x8220] =	vst v4;
	s8 =	sadd.s32 $0x2800, s8;
	(pc) =	sbr.rel @p1 .LBB2_8-.Ltmp4, $4  }
0x1a2: {  	[spmem:s2] =	stream.indirect.scatter.add.f32 [tilespmem:s29], [sflag:$0x2], $0x80, s8, s26, $0xb8;
	[tilespmem:$0x1FC00] =	vst v63  }
0x1a3: {  	_ =	swait.ge [sflag:s30], $0x4000  }
0x1a4: {  	[sflag:s30] =	ssyncset.done $0x0  }
0x1a5: {  	[sflag:s30] =	ssyncadd.s32 $0xFFFFC000  }
0x1a6: {  	s8 =	sshll.u32 @p0 s4, $0x6;
	[bflag:$0x0] =	sbarrier.arrive $0xFFFF  }
0x1a7: {  	s10 =	sshrl.u32 @p0 s9, $0x3;
	s8 =	sor.u32 @p0 $0x1C03, s8;
	s12 =	rddreg [dreg:$0xa]  }
0x1a8: {  	[hbm:s12], [sflag:s8] =	dma.local @p0 [spmem:s10], $0x800  }
0x1a9: {  	s10 =	simm.s32 @p0 $0x3  }
0x1aa: {  	_ =	swait.ge @p0 [sflag:s10], $0x800  }
0x1ab: {  	[sflag:s10] =	ssyncset.done @p0 $0x0  }
0x1ac: {  	s12 =	sshrl.u32 @p0 s11, $0x3;
	[sflag:s10] =	ssyncadd.s32 @p0 $0xFFFFF800  }
0x1ad: {  	[hbm:s20], [sflag:s8] =	dma.local @p0 [spmem:s12], $0x800  }
0x1ae: {  	_ =	swait.ge @p0 [sflag:s10], $0x800  }
0x1af: {  	[sflag:s10] =	ssyncset.done @p0 $0x0  }
0x1b0: {  	s12 =	sshrl.u32 @p0 s13, $0x3;
	[sflag:s10] =	ssyncadd.s32 @p0 $0xFFFFF800  }
0x1b1: {  	[hbm:s21], [sflag:s8] =	dma.local @p0 [spmem:s12], $0x800  }
0x1b2: {  	_ =	swait.ge @p0 [sflag:s10], $0x800  }
0x1b3: {  	[sflag:s10] =	ssyncset.done @p0 $0x0  }
0x1b4: {  	s12 =	sshrl.u32 @p0 s15, $0x3;
	[sflag:s10] =	ssyncadd.s32 @p0 $0xFFFFF800  }
0x1b5: {  	[hbm:s22], [sflag:s8] =	dma.local @p0 [spmem:s12], $0x800  }
0x1b6: {  	s8 =	sshll.u32 @!p0 s4, $0x6;
	_ =	swait.ge @p0 [sflag:s10], $0x800  }
0x1b7: {  	s8 =	sor.u32 @!p0 $0x1C02, s8;
	[sflag:s10] =	ssyncset.done @p0 $0x0  }
0x1b8: {  	s12 =	rddreg [dreg:$0x5];
	[sflag:s10] =	ssyncadd.s32 @p0 $0xFFFFF800;
	s10 =	sshrl.u32 @!p0 s9, $0x3  }
0x1b9: {  	[hbm:s12], [sflag:s8] =	dma.local @!p0 [spmem:s10], $0x800  }
0x1ba: {  	s10 =	simm.s32 @!p0 $0x2  }
0x1bb: {  	_ =	swait.ge @!p0 [sflag:s10], $0x800  }
0x1bc: {  	[sflag:s10] =	ssyncset.done @!p0 $0x0  }
0x1bd: {  	s12 =	sshrl.u32 @!p0 s11, $0x3;
	s14 =	rddreg [dreg:$0x6];
	[sflag:s10] =	ssyncadd.s32 @!p0 $0xFFFFF800  }
0x1be: {  	[hbm:s14], [sflag:s8] =	dma.local @!p0 [spmem:s12], $0x800  }
0x1bf: {  	_ =	swait.ge @!p0 [sflag:s10], $0x800  }
0x1c0: {  	[sflag:s10] =	ssyncset.done @!p0 $0x0  }
0x1c1: {  	s12 =	sshrl.u32 @!p0 s13, $0x3;
	s14 =	rddreg [dreg:$0x7];
	[sflag:s10] =	ssyncadd.s32 @!p0 $0xFFFFF800  }
0x1c2: {  	[hbm:s14], [sflag:s8] =	dma.local @!p0 [spmem:s12], $0x800  }
0x1c3: {  	_ =	swait.ge @!p0 [sflag:s10], $0x800  }
0x1c4: {  	[sflag:s10] =	ssyncset.done @!p0 $0x0  }
0x1c5: {  	s12 =	sshrl.u32 @!p0 s15, $0x3;
	s14 =	rddreg [dreg:$0x8];
	[sflag:s10] =	ssyncadd.s32 @!p0 $0xFFFFF800  }
0x1c6: {  	[hbm:s14], [sflag:s8] =	dma.local @!p0 [spmem:s12], $0x800  }
0x1c7: {  	s18 =	sshll.u32 s16, $0x7;
	_ =	swait.ge @!p0 [sflag:s10], $0x800  }
0x1c8: {  	s19 =	sshll.u32 s4, $0x6;
	s8 =	smov.u32 s6;
	[sflag:s10] =	ssyncset.done @!p0 $0x0  }
0x1c9: {  	s12 =	sadd.s32 s18, s2;
	[sflag:s10] =	ssyncadd.s32 @!p0 $0xFFFFF800;
	s10 =	simm.s32 @p0 $0x3  }
0x1ca: {  	s8 =	smov.u32 @p0 s5;
	s17 =	rddreg [dreg:$0x9];
	s14 =	sadd.s32 s10, s19  }
0x1cb: {  	s12 =	sshrl.u32 s12, $0x3;
	s8 =	sadd.s32 s8, s17;
	s14 =	sadd.s32 $0x1C00, s14  }
0x1cc: {  	[hbm:s8], [sflag:s14] =	dma.local [spmem:s12], $0x800  }
0x1cd: {  	_ =	swait.ge [sflag:s10], $0x800  }
0x1ce: {  	s0 =	sadd.s32 $0x1, s0;
	s28 =	rddreg [dreg:$0x4]  }
0x1cf: {  	p1 =	sne.s32 s0, s28  }
.Ltmp5:
0x1d0: {  	_ = 	snop;
	(pc) =	sbr.rel @p1 .LBB2_1-.Ltmp5, $3  }
0x1d1: {  	_ =	sdelay $0x1  }
0x1d2: {  	[sflag:s10] =	ssyncset.done $0x0  }
0x1d3: {  	[sflag:s10] =	ssyncadd.s32 $0xFFFFF800  }
0x1d4: {  	_ =	sfence.sel $0x180000  }
0x1d5: {  	[bflag:$0x0] =	sbarrier.arrive $0xFFFF  }
0x1d6: {  	_ =	strace $0x9000004A  }
0x1d7: {  	[bflag:$0x2] =	sbarrier.arrive $0xFFFF  }
0x1d8: {  	p0 =	sne.s32 s4, $0x0;
	s0 =	rddreg [dreg:$0x3]  }
0x1d9: {  	s0 =	sadd.s32 @!p0 $0x100000, s0  }
0x1da: {  	[sflag:s0] =	ssyncadd.tile.s32 @!p0 $0x1;
	_ =	shalt  }
.Lfunc_end2:
_tile_overlayer_lowered:
.L_overlay_start_2:
0x1db: {  	(tag) =	ssettag $0x2  }
0x1dc: {  	s0 =	rddreg [dreg:$0x0];
	s2 =	stileid.u32  }
0x1dd: {  	s1 =	rddreg [dreg:$0x1];
	p0 =	sne.s32 s2, $0x0  }
0x1de: {  	s3 =	rddreg [dreg:$0x2];
	[bflag:$0x3] =	sbarrier.arrive $0xFFFF;
	s2 =	simm.s32 @!p0 $0x1C02  }
0x1df: {  	[timem:s3], [sflag:s2] =	dma.local @!p0 [hbm:s0], s1  }
0x1e0: {  	s0 =	simm.s32 @!p0 $0x2  }
0x1e1: {  	_ =	swait.ge @!p0 [sflag:s0], s1  }
0x1e2: {  	s1 =	ssub.s32 @!p0 $0x0, s1;
	[sflag:s0] =	ssyncset.done @!p0 $0x0  }
0x1e3: {  	[sflag:s0] =	ssyncadd.s32 @!p0 s1  }
0x1e4: {  	[bflag:$0x3] =	sbarrier.arrive $0xFFFF  }
0x1e5: {  	_ =	shalt  }

// kernel: kernel.14.cloned.1.call-start
scs
__scs_entry_jumppad:
0x0: {  	(pc) =	sbr.rel $0x88, $3  }
0x1: {  	(tag) =	ssettag $0x0;
	lr =	simm.s32 $0x1  }
0x2: {  	[smem:$0x3F9A] =	sst lr;
	_ =	strace $0xD0000000  }
0x3: {  	_ = 	snop  }
0x4: {  	_ = 	snop  }
0x5: {  	_ = 	snop  }
0x6: {  	_ = 	snop  }
0x7: {  	_ = 	snop  }
__scs_overlays_trampoline_lowered:
0x8: {  	[smem:$0x3FA9] =	sst s0  }
0x9: {  	[smem:$0x3FAA] =	sst s1  }
0xa: {  	[smem:$0x3FAB] =	sst s2  }
0xb: {  	[smem:$0x3FAC] =	sst s3  }
0xc: {  	[smem:$0x3FAD] =	sst s4  }
0xd: {  	[smem:$0x3FAE] =	sst s5  }
0xe: {  	[smem:$0x3FAF] =	sst s6  }
0xf: {  	[smem:$0x3FB0] =	sst s7  }
0x10: {  	[smem:$0x3FB1] =	sst s8  }
0x11: {  	[smem:$0x3FB2] =	sst s9;
	s0 =	simm.s32 @!p0 $0x0  }
0x12: {  	s1 =	sld [smem:$0x3F98];
	s0 =	simm.s32 @p0 $0x1  }
0x13: {  	[smem:$0x3FB3] =	sst s0;
	s0 =	simm.s32 @!p1 $0x0  }
0x14: {  	s2 =	sld [smem:$0x3F97];
	s0 =	simm.s32 @p1 $0x1  }
0x15: {  	[smem:$0x3FB4] =	sst s0;
	s0 =	simm.s32 @!p2 $0x0  }
0x16: {  	s3 =	sld [smem:$0x3FDB];
	s0 =	simm.s32 @p2 $0x1  }
0x17: {  	s4 =	simm.s32 $0x1BF5;
	[smem:$0x3FB6] =	sst s0  }
0x18: {  	s0 =	sld [smem:$0x3F99];
	_ =	swait.ge [sflag:s4], $0x0  }
0x19: {  	s7 =	sld [smem:$0x3F9A]  }
0x1a: {  	s8 =	sadd.s32 $0xFFFFE003, lr  }
0x1b: {  	s9 =	sadd.s32 $0xFFFFFEF7, lr;
	s5 =	simm.s32 $0xFFFFFFFF;
	p2 =	slt.u32 s8, $0xFFFFF086  }
0x1c: {  	p1 =	slt.u32 s9, $0xF7A;
	s5 =	simm.s32 @!p2 $0x0  }
0x1d: {  	s5 =	simm.s32 @p1 $0x1;
	p0 =	seq.s32 s7, s2  }
0x1e: {  	s7 =	smul.u32 @!p0 $0xF7A, s2;
	p2 =	seq.s32 @!p0 s5, $0x0  }
0x1f: {  	s9 =	smul.u32 $0xF7A, s1;
	s8 =	simm.s32 @!p0 $0x1BF5;
	p2 =	por !p2, p0  }
0x20: {  	[sflag:s8] =	ssyncset.s32 @!p0 $0xFFFFF086;
	s6 =	sadd.s32 @!p0 s3, s7;
	s7 =	simm.s32 @!p0 $0x108  }
0x21: {  	s3 =	sadd.s32 s3, s9;
	s6 =	sadd.s32 @!p0 $0x88, s6;
	s7 =	simm.s32 @p2 $0x1082  }
0x22: {  	[simem:s7], [sflag:s8] =	dma.local @!p0 [hbm:s6], $0xF7A  }
0x23: {  	s9 =	sor.u32 $0xD0000000, s2;
	s6 =	simm.s32 $0x108;
	_ =	swait.ge @!p0 [sflag:s8], $0x0  }
0x24: {  	s3 =	sadd.s32 $0x88, s3;
	s6 =	simm.s32 @!p1 $0x1082;
	[sflag:s4] =	ssyncset.s32 $0xFFFFF086  }
0x25: {  	[simem:s6], [sflag:s4] =	dma.local [hbm:s3], $0xF7A  }
0x26: {  	[smem:$0x3F9A] =	sst s1;
	(tag) =	ssettag s2;
	_ =	strace s9  }
0x27: {  	s1 =	sld [smem:$0x3FAA]  }
0x28: {  	s2 =	sld [smem:$0x3FAB]  }
0x29: {  	s4 =	sld [smem:$0x3FAD]  }
0x2a: {  	p0 =	seq.s32 s5, $0x0;
	s5 =	sld [smem:$0x3FAE]  }
0x2b: {  	s6 =	sld [smem:$0x3FAF]  }
0x2c: {  	s7 =	sld [smem:$0x3FB0]  }
0x2d: {  	s3 =	simm.s32 $0x108;
	s8 =	sld [smem:$0x3FB1]  }
0x2e: {  	s3 =	simm.s32 @!p0 $0x1082;
	s9 =	sld [smem:$0x3FB2]  }
0x2f: {  	lr =	sadd.s32 s0, s3;
	s0 =	sld [smem:$0x3FA9]  }
0x30: {  	s3 =	sld [smem:$0x3FAC]  }
0x31: {  	[smem:$0x3FB5] =	sst s10  }
0x32: {  	s10 =	sld [smem:$0x3FB3];
	_ =	sdelay $0x3  }
0x33: {  	p0 =	seq.s32 s10, $0x1;
	s10 =	sld [smem:$0x3FB5];
	_ =	sdelay $0x3  }
0x34: {  	[smem:$0x3FB5] =	sst s10  }
0x35: {  	s10 =	sld [smem:$0x3FB4];
	_ =	sdelay $0x3  }
0x36: {  	p1 =	seq.s32 s10, $0x1;
	s10 =	sld [smem:$0x3FB5];
	_ =	sdelay $0x3  }
0x37: {  	[smem:$0x3FB5] =	sst s10  }
0x38: {  	s10 =	sld [smem:$0x3FB6]  }
0x39: {  	_ = 	snop;
	(pc) =	sbr.ind lr, $3  }
0x3a: {  	_ = 	snop  }
0x3b: {  	_ = 	snop  }
0x3c: {  	p2 =	seq.s32 s10, $0x1;
	s10 =	sld [smem:$0x3FB5]  }
0x3d: {  	_ =	shalt  }
0x3e: {  	_ =	shalt  }
0x3f: {  	_ =	shalt  }
0x40: {  	_ =	shalt  }
0x41: {  	_ =	shalt  }
0x42: {  	_ =	shalt  }
0x43: {  	_ =	shalt  }
0x44: {  	_ =	shalt  }
0x45: {  	_ =	shalt  }
0x46: {  	_ =	shalt  }
0x47: {  	_ =	shalt  }
0x48: {  	_ =	shalt  }
0x49: {  	_ =	shalt  }
0x4a: {  	_ =	shalt  }
0x4b: {  	_ =	shalt  }
0x4c: {  	_ =	shalt  }
0x4d: {  	_ =	shalt  }
0x4e: {  	_ =	shalt  }
0x4f: {  	_ =	shalt  }
0x50: {  	_ =	shalt  }
0x51: {  	_ =	shalt  }
0x52: {  	_ =	shalt  }
0x53: {  	_ =	shalt  }
0x54: {  	_ =	shalt  }
0x55: {  	_ =	shalt  }
0x56: {  	_ =	shalt  }
0x57: {  	_ =	shalt  }
0x58: {  	_ =	shalt  }
0x59: {  	_ =	shalt  }
0x5a: {  	_ =	shalt  }
0x5b: {  	_ =	shalt  }
0x5c: {  	_ =	shalt  }
0x5d: {  	_ =	shalt  }
0x5e: {  	_ =	shalt  }
0x5f: {  	_ =	shalt  }
0x60: {  	_ =	shalt  }
0x61: {  	_ =	shalt  }
0x62: {  	_ =	shalt  }
0x63: {  	_ =	shalt  }
0x64: {  	_ =	shalt  }
0x65: {  	_ =	shalt  }
0x66: {  	_ =	shalt  }
0x67: {  	_ =	shalt  }
0x68: {  	_ =	shalt  }
0x69: {  	_ =	shalt  }
0x6a: {  	_ =	shalt  }
0x6b: {  	_ =	shalt  }
0x6c: {  	_ =	shalt  }
0x6d: {  	_ =	shalt  }
0x6e: {  	_ =	shalt  }
0x6f: {  	_ =	shalt  }
0x70: {  	_ =	shalt  }
0x71: {  	_ =	shalt  }
0x72: {  	_ =	shalt  }
0x73: {  	_ =	shalt  }
0x74: {  	_ =	shalt  }
0x75: {  	_ =	shalt  }
0x76: {  	_ =	shalt  }
0x77: {  	_ =	shalt  }
0x78: {  	_ =	shalt  }
0x79: {  	_ =	shalt  }
0x7a: {  	_ =	shalt  }
0x7b: {  	_ =	shalt  }
0x7c: {  	_ =	shalt  }
0x7d: {  	_ =	shalt  }
0x7e: {  	_ =	shalt  }
0x7f: {  	_ =	shalt  }
0x80: {  	_ =	shalt  }
0x81: {  	_ =	shalt  }
0x82: {  	_ =	shalt  }
0x83: {  	_ =	shalt  }
0x84: {  	_ =	shalt  }
0x85: {  	_ =	shalt  }
0x86: {  	_ =	shalt  }
0x87: {  	_ =	shalt  }
.Lfunc_end0:
.L_simem_size_0:
called_computation.2_lowered:
.L_overlay_start_0:
0x88: {  	s2 =	sld [smem:$0x3FD9]  }
0x89: {  	s3 =	sld [smem:$0x3FFE];
	_ =	sdelay $0x1  }
0x8a: {  	s1 =	srdreg.scid  }
0x8b: {  	s0 =	sand.u32 $0x1, s1  }
0x8c: {  	s17 =	sshll.u32 s0, $0xA;
	s2 =	sadd.s32 s3, s2  }
0x8d: {  	s2 =	sadd.s32 s2, s17  }
0x8e: {  	[smem:$0x3FC1] =	sst s2  }
0x8f: {  	_ = 	snop  }
0x90: {  	s2 =	sld [smem:$0x3FD0];
	(tm) =	ssettm $0x1  }
0x91: {  	s18 =	sld [smem:$0x3FFB];
	_ =	sdelay $0x3  }
0x92: {  	_ =	strace s18  }
0x93: {  	s3 =	sld [smem:$0x3FFC];
	_ =	sdelay $0x3  }
0x94: {  	_ =	strace s3  }
0x95: {  	s3 =	sld [smem:$0x3FFD];
	_ =	sdelay $0x3  }
0x96: {  	_ =	strace s3  }
0x97: {  	_ =	strace $0x8FFFFFFF  }
0x98: {  	s19 =	sld [smem:$0x3FDB];
	_ =	sdelay $0x1  }
0x99: {  	s4 =	simm.s32 $_scs_section_size  }
0x9a: {  	s5 =	simm.s32 $_size__tile_overlayer_lowered;
	s6 =	simm.s32 $_tile_overlayer_lowered  }
0x9b: {  	s22 =	simm.s32 $0x1BFF;
	s21 =	sshll.u32 s6, $0x1;
	s3 =	sadd.s32 s4, s19  }
0x9c: {  	s7 =	simm.s32 $0x0;
	s20 =	sshll.u32 s5, $0x1;
	s5 =	sadd.s32 s21, s3  }
0x9d: {  	[timem:s7], [sflag:s22] =	dma.local [hbm:s5], s20  }
0x9e: {  	_ =	swait.ge [sflag:s22], s20  }
0x9f: {  	s4 =	ssub.s32 $0x0, s20;
	[sflag:s22] =	ssyncset.done $0x0  }
0xa0: {  	[sflag:s22] =	ssyncadd.s32 s4;
	_ =	sdelay $0x1  }
0xa1: {  	s23 =	simm.s32 $0x1B8B  }
0xa2: {  	_ =	swait.ge [sflag:s23], $0x1  }
0xa3: {  	[sflag:s23] =	ssyncset.done $0x0  }
0xa4: {  	s25 =	simm.s32 $0x1B8E;
	s24 =	sld [smem:$0x3FFE];
	[sflag:s23] =	ssyncadd.s32 $0xFFFFFFFF  }
0xa5: {  	s26 =	simm.s32 $execute0_lowered;
	[smem:$0x3FD2] =	sst s25  }
0xa6: {  	s5 =	sshll.u32 s26, $0x1;
	_ =	strace $0x8000004C;
	[dreg:$0x1] =	wrdreg $0xFFFFFFFF  }
0xa7: {  	s28 =	simm.s32 $_size_execute0_lowered;
	s3 =	sadd.s32 s3, s5;
	[dreg:$0x0] =	wrdreg $0x0  }
0xa8: {  	s5 =	sshll.u32 s28, $0x1;
	[dreg:$0x2] =	wrdreg s3  }
0xa9: {  	[dreg:$0x3] =	wrdreg s5  }
0xaa: {  	[dreg:$0x4] =	wrdreg $0xC0  }
0xab: {  	_ =	task [dreg:s7], $0x5FFFF  }
0xac: {  	[dreg:$0x1] =	wrdreg $0xFFFFFFFF  }
0xad: {  	[dreg:$0x0] =	wrdreg $0x60  }
0xae: {  	[dreg:$0x2] =	wrdreg s2  }
0xaf: {  	[dreg:$0x3] =	wrdreg s24  }
0xb0: {  	[dreg:$0x4] =	wrdreg $0xBC000  }
0xb1: {  	[dreg:$0x5] =	wrdreg $0x9  }
0xb2: {  	_ =	task.clear_ibuf [dreg:s7], $0x6FFFF;
	_ =	strace $0x9000004C  }
0xb3: {  	s29 =	simm.s32 $0x9;
	_ =	strace $0x8000004E  }
0xb4: {  	_ =	swait.ge [sflag:s29], $0x1  }
0xb5: {  	[sflag:s29] =	ssyncadd.s32 $0xFFFFFFFF  }
0xb6: {  	_ =	strace $0x9000004E  }
0xb7: {  	_ =	sfence  }
0xb8: {  	s30 =	sld [smem:$0x0];
	_ =	sdelay $0x2  }
0xb9: {  	s31 =	sshll.u32 s1, $0xD;
	s1 =	sshrl.u32 s1, $0x2  }
0xba: {  	s3 =	sand.u32 $0x4000, s31;
	s1 =	sadd.s32 s1, s30  }
0xbb: {  	s0 =	sor.u32 s3, s0;
	s1 =	sshll.u32 s1, $0x11  }
0xbc: {  	s0 =	sor.u32 s1, s0  }
0xbd: {  	s0 =	sadd.s32 $0x8F2B, s0  }
0xbe: {  	[sflag:s0] =	ssyncadd.remote.s32 $0x1  }
0xbf: {  	_ =	sfence.sel $0xFFFF  }
0xc0: {  	[dreg:$0x0] =	wrdreg $0xFFFFFFFF;
	(pc) =	sbr.abs _section_cstart, $3  }
0xc1: {  	[dreg:$0x1] =	wrdreg $0xFFFFFFFF  }
0xc2: {  	_ =	task.clear_ibuf [dreg:s7], $0x2FFFF;
	_ =	strace $0x9FFFFFFF  }
0xc3: {  	(tm) =	ssettm $0x7FFFFFFF  }
tec
execute0_lowered:
.L_overlay_start_1:
0x0: {  	(tag) =	ssettag $0x1  }
0x1: {  	s1 =	rddreg [dreg:$0x0]  }
0x2: {  	s0 =	rddreg [dreg:$0x1]  }
0x3: {  	s2 =	rddreg [dreg:$0x2];
	s3 =	simm.s32 $0x0;
	s4 =	srdreg.scid  }
0x4: {  	s29 =	simm.s32 $0x7C00;
	s30 =	simm.s32 $0x2;
	s31 =	simm.s32 $0x1  }
0x5: {  	[smem:$0x7FF] =	sst s3;
	s8 =	sand.u32 $0x1, s4;
	s5 =	sadd.s32 $0x5B600, s0  }
0x6: {  	s6 =	sadd.s32 $0x83600, s0;
	_ =	strace $0x8000004D;
	s4 =	sshll.u32 s8, $0xF  }
0x7: {  	s7 =	ssub.s32 $0x2, s8;
	s10 =	sadd.s32 s4, s0;
	s4 =	stileid.u32  }
0x8: {  	p0 =	seq.s32 s8, $0x0;
	s9 =	sshrl.u32 s7, $0x1;
	s11 =	smul.u32 $0x50000, s4  }
0x9: {  	s18 =	ssub.s32 s7, s9;
	s7 =	smul.u32 $0x280, s4;
	s12 =	sshll.u32 s4, $0xB  }
0xa: {  	s14 =	smul.u32 $0x2800, s4;
	s0 =	smax.u32 s18, $0x1;
	s28 =	sadd.s32 s12, s10  }
0xb: {  	s19 =	sshrl.u32 s11, $0x2;
	[dreg:$0x4] =	wrdreg s0;
	s20 =	sadd.s32 $0x80, s7  }
0xc: {  	s21 =	sadd.s32 s6, s14;
	s23 =	sadd.s32 $0x100, s7;
	s16 =	sadd.s32 $0x180, s7  }
0xd: {  	s14 =	sadd.s32 s5, s14;
	s9 =	sadd.s32 s19, s2;
	[dreg:$0x5] =	wrdreg s21  }
0xe: {  	s22 =	sshll.u32 s20, $0x7;
	s0 =	sshll.u32 s20, $0x4;
	s15 =	sshll.u32 s23, $0x7  }
0xf: {  	s21 =	sshll.u32 s23, $0x4;
	s25 =	sshll.u32 s16, $0x7;
	[dreg:$0xa] =	wrdreg s14  }
0x10: {  	s23 =	sadd.s32 $0x4400, s28;
	s11 =	sadd.s32 s22, s2;
	s13 =	sadd.s32 s6, s0  }
0x11: {  	s24 =	sadd.s32 s6, s21;
	s22 =	sshll.u32 s16, $0x4;
	s16 =	sadd.s32 $0x200, s7  }
0x12: {  	s20 =	sadd.s32 s5, s0;
	s21 =	sadd.s32 s5, s21;
	[dreg:$0x6] =	wrdreg s13  }
0x13: {  	s0 =	simm.s32 $0x0;
	s13 =	sadd.s32 s15, s2;
	[dreg:$0x7] =	wrdreg s24  }
0x14: {  	s15 =	sadd.s32 s25, s2;
	s17 =	sadd.s32 s6, s22;
	s26 =	sshll.u32 s16, $0x4  }
0x15: {  	s22 =	sadd.s32 s5, s22;
	s24 =	sadd.s32 $0x14400, s28;
	[dreg:$0x8] =	wrdreg s17  }
0x16: {  	v0 =	vimm.f32 $0.0e+00;
	v1 =	vlaneseq.u32;
	s25 =	sadd.s32 $0x24400, s28;
	[dreg:$0x9] =	wrdreg s26;
	s26 =	simm.s32 $0x80  }
.LBB2_1:
0x17: {  	s8 =	simm.s32 $0x0;
	s10 =	simm.s32 $0x200  }
.LBB2_2:
0x18: {  	p1 =	sne.s32 s10, $0xFE00;
	[tilespmem:s8+$0x7C70] =	vst v0  }
0x19: {  	[tilespmem:s8+$0x7C00] =	vst v0  }
0x1a: {  	[tilespmem:s8+$0x7C10] =	vst v0  }
.Ltmp0:
0x1b: {  	[tilespmem:s8+$0x7C20] =	vst v0;
	(pc) =	sbr.rel @p1 .LBB2_2-.Ltmp0, $4  }
0x1c: {  	[tilespmem:s8+$0x7C30] =	vst v0  }
0x1d: {  	[tilespmem:s8+$0x7C40] =	vst v0  }
0x1e: {  	[tilespmem:s8+$0x7C50] =	vst v0  }
0x1f: {  	[tilespmem:s8+$0x7C60] =	vst v0;
	s8 =	sshra.s32 s10, $0x2;
	s10 =	sadd.s32 $0x200, s10  }
0x20: {  	[tilespmem:s8+$0x7C70] =	vst v0  }
0x21: {  	[tilespmem:s8+$0x7C00] =	vst v0  }
0x22: {  	[tilespmem:s8+$0x7C10] =	vst v0  }
0x23: {  	[tilespmem:s8+$0x7C20] =	vst v0  }
0x24: {  	[tilespmem:s8+$0x7C30] =	vst v0  }
0x25: {  	[tilespmem:s8+$0x7C40] =	vst v0;
	s10 =	sadd.s32 $0x0, s7  }
0x26: {  	[tilespmem:s8+$0x7C50] =	vst v0;
	s12 =	sadd.s32 $0x70, s10  }
0x27: {  	[tilespmem:s8+$0x7C60] =	vst v0;
	s8 =	simm.s32 $0x7840;
	s14 =	sadd.s32 $0x10, s10;
	v2 =	vor.u32 s12, v1  }
0x28: {  	s19 =	sadd.s32 $0x50, s10;
	v3 =	vor.u32 s14, v1;
	[tilespmem:s8+$0x30] =	vst v2  }
0x29: {  	s14 =	sadd.s32 $0x20, s10;
	v4 =	vor.u32 s19, v1;
	[tilespmem:s8+$0xFFFFFFD0] =	vst v3  }
0x2a: {  	s17 =	sadd.s32 $0x30, s10;
	v2 =	vor.u32 s14, v1;
	[tilespmem:s8+$0x10] =	vst v4  }
0x2b: {  	s18 =	sadd.s32 $0x40, s10;
	v3 =	vor.u32 s17, v1;
	[tilespmem:s8+$0xFFFFFFE0] =	vst v2  }
0x2c: {  	s28 =	sadd.s32 $0x60, s10;
	v2 =	vor.u32 s18, v1;
	[tilespmem:s8+$0xFFFFFFF0] =	vst v3  }
0x2d: {  	s12 =	simm.s32 $0x100;
	v3 =	vor.u32 s28, v1;
	[tilespmem:s8+$0x0] =	vst v2;
	v2 =	vor.u32 s10, v1;
	s10 =	sadd.s32 $0x80, s7  }
.LBB2_4:
0x2e: {  	p1 =	sne.s32 s12, $0x200;
	v4 =	vor.u32 s10, v1;
	s14 =	sadd.s32 $0x10, s10;
	s28 =	sadd.s32 $0x70, s10;
	[tilespmem:s8+$0x20] =	vst v3  }
0x2f: {  	s17 =	sadd.s32 $0x30, s10;
	v3 =	vor.u32 s14, v1;
	s14 =	sadd.s32 $0x20, s10;
	v5 =	vor.u32 s28, v1;
	[tilespmem:s8+$0xFFFFFFC0] =	vst v2;
	s8 =	sadd.s32 $0x80, s8;
	v2 =	vmov v4  }
0x30: {  	v6 =	vor.u32 s17, v1;
	s17 =	sadd.s32 $0x50, s10;
	v4 =	vor.u32 s14, v1;
	s14 =	sadd.s32 $0x40, s10;
	s10 =	sadd.s32 $0x60, s10;
	[tilespmem:s8+$0x30] =	vst v5  }
.Ltmp1:
0x31: {  	v7 =	vor.u32 s17, v1;
	[tilespmem:s8+$0xFFFFFFD0] =	vst v3;
	v5 =	vor.u32 s14, v1;
	v3 =	vor.u32 s10, v1;
	(pc) =	sbr.rel @p1 .LBB2_4-.Ltmp1, $4  }
0x32: {  	[tilespmem:s8+$0xFFFFFFE0] =	vst v4  }
0x33: {  	[tilespmem:s8+$0xFFFFFFF0] =	vst v6  }
0x34: {  	[tilespmem:s8+$0x0] =	vst v5  }
0x35: {  	s10 =	sadd.s32 s12, s7;
	s12 =	sadd.s32 $0x80, s12;
	[tilespmem:s8+$0x10] =	vst v7  }
0x36: {  	s12 =	sadd.s32 $0x70, s10;
	[tilespmem:s8+$0x20] =	vst v3  }
0x37: {  	s14 =	sadd.s32 $0x10, s10;
	[tilespmem:s8+$0xFFFFFFC0] =	vst v2;
	s8 =	sadd.s32 $0x80, s8;
	v3 =	vor.u32 s12, v1  }
0x38: {  	s18 =	sadd.s32 $0x20, s10;
	v2 =	vor.u32 s14, v1;
	[tilespmem:s8+$0x30] =	vst v3  }
0x39: {  	s19 =	sadd.s32 $0x30, s10;
	v3 =	vor.u32 s18, v1;
	[tilespmem:s8+$0xFFFFFFD0] =	vst v2  }
0x3a: {  	s17 =	sadd.s32 $0x40, s10;
	v2 =	vor.u32 s19, v1;
	[tilespmem:s8+$0xFFFFFFE0] =	vst v3  }
0x3b: {  	s18 =	sadd.s32 $0x50, s10;
	v3 =	vor.u32 s17, v1;
	[tilespmem:s8+$0xFFFFFFF0] =	vst v2  }
0x3c: {  	s19 =	sadd.s32 $0x60, s10;
	v2 =	vor.u32 s18, v1;
	[tilespmem:s8+$0x0] =	vst v3  }
0x3d: {  	v3 =	vor.u32 s19, v1;
	[tilespmem:s8+$0x10] =	vst v2  }
0x3e: {  	v2 =	vor.u32 s10, v1;
	[tilespmem:s8+$0x20] =	vst v3  }
0x3f: {  	s12 =	simm.s32 $0x7800;
	[tilespmem:s8+$0xFFFFFFC0] =	vst v2  }
0x40: {  	[spmem:s2] =	stream.indirect.scatter [tilespmem:s29], [sflag:$0x1], $0x80, s12, s26, $0xb8;
	[tilespmem:$0x1FC00] =	vst v63  }
0x41: {  	s14 =	simm.s32 $0x7880  }
0x42: {  	[spmem:s2] =	stream.indirect.scatter [tilespmem:s29], [sflag:$0x1], $0x80, s14, s26, $0xb8;
	[tilespmem:$0x1FC00] =	vst v63  }
0x43: {  	s17 =	simm.s32 $0x7900  }
0x44: {  	[spmem:s2] =	stream.indirect.scatter [tilespmem:s29], [sflag:$0x1], $0x80, s17, s26, $0xb8;
	[tilespmem:$0x1FC00] =	vst v63  }
0x45: {  	s18 =	simm.s32 $0x7980  }
0x46: {  	[spmem:s2] =	stream.indirect.scatter [tilespmem:s29], [sflag:$0x1], $0x80, s18, s26, $0xb8;
	[tilespmem:$0x1FC00] =	vst v63  }
0x47: {  	s19 =	simm.s32 $0x7A00  }
0x48: {  	[spmem:s2] =	stream.indirect.scatter [tilespmem:s29], [sflag:$0x1], $0x80, s19, s26, $0xb8;
	[tilespmem:$0x1FC00] =	vst v63  }
0x49: {  	s10 =	simm.s32 $0x0;
	s12 =	sadd.s32 $0x0, s25  }
0x4a: {  	[tilespmem:s10], [sflag:$0x2] =	stream.linear.gather [hbm4b:s12+s3], $0x280, $0x38;
	[tilespmem:$0x1FC00] =	vst v63  }
0x4b: {  	_ =	swait.ge [sflag:s30], $0x280  }
0x4c: {  	[sflag:s30] =	ssyncset.done $0x0  }
0x4d: {  	s14 =	simm.s32 $0x2800;
	s17 =	sadd.s32 $0x0, s24;
	[sflag:s30] =	ssyncadd.s32 $0xFFFFFD80  }
0x4e: {  	[tilespmem:s14], [sflag:$0x2] =	stream.linear.gather [hbm4b:s17+s3], $0x280, $0x38;
	[tilespmem:$0x1FC00] =	vst v63  }
0x4f: {  	_ =	swait.ge [sflag:s30], $0x280  }
0x50: {  	s28 =	simm.s32 $0x280;
	[sflag:s30] =	ssyncset.done $0x0  }
0x51: {  	s18 =	simm.s32 $0x5000;
	s19 =	sadd.s32 $0x0, s23;
	[sflag:s30] =	ssyncadd.s32 $0xFFFFFD80  }
0x52: {  	[tilespmem:s18], [sflag:$0x2] =	stream.linear.gather [hbm4b:s19+s3], $0x280, $0x38;
	[tilespmem:$0x1FC00] =	vst v63  }
0x53: {  	s8 =	simm.s32 $0x80;
	s10 =	simm.s32 $0x5280;
	_ =	swait.ge [sflag:s30], $0x280  }
0x54: {  	s12 =	simm.s32 $0x2A80;
	s14 =	simm.s32 $0x100;
	[sflag:s30] =	ssyncset.done $0x0  }
.LBB2_6:
0x55: {  	s17 =	sadd.s32 s8, s25  }
0x56: {  	[sflag:s30] =	ssyncadd.s32 $0xFFFFFD80;
	s18 =	smov.u32 s14;
	s19 =	sadd.s32 $0x80, s14  }
0x57: {  	[tilespmem:s28], [sflag:$0x2] =	stream.linear.gather [hbm4b:s17+s3], $0x280, $0x38;
	[tilespmem:$0x1FC00] =	vst v63  }
0x58: {  	p1 =	sne.s32 s14, $0x780;
	_ =	swait.ge [sflag:s30], $0x280  }
0x59: {  	[sflag:s30] =	ssyncset.done $0x0  }
0x5a: {  	s14 =	sadd.s32 s8, s24;
	[sflag:s30] =	ssyncadd.s32 $0xFFFFFD80  }
0x5b: {  	[tilespmem:s12], [sflag:$0x2] =	stream.linear.gather [hbm4b:s14+s3], $0x280, $0x38;
	[tilespmem:$0x1FC00] =	vst v63  }
0x5c: {  	_ =	swait.ge [sflag:s30], $0x280  }
.Ltmp2:
0x5d: {  	[sflag:s30] =	ssyncset.done $0x0;
	(pc) =	sbr.rel @p1 .LBB2_6-.Ltmp2, $4  }
0x5e: {  	s14 =	sadd.s32 s8, s23;
	s8 =	smov.u32 s18;
	[sflag:s30] =	ssyncadd.s32 $0xFFFFFD80  }
0x5f: {  	[tilespmem:s10], [sflag:$0x2] =	stream.linear.gather [hbm4b:s14+s3], $0x280, $0x38;
	[tilespmem:$0x1FC00] =	vst v63  }
0x60: {  	s28 =	sadd.s32 $0x280, s28;
	s12 =	sadd.s32 $0x280, s12;
	_ =	swait.ge [sflag:s30], $0x280  }
0x61: {  	s10 =	sadd.s32 $0x280, s10;
	s14 =	smov.u32 s19;
	[sflag:s30] =	ssyncset.done $0x0  }
0x62: {  	s14 =	sadd.s32 s8, s25;
	[sflag:s30] =	ssyncadd.s32 $0xFFFFFD80  }
0x63: {  	[tilespmem:s28], [sflag:$0x2] =	stream.linear.gather [hbm4b:s14+s3], $0x280, $0x38;
	[tilespmem:$0x1FC00] =	vst v63  }
0x64: {  	_ =	swait.ge [sflag:s30], $0x280  }
0x65: {  	[sflag:s30] =	ssyncset.done $0x0  }
0x66: {  	s18 =	sadd.s32 s8, s24;
	[sflag:s30] =	ssyncadd.s32 $0xFFFFFD80  }
0x67: {  	[tilespmem:s12], [sflag:$0x2] =	stream.linear.gather [hbm4b:s18+s3], $0x280, $0x38;
	[tilespmem:$0x1FC00] =	vst v63  }
0x68: {  	_ =	swait.ge [sflag:s30], $0x280  }
0x69: {  	[sflag:s30] =	ssyncset.done $0x0  }
0x6a: {  	s19 =	sadd.s32 s8, s23;
	[sflag:s30] =	ssyncadd.s32 $0xFFFFFD80  }
0x6b: {  	[tilespmem:s10], [sflag:$0x2] =	stream.linear.gather [hbm4b:s19+s3], $0x280, $0x38;
	[tilespmem:$0x1FC00] =	vst v63  }
0x6c: {  	_ =	swait.ge [sflag:s30], $0x280  }
0x6d: {  	[sflag:s30] =	ssyncset.done $0x0  }
0x6e: {  	[sflag:s30] =	ssyncadd.s32 $0xFFFFFD80  }
0x6f: {  	_ =	swait.ge [sflag:s31], $0x4000  }
0x70: {  	[sflag:s31] =	ssyncset.done $0x0  }
0x71: {  	[sflag:s31] =	ssyncadd.s32 $0xFFFFC000  }
0x72: {  	_ =	swait.ge [sflag:s31], $0x4000  }
0x73: {  	[sflag:s31] =	ssyncset.done $0x0  }
0x74: {  	[sflag:s31] =	ssyncadd.s32 $0xFFFFC000  }
0x75: {  	_ =	swait.ge [sflag:s31], $0x4000  }
0x76: {  	[sflag:s31] =	ssyncset.done $0x0  }
0x77: {  	[sflag:s31] =	ssyncadd.s32 $0xFFFFC000  }
0x78: {  	_ =	swait.ge [sflag:s31], $0x4000  }
0x79: {  	[sflag:s31] =	ssyncset.done $0x0  }
0x7a: {  	[sflag:s31] =	ssyncadd.s32 $0xFFFFC000  }
0x7b: {  	_ =	swait.ge [sflag:s31], $0x4000  }
0x7c: {  	[sflag:s31] =	ssyncset.done $0x0  }
0x7d: {  	[sflag:s31] =	ssyncadd.s32 $0xFFFFC000  }
0x7e: {  	s28 =	simm.s32 $0x0;
	[bflag:$0x0] =	sbarrier.arrive $0xFFFF  }
.LBB2_8:
0x7f: {  	s8 =	sshll.u32 s28, $0x7  }
0x80: {  	s10 =	sadd.s32 $0x5000, s8  }
0x81: {  	v2 =	vmov s10  }
0x82: {  	[tilespmem:s29], [sflag:$0x1] =	stream.indirect.gather [hbm4b:s1+s26], $0x80, s8, s26, $0xb8;
	[tilespmem:$0x1FC00] =	vst v63  }
0x83: {  	_ =	swait.ge [sflag:s31], $0x4000  }
0x84: {  	s19 =	simm.s32 $0x0;
	[sflag:s31] =	ssyncset.done $0x0  }
0x85: {  	s12 =	simm.s32 $0x0;
	s10 =	sand.u32 $0x3FFFFFF0, s19;
	[sflag:s31] =	ssyncadd.s32 $0xFFFFC000  }
0x86: {  	v3 =	vld.idx.msk [tilespmem:v2+s10+$0x0 ss:$0x1], $0xffff;
	s10 =	sand.u32 $0x3FFFF800, s12  }
0x87: {  	v9 =	vld [tilespmem:s10+$0x7CC0]  }
0x88: {  	v10 =	vld [tilespmem:s10+$0x7CD0]  }
0x89: {  	v11 =	vld [tilespmem:s10+$0x7CB0]  }
0x8a: {  	v5 =	vld [tilespmem:s10+$0x7C20]  }
0x8b: {  	v6 =	vld [tilespmem:s10+$0x7C30]  }
0x8c: {  	v12 =	vld [tilespmem:s10+$0x7C60]  }
0x8d: {  	v13 =	vld [tilespmem:s10+$0x7C70];
	v4 =	vbroadcast v3, $0x0  }
0x8e: {  	v14 =	vld [tilespmem:s10+$0x7C80]  }
0x8f: {  	v15 =	vld [tilespmem:s10+$0x7C90];
	v5 =	vmul.f32 v5, v4  }
0x90: {  	v16 =	vld [tilespmem:s10+$0x7CA0];
	v6 =	vmul.f32 v6, v4  }
0x91: {  	v8 =	vld [tilespmem:s10+$0x8170];
	v27 =	vbroadcast v3, $0x1;
	v26 =	vmul.f32 v12, v4;
	[tilespmem:s10+$0x7C20] =	vst v5  }
0x92: {  	v28 =	vld [tilespmem:s10+$0x7CE0];
	v13 =	vmul.f32 v13, v4;
	[tilespmem:s10+$0x7C30] =	vst v6  }
0x93: {  	v29 =	vld [tilespmem:s10+$0x7CF0];
	v14 =	vmul.f32 v14, v27;
	[tilespmem:s10+$0x7C60] =	vst v26  }
0x94: {  	v30 =	vld [tilespmem:s10+$0x7D00];
	v15 =	vmul.f32 v15, v27;
	[tilespmem:s10+$0x7C70] =	vst v13  }
0x95: {  	v31 =	vld [tilespmem:s10+$0x7D10];
	v16 =	vmul.f32 v16, v27;
	[tilespmem:s10+$0x7C80] =	vst v14  }
0x96: {  	v32 =	vld [tilespmem:s10+$0x7D20];
	v11 =	vmul.f32 v11, v27;
	[tilespmem:s10+$0x7C90] =	vst v15  }
0x97: {  	v33 =	vld [tilespmem:s10+$0x7D30];
	v9 =	vmul.f32 v9, v27;
	[tilespmem:s10+$0x7CA0] =	vst v16  }
0x98: {  	v34 =	vld [tilespmem:s10+$0x7D40];
	v17 =	vbroadcast v3, $0x2;
	v10 =	vmul.f32 v10, v27;
	[tilespmem:s10+$0x7CB0] =	vst v11  }
0x99: {  	v35 =	vld [tilespmem:s10+$0x7D50];
	v12 =	vmul.f32 v29, v27;
	[tilespmem:s10+$0x7CC0] =	vst v9  }
0x9a: {  	v37 =	vld [tilespmem:s10+$0x7D60];
	v7 =	vbroadcast v3, $0xA;
	v36 =	vmul.f32 v30, v17;
	[tilespmem:s10+$0x7CD0] =	vst v10  }
0x9b: {  	v39 =	vld [tilespmem:s10+$0x7D70];
	v38 =	vmul.f32 v31, v17;
	[tilespmem:s10+$0x7CF0] =	vst v12  }
0x9c: {  	v40 =	vld [tilespmem:s10+$0x7D80];
	v5 =	vmul.f32 v8, v7;
	[tilespmem:s10+$0x7D00] =	vst v36  }
0x9d: {  	v41 =	vld [tilespmem:s10+$0x7D90];
	v13 =	vmul.f32 v28, v27;
	[tilespmem:s10+$0x7D10] =	vst v38  }
0x9e: {  	v42 =	vld [tilespmem:s10+$0x7DA0];
	v11 =	vmul.f32 v32, v17;
	[tilespmem:s10+$0x8170] =	vst v5  }
0x9f: {  	v43 =	vld [tilespmem:s10+$0x7DB0];
	v9 =	vmul.f32 v33, v17;
	[tilespmem:s10+$0x7CE0] =	vst v13  }
0xa0: {  	v44 =	vld [tilespmem:s10+$0x7DC0];
	v10 =	vmul.f32 v34, v17;
	[tilespmem:s10+$0x7D20] =	vst v11  }
0xa1: {  	v46 =	vld [tilespmem:s10+$0x7DD0];
	v45 =	vbroadcast v3, $0x3;
	v12 =	vmul.f32 v37, v17;
	[tilespmem:s10+$0x7D30] =	vst v9  }
0xa2: {  	v47 =	vld [tilespmem:s10+$0x7DE0];
	v14 =	vmul.f32 v39, v17;
	[tilespmem:s10+$0x7D40] =	vst v10  }
0xa3: {  	v48 =	vld [tilespmem:s10+$0x7DF0];
	v15 =	vmul.f32 v40, v45;
	[tilespmem:s10+$0x7D60] =	vst v12  }
0xa4: {  	v49 =	vld [tilespmem:s10+$0x7E00];
	v13 =	vmul.f32 v35, v17;
	[tilespmem:s10+$0x7D70] =	vst v14  }
0xa5: {  	v50 =	vld [tilespmem:s10+$0x7E10];
	v11 =	vmul.f32 v41, v45;
	[tilespmem:s10+$0x7D80] =	vst v15  }
0xa6: {  	v51 =	vld [tilespmem:s10+$0x7E20];
	v9 =	vmul.f32 v42, v45;
	[tilespmem:s10+$0x7D50] =	vst v13  }
0xa7: {  	v52 =	vld [tilespmem:s10+$0x7E30];
	v10 =	vmul.f32 v43, v45;
	[tilespmem:s10+$0x7D90] =	vst v11  }
0xa8: {  	v53 =	vld [tilespmem:s10+$0x7E40];
	v12 =	vmul.f32 v46, v45;
	[tilespmem:s10+$0x7DA0] =	vst v9  }
0xa9: {  	v55 =	vld [tilespmem:s10+$0x7E50];
	v14 =	vmul.f32 v47, v45;
	[tilespmem:s10+$0x7DB0] =	vst v10  }
0xaa: {  	v56 =	vld [tilespmem:s10+$0x7E60];
	v54 =	vbroadcast v3, $0x4;
	v15 =	vmul.f32 v48, v45;
	[tilespmem:s10+$0x7DD0] =	vst v12  }
0xab: {  	v57 =	vld [tilespmem:s10+$0x7E70];
	v13 =	vmul.f32 v44, v45;
	[tilespmem:s10+$0x7DE0] =	vst v14  }
0xac: {  	v58 =	vld [tilespmem:s10+$0x7E80];
	v11 =	vmul.f32 v49, v54;
	[tilespmem:s10+$0x7DF0] =	vst v15  }
0xad: {  	v59 =	vld [tilespmem:s10+$0x7E90];
	v9 =	vmul.f32 v50, v54;
	[tilespmem:s10+$0x7DC0] =	vst v13  }
0xae: {  	v60 =	vld [tilespmem:s10+$0x7EA0];
	v10 =	vmul.f32 v51, v54;
	[tilespmem:s10+$0x7E00] =	vst v11  }
0xaf: {  	v61 =	vld [tilespmem:s10+$0x7EB0];
	v12 =	vmul.f32 v53, v54;
	[tilespmem:s10+$0x7E10] =	vst v9  }
0xb0: {  	v62 =	vld [tilespmem:s10+$0x7EC0];
	v14 =	vmul.f32 v55, v54;
	[tilespmem:s10+$0x7E20] =	vst v10  }
0xb1: {  	v20 =	vld [tilespmem:s10+$0x7ED0];
	v15 =	vmul.f32 v56, v54;
	[tilespmem:s10+$0x7E40] =	vst v12  }
0xb2: {  	v21 =	vld [tilespmem:s10+$0x7EE0];
	v63 =	vbroadcast v3, $0x5;
	v13 =	vmul.f32 v52, v54;
	[tilespmem:s10+$0x7E50] =	vst v14  }
0xb3: {  	v22 =	vld [tilespmem:s10+$0x7EF0];
	v11 =	vmul.f32 v57, v54;
	[tilespmem:s10+$0x7E60] =	vst v15  }
0xb4: {  	v23 =	vld [tilespmem:s10+$0x7F00];
	v9 =	vmul.f32 v58, v63;
	[tilespmem:s10+$0x7E30] =	vst v13  }
0xb5: {  	v24 =	vld [tilespmem:s10+$0x7F10];
	v10 =	vmul.f32 v59, v63;
	[tilespmem:s10+$0x7E70] =	vst v11  }
0xb6: {  	v25 =	vld [tilespmem:s10+$0x7F20];
	v12 =	vmul.f32 v61, v63;
	[tilespmem:s10+$0x7E80] =	vst v9  }
0xb7: {  	v29 =	vld [tilespmem:s10+$0x7F50];
	v14 =	vmul.f32 v62, v63;
	[tilespmem:s10+$0x7E90] =	vst v10  }
0xb8: {  	v30 =	vld [tilespmem:s10+$0x7F60];
	v15 =	vmul.f32 v20, v63;
	[tilespmem:s10+$0x7EB0] =	vst v12  }
0xb9: {  	v26 =	vld [tilespmem:s10+$0x7F30];
	v13 =	vmul.f32 v60, v63;
	[tilespmem:s10+$0x7EC0] =	vst v14  }
0xba: {  	v27 =	vld [tilespmem:s10+$0x7F40];
	v28 =	vbroadcast v3, $0x6;
	v11 =	vmul.f32 v21, v63;
	[tilespmem:s10+$0x7ED0] =	vst v15  }
0xbb: {  	v31 =	vld [tilespmem:s10+$0x7F70];
	v9 =	vmul.f32 v22, v63;
	[tilespmem:s10+$0x7EA0] =	vst v13  }
0xbc: {  	v6 =	vld [tilespmem:s10+$0x8180];
	v10 =	vmul.f32 v23, v28;
	[tilespmem:s10+$0x7EE0] =	vst v11  }
0xbd: {  	v8 =	vld [tilespmem:s10+$0x8190];
	v12 =	vmul.f32 v25, v28;
	[tilespmem:s10+$0x7EF0] =	vst v9  }
0xbe: {  	v32 =	vld [tilespmem:s10+$0x7F80];
	v14 =	vmul.f32 v26, v28;
	[tilespmem:s10+$0x7F00] =	vst v10  }
0xbf: {  	v33 =	vld [tilespmem:s10+$0x7F90];
	v15 =	vmul.f32 v27, v28;
	[tilespmem:s10+$0x7F20] =	vst v12  }
0xc0: {  	v34 =	vld [tilespmem:s10+$0x7FA0];
	v13 =	vmul.f32 v24, v28;
	[tilespmem:s10+$0x7F30] =	vst v14  }
0xc1: {  	v35 =	vld [tilespmem:s10+$0x7FB0];
	v11 =	vmul.f32 v29, v28;
	[tilespmem:s10+$0x7F40] =	vst v15  }
0xc2: {  	v37 =	vbroadcast v3, $0x7;
	v59 =	vld [tilespmem:s10+$0x8100];
	v9 =	vmul.f32 v30, v28;
	[tilespmem:s10+$0x7F10] =	vst v13  }
0xc3: {  	v20 =	vld [tilespmem:s10+$0x8150];
	v10 =	vmul.f32 v31, v28;
	[tilespmem:s10+$0x7F50] =	vst v11  }
0xc4: {  	v36 =	vld [tilespmem:s10+$0x7FC0];
	v12 =	vmul.f32 v33, v37;
	[tilespmem:s10+$0x7F60] =	vst v9  }
0xc5: {  	v38 =	vld [tilespmem:s10+$0x7FD0];
	v14 =	vmul.f32 v34, v37;
	[tilespmem:s10+$0x7F70] =	vst v10  }
0xc6: {  	v39 =	vld [tilespmem:s10+$0x7FE0];
	v15 =	vmul.f32 v35, v37;
	[tilespmem:s10+$0x7F90] =	vst v12  }
0xc7: {  	v40 =	vld [tilespmem:s10+$0x7FF0];
	v21 =	vmul.f32 v59, v7;
	[tilespmem:s10+$0x7FA0] =	vst v14  }
0xc8: {  	v41 =	vld [tilespmem:s10+$0x8000];
	v28 =	vmul.f32 v20, v7;
	[tilespmem:s10+$0x7FB0] =	vst v15  }
0xc9: {  	v42 =	vld [tilespmem:s10+$0x8010];
	v13 =	vmul.f32 v32, v37;
	[tilespmem:s10+$0x8100] =	vst v21  }
0xca: {  	v43 =	vld [tilespmem:s10+$0x8020];
	v11 =	vmul.f32 v36, v37;
	[tilespmem:s10+$0x8150] =	vst v28  }
0xcb: {  	v5 =	vld [tilespmem:s10+$0x83D0];
	v46 =	vbroadcast v3, $0x8;
	v9 =	vmul.f32 v38, v37;
	[tilespmem:s10+$0x7F80] =	vst v13  }
0xcc: {  	v47 =	vld [tilespmem:s10+$0x8050];
	v10 =	vmul.f32 v39, v37;
	[tilespmem:s10+$0x7FC0] =	vst v11  }
0xcd: {  	v63 =	vld [tilespmem:s10+$0x8140];
	v12 =	vmul.f32 v41, v46;
	[tilespmem:s10+$0x7FD0] =	vst v9  }
0xce: {  	v23 =	vld [tilespmem:s10+$0x7C00];
	v31 =	vbroadcast v3, $0xB;
	v14 =	vmul.f32 v42, v46;
	[tilespmem:s10+$0x7FE0] =	vst v10  }
0xcf: {  	v48 =	vld [tilespmem:s10+$0x8060];
	v15 =	vmul.f32 v43, v46;
	[tilespmem:s10+$0x8000] =	vst v12  }
0xd0: {  	v44 =	vld [tilespmem:s10+$0x8030];
	v6 =	vmul.f32 v6, v31;
	[tilespmem:s10+$0x8010] =	vst v14  }
0xd1: {  	v45 =	vld [tilespmem:s10+$0x8040];
	v8 =	vmul.f32 v8, v31;
	[tilespmem:s10+$0x8020] =	vst v15  }
0xd2: {  	v49 =	vld [tilespmem:s10+$0x8070];
	v26 =	vmul.f32 v63, v7;
	[tilespmem:s10+$0x8180] =	vst v6  }
0xd3: {  	v50 =	vld [tilespmem:s10+$0x8080];
	v32 =	vmul.f32 v4, v23;
	[tilespmem:s10+$0x8190] =	vst v8  }
0xd4: {  	v51 =	vld [tilespmem:s10+$0x8090];
	v13 =	vmul.f32 v40, v37;
	[tilespmem:s10+$0x8140] =	vst v26  }
0xd5: {  	v53 =	vld [tilespmem:s10+$0x80B0];
	v11 =	vmul.f32 v44, v46;
	[tilespmem:s10+$0x7C00] =	vst v32  }
0xd6: {  	v33 =	vld [tilespmem:s10+$0x81D0];
	v9 =	vmul.f32 v45, v46;
	[tilespmem:s10+$0x7FF0] =	vst v13  }
0xd7: {  	v55 =	vbroadcast v3, $0x9;
	v34 =	vld [tilespmem:s10+$0x81E0];
	v10 =	vmul.f32 v47, v46;
	[tilespmem:s10+$0x8030] =	vst v11  }
0xd8: {  	v35 =	vld [tilespmem:s10+$0x81F0];
	v12 =	vmul.f32 v49, v46;
	[tilespmem:s10+$0x8040] =	vst v9  }
0xd9: {  	v52 =	vld [tilespmem:s10+$0x80A0];
	v14 =	vmul.f32 v50, v55;
	[tilespmem:s10+$0x8050] =	vst v10  }
0xda: {  	v54 =	vld [tilespmem:s10+$0x80C0];
	v15 =	vmul.f32 v51, v55;
	[tilespmem:s10+$0x8070] =	vst v12  }
0xdb: {  	v57 =	vld [tilespmem:s10+$0x80E0];
	v38 =	vmul.f32 v33, v31;
	[tilespmem:s10+$0x8080] =	vst v14  }
0xdc: {  	v58 =	vld [tilespmem:s10+$0x80F0];
	v45 =	vmul.f32 v34, v31;
	[tilespmem:s10+$0x8090] =	vst v15  }
0xdd: {  	v61 =	vld [tilespmem:s10+$0x8120];
	v8 =	vmul.f32 v35, v31;
	[tilespmem:s10+$0x81D0] =	vst v38  }
0xde: {  	v62 =	vld [tilespmem:s10+$0x8130];
	v13 =	vmul.f32 v48, v46;
	[tilespmem:s10+$0x81E0] =	vst v45  }
0xdf: {  	v36 =	vld [tilespmem:s10+$0x8200];
	v11 =	vmul.f32 v52, v55;
	[tilespmem:s10+$0x81F0] =	vst v8  }
0xe0: {  	v60 =	vld [tilespmem:s10+$0x8110];
	v9 =	vmul.f32 v53, v55;
	[tilespmem:s10+$0x8060] =	vst v13  }
0xe1: {  	v22 =	vld [tilespmem:s10+$0x8160];
	v41 =	vbroadcast v3, $0xC;
	v10 =	vmul.f32 v54, v55;
	[tilespmem:s10+$0x80A0] =	vst v11  }
0xe2: {  	v56 =	vld [tilespmem:s10+$0x80D0];
	v6 =	vbroadcast v3, $0xF;
	v12 =	vmul.f32 v57, v55;
	[tilespmem:s10+$0x80B0] =	vst v9  }
0xe3: {  	v14 =	vmul.f32 v58, v55;
	[tilespmem:s10+$0x80C0] =	vst v10  }
0xe4: {  	v5 =	vmul.f32 v5, v6;
	v17 =	vmul.f32 v36, v41;
	[tilespmem:s10+$0x80E0] =	vst v12  }
0xe5: {  	[tilespmem:s10+$0x80F0] =	vst v14;
	v11 =	vmul.f32 v60, v7;
	v9 =	vmul.f32 v61, v7  }
0xe6: {  	v24 =	vld [tilespmem:s10+$0x7C10];
	v10 =	vmul.f32 v62, v7;
	v7 =	vmul.f32 v22, v7;
	[tilespmem:s10+$0x83D0] =	vst v5  }
0xe7: {  	v25 =	vld [tilespmem:s10+$0x7C40];
	v13 =	vmul.f32 v56, v55;
	[tilespmem:s10+$0x8200] =	vst v17  }
0xe8: {  	[tilespmem:s10+$0x8160] =	vst v7;
	v7 =	vld [tilespmem:s10+$0x81C0]  }
0xe9: {  	v27 =	vld [tilespmem:s10+$0x7C50];
	[tilespmem:s10+$0x80D0] =	vst v13  }
0xea: {  	v43 =	vld [tilespmem:s10+$0x8270];
	[tilespmem:s10+$0x8110] =	vst v11  }
0xeb: {  	v50 =	vld [tilespmem:s10+$0x82E0];
	v14 =	vmul.f32 v24, v4;
	[tilespmem:s10+$0x8120] =	vst v9  }
0xec: {  	v29 =	vld [tilespmem:s10+$0x81A0];
	v5 =	vmul.f32 v25, v4;
	[tilespmem:s10+$0x8130] =	vst v10  }
0xed: {  	v30 =	vld [tilespmem:s10+$0x81B0];
	[tilespmem:s10+$0x7C10] =	vst v14;
	v7 =	vmul.f32 v7, v31  }
0xee: {  	v37 =	vld [tilespmem:s10+$0x8210];
	v49 =	vbroadcast v3, $0xD;
	v4 =	vmul.f32 v27, v4;
	[tilespmem:s10+$0x7C40] =	vst v5  }
0xef: {  	v17 =	vmul.f32 v43, v41;
	[tilespmem:s10+$0x81C0] =	vst v7;
	v7 =	vld [tilespmem:s10+$0x8260]  }
0xf0: {  	v40 =	vld [tilespmem:s10+$0x8240];
	v55 =	vmul.f32 v50, v49;
	[tilespmem:s10+$0x7C50] =	vst v4  }
0xf1: {  	v46 =	vld [tilespmem:s10+$0x82A0];
	v9 =	vmul.f32 v29, v31;
	[tilespmem:s10+$0x8270] =	vst v17  }
0xf2: {  	v10 =	vmul.f32 v30, v31;
	v4 =	vld [tilespmem:s10+$0x8290];
	[tilespmem:s10+$0x82E0] =	vst v55  }
0xf3: {  	v53 =	vld [tilespmem:s10+$0x8320];
	v11 =	vmul.f32 v37, v41;
	[tilespmem:s10+$0x81A0] =	vst v9  }
0xf4: {  	v54 =	vld [tilespmem:s10+$0x8330];
	[tilespmem:s10+$0x81B0] =	vst v10;
	v7 =	vmul.f32 v7, v41  }
0xf5: {  	v42 =	vld [tilespmem:s10+$0x8250];
	v14 =	vmul.f32 v40, v41;
	[tilespmem:s10+$0x8210] =	vst v11  }
0xf6: {  	v3 =	vbroadcast v3, $0xE;
	v13 =	vmul.f32 v46, v49;
	[tilespmem:s10+$0x8260] =	vst v7;
	v7 =	vld [tilespmem:s10+$0x82D0]  }
0xf7: {  	v44 =	vld [tilespmem:s10+$0x8280];
	[tilespmem:s10+$0x8240] =	vst v14;
	v4 =	vmul.f32 v4, v49  }
0xf8: {  	v47 =	vld [tilespmem:s10+$0x82B0];
	v12 =	vmul.f32 v53, v3;
	[tilespmem:s10+$0x82A0] =	vst v13  }
0xf9: {  	v8 =	vmul.f32 v54, v3;
	[tilespmem:s10+$0x8290] =	vst v4;
	v4 =	vld [tilespmem:s10+$0x8300]  }
0xfa: {  	v52 =	vld [tilespmem:s10+$0x8310];
	v10 =	vmul.f32 v42, v41;
	[tilespmem:s10+$0x8320] =	vst v12  }
0xfb: {  	v60 =	vld [tilespmem:s10+$0x83A0];
	[tilespmem:s10+$0x8330] =	vst v8;
	v7 =	vmul.f32 v7, v49  }
0xfc: {  	v51 =	vld [tilespmem:s10+$0x82F0];
	v11 =	vmul.f32 v44, v49;
	[tilespmem:s10+$0x8250] =	vst v10  }
0xfd: {  	v14 =	vmul.f32 v47, v49;
	[tilespmem:s10+$0x82D0] =	vst v7;
	v7 =	vld [tilespmem:s10+$0x8340]  }
0xfe: {  	v48 =	vld [tilespmem:s10+$0x82C0];
	[tilespmem:s10+$0x8280] =	vst v11;
	v4 =	vmul.f32 v4, v3  }
0xff: {  	v58 =	vld [tilespmem:s10+$0x8380];
	v13 =	vmul.f32 v52, v3;
	[tilespmem:s10+$0x82B0] =	vst v14  }
0x100: {  	v8 =	vmul.f32 v60, v6;
	[tilespmem:s10+$0x8300] =	vst v4;
	v4 =	vld [tilespmem:s10+$0x8370]  }
0x101: {  	v57 =	vld [tilespmem:s10+$0x8360];
	v11 =	vmul.f32 v51, v49;
	[tilespmem:s10+$0x8310] =	vst v13  }
0x102: {  	v59 =	vld [tilespmem:s10+$0x8390];
	[tilespmem:s10+$0x83A0] =	vst v8;
	v7 =	vmul.f32 v7, v3  }
0x103: {  	v56 =	vld [tilespmem:s10+$0x8350];
	v10 =	vmul.f32 v48, v49;
	[tilespmem:s10+$0x82F0] =	vst v11  }
0x104: {  	v13 =	vmul.f32 v58, v6;
	[tilespmem:s10+$0x8340] =	vst v7;
	v7 =	vld [tilespmem:s10+$0x83B0]  }
0x105: {  	v39 =	vld [tilespmem:s10+$0x8230];
	[tilespmem:s10+$0x82C0] =	vst v10;
	v4 =	vmul.f32 v4, v3  }
0x106: {  	v61 =	vld [tilespmem:s10+$0x83C0];
	v11 =	vmul.f32 v57, v3;
	[tilespmem:s10+$0x8380] =	vst v13  }
0x107: {  	v63 =	vld [tilespmem:s10+$0x83F0];
	[tilespmem:s10+$0x8370] =	vst v4;
	v4 =	vmul.f32 v59, v6  }
0x108: {  	v62 =	vld [tilespmem:s10+$0x83E0];
	[tilespmem:s10+$0x8360] =	vst v11;
	v3 =	vmul.f32 v56, v3  }
0x109: {  	[tilespmem:s10+$0x8390] =	vst v4;
	v4 =	vmul.f32 v7, v6  }
0x10a: {  	v5 =	vld [tilespmem:s10+$0x8220];
	[tilespmem:s10+$0x8350] =	vst v3;
	v7 =	vmul.f32 v39, v41  }
0x10b: {  	[tilespmem:s10+$0x83B0] =	vst v4;
	v4 =	vmul.f32 v61, v6  }
0x10c: {  	[tilespmem:s10+$0x8230] =	vst v7;
	v7 =	vmul.f32 v63, v6  }
0x10d: {  	v6 =	vmul.f32 v62, v6;
	[tilespmem:s10+$0x83C0] =	vst v4  }
0x10e: {  	[tilespmem:s10+$0x83F0] =	vst v7  }
0x10f: {  	s12 =	simm.s32 $0x1;
	v4 =	vmul.f32 v5, v41;
	[tilespmem:s10+$0x83E0] =	vst v6  }
.LBB2_9:
0x110: {  	s14 =	sshll.u32 s12, $0x4  }
0x111: {  	p1 =	sne.s32 s12, $0x7;
	[tilespmem:s10+$0x8220] =	vst v4;
	s10 =	smov.u32 s12;
	s12 =	sadd.s32 $0x1, s12  }
0x112: {  	s14 =	sand.u32 $0x3FFFFFF0, s14  }
0x113: {  	v3 =	vld.idx.msk [tilespmem:v2+s14+$0x0 ss:$0x1], $0xffff  }
0x114: {  	s10 =	sshll.u32 s10, $0xB  }
0x115: {  	s10 =	sand.u32 $0x3FFFF800, s10  }
0x116: {  	v10 =	vld [tilespmem:s10+$0x7CC0]  }
0x117: {  	v11 =	vld [tilespmem:s10+$0x7CD0]  }
0x118: {  	v12 =	vld [tilespmem:s10+$0x7CB0]  }
0x119: {  	v4 =	vbroadcast v3, $0x0;
	v9 =	vbroadcast v3, $0x4;
	v5 =	vld [tilespmem:s10+$0x7C20]  }
0x11a: {  	v7 =	vld [tilespmem:s10+$0x7C30]  }
0x11b: {  	v8 =	vld [tilespmem:s10+$0x8170]  }
0x11c: {  	v13 =	vld [tilespmem:s10+$0x7C60]  }
0x11d: {  	v14 =	vld [tilespmem:s10+$0x7C70]  }
0x11e: {  	v6 =	vbroadcast v3, $0xA;
	v5 =	vmul.f32 v5, v4;
	v15 =	vld [tilespmem:s10+$0x7C80]  }
0x11f: {  	v7 =	vmul.f32 v7, v4;
	v16 =	vld [tilespmem:s10+$0x7C90]  }
0x120: {  	[tilespmem:s10+$0x7C20] =	vst v5;
	v17 =	vld [tilespmem:s10+$0x7CA0];
	v5 =	vmul.f32 v8, v6  }
0x121: {  	[tilespmem:s10+$0x7C30] =	vst v7;
	v8 =	vmul.f32 v13, v4;
	v13 =	vbroadcast v3, $0x1;
	v7 =	vld [tilespmem:s10+$0x8180]  }
0x122: {  	v14 =	vmul.f32 v14, v4;
	[tilespmem:s10+$0x8170] =	vst v5;
	v5 =	vld [tilespmem:s10+$0x83D0]  }
0x123: {  	[tilespmem:s10+$0x7C60] =	vst v8;
	v15 =	vmul.f32 v15, v13;
	v8 =	vld [tilespmem:s10+$0x8190]  }
0x124: {  	[tilespmem:s10+$0x7C70] =	vst v14;
	v14 =	vmul.f32 v16, v13;
	v16 =	vld [tilespmem:s10+$0x7CE0]  }
0x125: {  	[tilespmem:s10+$0x7C80] =	vst v15;
	v15 =	vmul.f32 v17, v13;
	v17 =	vld [tilespmem:s10+$0x7CF0]  }
0x126: {  	v12 =	vmul.f32 v12, v13;
	[tilespmem:s10+$0x7C90] =	vst v14;
	v14 =	vld [tilespmem:s10+$0x7D00]  }
0x127: {  	v10 =	vmul.f32 v10, v13;
	[tilespmem:s10+$0x7CA0] =	vst v15;
	v15 =	vld [tilespmem:s10+$0x7D10]  }
0x128: {  	v11 =	vmul.f32 v11, v13;
	[tilespmem:s10+$0x7CB0] =	vst v12;
	v12 =	vld [tilespmem:s10+$0x7D20]  }
0x129: {  	[tilespmem:s10+$0x7CC0] =	vst v10;
	v10 =	vmul.f32 v16, v13;
	v16 =	vbroadcast v3, $0x2;
	v18 =	vld [tilespmem:s10+$0x7D30]  }
0x12a: {  	[tilespmem:s10+$0x7CD0] =	vst v11;
	v11 =	vmul.f32 v17, v13;
	v13 =	vld [tilespmem:s10+$0x7D40]  }
0x12b: {  	[tilespmem:s10+$0x7CE0] =	vst v10;
	v10 =	vmul.f32 v14, v16;
	v14 =	vld [tilespmem:s10+$0x7D50]  }
0x12c: {  	[tilespmem:s10+$0x7CF0] =	vst v11;
	v11 =	vmul.f32 v15, v16;
	v15 =	vld [tilespmem:s10+$0x7D60]  }
0x12d: {  	[tilespmem:s10+$0x7D00] =	vst v10;
	v10 =	vmul.f32 v12, v16;
	v12 =	vld [tilespmem:s10+$0x7D70]  }
0x12e: {  	[tilespmem:s10+$0x7D10] =	vst v11;
	v11 =	vmul.f32 v18, v16;
	v17 =	vld [tilespmem:s10+$0x7D80]  }
0x12f: {  	[tilespmem:s10+$0x7D20] =	vst v10;
	v10 =	vmul.f32 v13, v16;
	v13 =	vld [tilespmem:s10+$0x7D90]  }
0x130: {  	[tilespmem:s10+$0x7D30] =	vst v11;
	v11 =	vmul.f32 v14, v16;
	v14 =	vld [tilespmem:s10+$0x7DA0]  }
0x131: {  	[tilespmem:s10+$0x7D40] =	vst v10;
	v10 =	vmul.f32 v15, v16;
	v15 =	vbroadcast v3, $0x3;
	v18 =	vld [tilespmem:s10+$0x7DB0]  }
0x132: {  	[tilespmem:s10+$0x7D50] =	vst v11;
	v11 =	vmul.f32 v12, v16;
	v12 =	vld [tilespmem:s10+$0x7DC0]  }
0x133: {  	[tilespmem:s10+$0x7D60] =	vst v10;
	v10 =	vmul.f32 v17, v15;
	v16 =	vld [tilespmem:s10+$0x7DD0]  }
0x134: {  	[tilespmem:s10+$0x7D70] =	vst v11;
	v11 =	vmul.f32 v13, v15;
	v13 =	vld [tilespmem:s10+$0x7DE0]  }
0x135: {  	[tilespmem:s10+$0x7D80] =	vst v10;
	v10 =	vmul.f32 v14, v15;
	v14 =	vld [tilespmem:s10+$0x7DF0]  }
0x136: {  	[tilespmem:s10+$0x7D90] =	vst v11;
	v11 =	vmul.f32 v18, v15;
	v17 =	vld [tilespmem:s10+$0x7E00]  }
0x137: {  	[tilespmem:s10+$0x7DA0] =	vst v10;
	v10 =	vmul.f32 v12, v15;
	v12 =	vld [tilespmem:s10+$0x7E10]  }
0x138: {  	[tilespmem:s10+$0x7DB0] =	vst v11;
	v11 =	vmul.f32 v16, v15;
	v16 =	vld [tilespmem:s10+$0x7E20]  }
0x139: {  	[tilespmem:s10+$0x7DC0] =	vst v10;
	v10 =	vmul.f32 v13, v15;
	v13 =	vld [tilespmem:s10+$0x7E30]  }
0x13a: {  	[tilespmem:s10+$0x7DD0] =	vst v11;
	v11 =	vmul.f32 v14, v15;
	v14 =	vld [tilespmem:s10+$0x7E40]  }
0x13b: {  	[tilespmem:s10+$0x7DE0] =	vst v10;
	v10 =	vmul.f32 v17, v9;
	v15 =	vld [tilespmem:s10+$0x7E50]  }
0x13c: {  	[tilespmem:s10+$0x7DF0] =	vst v11;
	v11 =	vmul.f32 v12, v9;
	v12 =	vld [tilespmem:s10+$0x7E60]  }
0x13d: {  	[tilespmem:s10+$0x7E00] =	vst v10;
	v10 =	vmul.f32 v16, v9;
	v16 =	vld [tilespmem:s10+$0x7E70]  }
0x13e: {  	[tilespmem:s10+$0x7E10] =	vst v11;
	v11 =	vmul.f32 v13, v9;
	v13 =	vld [tilespmem:s10+$0x7E80]  }
0x13f: {  	[tilespmem:s10+$0x7E20] =	vst v10;
	v10 =	vmul.f32 v14, v9;
	v14 =	vld [tilespmem:s10+$0x7E90]  }
0x140: {  	[tilespmem:s10+$0x7E30] =	vst v11;
	v11 =	vmul.f32 v15, v9;
	v15 =	vld [tilespmem:s10+$0x7EA0]  }
0x141: {  	[tilespmem:s10+$0x7E40] =	vst v10;
	v10 =	vmul.f32 v12, v9;
	v12 =	vbroadcast v3, $0x5;
	v17 =	vld [tilespmem:s10+$0x7EB0]  }
0x142: {  	[tilespmem:s10+$0x7E50] =	vst v11;
	v9 =	vmul.f32 v16, v9;
	v11 =	vld [tilespmem:s10+$0x7EC0]  }
0x143: {  	[tilespmem:s10+$0x7E60] =	vst v10;
	v10 =	vmul.f32 v13, v12;
	v13 =	vld [tilespmem:s10+$0x7ED0]  }
0x144: {  	[tilespmem:s10+$0x7E70] =	vst v9;
	v9 =	vmul.f32 v14, v12;
	v14 =	vld [tilespmem:s10+$0x7EE0]  }
0x145: {  	[tilespmem:s10+$0x7E80] =	vst v10;
	v10 =	vmul.f32 v15, v12;
	v15 =	vld [tilespmem:s10+$0x7EF0]  }
0x146: {  	[tilespmem:s10+$0x7E90] =	vst v9;
	v9 =	vmul.f32 v17, v12;
	v16 =	vld [tilespmem:s10+$0x7F00]  }
0x147: {  	[tilespmem:s10+$0x7EA0] =	vst v10;
	v10 =	vmul.f32 v11, v12;
	v11 =	vld [tilespmem:s10+$0x7F10]  }
0x148: {  	[tilespmem:s10+$0x7EB0] =	vst v9;
	v9 =	vmul.f32 v13, v12;
	v13 =	vld [tilespmem:s10+$0x7F20]  }
0x149: {  	[tilespmem:s10+$0x7EC0] =	vst v10;
	v10 =	vmul.f32 v14, v12;
	v14 =	vbroadcast v3, $0x6;
	v17 =	vld [tilespmem:s10+$0x7F30]  }
0x14a: {  	[tilespmem:s10+$0x7ED0] =	vst v9;
	v9 =	vmul.f32 v15, v12;
	v12 =	vld [tilespmem:s10+$0x7F40]  }
0x14b: {  	[tilespmem:s10+$0x7EE0] =	vst v10;
	v10 =	vmul.f32 v16, v14;
	v15 =	vld [tilespmem:s10+$0x7F50]  }
0x14c: {  	[tilespmem:s10+$0x7EF0] =	vst v9;
	v9 =	vmul.f32 v11, v14;
	v11 =	vld [tilespmem:s10+$0x7F60]  }
0x14d: {  	[tilespmem:s10+$0x7F00] =	vst v10;
	v10 =	vmul.f32 v13, v14;
	v13 =	vld [tilespmem:s10+$0x7F70]  }
0x14e: {  	[tilespmem:s10+$0x7F10] =	vst v9;
	v9 =	vmul.f32 v17, v14;
	v16 =	vld [tilespmem:s10+$0x7F80]  }
0x14f: {  	[tilespmem:s10+$0x7F20] =	vst v10;
	v10 =	vmul.f32 v12, v14;
	v12 =	vld [tilespmem:s10+$0x7F90]  }
0x150: {  	[tilespmem:s10+$0x7F30] =	vst v9;
	v9 =	vmul.f32 v15, v14;
	v15 =	vld [tilespmem:s10+$0x7FA0]  }
0x151: {  	[tilespmem:s10+$0x7F40] =	vst v10;
	v10 =	vmul.f32 v11, v14;
	v11 =	vbroadcast v3, $0x7;
	v17 =	vld [tilespmem:s10+$0x7FB0]  }
0x152: {  	[tilespmem:s10+$0x7F50] =	vst v9;
	v9 =	vmul.f32 v13, v14;
	v13 =	vld [tilespmem:s10+$0x7FC0]  }
0x153: {  	[tilespmem:s10+$0x7F60] =	vst v10;
	v10 =	vmul.f32 v16, v11;
	v14 =	vld [tilespmem:s10+$0x7FD0]  }
0x154: {  	[tilespmem:s10+$0x7F70] =	vst v9;
	v9 =	vmul.f32 v12, v11;
	v12 =	vld [tilespmem:s10+$0x7FE0]  }
0x155: {  	[tilespmem:s10+$0x7F80] =	vst v10;
	v10 =	vmul.f32 v15, v11;
	v15 =	vld [tilespmem:s10+$0x7FF0]  }
0x156: {  	[tilespmem:s10+$0x7F90] =	vst v9;
	v9 =	vmul.f32 v17, v11;
	v16 =	vld [tilespmem:s10+$0x8000]  }
0x157: {  	[tilespmem:s10+$0x7FA0] =	vst v10;
	v10 =	vmul.f32 v13, v11;
	v13 =	vld [tilespmem:s10+$0x8010]  }
0x158: {  	[tilespmem:s10+$0x7FB0] =	vst v9;
	v9 =	vmul.f32 v14, v11;
	v14 =	vld [tilespmem:s10+$0x8020]  }
0x159: {  	[tilespmem:s10+$0x7FC0] =	vst v10;
	v10 =	vmul.f32 v12, v11;
	v12 =	vbroadcast v3, $0x8;
	v17 =	vld [tilespmem:s10+$0x8030]  }
0x15a: {  	[tilespmem:s10+$0x7FD0] =	vst v9;
	v9 =	vmul.f32 v15, v11;
	v11 =	vld [tilespmem:s10+$0x8040]  }
0x15b: {  	[tilespmem:s10+$0x7FE0] =	vst v10;
	v10 =	vmul.f32 v16, v12;
	v15 =	vld [tilespmem:s10+$0x8050]  }
0x15c: {  	[tilespmem:s10+$0x7FF0] =	vst v9;
	v9 =	vmul.f32 v13, v12;
	v13 =	vld [tilespmem:s10+$0x8060]  }
0x15d: {  	[tilespmem:s10+$0x8000] =	vst v10;
	v10 =	vmul.f32 v14, v12;
	v14 =	vld [tilespmem:s10+$0x8070]  }
0x15e: {  	[tilespmem:s10+$0x8010] =	vst v9;
	v9 =	vmul.f32 v17, v12;
	v16 =	vld [tilespmem:s10+$0x8080]  }
0x15f: {  	[tilespmem:s10+$0x8020] =	vst v10;
	v10 =	vmul.f32 v11, v12;
	v11 =	vld [tilespmem:s10+$0x8090]  }
0x160: {  	[tilespmem:s10+$0x8030] =	vst v9;
	v9 =	vmul.f32 v15, v12;
	v15 =	vld [tilespmem:s10+$0x80A0]  }
0x161: {  	[tilespmem:s10+$0x8040] =	vst v10;
	v10 =	vmul.f32 v13, v12;
	v13 =	vbroadcast v3, $0x9;
	v17 =	vld [tilespmem:s10+$0x80B0]  }
0x162: {  	[tilespmem:s10+$0x8050] =	vst v9;
	v9 =	vmul.f32 v14, v12;
	v12 =	vld [tilespmem:s10+$0x80C0]  }
0x163: {  	[tilespmem:s10+$0x8060] =	vst v10;
	v10 =	vmul.f32 v16, v13;
	v14 =	vld [tilespmem:s10+$0x80D0]  }
0x164: {  	[tilespmem:s10+$0x8070] =	vst v9;
	v9 =	vmul.f32 v11, v13;
	v11 =	vld [tilespmem:s10+$0x80E0]  }
0x165: {  	[tilespmem:s10+$0x8080] =	vst v10;
	v10 =	vmul.f32 v15, v13;
	v15 =	vld [tilespmem:s10+$0x80F0]  }
0x166: {  	[tilespmem:s10+$0x8090] =	vst v9;
	v9 =	vmul.f32 v17, v13;
	v16 =	vld [tilespmem:s10+$0x8100]  }
0x167: {  	[tilespmem:s10+$0x80A0] =	vst v10;
	v10 =	vmul.f32 v12, v13;
	v12 =	vld [tilespmem:s10+$0x8110]  }
0x168: {  	[tilespmem:s10+$0x80B0] =	vst v9;
	v9 =	vmul.f32 v14, v13;
	v14 =	vld [tilespmem:s10+$0x8120]  }
0x169: {  	[tilespmem:s10+$0x80C0] =	vst v10;
	v10 =	vmul.f32 v11, v13;
	v11 =	vld [tilespmem:s10+$0x8130]  }
0x16a: {  	[tilespmem:s10+$0x80D0] =	vst v9;
	v9 =	vmul.f32 v15, v13;
	v13 =	vld [tilespmem:s10+$0x8140]  }
0x16b: {  	[tilespmem:s10+$0x80E0] =	vst v10;
	v10 =	vmul.f32 v16, v6;
	v15 =	vld [tilespmem:s10+$0x8150]  }
0x16c: {  	[tilespmem:s10+$0x80F0] =	vst v9;
	v9 =	vmul.f32 v12, v6;
	v12 =	vld [tilespmem:s10+$0x8160]  }
0x16d: {  	v16 =	vld [tilespmem:s10+$0x7C00];
	[tilespmem:s10+$0x8100] =	vst v10;
	v10 =	vmul.f32 v14, v6  }
0x16e: {  	v14 =	vld [tilespmem:s10+$0x7C10];
	[tilespmem:s10+$0x8110] =	vst v9;
	v9 =	vmul.f32 v11, v6  }
0x16f: {  	v11 =	vld [tilespmem:s10+$0x7C40];
	[tilespmem:s10+$0x8120] =	vst v10;
	v10 =	vmul.f32 v13, v6  }
0x170: {  	v13 =	vld [tilespmem:s10+$0x7C50];
	[tilespmem:s10+$0x8130] =	vst v9;
	v9 =	vmul.f32 v15, v6  }
0x171: {  	[tilespmem:s10+$0x8140] =	vst v10;
	v10 =	vmul.f32 v12, v6;
	v12 =	vbroadcast v3, $0xB;
	v15 =	vld [tilespmem:s10+$0x81A0]  }
0x172: {  	v6 =	vbroadcast v3, $0xF;
	v16 =	vmul.f32 v4, v16;
	[tilespmem:s10+$0x8150] =	vst v9;
	v9 =	vld [tilespmem:s10+$0x81B0]  }
0x173: {  	v14 =	vmul.f32 v14, v4;
	[tilespmem:s10+$0x8160] =	vst v10;
	v7 =	vmul.f32 v7, v12;
	v10 =	vld [tilespmem:s10+$0x81C0]  }
0x174: {  	v8 =	vmul.f32 v8, v12;
	[tilespmem:s10+$0x7C00] =	vst v16;
	v11 =	vmul.f32 v11, v4;
	v16 =	vld [tilespmem:s10+$0x81D0]  }
0x175: {  	v5 =	vmul.f32 v5, v6;
	v13 =	vmul.f32 v13, v4;
	[tilespmem:s10+$0x8180] =	vst v7;
	v4 =	vld [tilespmem:s10+$0x81E0]  }
0x176: {  	[tilespmem:s10+$0x8190] =	vst v8;
	v7 =	vmul.f32 v15, v12;
	v8 =	vld [tilespmem:s10+$0x81F0]  }
0x177: {  	v9 =	vmul.f32 v9, v12;
	v15 =	vld [tilespmem:s10+$0x8200];
	[tilespmem:s10+$0x83D0] =	vst v5  }
0x178: {  	[tilespmem:s10+$0x7C10] =	vst v14;
	v5 =	vmul.f32 v10, v12;
	v10 =	vld [tilespmem:s10+$0x8210]  }
0x179: {  	[tilespmem:s10+$0x7C40] =	vst v11;
	v11 =	vmul.f32 v16, v12;
	v14 =	vld [tilespmem:s10+$0x8220]  }
0x17a: {  	v16 =	vbroadcast v3, $0xC;
	[tilespmem:s10+$0x81A0] =	vst v7;
	v7 =	vmul.f32 v4, v12;
	v17 =	vld [tilespmem:s10+$0x8230]  }
0x17b: {  	[tilespmem:s10+$0x81D0] =	vst v11;
	v8 =	vmul.f32 v8, v12;
	v11 =	vld [tilespmem:s10+$0x8240]  }
0x17c: {  	[tilespmem:s10+$0x81B0] =	vst v9;
	v4 =	vmul.f32 v15, v16;
	v9 =	vld [tilespmem:s10+$0x8250]  }
0x17d: {  	[tilespmem:s10+$0x81C0] =	vst v5;
	v5 =	vmul.f32 v10, v16;
	v10 =	vld [tilespmem:s10+$0x8260]  }
0x17e: {  	[tilespmem:s10+$0x8200] =	vst v4;
	v4 =	vmul.f32 v14, v16;
	v12 =	vld [tilespmem:s10+$0x8270]  }
0x17f: {  	[tilespmem:s10+$0x8210] =	vst v5;
	v5 =	vld [tilespmem:s10+$0x8280]  }
0x180: {  	[tilespmem:s10+$0x7C50] =	vst v13;
	v11 =	vmul.f32 v11, v16;
	v13 =	vld [tilespmem:s10+$0x8290]  }
0x181: {  	[tilespmem:s10+$0x81E0] =	vst v7;
	v7 =	vmul.f32 v9, v16;
	v9 =	vld [tilespmem:s10+$0x82A0]  }
0x182: {  	[tilespmem:s10+$0x8240] =	vst v11;
	v10 =	vmul.f32 v10, v16;
	v11 =	vbroadcast v3, $0xD;
	v14 =	vld [tilespmem:s10+$0x82B0]  }
0x183: {  	[tilespmem:s10+$0x8250] =	vst v7;
	v7 =	vmul.f32 v12, v16;
	v12 =	vld [tilespmem:s10+$0x82C0]  }
0x184: {  	[tilespmem:s10+$0x8260] =	vst v10;
	v5 =	vmul.f32 v5, v11;
	v10 =	vld [tilespmem:s10+$0x82D0]  }
0x185: {  	[tilespmem:s10+$0x8270] =	vst v7;
	v7 =	vmul.f32 v13, v11;
	v13 =	vld [tilespmem:s10+$0x82E0]  }
0x186: {  	[tilespmem:s10+$0x8280] =	vst v5;
	v5 =	vmul.f32 v9, v11;
	v9 =	vld [tilespmem:s10+$0x82F0]  }
0x187: {  	[tilespmem:s10+$0x8290] =	vst v7;
	v7 =	vmul.f32 v14, v11;
	v14 =	vld [tilespmem:s10+$0x8300]  }
0x188: {  	[tilespmem:s10+$0x82A0] =	vst v5;
	v5 =	vmul.f32 v12, v11;
	v12 =	vld [tilespmem:s10+$0x8310]  }
0x189: {  	[tilespmem:s10+$0x82B0] =	vst v7;
	v7 =	vmul.f32 v10, v11;
	v10 =	vld [tilespmem:s10+$0x8320]  }
0x18a: {  	v3 =	vbroadcast v3, $0xE;
	[tilespmem:s10+$0x81F0] =	vst v8;
	v8 =	vmul.f32 v13, v11;
	v13 =	vld [tilespmem:s10+$0x8330]  }
0x18b: {  	[tilespmem:s10+$0x82D0] =	vst v7;
	v7 =	vmul.f32 v9, v11;
	v9 =	vld [tilespmem:s10+$0x8340]  }
0x18c: {  	[tilespmem:s10+$0x82E0] =	vst v8;
	v8 =	vmul.f32 v14, v3;
	v11 =	vld [tilespmem:s10+$0x8350]  }
0x18d: {  	[tilespmem:s10+$0x82F0] =	vst v7;
	v7 =	vmul.f32 v12, v3;
	v12 =	vld [tilespmem:s10+$0x8360]  }
0x18e: {  	[tilespmem:s10+$0x8300] =	vst v8;
	v8 =	vmul.f32 v10, v3;
	v10 =	vld [tilespmem:s10+$0x8370]  }
0x18f: {  	[tilespmem:s10+$0x8310] =	vst v7;
	v7 =	vmul.f32 v13, v3;
	v13 =	vld [tilespmem:s10+$0x8380]  }
0x190: {  	[tilespmem:s10+$0x8320] =	vst v8;
	v8 =	vmul.f32 v9, v3;
	v9 =	vld [tilespmem:s10+$0x8390]  }
0x191: {  	[tilespmem:s10+$0x8330] =	vst v7;
	v7 =	vmul.f32 v11, v3;
	v11 =	vld [tilespmem:s10+$0x83A0]  }
0x192: {  	[tilespmem:s10+$0x8340] =	vst v8;
	v8 =	vmul.f32 v12, v3;
	v12 =	vld [tilespmem:s10+$0x83B0]  }
0x193: {  	[tilespmem:s10+$0x82C0] =	vst v5;
	v3 =	vmul.f32 v10, v3;
	v5 =	vld [tilespmem:s10+$0x83C0]  }
0x194: {  	[tilespmem:s10+$0x8360] =	vst v8;
	v8 =	vmul.f32 v13, v6;
	v10 =	vld [tilespmem:s10+$0x83E0]  }
0x195: {  	[tilespmem:s10+$0x8370] =	vst v3;
	v3 =	vmul.f32 v9, v6;
	v9 =	vld [tilespmem:s10+$0x83F0]  }
0x196: {  	[tilespmem:s10+$0x8380] =	vst v8;
	v8 =	vmul.f32 v11, v6  }
0x197: {  	[tilespmem:s10+$0x8390] =	vst v3;
	v3 =	vmul.f32 v12, v6  }
0x198: {  	v11 =	vmul.f32 v17, v16;
	[tilespmem:s10+$0x83A0] =	vst v8  }
0x199: {  	[tilespmem:s10+$0x83B0] =	vst v3;
	v3 =	vmul.f32 v5, v6  }
.Ltmp3:
0x19a: {  	[tilespmem:s10+$0x8230] =	vst v11;
	v5 =	vmul.f32 v9, v6;
	(pc) =	sbr.rel @p1 .LBB2_9-.Ltmp3, $4  }
0x19b: {  	[tilespmem:s10+$0x83C0] =	vst v3  }
0x19c: {  	v3 =	vmul.f32 v10, v6;
	[tilespmem:s10+$0x83F0] =	vst v5  }
0x19d: {  	[tilespmem:s10+$0x8350] =	vst v7  }
0x19e: {  	[tilespmem:s10+$0x83E0] =	vst v3  }
0x19f: {  	s28 =	sadd.s32 $0x1, s28  }
0x1a0: {  	p1 =	sne.s32 s28, $0x50  }
.Ltmp4:
0x1a1: {  	[tilespmem:s10+$0x8220] =	vst v4;
	s8 =	sadd.s32 $0x2800, s8;
	(pc) =	sbr.rel @p1 .LBB2_8-.Ltmp4, $4  }
0x1a2: {  	[spmem:s2] =	stream.indirect.scatter.add.f32 [tilespmem:s29], [sflag:$0x2], $0x80, s8, s26, $0xb8;
	[tilespmem:$0x1FC00] =	vst v63  }
0x1a3: {  	_ =	swait.ge [sflag:s30], $0x4000  }
0x1a4: {  	[sflag:s30] =	ssyncset.done $0x0  }
0x1a5: {  	[sflag:s30] =	ssyncadd.s32 $0xFFFFC000  }
0x1a6: {  	s8 =	sshll.u32 @p0 s4, $0x6;
	[bflag:$0x0] =	sbarrier.arrive $0xFFFF  }
0x1a7: {  	s10 =	sshrl.u32 @p0 s9, $0x3;
	s8 =	sor.u32 @p0 $0x1C03, s8;
	s12 =	rddreg [dreg:$0xa]  }
0x1a8: {  	[hbm:s12], [sflag:s8] =	dma.local @p0 [spmem:s10], $0x800  }
0x1a9: {  	s10 =	simm.s32 @p0 $0x3  }
0x1aa: {  	_ =	swait.ge @p0 [sflag:s10], $0x800  }
0x1ab: {  	[sflag:s10] =	ssyncset.done @p0 $0x0  }
0x1ac: {  	s12 =	sshrl.u32 @p0 s11, $0x3;
	[sflag:s10] =	ssyncadd.s32 @p0 $0xFFFFF800  }
0x1ad: {  	[hbm:s20], [sflag:s8] =	dma.local @p0 [spmem:s12], $0x800  }
0x1ae: {  	_ =	swait.ge @p0 [sflag:s10], $0x800  }
0x1af: {  	[sflag:s10] =	ssyncset.done @p0 $0x0  }
0x1b0: {  	s12 =	sshrl.u32 @p0 s13, $0x3;
	[sflag:s10] =	ssyncadd.s32 @p0 $0xFFFFF800  }
0x1b1: {  	[hbm:s21], [sflag:s8] =	dma.local @p0 [spmem:s12], $0x800  }
0x1b2: {  	_ =	swait.ge @p0 [sflag:s10], $0x800  }
0x1b3: {  	[sflag:s10] =	ssyncset.done @p0 $0x0  }
0x1b4: {  	s12 =	sshrl.u32 @p0 s15, $0x3;
	[sflag:s10] =	ssyncadd.s32 @p0 $0xFFFFF800  }
0x1b5: {  	[hbm:s22], [sflag:s8] =	dma.local @p0 [spmem:s12], $0x800  }
0x1b6: {  	s8 =	sshll.u32 @!p0 s4, $0x6;
	_ =	swait.ge @p0 [sflag:s10], $0x800  }
0x1b7: {  	s8 =	sor.u32 @!p0 $0x1C02, s8;
	[sflag:s10] =	ssyncset.done @p0 $0x0  }
0x1b8: {  	s12 =	rddreg [dreg:$0x5];
	[sflag:s10] =	ssyncadd.s32 @p0 $0xFFFFF800;
	s10 =	sshrl.u32 @!p0 s9, $0x3  }
0x1b9: {  	[hbm:s12], [sflag:s8] =	dma.local @!p0 [spmem:s10], $0x800  }
0x1ba: {  	s10 =	simm.s32 @!p0 $0x2  }
0x1bb: {  	_ =	swait.ge @!p0 [sflag:s10], $0x800  }
0x1bc: {  	[sflag:s10] =	ssyncset.done @!p0 $0x0  }
0x1bd: {  	s12 =	sshrl.u32 @!p0 s11, $0x3;
	s14 =	rddreg [dreg:$0x6];
	[sflag:s10] =	ssyncadd.s32 @!p0 $0xFFFFF800  }
0x1be: {  	[hbm:s14], [sflag:s8] =	dma.local @!p0 [spmem:s12], $0x800  }
0x1bf: {  	_ =	swait.ge @!p0 [sflag:s10], $0x800  }
0x1c0: {  	[sflag:s10] =	ssyncset.done @!p0 $0x0  }
0x1c1: {  	s12 =	sshrl.u32 @!p0 s13, $0x3;
	s14 =	rddreg [dreg:$0x7];
	[sflag:s10] =	ssyncadd.s32 @!p0 $0xFFFFF800  }
0x1c2: {  	[hbm:s14], [sflag:s8] =	dma.local @!p0 [spmem:s12], $0x800  }
0x1c3: {  	_ =	swait.ge @!p0 [sflag:s10], $0x800  }
0x1c4: {  	[sflag:s10] =	ssyncset.done @!p0 $0x0  }
0x1c5: {  	s12 =	sshrl.u32 @!p0 s15, $0x3;
	s14 =	rddreg [dreg:$0x8];
	[sflag:s10] =	ssyncadd.s32 @!p0 $0xFFFFF800  }
0x1c6: {  	[hbm:s14], [sflag:s8] =	dma.local @!p0 [spmem:s12], $0x800  }
0x1c7: {  	s18 =	sshll.u32 s16, $0x7;
	_ =	swait.ge @!p0 [sflag:s10], $0x800  }
0x1c8: {  	s19 =	sshll.u32 s4, $0x6;
	s8 =	smov.u32 s6;
	[sflag:s10] =	ssyncset.done @!p0 $0x0  }
0x1c9: {  	s12 =	sadd.s32 s18, s2;
	[sflag:s10] =	ssyncadd.s32 @!p0 $0xFFFFF800;
	s10 =	simm.s32 @p0 $0x3  }
0x1ca: {  	s8 =	smov.u32 @p0 s5;
	s17 =	rddreg [dreg:$0x9];
	s14 =	sadd.s32 s10, s19  }
0x1cb: {  	s12 =	sshrl.u32 s12, $0x3;
	s8 =	sadd.s32 s8, s17;
	s14 =	sadd.s32 $0x1C00, s14  }
0x1cc: {  	[hbm:s8], [sflag:s14] =	dma.local [spmem:s12], $0x800  }
0x1cd: {  	_ =	swait.ge [sflag:s10], $0x800  }
0x1ce: {  	s0 =	sadd.s32 $0x1, s0;
	s28 =	rddreg [dreg:$0x4]  }
0x1cf: {  	p1 =	sne.s32 s0, s28  }
.Ltmp5:
0x1d0: {  	_ = 	snop;
	(pc) =	sbr.rel @p1 .LBB2_1-.Ltmp5, $3  }
0x1d1: {  	_ =	sdelay $0x1  }
0x1d2: {  	[sflag:s10] =	ssyncset.done $0x0  }
0x1d3: {  	[sflag:s10] =	ssyncadd.s32 $0xFFFFF800  }
0x1d4: {  	_ =	sfence.sel $0x180000  }
0x1d5: {  	[bflag:$0x0] =	sbarrier.arrive $0xFFFF  }
0x1d6: {  	_ =	strace $0x9000004D  }
0x1d7: {  	[bflag:$0x2] =	sbarrier.arrive $0xFFFF  }
0x1d8: {  	p0 =	sne.s32 s4, $0x0;
	s0 =	rddreg [dreg:$0x3]  }
0x1d9: {  	s0 =	sadd.s32 @!p0 $0x100000, s0  }
0x1da: {  	[sflag:s0] =	ssyncadd.tile.s32 @!p0 $0x1;
	_ =	shalt  }
.Lfunc_end2:
_tile_overlayer_lowered:
.L_overlay_start_2:
0x1db: {  	(tag) =	ssettag $0x2  }
0x1dc: {  	s0 =	rddreg [dreg:$0x0];
	s2 =	stileid.u32  }
0x1dd: {  	s1 =	rddreg [dreg:$0x1];
	p0 =	sne.s32 s2, $0x0  }
0x1de: {  	s3 =	rddreg [dreg:$0x2];
	[bflag:$0x3] =	sbarrier.arrive $0xFFFF;
	s2 =	simm.s32 @!p0 $0x1C02  }
0x1df: {  	[timem:s3], [sflag:s2] =	dma.local @!p0 [hbm:s0], s1  }
0x1e0: {  	s0 =	simm.s32 @!p0 $0x2  }
0x1e1: {  	_ =	swait.ge @!p0 [sflag:s0], s1  }
0x1e2: {  	s1 =	ssub.s32 @!p0 $0x0, s1;
	[sflag:s0] =	ssyncset.done @!p0 $0x0  }
0x1e3: {  	[sflag:s0] =	ssyncadd.s32 @!p0 s1  }
0x1e4: {  	[bflag:$0x3] =	sbarrier.arrive $0xFFFF  }
0x1e5: {  	_ =	shalt  }

// kernel: kernel.8.cloned.1.call-start
scs
__scs_entry_jumppad:
0x0: {  	(pc) =	sbr.rel $0x88, $3  }
0x1: {  	(tag) =	ssettag $0x0;
	lr =	simm.s32 $0x1  }
0x2: {  	[smem:$0x3F9A] =	sst lr;
	_ =	strace $0xD0000000  }
0x3: {  	_ = 	snop  }
0x4: {  	_ = 	snop  }
0x5: {  	_ = 	snop  }
0x6: {  	_ = 	snop  }
0x7: {  	_ = 	snop  }
__scs_overlays_trampoline_lowered:
0x8: {  	[smem:$0x3FA9] =	sst s0  }
0x9: {  	[smem:$0x3FAA] =	sst s1  }
0xa: {  	[smem:$0x3FAB] =	sst s2  }
0xb: {  	[smem:$0x3FAC] =	sst s3  }
0xc: {  	[smem:$0x3FAD] =	sst s4  }
0xd: {  	[smem:$0x3FAE] =	sst s5  }
0xe: {  	[smem:$0x3FAF] =	sst s6  }
0xf: {  	[smem:$0x3FB0] =	sst s7  }
0x10: {  	[smem:$0x3FB1] =	sst s8  }
0x11: {  	[smem:$0x3FB2] =	sst s9;
	s0 =	simm.s32 @!p0 $0x0  }
0x12: {  	s1 =	sld [smem:$0x3F98];
	s0 =	simm.s32 @p0 $0x1  }
0x13: {  	[smem:$0x3FB3] =	sst s0;
	s0 =	simm.s32 @!p1 $0x0  }
0x14: {  	s2 =	sld [smem:$0x3F97];
	s0 =	simm.s32 @p1 $0x1  }
0x15: {  	[smem:$0x3FB4] =	sst s0;
	s0 =	simm.s32 @!p2 $0x0  }
0x16: {  	s3 =	sld [smem:$0x3FDB];
	s0 =	simm.s32 @p2 $0x1  }
0x17: {  	s4 =	simm.s32 $0x1BF5;
	[smem:$0x3FB6] =	sst s0  }
0x18: {  	s0 =	sld [smem:$0x3F99];
	_ =	swait.ge [sflag:s4], $0x0  }
0x19: {  	s7 =	sld [smem:$0x3F9A]  }
0x1a: {  	s8 =	sadd.s32 $0xFFFFE003, lr  }
0x1b: {  	s9 =	sadd.s32 $0xFFFFFEF7, lr;
	s5 =	simm.s32 $0xFFFFFFFF;
	p2 =	slt.u32 s8, $0xFFFFF086  }
0x1c: {  	p1 =	slt.u32 s9, $0xF7A;
	s5 =	simm.s32 @!p2 $0x0  }
0x1d: {  	s5 =	simm.s32 @p1 $0x1;
	p0 =	seq.s32 s7, s2  }
0x1e: {  	s7 =	smul.u32 @!p0 $0xF7A, s2;
	p2 =	seq.s32 @!p0 s5, $0x0  }
0x1f: {  	s9 =	smul.u32 $0xF7A, s1;
	s8 =	simm.s32 @!p0 $0x1BF5;
	p2 =	por !p2, p0  }
0x20: {  	[sflag:s8] =	ssyncset.s32 @!p0 $0xFFFFF086;
	s6 =	sadd.s32 @!p0 s3, s7;
	s7 =	simm.s32 @!p0 $0x108  }
0x21: {  	s3 =	sadd.s32 s3, s9;
	s6 =	sadd.s32 @!p0 $0x88, s6;
	s7 =	simm.s32 @p2 $0x1082  }
0x22: {  	[simem:s7], [sflag:s8] =	dma.local @!p0 [hbm:s6], $0xF7A  }
0x23: {  	s9 =	sor.u32 $0xD0000000, s2;
	s6 =	simm.s32 $0x108;
	_ =	swait.ge @!p0 [sflag:s8], $0x0  }
0x24: {  	s3 =	sadd.s32 $0x88, s3;
	s6 =	simm.s32 @!p1 $0x1082;
	[sflag:s4] =	ssyncset.s32 $0xFFFFF086  }
0x25: {  	[simem:s6], [sflag:s4] =	dma.local [hbm:s3], $0xF7A  }
0x26: {  	[smem:$0x3F9A] =	sst s1;
	(tag) =	ssettag s2;
	_ =	strace s9  }
0x27: {  	s1 =	sld [smem:$0x3FAA]  }
0x28: {  	s2 =	sld [smem:$0x3FAB]  }
0x29: {  	s4 =	sld [smem:$0x3FAD]  }
0x2a: {  	p0 =	seq.s32 s5, $0x0;
	s5 =	sld [smem:$0x3FAE]  }
0x2b: {  	s6 =	sld [smem:$0x3FAF]  }
0x2c: {  	s7 =	sld [smem:$0x3FB0]  }
0x2d: {  	s3 =	simm.s32 $0x108;
	s8 =	sld [smem:$0x3FB1]  }
0x2e: {  	s3 =	simm.s32 @!p0 $0x1082;
	s9 =	sld [smem:$0x3FB2]  }
0x2f: {  	lr =	sadd.s32 s0, s3;
	s0 =	sld [smem:$0x3FA9]  }
0x30: {  	s3 =	sld [smem:$0x3FAC]  }
0x31: {  	[smem:$0x3FB5] =	sst s10  }
0x32: {  	s10 =	sld [smem:$0x3FB3];
	_ =	sdelay $0x3  }
0x33: {  	p0 =	seq.s32 s10, $0x1;
	s10 =	sld [smem:$0x3FB5];
	_ =	sdelay $0x3  }
0x34: {  	[smem:$0x3FB5] =	sst s10  }
0x35: {  	s10 =	sld [smem:$0x3FB4];
	_ =	sdelay $0x3  }
0x36: {  	p1 =	seq.s32 s10, $0x1;
	s10 =	sld [smem:$0x3FB5];
	_ =	sdelay $0x3  }
0x37: {  	[smem:$0x3FB5] =	sst s10  }
0x38: {  	s10 =	sld [smem:$0x3FB6]  }
0x39: {  	_ = 	snop;
	(pc) =	sbr.ind lr, $3  }
0x3a: {  	_ = 	snop  }
0x3b: {  	_ = 	snop  }
0x3c: {  	p2 =	seq.s32 s10, $0x1;
	s10 =	sld [smem:$0x3FB5]  }
0x3d: {  	_ =	shalt  }
0x3e: {  	_ =	shalt  }
0x3f: {  	_ =	shalt  }
0x40: {  	_ =	shalt  }
0x41: {  	_ =	shalt  }
0x42: {  	_ =	shalt  }
0x43: {  	_ =	shalt  }
0x44: {  	_ =	shalt  }
0x45: {  	_ =	shalt  }
0x46: {  	_ =	shalt  }
0x47: {  	_ =	shalt  }
0x48: {  	_ =	shalt  }
0x49: {  	_ =	shalt  }
0x4a: {  	_ =	shalt  }
0x4b: {  	_ =	shalt  }
0x4c: {  	_ =	shalt  }
0x4d: {  	_ =	shalt  }
0x4e: {  	_ =	shalt  }
0x4f: {  	_ =	shalt  }
0x50: {  	_ =	shalt  }
0x51: {  	_ =	shalt  }
0x52: {  	_ =	shalt  }
0x53: {  	_ =	shalt  }
0x54: {  	_ =	shalt  }
0x55: {  	_ =	shalt  }
0x56: {  	_ =	shalt  }
0x57: {  	_ =	shalt  }
0x58: {  	_ =	shalt  }
0x59: {  	_ =	shalt  }
0x5a: {  	_ =	shalt  }
0x5b: {  	_ =	shalt  }
0x5c: {  	_ =	shalt  }
0x5d: {  	_ =	shalt  }
0x5e: {  	_ =	shalt  }
0x5f: {  	_ =	shalt  }
0x60: {  	_ =	shalt  }
0x61: {  	_ =	shalt  }
0x62: {  	_ =	shalt  }
0x63: {  	_ =	shalt  }
0x64: {  	_ =	shalt  }
0x65: {  	_ =	shalt  }
0x66: {  	_ =	shalt  }
0x67: {  	_ =	shalt  }
0x68: {  	_ =	shalt  }
0x69: {  	_ =	shalt  }
0x6a: {  	_ =	shalt  }
0x6b: {  	_ =	shalt  }
0x6c: {  	_ =	shalt  }
0x6d: {  	_ =	shalt  }
0x6e: {  	_ =	shalt  }
0x6f: {  	_ =	shalt  }
0x70: {  	_ =	shalt  }
0x71: {  	_ =	shalt  }
0x72: {  	_ =	shalt  }
0x73: {  	_ =	shalt  }
0x74: {  	_ =	shalt  }
0x75: {  	_ =	shalt  }
0x76: {  	_ =	shalt  }
0x77: {  	_ =	shalt  }
0x78: {  	_ =	shalt  }
0x79: {  	_ =	shalt  }
0x7a: {  	_ =	shalt  }
0x7b: {  	_ =	shalt  }
0x7c: {  	_ =	shalt  }
0x7d: {  	_ =	shalt  }
0x7e: {  	_ =	shalt  }
0x7f: {  	_ =	shalt  }
0x80: {  	_ =	shalt  }
0x81: {  	_ =	shalt  }
0x82: {  	_ =	shalt  }
0x83: {  	_ =	shalt  }
0x84: {  	_ =	shalt  }
0x85: {  	_ =	shalt  }
0x86: {  	_ =	shalt  }
0x87: {  	_ =	shalt  }
.Lfunc_end0:
.L_simem_size_0:
called_computation_lowered:
.L_overlay_start_0:
0x88: {  	s2 =	sld [smem:$0x3FD9]  }
0x89: {  	s3 =	sld [smem:$0x3FFE];
	_ =	sdelay $0x1  }
0x8a: {  	s1 =	srdreg.scid  }
0x8b: {  	s0 =	sand.u32 $0x1, s1  }
0x8c: {  	s17 =	sshll.u32 s0, $0xA;
	s2 =	sadd.s32 s3, s2  }
0x8d: {  	s2 =	sadd.s32 s2, s17  }
0x8e: {  	[smem:$0x3FC1] =	sst s2  }
0x8f: {  	_ = 	snop  }
0x90: {  	s2 =	sld [smem:$0x3FD0];
	(tm) =	ssettm $0x1  }
0x91: {  	s18 =	sld [smem:$0x3FFB];
	_ =	sdelay $0x3  }
0x92: {  	_ =	strace s18  }
0x93: {  	s3 =	sld [smem:$0x3FFC];
	_ =	sdelay $0x3  }
0x94: {  	_ =	strace s3  }
0x95: {  	s3 =	sld [smem:$0x3FFD];
	_ =	sdelay $0x3  }
0x96: {  	_ =	strace s3  }
0x97: {  	_ =	strace $0x8FFFFFFF  }
0x98: {  	s19 =	sld [smem:$0x3FDB];
	_ =	sdelay $0x1  }
0x99: {  	s4 =	simm.s32 $_scs_section_size  }
0x9a: {  	s5 =	simm.s32 $_size__tile_overlayer_lowered;
	s6 =	simm.s32 $_tile_overlayer_lowered  }
0x9b: {  	s22 =	simm.s32 $0x1BFF;
	s21 =	sshll.u32 s6, $0x1;
	s3 =	sadd.s32 s4, s19  }
0x9c: {  	s7 =	simm.s32 $0x0;
	s20 =	sshll.u32 s5, $0x1;
	s5 =	sadd.s32 s21, s3  }
0x9d: {  	[timem:s7], [sflag:s22] =	dma.local [hbm:s5], s20  }
0x9e: {  	_ =	swait.ge [sflag:s22], s20  }
0x9f: {  	s4 =	ssub.s32 $0x0, s20;
	[sflag:s22] =	ssyncset.done $0x0  }
0xa0: {  	[sflag:s22] =	ssyncadd.s32 s4;
	_ =	sdelay $0x1  }
0xa1: {  	s23 =	simm.s32 $0x1B8B  }
0xa2: {  	_ =	swait.ge [sflag:s23], $0x1  }
0xa3: {  	[sflag:s23] =	ssyncset.done $0x0  }
0xa4: {  	s25 =	simm.s32 $0x1B8E;
	s24 =	sld [smem:$0x3FFE];
	[sflag:s23] =	ssyncadd.s32 $0xFFFFFFFF  }
0xa5: {  	s26 =	simm.s32 $execute0_lowered;
	[smem:$0x3FD2] =	sst s25  }
0xa6: {  	s5 =	sshll.u32 s26, $0x1;
	_ =	strace $0x80000046;
	[dreg:$0x1] =	wrdreg $0xFFFFFFFF  }
0xa7: {  	s28 =	simm.s32 $_size_execute0_lowered;
	s3 =	sadd.s32 s3, s5;
	[dreg:$0x0] =	wrdreg $0x0  }
0xa8: {  	s5 =	sshll.u32 s28, $0x1;
	[dreg:$0x2] =	wrdreg s3  }
0xa9: {  	[dreg:$0x3] =	wrdreg s5  }
0xaa: {  	[dreg:$0x4] =	wrdreg $0xC0  }
0xab: {  	_ =	task [dreg:s7], $0x5FFFF  }
0xac: {  	[dreg:$0x1] =	wrdreg $0xFFFFFFFF  }
0xad: {  	[dreg:$0x0] =	wrdreg $0x60  }
0xae: {  	[dreg:$0x2] =	wrdreg s2  }
0xaf: {  	[dreg:$0x3] =	wrdreg s24  }
0xb0: {  	[dreg:$0x4] =	wrdreg $0x83000  }
0xb1: {  	[dreg:$0x5] =	wrdreg $0x9  }
0xb2: {  	_ =	task.clear_ibuf [dreg:s7], $0x6FFFF;
	_ =	strace $0x90000046  }
0xb3: {  	s29 =	simm.s32 $0x9;
	_ =	strace $0x80000048  }
0xb4: {  	_ =	swait.ge [sflag:s29], $0x1  }
0xb5: {  	[sflag:s29] =	ssyncadd.s32 $0xFFFFFFFF  }
0xb6: {  	_ =	strace $0x90000048  }
0xb7: {  	_ =	sfence  }
0xb8: {  	s30 =	sld [smem:$0x0];
	_ =	sdelay $0x2  }
0xb9: {  	s31 =	sshll.u32 s1, $0xD;
	s1 =	sshrl.u32 s1, $0x2  }
0xba: {  	s3 =	sand.u32 $0x4000, s31;
	s1 =	sadd.s32 s1, s30  }
0xbb: {  	s0 =	sor.u32 s3, s0;
	s1 =	sshll.u32 s1, $0x11  }
0xbc: {  	s0 =	sor.u32 s1, s0  }
0xbd: {  	s0 =	sadd.s32 $0x8F2B, s0  }
0xbe: {  	[sflag:s0] =	ssyncadd.remote.s32 $0x1  }
0xbf: {  	_ =	sfence.sel $0xFFFF  }
0xc0: {  	[dreg:$0x0] =	wrdreg $0xFFFFFFFF;
	(pc) =	sbr.abs _section_cstart, $3  }
0xc1: {  	[dreg:$0x1] =	wrdreg $0xFFFFFFFF  }
0xc2: {  	_ =	task.clear_ibuf [dreg:s7], $0x2FFFF;
	_ =	strace $0x9FFFFFFF  }
0xc3: {  	(tm) =	ssettm $0x7FFFFFFF  }
tec
execute0_lowered:
.L_overlay_start_1:
0x0: {  	(tag) =	ssettag $0x1  }
0x1: {  	s4 =	rddreg [dreg:$0x0]  }
0x2: {  	s7 =	rddreg [dreg:$0x1]  }
0x3: {  	s0 =	srdreg.scid;
	s1 =	rddreg [dreg:$0x2]  }
0x4: {  	s2 =	simm.s32 $0x0;
	s3 =	stileid.u32;
	s11 =	simm.s32 $0x3E00  }
0x5: {  	s14 =	simm.s32 $0x0;
	s5 =	sand.u32 $0x1, s0;
	s0 =	rddreg [dreg:$0x3]  }
0x6: {  	[smem:$0x7FF] =	sst s2;
	s31 =	smul.u32 $0x280, s3;
	s10 =	sshll.u32 s3, $0xC  }
0x7: {  	s12 =	sshll.u32 s3, $0x6;
	s6 =	ssub.s32 $0x2, s5;
	_ =	strace $0x80000047  }
0x8: {  	s9 =	sshll.u32 s5, $0x10;
	s10 =	sadd.s32 s4, s10;
	p0 =	seq.s32 s5, $0x1  }
0x9: {  	s12 =	sor.u32 $0x1C01, s12;
	s8 =	sshrl.u32 s6, $0x1;
	s4 =	sadd.s32 s31, s1  }
0xa: {  	s5 =	sadd.s32 s9, s10;
	s11 =	simm.s32 @!p0 $0x3800;
	s9 =	simm.s32 $0x1  }
0xb: {  	s10 =	simm.s32 $0x50;
	s6 =	ssub.s32 s6, s8;
	s8 =	sshrl.u32 s31, $0x3  }
0xc: {  	s7 =	sadd.s32 s11, s7;
	s11 =	simm.s32 $0x8000;
	s13 =	sshrl.u32 s4, $0x3  }
0xd: {  	v0 =	vimm.f32 $0.0e+00;
	v1 =	vimm.f32 $1.000000000e+00;
	s6 =	smax.u32 s6, $0x1;
	s7 =	sadd.s32 s7, s8;
	s8 =	simm.s32 $0x8080  }
.LBB2_1:
0xe: {  	[tilespmem:$0x8080] =	vst v0  }
0xf: {  	[tilespmem:$0x8090] =	vst v0  }
0x10: {  	[tilespmem:$0x80A0] =	vst v0  }
0x11: {  	[tilespmem:$0x80B0] =	vst v0  }
0x12: {  	[tilespmem:$0x80C0] =	vst v0  }
0x13: {  	[tilespmem:$0x80D0] =	vst v0  }
0x14: {  	[tilespmem:$0x80E0] =	vst v0  }
0x15: {  	[tilespmem:$0x80F0] =	vst v0  }
0x16: {  	[tilespmem:$0x8100] =	vst v0  }
0x17: {  	[tilespmem:$0x8110] =	vst v0  }
0x18: {  	[tilespmem:$0x8120] =	vst v0  }
0x19: {  	[tilespmem:$0x8130] =	vst v0  }
0x1a: {  	[tilespmem:$0x8140] =	vst v0  }
0x1b: {  	[tilespmem:$0x8150] =	vst v0  }
0x1c: {  	[tilespmem:$0x8160] =	vst v0  }
0x1d: {  	[tilespmem:$0x8170] =	vst v0  }
0x1e: {  	[tilespmem:$0x8180] =	vst v0  }
0x1f: {  	[tilespmem:$0x8190] =	vst v0  }
0x20: {  	[tilespmem:$0x81A0] =	vst v0  }
0x21: {  	[tilespmem:$0x81B0] =	vst v0  }
0x22: {  	[tilespmem:$0x81C0] =	vst v0  }
0x23: {  	[tilespmem:$0x81D0] =	vst v0  }
0x24: {  	[tilespmem:$0x81E0] =	vst v0  }
0x25: {  	[tilespmem:$0x81F0] =	vst v0  }
0x26: {  	[tilespmem:$0x8200] =	vst v0  }
0x27: {  	[tilespmem:$0x8210] =	vst v0  }
0x28: {  	[tilespmem:$0x8220] =	vst v0  }
0x29: {  	[tilespmem:$0x8230] =	vst v0  }
0x2a: {  	[tilespmem:$0x8240] =	vst v0  }
0x2b: {  	[tilespmem:$0x8250] =	vst v0  }
0x2c: {  	[tilespmem:$0x8260] =	vst v0  }
0x2d: {  	[tilespmem:$0x8270] =	vst v0  }
0x2e: {  	[tilespmem:$0x8280] =	vst v0  }
0x2f: {  	[tilespmem:$0x8290] =	vst v0  }
0x30: {  	[tilespmem:$0x82A0] =	vst v0  }
0x31: {  	[tilespmem:$0x82B0] =	vst v0  }
0x32: {  	[tilespmem:$0x82C0] =	vst v0  }
0x33: {  	[tilespmem:$0x82D0] =	vst v0  }
0x34: {  	[tilespmem:$0x82E0] =	vst v0  }
0x35: {  	[tilespmem:$0x82F0] =	vst v0  }
0x36: {  	[tilespmem:$0x8000] =	vst v1  }
0x37: {  	[tilespmem:$0x8010] =	vst v1  }
0x38: {  	[tilespmem:$0x8020] =	vst v1  }
0x39: {  	[tilespmem:$0x8030] =	vst v1  }
0x3a: {  	[tilespmem:$0x8040] =	vst v1  }
0x3b: {  	[spmem:s4] =	stream.linear.scatter [tilespmem:s8], [sflag:$0x1], $0x280, $0x38;
	[tilespmem:$0x8580] =	vst v63  }
0x3c: {  	_ =	swait.ge [sflag:s9], $0x280  }
0x3d: {  	[sflag:s9] =	ssyncset.done $0x0  }
0x3e: {  	[sflag:s9] =	ssyncadd.s32 $0xFFFFFD80  }
0x3f: {  	[tilespmem:s2], [sflag:$0x1] =	stream.linear.gather [hbm4b:s5+s2], $0x7D00, $0x38;
	[tilespmem:$0x8580] =	vst v63  }
0x40: {  	_ =	swait.ge [sflag:s9], $0x7D00  }
0x41: {  	[sflag:s9] =	ssyncset.done $0x0  }
0x42: {  	[sflag:s9] =	ssyncadd.s32 $0xFFFF8300  }
0x43: {  	s15 =	simm.s32 $0x0;
	[bflag:$0x0] =	sbarrier.arrive $0xFFFF  }
0x44: {  	[spmem:s1] =	stream.indirect.scatter.add.f32 [tilespmem:s11], [sflag:$0x1], $0x1, s15, s10, $0xb8;
	[tilespmem:$0x8580] =	vst v63  }
0x45: {  	_ =	swait.ge [sflag:s9], $0x50  }
0x46: {  	s15 =	simm.s32 $0x200;
	[sflag:s9] =	ssyncset.done $0x0  }
.LBB2_2:
0x47: {  	s16 =	sshra.s32 s15, $0x2;
	[sflag:s9] =	ssyncadd.s32 $0xFFFFFFB0;
	p0 =	sne.s32 s15, $0x1F200  }
0x48: {  	[spmem:s1] =	stream.indirect.scatter.add.f32 [tilespmem:s11], [sflag:$0x1], $0x1, s16, s10, $0xb8;
	[tilespmem:$0x8580] =	vst v63  }
.Ltmp0:
0x49: {  	_ = 	snop;
	(pc) =	sbr.rel @p0 .LBB2_2-.Ltmp0, $4  }
0x4a: {  	_ = 	snop  }
0x4b: {  	s15 =	sadd.s32 $0x200, s15  }
0x4c: {  	_ =	swait.ge [sflag:s9], $0x50  }
0x4d: {  	[sflag:s9] =	ssyncset.done $0x0  }
0x4e: {  	s14 =	sadd.s32 $0x1, s14  }
0x4f: {  	[sflag:s9] =	ssyncadd.s32 $0xFFFFFFB0;
	p0 =	sne.s32 s14, s6  }
.Ltmp1:
0x50: {  	[bflag:$0x0] =	sbarrier.arrive $0xFFFF;
	(pc) =	sbr.rel @p0 .LBB2_1-.Ltmp1, $4  }
0x51: {  	[hbm:s7], [sflag:s12] =	dma.local [spmem:s13], $0x50  }
0x52: {  	_ =	swait.ge [sflag:s9], $0x50  }
0x53: {  	[sflag:s9] =	ssyncset.done $0x0  }
0x54: {  	[sflag:s9] =	ssyncadd.s32 $0xFFFFFFB0  }
0x55: {  	_ =	sfence.sel $0x180000  }
0x56: {  	[bflag:$0x0] =	sbarrier.arrive $0xFFFF  }
0x57: {  	p0 =	sne.s32 s3, $0x0;
	_ =	strace $0x90000047  }
0x58: {  	s0 =	sadd.s32 @!p0 $0x100000, s0;
	[bflag:$0x2] =	sbarrier.arrive $0xFFFF  }
0x59: {  	[sflag:s0] =	ssyncadd.tile.s32 @!p0 $0x1;
	_ =	shalt  }
.Lfunc_end2:
_tile_overlayer_lowered:
.L_overlay_start_2:
0x5a: {  	(tag) =	ssettag $0x2  }
0x5b: {  	s0 =	rddreg [dreg:$0x0];
	s2 =	stileid.u32  }
0x5c: {  	s1 =	rddreg [dreg:$0x1];
	p0 =	sne.s32 s2, $0x0  }
0x5d: {  	s3 =	rddreg [dreg:$0x2];
	[bflag:$0x3] =	sbarrier.arrive $0xFFFF;
	s2 =	simm.s32 @!p0 $0x1C01  }
0x5e: {  	[timem:s3], [sflag:s2] =	dma.local @!p0 [hbm:s0], s1  }
0x5f: {  	s0 =	simm.s32 @!p0 $0x1  }
0x60: {  	_ =	swait.ge @!p0 [sflag:s0], s1  }
0x61: {  	s1 =	ssub.s32 @!p0 $0x0, s1;
	[sflag:s0] =	ssyncset.done @!p0 $0x0  }
0x62: {  	[sflag:s0] =	ssyncadd.s32 @!p0 s1  }
0x63: {  	[bflag:$0x3] =	sbarrier.arrive $0xFFFF  }
0x64: {  	_ =	shalt  }

</sc_bundles>
